<compile_context>
chip_gen: v7x
topology: tpu7x:2x2x1
jax: 0.10.2.dev20260603
libtpu: 0.0.44.dev20260713+nightly
codegen_flags: <defaults>
</compile_context>

<pallas_src>
import functools

import jax
import jax.numpy as jnp
import numpy as np
from jax import lax
from jax.experimental import pallas as pl
from jax.experimental.pallas import tpu as pltpu
from jax.experimental.pallas import tpu_sc as plsc

N = 10000
E = 320000
D = 128
DEPTH = 3

NC = 2
NS = 16
NW = NC * NS
CHUNK = 128
CPW0 = 79
CPW1 = 79
E_PAD = NS * (CPW0 + CPW1) * CHUNK
NTRASH = 512
NACC = N + NTRASH
ROWS_PER_TILE = 624
TAIL_BASE = ROWS_PER_TILE * 16
ZROWS = 52
NIDX = 4
NROW = 2


def _sc_segment_sum(h, eip):
  mesh = plsc.VectorSubcoreMesh(core_axis_name="c", subcore_axis_name="s")

  @functools.partial(
      pl.kernel,
      out_type=jax.ShapeDtypeStruct((NC, N, D), jnp.float32),
      mesh=mesh,
      scratch_types=[
          pltpu.VMEM((NIDX, 2, CHUNK), jnp.int32),
          pltpu.VMEM((NROW, CHUNK, D), jnp.float32),
          pltpu.VMEM((ZROWS, D), jnp.float32),
          pltpu.VMEM_SHARED((NACC, D), jnp.float32),
          pltpu.SemaphoreType.DMA((NROW,)),
          pltpu.SemaphoreType.DMA((NROW,)),
          pltpu.SemaphoreType.DMA((NIDX,)),
      ],
  )
  def seg_sum(h_hbm, ei_hbm, out_hbm, eidx, rows, zbuf, acc,
              gsem, ssem, isem):
    ci = lax.axis_index("c")
    si = lax.axis_index("s")
    cpw = jnp.where(ci == 0, CPW0, CPW1)
    base_chunk = jnp.where(ci == 0, si * CPW0, NS * CPW0 + si * CPW1)
    cbase = base_chunk * CHUNK

    def issue_idx(j, q):
      off = cbase + j * CHUNK
      pltpu.async_copy(ei_hbm.at[:, pl.ds(off, CHUNK)], eidx.at[q],
                       isem.at[q])

    def wait_idx(j, q):
      off = cbase + j * CHUNK
      pltpu.make_async_copy(ei_hbm.at[:, pl.ds(off, CHUNK)], eidx.at[q],
                            isem.at[q]).wait()

    def issue_gather(q, r):
      pltpu.async_copy(h_hbm.at[eidx.at[q, 0]], rows.at[r], gsem.at[r])

    def wait_gather(q, r):
      pltpu.make_async_copy(h_hbm.at[eidx.at[q, 0]], rows.at[r],
                            gsem.at[r]).wait()

    def issue_scatter(q, r):
      pltpu.async_copy(rows.at[r], acc.at[eidx.at[q, 1]], ssem.at[r],
                       add=True)

    def wait_scatter(q, r):
      pltpu.make_async_copy(rows.at[r], acc.at[eidx.at[q, 1]],
                            ssem.at[r]).wait()

    with jax.named_scope("prologue"):
      for j in range(3):
        issue_idx(j, j)
      wait_idx(0, 0)
      issue_gather(0, 0)
      wait_idx(1, 1)
      issue_gather(1, 1)

    with jax.named_scope("zero_phase"):
      zero16 = jnp.zeros((16,), jnp.float32)

      def zrow(i, _):
        for j in range(D // 16):
          zbuf[i, pl.ds(j * 16, 16)] = zero16
        return 0

      lax.fori_loop(0, ZROWS, zrow, 0)
      tile_base = si * ROWS_PER_TILE
      for z in range(ROWS_PER_TILE // ZROWS):
        pltpu.sync_copy(zbuf, acc.at[pl.ds(tile_base + z * ZROWS, ZROWS)])

      @pl.when(si == NS - 1)
      def _():
        pltpu.sync_copy(zbuf.at[pl.ds(0, N - TAIL_BASE)],
                        acc.at[pl.ds(TAIL_BASE, N - TAIL_BASE)])

      plsc.subcore_barrier()

    with jax.named_scope("warmup"):
      wait_gather(0, 0)
      issue_scatter(0, 0)
      issue_idx(3, 3)

    def dyn_body(j, _):
      q = lax.rem(j, NIDX)
      r = lax.rem(j, NROW)
      q1 = lax.rem(j + 1, NIDX)
      r1 = lax.rem(j + 1, NROW)
      wait_gather(q, r)
      issue_scatter(q, r)
      wait_idx(j + 1, q1)
      wait_scatter(lax.rem(j - 1, NIDX), r1)
      issue_gather(q1, r1)
      issue_idx(j + 3, lax.rem(j + 3, NIDX))
      return 0

    with jax.named_scope("main_loop"):
      lax.fori_loop(1, cpw - 3, dyn_body, 0)

    with jax.named_scope("tail_scope"):
      wait_gather(0, 0)
      issue_scatter(0, 0)
      wait_idx(cpw - 2, 1)
      wait_scatter(3, 1)
      issue_gather(1, 1)
      wait_gather(1, 1)
      issue_scatter(1, 1)
      wait_idx(cpw - 1, 2)
      wait_scatter(0, 0)
      issue_gather(2, 0)
      wait_gather(2, 0)
      issue_scatter(2, 0)
      wait_scatter(1, 1)
      wait_scatter(2, 0)

    with jax.named_scope("end_barrier"):
      plsc.subcore_barrier()

    with jax.named_scope("publish"):
      pltpu.sync_copy(acc.at[pl.ds(tile_base, ROWS_PER_TILE)],
                      out_hbm.at[ci, pl.ds(tile_base, ROWS_PER_TILE)])

      @pl.when(si == NS - 1)
      def _():
        pltpu.sync_copy(acc.at[pl.ds(TAIL_BASE, N - TAIL_BASE)],
                        out_hbm.at[ci, pl.ds(TAIL_BASE, N - TAIL_BASE)])

  return seg_sum(h, eip)


B_R = 2000


def _update_body(h_ref, m_ref, w1_ref, w2_ref, b_ref, o_ref):
  m = m_ref[0] + m_ref[1]
  a = lax.dot_general(h_ref[...], w1_ref[...], (((1,), (1,)), ((), ())),
                      preferred_element_type=jnp.float32,
                      precision=lax.Precision.DEFAULT)
  a = a + lax.dot_general(m, w2_ref[...], (((1,), (1,)), ((), ())),
                          preferred_element_type=jnp.float32,
                          precision=lax.Precision.DEFAULT)
  o_ref[...] = jnp.maximum(a + b_ref[...], 0.0)


def _tc_update(h, m2, w1, w2, b):
  return pl.pallas_call(
      _update_body,
      grid=(N // B_R,),
      in_specs=[
          pl.BlockSpec((B_R, D), lambda i: (i, 0)),
          pl.BlockSpec((NC, B_R, D), lambda i: (0, i, 0)),
          pl.BlockSpec((D, D), lambda i: (0, 0)),
          pl.BlockSpec((D, D), lambda i: (0, 0)),
          pl.BlockSpec((1, D), lambda i: (0, 0)),
      ],
      out_specs=pl.BlockSpec((B_R, D), lambda i: (i, 0)),
      out_shape=jax.ShapeDtypeStruct((N, D), jnp.float32),
  )(h, m2, w1, w2, b)


def _final_body(h_ref, m_ref, w1_ref, w2_ref, b_ref, nnw_ref, nnb_ref, o_ref):
  i = pl.program_id(0)
  m = m_ref[0] + m_ref[1]
  a = lax.dot_general(h_ref[...], w1_ref[...], (((1,), (1,)), ((), ())),
                      preferred_element_type=jnp.float32,
                      precision=lax.Precision.DEFAULT)
  a = a + lax.dot_general(m, w2_ref[...], (((1,), (1,)), ((), ())),
                          preferred_element_type=jnp.float32,
                          precision=lax.Precision.DEFAULT)
  hn = jnp.maximum(a + b_ref[...], 0.0)
  s = jnp.sum(hn, axis=0, keepdims=True)
  p = lax.dot_general(s, nnw_ref[...], (((1,), (1,)), ((), ())),
                      preferred_element_type=jnp.float32,
                      precision=lax.Precision.DEFAULT)

  @pl.when(i == 0)
  def _():
    o_ref[...] = p + nnb_ref[...]

  @pl.when(i > 0)
  def _():
    o_ref[...] = o_ref[...] + p


def _tc_final(h, m2, w1, w2, b, nnw, nnb):
  return pl.pallas_call(
      _final_body,
      grid=(N // B_R,),
      in_specs=[
          pl.BlockSpec((B_R, D), lambda i: (i, 0)),
          pl.BlockSpec((NC, B_R, D), lambda i: (0, i, 0)),
          pl.BlockSpec((D, D), lambda i: (0, 0)),
          pl.BlockSpec((D, D), lambda i: (0, 0)),
          pl.BlockSpec((1, D), lambda i: (0, 0)),
          pl.BlockSpec((1, D), lambda i: (0, 0)),
          pl.BlockSpec((1, 1), lambda i: (0, 0)),
      ],
      out_specs=pl.BlockSpec((1, 1), lambda i: (0, 0)),
      out_shape=jax.ShapeDtypeStruct((1, 1), jnp.float32),
  )(h, m2, w1, w2, b, nnw, nnb)


def kernel(x, edge_index, U_w, U_b, NN_w, NN_b):
  pad = E_PAD - E
  kp = np.arange(pad, dtype=np.int32)
  pad_block = jnp.asarray(
      np.stack([(kp * 173) % N, N + (kp % NTRASH)]).astype(np.int32))
  eip = jnp.concatenate([edge_index, pad_block], axis=1)
  w1 = U_w[:, :D]
  w2 = U_w[:, D:]
  b = U_b.reshape(1, D)
  nnb = NN_b.reshape(1, 1)

  h = x
  for step in range(DEPTH):
    m2 = _sc_segment_sum(h, eip)
    if step < DEPTH - 1:
      h = _tc_update(h, m2, w1, w2, b)
    else:
      out = _tc_final(h, m2, w1, w2, b, NN_w, nnb)
  return out

# --- scband reference (transcript-rebuilt; emitter-appended) ---
"""Pipeline reference for scband-mpnn-20151986553340 (READ-ONLY COPY).

The authoritative reference and input builder live on the scoring server;
editing this copy changes nothing except your own understanding.
"""

import jax, jax.numpy as jnp
import numpy as np

N = 10000
E = 320000
D = 128
DEPTH = 3

def setup_inputs(seed: int = 0) -> dict:
    key = jax.random.key(seed)
    k1, k2, k3, k4, k5, k6 = jax.random.split(key, 6)
    x = jax.random.normal(k1, (N, D), dtype=jnp.float32)
    edge_index = jax.random.randint(k2, (2, E), 0, N, dtype=jnp.int32)
    # U: nn.Linear(2*atom_fdim, atom_fdim)
    U_w = jax.random.normal(k3, (D, 2 * D), dtype=jnp.float32) * (1.0 / np.sqrt(2 * D))
    U_b = jax.random.normal(k4, (D,), dtype=jnp.float32) * (1.0 / np.sqrt(2 * D))
    # NN: nn.Linear(atom_fdim, 1)
    NN_w = jax.random.normal(k5, (1, D), dtype=jnp.float32) * (1.0 / np.sqrt(D))
    NN_b = jax.random.normal(k6, (1,), dtype=jnp.float32) * (1.0 / np.sqrt(D))
    return {"x": x, "edge_index": edge_index, "U_w": U_w, "U_b": U_b, "NN_w": NN_w, "NN_b": NN_b}

def reference(x, edge_index, U_w, U_b, NN_w, NN_b):
    # Tensorized MP.forward: for each depth step, message m[v] = sum of h[w]
    # over incoming neighbors w (scatter-add over edges), then
    # h[v] = relu(U(concat(h[v], m[v]))). Finally mol_vec = sum over atoms,
    # and MPNN applies NN (Linear(atom_fdim, 1)).
    src = edge_index[0]
    dst = edge_index[1]
    h = x
    for _ in range(DEPTH):
        m = jax.ops.segment_sum(h[src], dst, num_segments=N)
        h = jax.nn.relu(jnp.concatenate([h, m], axis=1) @ U_w.T + U_b)
    mol_vec = jnp.sum(h, axis=0, keepdims=True)
    out = mol_vec @ NN_w.T + NN_b
    return out

if __name__ == "__main__":
    import jax
    _d = setup_inputs()
    print(jax.jit(kernel)(*tuple(_d.values())))

</pallas_src>

<mosaic_0001>
#map = affine_map<(d0, d1) -> (0, 0)>
#map1 = affine_map<(d0, d1) -> (0, 0, 0)>
module attributes {stable_mosaic.version = 14 : i64} {
  func.func @seg_sum(%arg0: i32, %arg1: i32, %arg2: memref<10000x128xf32, #tpu.memory_space<hbm>>, %arg3: memref<2x323584xi32, #tpu.memory_space<hbm>>, %arg4: memref<2x10000x128xf32, #tpu.memory_space<hbm>>, %arg5: memref<4x2x128xi32, #tpu.memory_space<vmem>>, %arg6: memref<2x128x128xf32, #tpu.memory_space<vmem>>, %arg7: memref<52x128xf32, #tpu.memory_space<vmem>>, %arg8: memref<10512x128xf32, #tpu.memory_space<vmem_shared>>, %arg9: memref<2x!tpu.dma_semaphore, #tpu.memory_space<semaphore_mem>>, %arg10: memref<2x!tpu.dma_semaphore, #tpu.memory_space<semaphore_mem>>, %arg11: memref<4x!tpu.dma_semaphore, #tpu.memory_space<semaphore_mem>>) attributes {dimension_semantics = [#tpu.dimension_semantics<core_parallel>, #tpu.dimension_semantics<subcore_parallel>], iteration_bounds = array<i64: 2, 16>, scalar_prefetch = 0 : i64, scratch_operands = 7 : i64, tpu.core_type = #tpu.core_type<sc_vector_subcore>, window_params = [{transform_indices = #map}, {transform_indices = #map}, {transform_indices = #map1}]} {
    %eq3A = arith.constant 0 : i32
    %eq3A_0 = arith.cmpi eq, %arg0, %eq3A : i32
    %jit3A = arith.constant 79 : i32
    %jit3A_1 = arith.constant 79 : i32
    %select_n3A = arith.select %eq3A_0, %jit3A, %jit3A_1 : i32
    %eq3A_2 = arith.constant 0 : i32
    %eq3A_3 = arith.cmpi eq, %arg0, %eq3A_2 : i32
    %mul3A = arith.constant 79 : i32
    %mul3A_4 = arith.muli %arg1, %mul3A : i32
    %mul3A_5 = arith.constant 79 : i32
    %mul3A_6 = arith.muli %arg1, %mul3A_5 : i32
    %add3A = arith.constant 1264 : i32
    %add3A_7 = arith.addi %add3A, %mul3A_6 : i32
    %select_n3A_8 = arith.select %eq3A_3, %mul3A_4, %add3A_7 : i32
    %mul3A_9 = arith.constant 128 : i32
    %mul3A_10 = arith.muli %select_n3A_8, %mul3A_9 : i32
    "tpu.trace_start"() <{level = 10 : i32, message = "prologue"}> : () -> ()
    %add3A_11 = arith.constant 0 : i32
    %add3A_12 = arith.addi %mul3A_10, %add3A_11 : i32
    %dma_start3A = arith.constant 0 : i32
    %dma_start3A_13 = arith.constant 0 : i32
    %dma_start3A_14 = arith.constant 0 : i32
    %dma_start3A_15 = arith.constant 0 : i32
    %dma_start3A_16 = tpu.memref_slice %arg5[%dma_start3A, %dma_start3A_14, %dma_start3A_15] : memref<4x2x128xi32, #tpu.memory_space<vmem>> -> memref<1x2x128xi32, #tpu.memory_space<vmem>>
    %dma_start3A_17 = tpu.memref_squeeze %dma_start3A_16 : memref<1x2x128xi32, #tpu.memory_space<vmem>> -> memref<2x128xi32, #tpu.memory_space<vmem>>
    %dma_start3A_18 = arith.constant 0 : i32
    %dma_start3A_19 = tpu.memref_slice %arg3[%dma_start3A_18, %add3A_12] : memref<2x323584xi32, #tpu.memory_space<hbm>> -> memref<2x128xi32, #tpu.memory_space<hbm>>
    %dma_start3A_20 = tpu.memref_slice %arg11[%dma_start3A_13] : memref<4x!tpu.dma_semaphore, #tpu.memory_space<semaphore_mem>> -> memref<1x!tpu.dma_semaphore, #tpu.memory_space<semaphore_mem>>
    %dma_start3A_21 = tpu.memref_squeeze %dma_start3A_20 : memref<1x!tpu.dma_semaphore, #tpu.memory_space<semaphore_mem>> -> memref<!tpu.dma_semaphore, #tpu.memory_space<semaphore_mem>>
    %dma_start3A_22 = arith.constant 0 : i32
    %dma_start3A_23 = arith.constant 0 : i32
    %dma_start3A_24 = tpu.memref_slice %arg5[%dma_start3A, %dma_start3A_22, %dma_start3A_23] : memref<4x2x128xi32, #tpu.memory_space<vmem>> -> memref<1x2x128xi32, #tpu.memory_space<vmem>>
    %dma_start3A_25 = tpu.memref_squeeze %dma_start3A_24 : memref<1x2x128xi32, #tpu.memory_space<vmem>> -> memref<2x128xi32, #tpu.memory_space<vmem>>
    %dma_start3A_26 = arith.constant 0 : i32
    %dma_start3A_27 = tpu.memref_slice %arg3[%dma_start3A_26, %add3A_12] : memref<2x323584xi32, #tpu.memory_space<hbm>> -> memref<2x128xi32, #tpu.memory_space<hbm>>
    tpu.enqueue_dma source(%dma_start3A_27 : memref<2x128xi32, #tpu.memory_space<hbm>>) target(%dma_start3A_25 : memref<2x128xi32, #tpu.memory_space<vmem>>) target_semaphore(%dma_start3A_21 : memref<!tpu.dma_semaphore, #tpu.memory_space<semaphore_mem>>)
    %add3A_28 = arith.constant 128 : i32
    %add3A_29 = arith.addi %mul3A_10, %add3A_28 : i32
    %dma_start3A_30 = arith.constant 1 : i32
    %dma_start3A_31 = arith.constant 1 : i32
    %dma_start3A_32 = arith.constant 0 : i32
    %dma_start3A_33 = arith.constant 0 : i32
    %dma_start3A_34 = tpu.memref_slice %arg5[%dma_start3A_30, %dma_start3A_32, %dma_start3A_33] : memref<4x2x128xi32, #tpu.memory_space<vmem>> -> memref<1x2x128xi32, #tpu.memory_space<vmem>>
    %dma_start3A_35 = tpu.memref_squeeze %dma_start3A_34 : memref<1x2x128xi32, #tpu.memory_space<vmem>> -> memref<2x128xi32, #tpu.memory_space<vmem>>
    %dma_start3A_36 = arith.constant 0 : i32
    %dma_start3A_37 = tpu.memref_slice %arg3[%dma_start3A_36, %add3A_29] : memref<2x323584xi32, #tpu.memory_space<hbm>> -> memref<2x128xi32, #tpu.memory_space<hbm>>
    %dma_start3A_38 = tpu.memref_slice %arg11[%dma_start3A_31] : memref<4x!tpu.dma_semaphore, #tpu.memory_space<semaphore_mem>> -> memref<1x!tpu.dma_semaphore, #tpu.memory_space<semaphore_mem>>
    %dma_start3A_39 = tpu.memref_squeeze %dma_start3A_38 : memref<1x!tpu.dma_semaphore, #tpu.memory_space<semaphore_mem>> -> memref<!tpu.dma_semaphore, #tpu.memory_space<semaphore_mem>>
    %dma_start3A_40 = arith.constant 0 : i32
    %dma_start3A_41 = arith.constant 0 : i32
    %dma_start3A_42 = tpu.memref_slice %arg5[%dma_start3A_30, %dma_start3A_40, %dma_start3A_41] : memref<4x2x128xi32, #tpu.memory_space<vmem>> -> memref<1x2x128xi32, #tpu.memory_space<vmem>>
    %dma_start3A_43 = tpu.memref_squeeze %dma_start3A_42 : memref<1x2x128xi32, #tpu.memory_space<vmem>> -> memref<2x128xi32, #tpu.memory_space<vmem>>
    %dma_start3A_44 = arith.constant 0 : i32
    %dma_start3A_45 = tpu.memref_slice %arg3[%dma_start3A_44, %add3A_29] : memref<2x323584xi32, #tpu.memory_space<hbm>> -> memref<2x128xi32, #tpu.memory_space<hbm>>
    tpu.enqueue_dma source(%dma_start3A_45 : memref<2x128xi32, #tpu.memory_space<hbm>>) target(%dma_start3A_43 : memref<2x128xi32, #tpu.memory_space<vmem>>) target_semaphore(%dma_start3A_39 : memref<!tpu.dma_semaphore, #tpu.memory_space<semaphore_mem>>)
    %add3A_46 = arith.constant 256 : i32
    %add3A_47 = arith.addi %mul3A_10, %add3A_46 : i32
    %dma_start3A_48 = arith.constant 2 : i32
    %dma_start3A_49 = arith.constant 2 : i32
    %dma_start3A_50 = arith.constant 0 : i32
    %dma_start3A_51 = arith.constant 0 : i32
    %dma_start3A_52 = tpu.memref_slice %arg5[%dma_start3A_48, %dma_start3A_50, %dma_start3A_51] : memref<4x2x128xi32, #tpu.memory_space<vmem>> -> memref<1x2x128xi32, #tpu.memory_space<vmem>>
    %dma_start3A_53 = tpu.memref_squeeze %dma_start3A_52 : memref<1x2x128xi32, #tpu.memory_space<vmem>> -> memref<2x128xi32, #tpu.memory_space<vmem>>
    %dma_start3A_54 = arith.constant 0 : i32
    %dma_start3A_55 = tpu.memref_slice %arg3[%dma_start3A_54, %add3A_47] : memref<2x323584xi32, #tpu.memory_space<hbm>> -> memref<2x128xi32, #tpu.memory_space<hbm>>
    %dma_start3A_56 = tpu.memref_slice %arg11[%dma_start3A_49] : memref<4x!tpu.dma_semaphore, #tpu.memory_space<semaphore_mem>> -> memref<1x!tpu.dma_semaphore, #tpu.memory_space<semaphore_mem>>
    %dma_start3A_57 = tpu.memref_squeeze %dma_start3A_56 : memref<1x!tpu.dma_semaphore, #tpu.memory_space<semaphore_mem>> -> memref<!tpu.dma_semaphore, #tpu.memory_space<semaphore_mem>>
    %dma_start3A_58 = arith.constant 0 : i32
    %dma_start3A_59 = arith.constant 0 : i32
    %dma_start3A_60 = tpu.memref_slice %arg5[%dma_start3A_48, %dma_start3A_58, %dma_start3A_59] : memref<4x2x128xi32, #tpu.memory_space<vmem>> -> memref<1x2x128xi32, #tpu.memory_space<vmem>>
    %dma_start3A_61 = tpu.memref_squeeze %dma_start3A_60 : memref<1x2x128xi32, #tpu.memory_space<vmem>> -> memref<2x128xi32, #tpu.memory_space<vmem>>
    %dma_start3A_62 = arith.constant 0 : i32
    %dma_start3A_63 = tpu.memref_slice %arg3[%dma_start3A_62, %add3A_47] : memref<2x323584xi32, #tpu.memory_space<hbm>> -> memref<2x128xi32, #tpu.memory_space<hbm>>
    tpu.enqueue_dma source(%dma_start3A_63 : memref<2x128xi32, #tpu.memory_space<hbm>>) target(%dma_start3A_61 : memref<2x128xi32, #tpu.memory_space<vmem>>) target_semaphore(%dma_start3A_57 : memref<!tpu.dma_semaphore, #tpu.memory_space<semaphore_mem>>)
    %add3A_64 = arith.constant 0 : i32
    %add3A_65 = arith.addi %mul3A_10, %add3A_64 : i32
    %dma_wait3A = arith.constant 0 : i32
    %dma_wait3A_66 = arith.constant 0 : i32
    %dma_wait3A_67 = arith.constant 0 : i32
    %dma_wait3A_68 = arith.constant 0 : i32
    %dma_wait3A_69 = tpu.memref_slice %arg5[%dma_wait3A, %dma_wait3A_67, %dma_wait3A_68] : memref<4x2x128xi32, #tpu.memory_space<vmem>> -> memref<1x2x128xi32, #tpu.memory_space<vmem>>
    %dma_wait3A_70 = tpu.memref_squeeze %dma_wait3A_69 : memref<1x2x128xi32, #tpu.memory_space<vmem>> -> memref<2x128xi32, #tpu.memory_space<vmem>>
    %dma_wait3A_71 = arith.constant 0 : i32
    %dma_wait3A_72 = tpu.memref_slice %arg3[%dma_wait3A_71, %add3A_65] : memref<2x323584xi32, #tpu.memory_space<hbm>> -> memref<2x128xi32, #tpu.memory_space<hbm>>
    %dma_wait3A_73 = tpu.memref_slice %arg11[%dma_wait3A_66] : memref<4x!tpu.dma_semaphore, #tpu.memory_space<semaphore_mem>> -> memref<1x!tpu.dma_semaphore, #tpu.memory_space<semaphore_mem>>
    %dma_wait3A_74 = tpu.memref_squeeze %dma_wait3A_73 : memref<1x!tpu.dma_semaphore, #tpu.memory_space<semaphore_mem>> -> memref<!tpu.dma_semaphore, #tpu.memory_space<semaphore_mem>>
    %dma_wait3A_75 = arith.constant 0 : i32
    %dma_wait3A_76 = arith.constant 0 : i32
    %dma_wait3A_77 = tpu.memref_slice %arg5[%dma_wait3A, %dma_wait3A_75, %dma_wait3A_76] : memref<4x2x128xi32, #tpu.memory_space<vmem>> -> memref<1x2x128xi32, #tpu.memory_space<vmem>>
    %dma_wait3A_78 = tpu.memref_squeeze %dma_wait3A_77 : memref<1x2x128xi32, #tpu.memory_space<vmem>> -> memref<2x128xi32, #tpu.memory_space<vmem>>
    %dma_wait3A_79 = arith.constant 0 : i32
    %dma_wait3A_80 = tpu.memref_slice %arg3[%dma_wait3A_79, %add3A_65] : memref<2x323584xi32, #tpu.memory_space<hbm>> -> memref<2x128xi32, #tpu.memory_space<hbm>>
    tpu.wait_dma2 semaphore(%dma_wait3A_74 : memref<!tpu.dma_semaphore, #tpu.memory_space<semaphore_mem>>) src(%dma_wait3A_80 : memref<2x128xi32, #tpu.memory_space<hbm>>) dst(%dma_wait3A_78 : memref<2x128xi32, #tpu.memory_space<vmem>>)
    %dma_start3A_81 = arith.constant 0 : i32
    %dma_start3A_82 = arith.constant 0 : i32
    %dma_start3A_83 = arith.constant 0 : i32
    %dma_start3A_84 = arith.constant 0 : i32
    %dma_start3A_85 = arith.constant 0 : i32
    %dma_start3A_86 = arith.constant 0 : i32
    %dma_start3A_87 = tpu.memref_slice %arg6[%dma_start3A_83, %dma_start3A_85, %dma_start3A_86] : memref<2x128x128xf32, #tpu.memory_space<vmem>> -> memref<1x128x128xf32, #tpu.memory_space<vmem>>
    %dma_start3A_88 = tpu.memref_squeeze %dma_start3A_87 : memref<1x128x128xf32, #tpu.memory_space<vmem>> -> memref<128x128xf32, #tpu.memory_space<vmem>>
    %dma_start3A_89 = arith.constant 0 : i32
    %dma_start3A_90 = tpu.memref_slice %arg5[%dma_start3A_81, %dma_start3A_82, %dma_start3A_89] : memref<4x2x128xi32, #tpu.memory_space<vmem>> -> memref<1x1x128xi32, #tpu.memory_space<vmem>>
    %dma_start3A_91 = tpu.memref_squeeze %dma_start3A_90 : memref<1x1x128xi32, #tpu.memory_space<vmem>> -> memref<128xi32, #tpu.memory_space<vmem>>
    %dma_start3A_92 = arith.constant 0 : i32
    %dma_start3A_93 = arith.constant 0 : i32
    %dma_start3A_94 = tpu.memref_slice %arg2[%dma_start3A_92, %dma_start3A_93] : memref<10000x128xf32, #tpu.memory_space<hbm>> -> memref<10000x128xf32, #tpu.memory_space<hbm>>
    %dma_start3A_95 = tpu.memref_slice %arg9[%dma_start3A_84] : memref<2x!tpu.dma_semaphore, #tpu.memory_space<semaphore_mem>> -> memref<1x!tpu.dma_semaphore, #tpu.memory_space<semaphore_mem>>
    %dma_start3A_96 = tpu.memref_squeeze %dma_start3A_95 : memref<1x!tpu.dma_semaphore, #tpu.memory_space<semaphore_mem>> -> memref<!tpu.dma_semaphore, #tpu.memory_space<semaphore_mem>>
    tpu.enqueue_indirect_dma source(%dma_start3A_94 : memref<10000x128xf32, #tpu.memory_space<hbm>>) target(%dma_start3A_88 : memref<128x128xf32, #tpu.memory_space<vmem>>) offsets(%dma_start3A_91 : memref<128xi32, #tpu.memory_space<vmem>>) semaphore(%dma_start3A_96 : memref<!tpu.dma_semaphore, #tpu.memory_space<semaphore_mem>>)
    %add3A_97 = arith.constant 128 : i32
    %add3A_98 = arith.addi %mul3A_10, %add3A_97 : i32
    %dma_wait3A_99 = arith.constant 1 : i32
    %dma_wait3A_100 = arith.constant 1 : i32
    %dma_wait3A_101 = arith.constant 0 : i32
    %dma_wait3A_102 = arith.constant 0 : i32
    %dma_wait3A_103 = tpu.memref_slice %arg5[%dma_wait3A_99, %dma_wait3A_101, %dma_wait3A_102] : memref<4x2x128xi32, #tpu.memory_space<vmem>> -> memref<1x2x128xi32, #tpu.memory_space<vmem>>
    %dma_wait3A_104 = tpu.memref_squeeze %dma_wait3A_103 : memref<1x2x128xi32, #tpu.memory_space<vmem>> -> memref<2x128xi32, #tpu.memory_space<vmem>>
    %dma_wait3A_105 = arith.constant 0 : i32
    %dma_wait3A_106 = tpu.memref_slice %arg3[%dma_wait3A_105, %add3A_98] : memref<2x323584xi32, #tpu.memory_space<hbm>> -> memref<2x128xi32, #tpu.memory_space<hbm>>
    %dma_wait3A_107 = tpu.memref_slice %arg11[%dma_wait3A_100] : memref<4x!tpu.dma_semaphore, #tpu.memory_space<semaphore_mem>> -> memref<1x!tpu.dma_semaphore, #tpu.memory_space<semaphore_mem>>
    %dma_wait3A_108 = tpu.memref_squeeze %dma_wait3A_107 : memref<1x!tpu.dma_semaphore, #tpu.memory_space<semaphore_mem>> -> memref<!tpu.dma_semaphore, #tpu.memory_space<semaphore_mem>>
    %dma_wait3A_109 = arith.constant 0 : i32
    %dma_wait3A_110 = arith.constant 0 : i32
    %dma_wait3A_111 = tpu.memref_slice %arg5[%dma_wait3A_99, %dma_wait3A_109, %dma_wait3A_110] : memref<4x2x128xi32, #tpu.memory_space<vmem>> -> memref<1x2x128xi32, #tpu.memory_space<vmem>>
    %dma_wait3A_112 = tpu.memref_squeeze %dma_wait3A_111 : memref<1x2x128xi32, #tpu.memory_space<vmem>> -> memref<2x128xi32, #tpu.memory_space<vmem>>
    %dma_wait3A_113 = arith.constant 0 : i32
    %dma_wait3A_114 = tpu.memref_slice %arg3[%dma_wait3A_113, %add3A_98] : memref<2x323584xi32, #tpu.memory_space<hbm>> -> memref<2x128xi32, #tpu.memory_space<hbm>>
    tpu.wait_dma2 semaphore(%dma_wait3A_108 : memref<!tpu.dma_semaphore, #tpu.memory_space<semaphore_mem>>) src(%dma_wait3A_114 : memref<2x128xi32, #tpu.memory_space<hbm>>) dst(%dma_wait3A_112 : memref<2x128xi32, #tpu.memory_space<vmem>>)
    %dma_start3A_115 = arith.constant 1 : i32
    %dma_start3A_116 = arith.constant 0 : i32
    %dma_start3A_117 = arith.constant 1 : i32
    %dma_start3A_118 = arith.constant 1 : i32
    %dma_start3A_119 = arith.constant 0 : i32
    %dma_start3A_120 = arith.constant 0 : i32
    %dma_start3A_121 = tpu.memref_slice %arg6[%dma_start3A_117, %dma_start3A_119, %dma_start3A_120] : memref<2x128x128xf32, #tpu.memory_space<vmem>> -> memref<1x128x128xf32, #tpu.memory_space<vmem>>
    %dma_start3A_122 = tpu.memref_squeeze %dma_start3A_121 : memref<1x128x128xf32, #tpu.memory_space<vmem>> -> memref<128x128xf32, #tpu.memory_space<vmem>>
    %dma_start3A_123 = arith.constant 0 : i32
    %dma_start3A_124 = tpu.memref_slice %arg5[%dma_start3A_115, %dma_start3A_116, %dma_start3A_123] : memref<4x2x128xi32, #tpu.memory_space<vmem>> -> memref<1x1x128xi32, #tpu.memory_space<vmem>>
    %dma_start3A_125 = tpu.memref_squeeze %dma_start3A_124 : memref<1x1x128xi32, #tpu.memory_space<vmem>> -> memref<128xi32, #tpu.memory_space<vmem>>
    %dma_start3A_126 = arith.constant 0 : i32
    %dma_start3A_127 = arith.constant 0 : i32
    %dma_start3A_128 = tpu.memref_slice %arg2[%dma_start3A_126, %dma_start3A_127] : memref<10000x128xf32, #tpu.memory_space<hbm>> -> memref<10000x128xf32, #tpu.memory_space<hbm>>
    %dma_start3A_129 = tpu.memref_slice %arg9[%dma_start3A_118] : memref<2x!tpu.dma_semaphore, #tpu.memory_space<semaphore_mem>> -> memref<1x!tpu.dma_semaphore, #tpu.memory_space<semaphore_mem>>
    %dma_start3A_130 = tpu.memref_squeeze %dma_start3A_129 : memref<1x!tpu.dma_semaphore, #tpu.memory_space<semaphore_mem>> -> memref<!tpu.dma_semaphore, #tpu.memory_space<semaphore_mem>>
    tpu.enqueue_indirect_dma source(%dma_start3A_128 : memref<10000x128xf32, #tpu.memory_space<hbm>>) target(%dma_start3A_122 : memref<128x128xf32, #tpu.memory_space<vmem>>) offsets(%dma_start3A_125 : memref<128xi32, #tpu.memory_space<vmem>>) semaphore(%dma_start3A_130 : memref<!tpu.dma_semaphore, #tpu.memory_space<semaphore_mem>>)
    %broadcast_in_dim3A = arith.constant 0.000000e+00 : f32
    "tpu.trace_stop"() : () -> ()
    "tpu.trace_start"() <{level = 10 : i32, message = "zero_phase"}> : () -> ()
    %broadcast_in_dim3A_131 = vector.broadcast %broadcast_in_dim3A : f32 to vector<16xf32>
    %scan3A = arith.constant 0 : i32
    %scan3A_132 = arith.constant 0 : i32
    %scan3A_133 = arith.constant 52 : i32
    %scan3A_134 = arith.addi %scan3A_132, %scan3A_133 : i32
    %scan3A_135 = arith.constant 1 : i32
    %scan3A_136 = scf.for %scan3A_469 = %scan3A_132 to %scan3A_134 step %scan3A_135 iter_args(%scan3A_470 = %scan3A) -> (i32)  : i32 {
      %swap3A = arith.index_cast %scan3A_469 : i32 to index
      %swap3A_471 = arith.constant 0 : index
      %swap3A_472 = tpu.vector_load %arg7[%swap3A, %swap3A_471] {strides = array<i32>} : memref<52x128xf32, #tpu.memory_space<vmem>>, vector<1x16xf32>,
      %swap3A_473 = vector.shape_cast %swap3A_472 : vector<1x16xf32> to vector<16xf32>
      %swap3A_474 = vector.shape_cast %broadcast_in_dim3A_131 : vector<16xf32> to vector<1x16xf32>
      tpu.vector_store %arg7[%swap3A, %swap3A_471], %swap3A_474 {strides = array<i32>} : memref<52x128xf32, #tpu.memory_space<vmem>>, vector<1x16xf32>,
      %swap3A_475 = arith.index_cast %scan3A_469 : i32 to index
      %swap3A_476 = arith.constant 16 : index
      %swap3A_477 = tpu.vector_load %arg7[%swap3A_475, %swap3A_476] {strides = array<i32>} : memref<52x128xf32, #tpu.memory_space<vmem>>, vector<1x16xf32>,
      %swap3A_478 = vector.shape_cast %swap3A_477 : vector<1x16xf32> to vector<16xf32>
      %swap3A_479 = vector.shape_cast %broadcast_in_dim3A_131 : vector<16xf32> to vector<1x16xf32>
      tpu.vector_store %arg7[%swap3A_475, %swap3A_476], %swap3A_479 {strides = array<i32>} : memref<52x128xf32, #tpu.memory_space<vmem>>, vector<1x16xf32>,
      %swap3A_480 = arith.index_cast %scan3A_469 : i32 to index
      %swap3A_481 = arith.constant 32 : index
      %swap3A_482 = tpu.vector_load %arg7[%swap3A_480, %swap3A_481] {strides = array<i32>} : memref<52x128xf32, #tpu.memory_space<vmem>>, vector<1x16xf32>,
      %swap3A_483 = vector.shape_cast %swap3A_482 : vector<1x16xf32> to vector<16xf32>
      %swap3A_484 = vector.shape_cast %broadcast_in_dim3A_131 : vector<16xf32> to vector<1x16xf32>
      tpu.vector_store %arg7[%swap3A_480, %swap3A_481], %swap3A_484 {strides = array<i32>} : memref<52x128xf32, #tpu.memory_space<vmem>>, vector<1x16xf32>,
      %swap3A_485 = arith.index_cast %scan3A_469 : i32 to index
      %swap3A_486 = arith.constant 48 : index
      %swap3A_487 = tpu.vector_load %arg7[%swap3A_485, %swap3A_486] {strides = array<i32>} : memref<52x128xf32, #tpu.memory_space<vmem>>, vector<1x16xf32>,
      %swap3A_488 = vector.shape_cast %swap3A_487 : vector<1x16xf32> to vector<16xf32>
      %swap3A_489 = vector.shape_cast %broadcast_in_dim3A_131 : vector<16xf32> to vector<1x16xf32>
      tpu.vector_store %arg7[%swap3A_485, %swap3A_486], %swap3A_489 {strides = array<i32>} : memref<52x128xf32, #tpu.memory_space<vmem>>, vector<1x16xf32>,
      %swap3A_490 = arith.index_cast %scan3A_469 : i32 to index
      %swap3A_491 = arith.constant 64 : index
      %swap3A_492 = tpu.vector_load %arg7[%swap3A_490, %swap3A_491] {strides = array<i32>} : memref<52x128xf32, #tpu.memory_space<vmem>>, vector<1x16xf32>,
      %swap3A_493 = vector.shape_cast %swap3A_492 : vector<1x16xf32> to vector<16xf32>
      %swap3A_494 = vector.shape_cast %broadcast_in_dim3A_131 : vector<16xf32> to vector<1x16xf32>
      tpu.vector_store %arg7[%swap3A_490, %swap3A_491], %swap3A_494 {strides = array<i32>} : memref<52x128xf32, #tpu.memory_space<vmem>>, vector<1x16xf32>,
      %swap3A_495 = arith.index_cast %scan3A_469 : i32 to index
      %swap3A_496 = arith.constant 80 : index
      %swap3A_497 = tpu.vector_load %arg7[%swap3A_495, %swap3A_496] {strides = array<i32>} : memref<52x128xf32, #tpu.memory_space<vmem>>, vector<1x16xf32>,
      %swap3A_498 = vector.shape_cast %swap3A_497 : vector<1x16xf32> to vector<16xf32>
      %swap3A_499 = vector.shape_cast %broadcast_in_dim3A_131 : vector<16xf32> to vector<1x16xf32>
      tpu.vector_store %arg7[%swap3A_495, %swap3A_496], %swap3A_499 {strides = array<i32>} : memref<52x128xf32, #tpu.memory_space<vmem>>, vector<1x16xf32>,
      %swap3A_500 = arith.index_cast %scan3A_469 : i32 to index
      %swap3A_501 = arith.constant 96 : index
      %swap3A_502 = tpu.vector_load %arg7[%swap3A_500, %swap3A_501] {strides = array<i32>} : memref<52x128xf32, #tpu.memory_space<vmem>>, vector<1x16xf32>,
      %swap3A_503 = vector.shape_cast %swap3A_502 : vector<1x16xf32> to vector<16xf32>
      %swap3A_504 = vector.shape_cast %broadcast_in_dim3A_131 : vector<16xf32> to vector<1x16xf32>
      tpu.vector_store %arg7[%swap3A_500, %swap3A_501], %swap3A_504 {strides = array<i32>} : memref<52x128xf32, #tpu.memory_space<vmem>>, vector<1x16xf32>,
      %swap3A_505 = arith.index_cast %scan3A_469 : i32 to index
      %swap3A_506 = arith.constant 112 : index
      %swap3A_507 = tpu.vector_load %arg7[%swap3A_505, %swap3A_506] {strides = array<i32>} : memref<52x128xf32, #tpu.memory_space<vmem>>, vector<1x16xf32>,
      %swap3A_508 = vector.shape_cast %swap3A_507 : vector<1x16xf32> to vector<16xf32>
      %swap3A_509 = vector.shape_cast %broadcast_in_dim3A_131 : vector<16xf32> to vector<1x16xf32>
      tpu.vector_store %arg7[%swap3A_505, %swap3A_506], %swap3A_509 {strides = array<i32>} : memref<52x128xf32, #tpu.memory_space<vmem>>, vector<1x16xf32>,
      %scan3A_510 = arith.constant 0 : i32
      scf.yield %scan3A_510 : i32
    }
    %scan3A_137 = arith.constant 52 : i32
    %mul3A_138 = arith.constant 624 : i32
    %mul3A_139 = arith.muli %arg1, %mul3A_138 : i32
    %add3A_140 = arith.constant 0 : i32
    %add3A_141 = arith.addi %mul3A_139, %add3A_140 : i32
    "tpu.region"() ({
      %run_scoped3A = tpu.sem_alloc : memref<!tpu.dma_semaphore, #tpu.memory_space<semaphore_mem>>
      %dma_start3A_469 = arith.constant 0 : i32
      %dma_start3A_470 = tpu.memref_slice %arg8[%add3A_141, %dma_start3A_469] : memref<10512x128xf32, #tpu.memory_space<vmem_shared>> -> memref<52x128xf32, #tpu.memory_space<vmem_shared>>
      %dma_start3A_471 = arith.constant 0 : i32
      %dma_start3A_472 = tpu.memref_slice %arg8[%add3A_141, %dma_start3A_471] : memref<10512x128xf32, #tpu.memory_space<vmem_shared>> -> memref<52x128xf32, #tpu.memory_space<vmem_shared>>
      tpu.enqueue_dma source(%arg7 : memref<52x128xf32, #tpu.memory_space<vmem>>) target(%dma_start3A_472 : memref<52x128xf32, #tpu.memory_space<vmem_shared>>) target_semaphore(%run_scoped3A : memref<!tpu.dma_semaphore, #tpu.memory_space<semaphore_mem>>)
      %dma_wait3A_473 = arith.constant 0 : i32
      %dma_wait3A_474 = tpu.memref_slice %arg8[%add3A_141, %dma_wait3A_473] : memref<10512x128xf32, #tpu.memory_space<vmem_shared>> -> memref<52x128xf32, #tpu.memory_space<vmem_shared>>
      %dma_wait3A_475 = arith.constant 0 : i32
      %dma_wait3A_476 = tpu.memref_slice %arg8[%add3A_141, %dma_wait3A_475] : memref<10512x128xf32, #tpu.memory_space<vmem_shared>> -> memref<52x128xf32, #tpu.memory_space<vmem_shared>>
      tpu.wait_dma2 semaphore(%run_scoped3A : memref<!tpu.dma_semaphore, #tpu.memory_space<semaphore_mem>>) src(%arg7 : memref<52x128xf32, #tpu.memory_space<vmem>>) dst(%dma_wait3A_476 : memref<52x128xf32, #tpu.memory_space<vmem_shared>>)
      tpu.yield
    }) : () -> ()
    %add3A_142 = arith.constant 52 : i32
    %add3A_143 = arith.addi %mul3A_139, %add3A_142 : i32
    "tpu.region"() ({
      %run_scoped3A = tpu.sem_alloc : memref<!tpu.dma_semaphore, #tpu.memory_space<semaphore_mem>>
      %dma_start3A_469 = arith.constant 0 : i32
      %dma_start3A_470 = tpu.memref_slice %arg8[%add3A_143, %dma_start3A_469] : memref<10512x128xf32, #tpu.memory_space<vmem_shared>> -> memref<52x128xf32, #tpu.memory_space<vmem_shared>>
      %dma_start3A_471 = arith.constant 0 : i32
      %dma_start3A_472 = tpu.memref_slice %arg8[%add3A_143, %dma_start3A_471] : memref<10512x128xf32, #tpu.memory_space<vmem_shared>> -> memref<52x128xf32, #tpu.memory_space<vmem_shared>>
      tpu.enqueue_dma source(%arg7 : memref<52x128xf32, #tpu.memory_space<vmem>>) target(%dma_start3A_472 : memref<52x128xf32, #tpu.memory_space<vmem_shared>>) target_semaphore(%run_scoped3A : memref<!tpu.dma_semaphore, #tpu.memory_space<semaphore_mem>>)
      %dma_wait3A_473 = arith.constant 0 : i32
      %dma_wait3A_474 = tpu.memref_slice %arg8[%add3A_143, %dma_wait3A_473] : memref<10512x128xf32, #tpu.memory_space<vmem_shared>> -> memref<52x128xf32, #tpu.memory_space<vmem_shared>>
      %dma_wait3A_475 = arith.constant 0 : i32
      %dma_wait3A_476 = tpu.memref_slice %arg8[%add3A_143, %dma_wait3A_475] : memref<10512x128xf32, #tpu.memory_space<vmem_shared>> -> memref<52x128xf32, #tpu.memory_space<vmem_shared>>
      tpu.wait_dma2 semaphore(%run_scoped3A : memref<!tpu.dma_semaphore, #tpu.memory_space<semaphore_mem>>) src(%arg7 : memref<52x128xf32, #tpu.memory_space<vmem>>) dst(%dma_wait3A_476 : memref<52x128xf32, #tpu.memory_space<vmem_shared>>)
      tpu.yield
    }) : () -> ()
    %add3A_144 = arith.constant 104 : i32
    %add3A_145 = arith.addi %mul3A_139, %add3A_144 : i32
    "tpu.region"() ({
      %run_scoped3A = tpu.sem_alloc : memref<!tpu.dma_semaphore, #tpu.memory_space<semaphore_mem>>
      %dma_start3A_469 = arith.constant 0 : i32
      %dma_start3A_470 = tpu.memref_slice %arg8[%add3A_145, %dma_start3A_469] : memref<10512x128xf32, #tpu.memory_space<vmem_shared>> -> memref<52x128xf32, #tpu.memory_space<vmem_shared>>
      %dma_start3A_471 = arith.constant 0 : i32
      %dma_start3A_472 = tpu.memref_slice %arg8[%add3A_145, %dma_start3A_471] : memref<10512x128xf32, #tpu.memory_space<vmem_shared>> -> memref<52x128xf32, #tpu.memory_space<vmem_shared>>
      tpu.enqueue_dma source(%arg7 : memref<52x128xf32, #tpu.memory_space<vmem>>) target(%dma_start3A_472 : memref<52x128xf32, #tpu.memory_space<vmem_shared>>) target_semaphore(%run_scoped3A : memref<!tpu.dma_semaphore, #tpu.memory_space<semaphore_mem>>)
      %dma_wait3A_473 = arith.constant 0 : i32
      %dma_wait3A_474 = tpu.memref_slice %arg8[%add3A_145, %dma_wait3A_473] : memref<10512x128xf32, #tpu.memory_space<vmem_shared>> -> memref<52x128xf32, #tpu.memory_space<vmem_shared>>
      %dma_wait3A_475 = arith.constant 0 : i32
      %dma_wait3A_476 = tpu.memref_slice %arg8[%add3A_145, %dma_wait3A_475] : memref<10512x128xf32, #tpu.memory_space<vmem_shared>> -> memref<52x128xf32, #tpu.memory_space<vmem_shared>>
      tpu.wait_dma2 semaphore(%run_scoped3A : memref<!tpu.dma_semaphore, #tpu.memory_space<semaphore_mem>>) src(%arg7 : memref<52x128xf32, #tpu.memory_space<vmem>>) dst(%dma_wait3A_476 : memref<52x128xf32, #tpu.memory_space<vmem_shared>>)
      tpu.yield
    }) : () -> ()
    %add3A_146 = arith.constant 156 : i32
    %add3A_147 = arith.addi %mul3A_139, %add3A_146 : i32
    "tpu.region"() ({
      %run_scoped3A = tpu.sem_alloc : memref<!tpu.dma_semaphore, #tpu.memory_space<semaphore_mem>>
      %dma_start3A_469 = arith.constant 0 : i32
      %dma_start3A_470 = tpu.memref_slice %arg8[%add3A_147, %dma_start3A_469] : memref<10512x128xf32, #tpu.memory_space<vmem_shared>> -> memref<52x128xf32, #tpu.memory_space<vmem_shared>>
      %dma_start3A_471 = arith.constant 0 : i32
      %dma_start3A_472 = tpu.memref_slice %arg8[%add3A_147, %dma_start3A_471] : memref<10512x128xf32, #tpu.memory_space<vmem_shared>> -> memref<52x128xf32, #tpu.memory_space<vmem_shared>>
      tpu.enqueue_dma source(%arg7 : memref<52x128xf32, #tpu.memory_space<vmem>>) target(%dma_start3A_472 : memref<52x128xf32, #tpu.memory_space<vmem_shared>>) target_semaphore(%run_scoped3A : memref<!tpu.dma_semaphore, #tpu.memory_space<semaphore_mem>>)
      %dma_wait3A_473 = arith.constant 0 : i32
      %dma_wait3A_474 = tpu.memref_slice %arg8[%add3A_147, %dma_wait3A_473] : memref<10512x128xf32, #tpu.memory_space<vmem_shared>> -> memref<52x128xf32, #tpu.memory_space<vmem_shared>>
      %dma_wait3A_475 = arith.constant 0 : i32
      %dma_wait3A_476 = tpu.memref_slice %arg8[%add3A_147, %dma_wait3A_475] : memref<10512x128xf32, #tpu.memory_space<vmem_shared>> -> memref<52x128xf32, #tpu.memory_space<vmem_shared>>
      tpu.wait_dma2 semaphore(%run_scoped3A : memref<!tpu.dma_semaphore, #tpu.memory_space<semaphore_mem>>) src(%arg7 : memref<52x128xf32, #tpu.memory_space<vmem>>) dst(%dma_wait3A_476 : memref<52x128xf32, #tpu.memory_space<vmem_shared>>)
      tpu.yield
    }) : () -> ()
    %add3A_148 = arith.constant 208 : i32
    %add3A_149 = arith.addi %mul3A_139, %add3A_148 : i32
    "tpu.region"() ({
      %run_scoped3A = tpu.sem_alloc : memref<!tpu.dma_semaphore, #tpu.memory_space<semaphore_mem>>
      %dma_start3A_469 = arith.constant 0 : i32
      %dma_start3A_470 = tpu.memref_slice %arg8[%add3A_149, %dma_start3A_469] : memref<10512x128xf32, #tpu.memory_space<vmem_shared>> -> memref<52x128xf32, #tpu.memory_space<vmem_shared>>
      %dma_start3A_471 = arith.constant 0 : i32
      %dma_start3A_472 = tpu.memref_slice %arg8[%add3A_149, %dma_start3A_471] : memref<10512x128xf32, #tpu.memory_space<vmem_shared>> -> memref<52x128xf32, #tpu.memory_space<vmem_shared>>
      tpu.enqueue_dma source(%arg7 : memref<52x128xf32, #tpu.memory_space<vmem>>) target(%dma_start3A_472 : memref<52x128xf32, #tpu.memory_space<vmem_shared>>) target_semaphore(%run_scoped3A : memref<!tpu.dma_semaphore, #tpu.memory_space<semaphore_mem>>)
      %dma_wait3A_473 = arith.constant 0 : i32
      %dma_wait3A_474 = tpu.memref_slice %arg8[%add3A_149, %dma_wait3A_473] : memref<10512x128xf32, #tpu.memory_space<vmem_shared>> -> memref<52x128xf32, #tpu.memory_space<vmem_shared>>
      %dma_wait3A_475 = arith.constant 0 : i32
      %dma_wait3A_476 = tpu.memref_slice %arg8[%add3A_149, %dma_wait3A_475] : memref<10512x128xf32, #tpu.memory_space<vmem_shared>> -> memref<52x128xf32, #tpu.memory_space<vmem_shared>>
      tpu.wait_dma2 semaphore(%run_scoped3A : memref<!tpu.dma_semaphore, #tpu.memory_space<semaphore_mem>>) src(%arg7 : memref<52x128xf32, #tpu.memory_space<vmem>>) dst(%dma_wait3A_476 : memref<52x128xf32, #tpu.memory_space<vmem_shared>>)
      tpu.yield
    }) : () -> ()
    %add3A_150 = arith.constant 260 : i32
    %add3A_151 = arith.addi %mul3A_139, %add3A_150 : i32
    "tpu.region"() ({
      %run_scoped3A = tpu.sem_alloc : memref<!tpu.dma_semaphore, #tpu.memory_space<semaphore_mem>>
      %dma_start3A_469 = arith.constant 0 : i32
      %dma_start3A_470 = tpu.memref_slice %arg8[%add3A_151, %dma_start3A_469] : memref<10512x128xf32, #tpu.memory_space<vmem_shared>> -> memref<52x128xf32, #tpu.memory_space<vmem_shared>>
      %dma_start3A_471 = arith.constant 0 : i32
      %dma_start3A_472 = tpu.memref_slice %arg8[%add3A_151, %dma_start3A_471] : memref<10512x128xf32, #tpu.memory_space<vmem_shared>> -> memref<52x128xf32, #tpu.memory_space<vmem_shared>>
      tpu.enqueue_dma source(%arg7 : memref<52x128xf32, #tpu.memory_space<vmem>>) target(%dma_start3A_472 : memref<52x128xf32, #tpu.memory_space<vmem_shared>>) target_semaphore(%run_scoped3A : memref<!tpu.dma_semaphore, #tpu.memory_space<semaphore_mem>>)
      %dma_wait3A_473 = arith.constant 0 : i32
      %dma_wait3A_474 = tpu.memref_slice %arg8[%add3A_151, %dma_wait3A_473] : memref<10512x128xf32, #tpu.memory_space<vmem_shared>> -> memref<52x128xf32, #tpu.memory_space<vmem_shared>>
      %dma_wait3A_475 = arith.constant 0 : i32
      %dma_wait3A_476 = tpu.memref_slice %arg8[%add3A_151, %dma_wait3A_475] : memref<10512x128xf32, #tpu.memory_space<vmem_shared>> -> memref<52x128xf32, #tpu.memory_space<vmem_shared>>
      tpu.wait_dma2 semaphore(%run_scoped3A : memref<!tpu.dma_semaphore, #tpu.memory_space<semaphore_mem>>) src(%arg7 : memref<52x128xf32, #tpu.memory_space<vmem>>) dst(%dma_wait3A_476 : memref<52x128xf32, #tpu.memory_space<vmem_shared>>)
      tpu.yield
    }) : () -> ()
    %add3A_152 = arith.constant 312 : i32
    %add3A_153 = arith.addi %mul3A_139, %add3A_152 : i32
    "tpu.region"() ({
      %run_scoped3A = tpu.sem_alloc : memref<!tpu.dma_semaphore, #tpu.memory_space<semaphore_mem>>
      %dma_start3A_469 = arith.constant 0 : i32
      %dma_start3A_470 = tpu.memref_slice %arg8[%add3A_153, %dma_start3A_469] : memref<10512x128xf32, #tpu.memory_space<vmem_shared>> -> memref<52x128xf32, #tpu.memory_space<vmem_shared>>
      %dma_start3A_471 = arith.constant 0 : i32
      %dma_start3A_472 = tpu.memref_slice %arg8[%add3A_153, %dma_start3A_471] : memref<10512x128xf32, #tpu.memory_space<vmem_shared>> -> memref<52x128xf32, #tpu.memory_space<vmem_shared>>
      tpu.enqueue_dma source(%arg7 : memref<52x128xf32, #tpu.memory_space<vmem>>) target(%dma_start3A_472 : memref<52x128xf32, #tpu.memory_space<vmem_shared>>) target_semaphore(%run_scoped3A : memref<!tpu.dma_semaphore, #tpu.memory_space<semaphore_mem>>)
      %dma_wait3A_473 = arith.constant 0 : i32
      %dma_wait3A_474 = tpu.memref_slice %arg8[%add3A_153, %dma_wait3A_473] : memref<10512x128xf32, #tpu.memory_space<vmem_shared>> -> memref<52x128xf32, #tpu.memory_space<vmem_shared>>
      %dma_wait3A_475 = arith.constant 0 : i32
      %dma_wait3A_476 = tpu.memref_slice %arg8[%add3A_153, %dma_wait3A_475] : memref<10512x128xf32, #tpu.memory_space<vmem_shared>> -> memref<52x128xf32, #tpu.memory_space<vmem_shared>>
      tpu.wait_dma2 semaphore(%run_scoped3A : memref<!tpu.dma_semaphore, #tpu.memory_space<semaphore_mem>>) src(%arg7 : memref<52x128xf32, #tpu.memory_space<vmem>>) dst(%dma_wait3A_476 : memref<52x128xf32, #tpu.memory_space<vmem_shared>>)
      tpu.yield
    }) : () -> ()
    %add3A_154 = arith.constant 364 : i32
    %add3A_155 = arith.addi %mul3A_139, %add3A_154 : i32
    "tpu.region"() ({
      %run_scoped3A = tpu.sem_alloc : memref<!tpu.dma_semaphore, #tpu.memory_space<semaphore_mem>>
      %dma_start3A_469 = arith.constant 0 : i32
      %dma_start3A_470 = tpu.memref_slice %arg8[%add3A_155, %dma_start3A_469] : memref<10512x128xf32, #tpu.memory_space<vmem_shared>> -> memref<52x128xf32, #tpu.memory_space<vmem_shared>>
      %dma_start3A_471 = arith.constant 0 : i32
      %dma_start3A_472 = tpu.memref_slice %arg8[%add3A_155, %dma_start3A_471] : memref<10512x128xf32, #tpu.memory_space<vmem_shared>> -> memref<52x128xf32, #tpu.memory_space<vmem_shared>>
      tpu.enqueue_dma source(%arg7 : memref<52x128xf32, #tpu.memory_space<vmem>>) target(%dma_start3A_472 : memref<52x128xf32, #tpu.memory_space<vmem_shared>>) target_semaphore(%run_scoped3A : memref<!tpu.dma_semaphore, #tpu.memory_space<semaphore_mem>>)
      %dma_wait3A_473 = arith.constant 0 : i32
      %dma_wait3A_474 = tpu.memref_slice %arg8[%add3A_155, %dma_wait3A_473] : memref<10512x128xf32, #tpu.memory_space<vmem_shared>> -> memref<52x128xf32, #tpu.memory_space<vmem_shared>>
      %dma_wait3A_475 = arith.constant 0 : i32
      %dma_wait3A_476 = tpu.memref_slice %arg8[%add3A_155, %dma_wait3A_475] : memref<10512x128xf32, #tpu.memory_space<vmem_shared>> -> memref<52x128xf32, #tpu.memory_space<vmem_shared>>
      tpu.wait_dma2 semaphore(%run_scoped3A : memref<!tpu.dma_semaphore, #tpu.memory_space<semaphore_mem>>) src(%arg7 : memref<52x128xf32, #tpu.memory_space<vmem>>) dst(%dma_wait3A_476 : memref<52x128xf32, #tpu.memory_space<vmem_shared>>)
      tpu.yield
    }) : () -> ()
    %add3A_156 = arith.constant 416 : i32
    %add3A_157 = arith.addi %mul3A_139, %add3A_156 : i32
    "tpu.region"() ({
      %run_scoped3A = tpu.sem_alloc : memref<!tpu.dma_semaphore, #tpu.memory_space<semaphore_mem>>
      %dma_start3A_469 = arith.constant 0 : i32
      %dma_start3A_470 = tpu.memref_slice %arg8[%add3A_157, %dma_start3A_469] : memref<10512x128xf32, #tpu.memory_space<vmem_shared>> -> memref<52x128xf32, #tpu.memory_space<vmem_shared>>
      %dma_start3A_471 = arith.constant 0 : i32
      %dma_start3A_472 = tpu.memref_slice %arg8[%add3A_157, %dma_start3A_471] : memref<10512x128xf32, #tpu.memory_space<vmem_shared>> -> memref<52x128xf32, #tpu.memory_space<vmem_shared>>
      tpu.enqueue_dma source(%arg7 : memref<52x128xf32, #tpu.memory_space<vmem>>) target(%dma_start3A_472 : memref<52x128xf32, #tpu.memory_space<vmem_shared>>) target_semaphore(%run_scoped3A : memref<!tpu.dma_semaphore, #tpu.memory_space<semaphore_mem>>)
      %dma_wait3A_473 = arith.constant 0 : i32
      %dma_wait3A_474 = tpu.memref_slice %arg8[%add3A_157, %dma_wait3A_473] : memref<10512x128xf32, #tpu.memory_space<vmem_shared>> -> memref<52x128xf32, #tpu.memory_space<vmem_shared>>
      %dma_wait3A_475 = arith.constant 0 : i32
      %dma_wait3A_476 = tpu.memref_slice %arg8[%add3A_157, %dma_wait3A_475] : memref<10512x128xf32, #tpu.memory_space<vmem_shared>> -> memref<52x128xf32, #tpu.memory_space<vmem_shared>>
      tpu.wait_dma2 semaphore(%run_scoped3A : memref<!tpu.dma_semaphore, #tpu.memory_space<semaphore_mem>>) src(%arg7 : memref<52x128xf32, #tpu.memory_space<vmem>>) dst(%dma_wait3A_476 : memref<52x128xf32, #tpu.memory_space<vmem_shared>>)
      tpu.yield
    }) : () -> ()
    %add3A_158 = arith.constant 468 : i32
    %add3A_159 = arith.addi %mul3A_139, %add3A_158 : i32
    "tpu.region"() ({
      %run_scoped3A = tpu.sem_alloc : memref<!tpu.dma_semaphore, #tpu.memory_space<semaphore_mem>>
      %dma_start3A_469 = arith.constant 0 : i32
      %dma_start3A_470 = tpu.memref_slice %arg8[%add3A_159, %dma_start3A_469] : memref<10512x128xf32, #tpu.memory_space<vmem_shared>> -> memref<52x128xf32, #tpu.memory_space<vmem_shared>>
      %dma_start3A_471 = arith.constant 0 : i32
      %dma_start3A_472 = tpu.memref_slice %arg8[%add3A_159, %dma_start3A_471] : memref<10512x128xf32, #tpu.memory_space<vmem_shared>> -> memref<52x128xf32, #tpu.memory_space<vmem_shared>>
      tpu.enqueue_dma source(%arg7 : memref<52x128xf32, #tpu.memory_space<vmem>>) target(%dma_start3A_472 : memref<52x128xf32, #tpu.memory_space<vmem_shared>>) target_semaphore(%run_scoped3A : memref<!tpu.dma_semaphore, #tpu.memory_space<semaphore_mem>>)
      %dma_wait3A_473 = arith.constant 0 : i32
      %dma_wait3A_474 = tpu.memref_slice %arg8[%add3A_159, %dma_wait3A_473] : memref<10512x128xf32, #tpu.memory_space<vmem_shared>> -> memref<52x128xf32, #tpu.memory_space<vmem_shared>>
      %dma_wait3A_475 = arith.constant 0 : i32
      %dma_wait3A_476 = tpu.memref_slice %arg8[%add3A_159, %dma_wait3A_475] : memref<10512x128xf32, #tpu.memory_space<vmem_shared>> -> memref<52x128xf32, #tpu.memory_space<vmem_shared>>
      tpu.wait_dma2 semaphore(%run_scoped3A : memref<!tpu.dma_semaphore, #tpu.memory_space<semaphore_mem>>) src(%arg7 : memref<52x128xf32, #tpu.memory_space<vmem>>) dst(%dma_wait3A_476 : memref<52x128xf32, #tpu.memory_space<vmem_shared>>)
      tpu.yield
    }) : () -> ()
    %add3A_160 = arith.constant 520 : i32
    %add3A_161 = arith.addi %mul3A_139, %add3A_160 : i32
    "tpu.region"() ({
      %run_scoped3A = tpu.sem_alloc : memref<!tpu.dma_semaphore, #tpu.memory_space<semaphore_mem>>
      %dma_start3A_469 = arith.constant 0 : i32
      %dma_start3A_470 = tpu.memref_slice %arg8[%add3A_161, %dma_start3A_469] : memref<10512x128xf32, #tpu.memory_space<vmem_shared>> -> memref<52x128xf32, #tpu.memory_space<vmem_shared>>
      %dma_start3A_471 = arith.constant 0 : i32
      %dma_start3A_472 = tpu.memref_slice %arg8[%add3A_161, %dma_start3A_471] : memref<10512x128xf32, #tpu.memory_space<vmem_shared>> -> memref<52x128xf32, #tpu.memory_space<vmem_shared>>
      tpu.enqueue_dma source(%arg7 : memref<52x128xf32, #tpu.memory_space<vmem>>) target(%dma_start3A_472 : memref<52x128xf32, #tpu.memory_space<vmem_shared>>) target_semaphore(%run_scoped3A : memref<!tpu.dma_semaphore, #tpu.memory_space<semaphore_mem>>)
      %dma_wait3A_473 = arith.constant 0 : i32
      %dma_wait3A_474 = tpu.memref_slice %arg8[%add3A_161, %dma_wait3A_473] : memref<10512x128xf32, #tpu.memory_space<vmem_shared>> -> memref<52x128xf32, #tpu.memory_space<vmem_shared>>
      %dma_wait3A_475 = arith.constant 0 : i32
      %dma_wait3A_476 = tpu.memref_slice %arg8[%add3A_161, %dma_wait3A_475] : memref<10512x128xf32, #tpu.memory_space<vmem_shared>> -> memref<52x128xf32, #tpu.memory_space<vmem_shared>>
      tpu.wait_dma2 semaphore(%run_scoped3A : memref<!tpu.dma_semaphore, #tpu.memory_space<semaphore_mem>>) src(%arg7 : memref<52x128xf32, #tpu.memory_space<vmem>>) dst(%dma_wait3A_476 : memref<52x128xf32, #tpu.memory_space<vmem_shared>>)
      tpu.yield
    }) : () -> ()
    %add3A_162 = arith.constant 572 : i32
    %add3A_163 = arith.addi %mul3A_139, %add3A_162 : i32
    "tpu.region"() ({
      %run_scoped3A = tpu.sem_alloc : memref<!tpu.dma_semaphore, #tpu.memory_space<semaphore_mem>>
      %dma_start3A_469 = arith.constant 0 : i32
      %dma_start3A_470 = tpu.memref_slice %arg8[%add3A_163, %dma_start3A_469] : memref<10512x128xf32, #tpu.memory_space<vmem_shared>> -> memref<52x128xf32, #tpu.memory_space<vmem_shared>>
      %dma_start3A_471 = arith.constant 0 : i32
      %dma_start3A_472 = tpu.memref_slice %arg8[%add3A_163, %dma_start3A_471] : memref<10512x128xf32, #tpu.memory_space<vmem_shared>> -> memref<52x128xf32, #tpu.memory_space<vmem_shared>>
      tpu.enqueue_dma source(%arg7 : memref<52x128xf32, #tpu.memory_space<vmem>>) target(%dma_start3A_472 : memref<52x128xf32, #tpu.memory_space<vmem_shared>>) target_semaphore(%run_scoped3A : memref<!tpu.dma_semaphore, #tpu.memory_space<semaphore_mem>>)
      %dma_wait3A_473 = arith.constant 0 : i32
      %dma_wait3A_474 = tpu.memref_slice %arg8[%add3A_163, %dma_wait3A_473] : memref<10512x128xf32, #tpu.memory_space<vmem_shared>> -> memref<52x128xf32, #tpu.memory_space<vmem_shared>>
      %dma_wait3A_475 = arith.constant 0 : i32
      %dma_wait3A_476 = tpu.memref_slice %arg8[%add3A_163, %dma_wait3A_475] : memref<10512x128xf32, #tpu.memory_space<vmem_shared>> -> memref<52x128xf32, #tpu.memory_space<vmem_shared>>
      tpu.wait_dma2 semaphore(%run_scoped3A : memref<!tpu.dma_semaphore, #tpu.memory_space<semaphore_mem>>) src(%arg7 : memref<52x128xf32, #tpu.memory_space<vmem>>) dst(%dma_wait3A_476 : memref<52x128xf32, #tpu.memory_space<vmem_shared>>)
      tpu.yield
    }) : () -> ()
    %eq3A_164 = arith.constant 15 : i32
    %eq3A_165 = arith.cmpi eq, %arg1, %eq3A_164 : i32
    %convert_element_type3A = arith.extui %eq3A_165 : i1 to i32
    %cond3A = arith.constant 0 : i32
    %cond3A_166 = arith.cmpi ne, %convert_element_type3A, %cond3A : i32
    scf.if %cond3A_166 {
      "tpu.region"() ({
        %run_scoped3A = tpu.sem_alloc : memref<!tpu.dma_semaphore, #tpu.memory_space<semaphore_mem>>
        %dma_start3A_469 = arith.constant 0 : i32
        %dma_start3A_470 = arith.constant 0 : i32
        %dma_start3A_471 = tpu.memref_slice %arg7[%dma_start3A_469, %dma_start3A_470] : memref<52x128xf32, #tpu.memory_space<vmem>> -> memref<16x128xf32, #tpu.memory_space<vmem>>
        %dma_start3A_472 = arith.constant 9984 : i32
        %dma_start3A_473 = arith.constant 0 : i32
        %dma_start3A_474 = tpu.memref_slice %arg8[%dma_start3A_472, %dma_start3A_473] : memref<10512x128xf32, #tpu.memory_space<vmem_shared>> -> memref<16x128xf32, #tpu.memory_space<vmem_shared>>
        %dma_start3A_475 = arith.constant 9984 : i32
        %dma_start3A_476 = arith.constant 0 : i32
        %dma_start3A_477 = tpu.memref_slice %arg8[%dma_start3A_475, %dma_start3A_476] : memref<10512x128xf32, #tpu.memory_space<vmem_shared>> -> memref<16x128xf32, #tpu.memory_space<vmem_shared>>
        %dma_start3A_478 = arith.constant 0 : i32
        %dma_start3A_479 = arith.constant 0 : i32
        %dma_start3A_480 = tpu.memref_slice %arg7[%dma_start3A_478, %dma_start3A_479] : memref<52x128xf32, #tpu.memory_space<vmem>> -> memref<16x128xf32, #tpu.memory_space<vmem>>
        tpu.enqueue_dma source(%dma_start3A_480 : memref<16x128xf32, #tpu.memory_space<vmem>>) target(%dma_start3A_477 : memref<16x128xf32, #tpu.memory_space<vmem_shared>>) target_semaphore(%run_scoped3A : memref<!tpu.dma_semaphore, #tpu.memory_space<semaphore_mem>>)
        %dma_wait3A_481 = arith.constant 0 : i32
        %dma_wait3A_482 = arith.constant 0 : i32
        %dma_wait3A_483 = tpu.memref_slice %arg7[%dma_wait3A_481, %dma_wait3A_482] : memref<52x128xf32, #tpu.memory_space<vmem>> -> memref<16x128xf32, #tpu.memory_space<vmem>>
        %dma_wait3A_484 = arith.constant 9984 : i32
        %dma_wait3A_485 = arith.constant 0 : i32
        %dma_wait3A_486 = tpu.memref_slice %arg8[%dma_wait3A_484, %dma_wait3A_485] : memref<10512x128xf32, #tpu.memory_space<vmem_shared>> -> memref<16x128xf32, #tpu.memory_space<vmem_shared>>
        %dma_wait3A_487 = arith.constant 9984 : i32
        %dma_wait3A_488 = arith.constant 0 : i32
        %dma_wait3A_489 = tpu.memref_slice %arg8[%dma_wait3A_487, %dma_wait3A_488] : memref<10512x128xf32, #tpu.memory_space<vmem_shared>> -> memref<16x128xf32, #tpu.memory_space<vmem_shared>>
        %dma_wait3A_490 = arith.constant 0 : i32
        %dma_wait3A_491 = arith.constant 0 : i32
        %dma_wait3A_492 = tpu.memref_slice %arg7[%dma_wait3A_490, %dma_wait3A_491] : memref<52x128xf32, #tpu.memory_space<vmem>> -> memref<16x128xf32, #tpu.memory_space<vmem>>
        tpu.wait_dma2 semaphore(%run_scoped3A : memref<!tpu.dma_semaphore, #tpu.memory_space<semaphore_mem>>) src(%dma_wait3A_492 : memref<16x128xf32, #tpu.memory_space<vmem>>) dst(%dma_wait3A_489 : memref<16x128xf32, #tpu.memory_space<vmem_shared>>)
        tpu.yield
      }) : () -> ()
    } else {
    }
    %barrier3A = arith.constant 0 : index
    tpu.barrier barrier_id(%barrier3A)
    %dma_wait3A_167 = arith.constant 0 : i32
    %dma_wait3A_168 = arith.constant 0 : i32
    %dma_wait3A_169 = arith.constant 0 : i32
    %dma_wait3A_170 = arith.constant 0 : i32
    "tpu.trace_stop"() : () -> ()
    "tpu.trace_start"() <{level = 10 : i32, message = "warmup"}> : () -> ()
    %dma_wait3A_171 = arith.constant 0 : i32
    %dma_wait3A_172 = arith.constant 0 : i32
    %dma_wait3A_173 = tpu.memref_slice %arg6[%dma_wait3A_169, %dma_wait3A_171, %dma_wait3A_172] : memref<2x128x128xf32, #tpu.memory_space<vmem>> -> memref<1x128x128xf32, #tpu.memory_space<vmem>>
    %dma_wait3A_174 = tpu.memref_squeeze %dma_wait3A_173 : memref<1x128x128xf32, #tpu.memory_space<vmem>> -> memref<128x128xf32, #tpu.memory_space<vmem>>
    %dma_wait3A_175 = arith.constant 0 : i32
    %dma_wait3A_176 = tpu.memref_slice %arg5[%dma_wait3A_167, %dma_wait3A_168, %dma_wait3A_175] : memref<4x2x128xi32, #tpu.memory_space<vmem>> -> memref<1x1x128xi32, #tpu.memory_space<vmem>>
    %dma_wait3A_177 = tpu.memref_squeeze %dma_wait3A_176 : memref<1x1x128xi32, #tpu.memory_space<vmem>> -> memref<128xi32, #tpu.memory_space<vmem>>
    %dma_wait3A_178 = arith.constant 0 : i32
    %dma_wait3A_179 = arith.constant 0 : i32
    %dma_wait3A_180 = tpu.memref_slice %arg2[%dma_wait3A_178, %dma_wait3A_179] : memref<10000x128xf32, #tpu.memory_space<hbm>> -> memref<10000x128xf32, #tpu.memory_space<hbm>>
    %dma_wait3A_181 = tpu.memref_slice %arg9[%dma_wait3A_170] : memref<2x!tpu.dma_semaphore, #tpu.memory_space<semaphore_mem>> -> memref<1x!tpu.dma_semaphore, #tpu.memory_space<semaphore_mem>>
    %dma_wait3A_182 = tpu.memref_squeeze %dma_wait3A_181 : memref<1x!tpu.dma_semaphore, #tpu.memory_space<semaphore_mem>> -> memref<!tpu.dma_semaphore, #tpu.memory_space<semaphore_mem>>
    tpu.wait_indirect_dma semaphore(%dma_wait3A_182 : memref<!tpu.dma_semaphore, #tpu.memory_space<semaphore_mem>>) src(%dma_wait3A_180 : memref<10000x128xf32, #tpu.memory_space<hbm>>) dst(%dma_wait3A_174 : memref<128x128xf32, #tpu.memory_space<vmem>>)
    %dma_start3A_183 = arith.constant 0 : i32
    %dma_start3A_184 = arith.constant 0 : i32
    %dma_start3A_185 = arith.constant 1 : i32
    %dma_start3A_186 = arith.constant 0 : i32
    %dma_start3A_187 = arith.constant 0 : i32
    %dma_start3A_188 = arith.constant 0 : i32
    %dma_start3A_189 = tpu.memref_slice %arg6[%dma_start3A_183, %dma_start3A_187, %dma_start3A_188] : memref<2x128x128xf32, #tpu.memory_space<vmem>> -> memref<1x128x128xf32, #tpu.memory_space<vmem>>
    %dma_start3A_190 = tpu.memref_squeeze %dma_start3A_189 : memref<1x128x128xf32, #tpu.memory_space<vmem>> -> memref<128x128xf32, #tpu.memory_space<vmem>>
    %dma_start3A_191 = arith.constant 0 : i32
    %dma_start3A_192 = tpu.memref_slice %arg5[%dma_start3A_184, %dma_start3A_185, %dma_start3A_191] : memref<4x2x128xi32, #tpu.memory_space<vmem>> -> memref<1x1x128xi32, #tpu.memory_space<vmem>>
    %dma_start3A_193 = tpu.memref_squeeze %dma_start3A_192 : memref<1x1x128xi32, #tpu.memory_space<vmem>> -> memref<128xi32, #tpu.memory_space<vmem>>
    %dma_start3A_194 = arith.constant 0 : i32
    %dma_start3A_195 = arith.constant 0 : i32
    %dma_start3A_196 = tpu.memref_slice %arg8[%dma_start3A_194, %dma_start3A_195] : memref<10512x128xf32, #tpu.memory_space<vmem_shared>> -> memref<10512x128xf32, #tpu.memory_space<vmem_shared>>
    %dma_start3A_197 = tpu.memref_slice %arg10[%dma_start3A_186] : memref<2x!tpu.dma_semaphore, #tpu.memory_space<semaphore_mem>> -> memref<1x!tpu.dma_semaphore, #tpu.memory_space<semaphore_mem>>
    %dma_start3A_198 = tpu.memref_squeeze %dma_start3A_197 : memref<1x!tpu.dma_semaphore, #tpu.memory_space<semaphore_mem>> -> memref<!tpu.dma_semaphore, #tpu.memory_space<semaphore_mem>>
    tpu.enqueue_indirect_dma source(%dma_start3A_190 : memref<128x128xf32, #tpu.memory_space<vmem>>) target(%dma_start3A_196 : memref<10512x128xf32, #tpu.memory_space<vmem_shared>>) offsets(%dma_start3A_193 : memref<128xi32, #tpu.memory_space<vmem>>) semaphore(%dma_start3A_198 : memref<!tpu.dma_semaphore, #tpu.memory_space<semaphore_mem>>) {add = true}
    %add3A_199 = arith.constant 384 : i32
    %add3A_200 = arith.addi %mul3A_10, %add3A_199 : i32
    %dma_start3A_201 = arith.constant 3 : i32
    %dma_start3A_202 = arith.constant 3 : i32
    %dma_start3A_203 = arith.constant 0 : i32
    %dma_start3A_204 = arith.constant 0 : i32
    %dma_start3A_205 = tpu.memref_slice %arg5[%dma_start3A_201, %dma_start3A_203, %dma_start3A_204] : memref<4x2x128xi32, #tpu.memory_space<vmem>> -> memref<1x2x128xi32, #tpu.memory_space<vmem>>
    %dma_start3A_206 = tpu.memref_squeeze %dma_start3A_205 : memref<1x2x128xi32, #tpu.memory_space<vmem>> -> memref<2x128xi32, #tpu.memory_space<vmem>>
    %dma_start3A_207 = arith.constant 0 : i32
    %dma_start3A_208 = tpu.memref_slice %arg3[%dma_start3A_207, %add3A_200] : memref<2x323584xi32, #tpu.memory_space<hbm>> -> memref<2x128xi32, #tpu.memory_space<hbm>>
    %dma_start3A_209 = tpu.memref_slice %arg11[%dma_start3A_202] : memref<4x!tpu.dma_semaphore, #tpu.memory_space<semaphore_mem>> -> memref<1x!tpu.dma_semaphore, #tpu.memory_space<semaphore_mem>>
    %dma_start3A_210 = tpu.memref_squeeze %dma_start3A_209 : memref<1x!tpu.dma_semaphore, #tpu.memory_space<semaphore_mem>> -> memref<!tpu.dma_semaphore, #tpu.memory_space<semaphore_mem>>
    %dma_start3A_211 = arith.constant 0 : i32
    %dma_start3A_212 = arith.constant 0 : i32
    %dma_start3A_213 = tpu.memref_slice %arg5[%dma_start3A_201, %dma_start3A_211, %dma_start3A_212] : memref<4x2x128xi32, #tpu.memory_space<vmem>> -> memref<1x2x128xi32, #tpu.memory_space<vmem>>
    %dma_start3A_214 = tpu.memref_squeeze %dma_start3A_213 : memref<1x2x128xi32, #tpu.memory_space<vmem>> -> memref<2x128xi32, #tpu.memory_space<vmem>>
    %dma_start3A_215 = arith.constant 0 : i32
    %dma_start3A_216 = tpu.memref_slice %arg3[%dma_start3A_215, %add3A_200] : memref<2x323584xi32, #tpu.memory_space<hbm>> -> memref<2x128xi32, #tpu.memory_space<hbm>>
    tpu.enqueue_dma source(%dma_start3A_216 : memref<2x128xi32, #tpu.memory_space<hbm>>) target(%dma_start3A_214 : memref<2x128xi32, #tpu.memory_space<vmem>>) target_semaphore(%dma_start3A_210 : memref<!tpu.dma_semaphore, #tpu.memory_space<semaphore_mem>>)
    "tpu.trace_stop"() : () -> ()
    "tpu.trace_start"() <{level = 10 : i32, message = "main_loop"}> : () -> ()
    %sub3A = arith.constant 3 : i32
    %sub3A_217 = arith.subi %select_n3A, %sub3A : i32
    %while3A = arith.constant 1 : i32
    %while3A_218 = arith.constant 0 : i32
    %while3A_219 = arith.subi %sub3A_217, %while3A : i32
    %while3A_220 = arith.addi %while3A, %while3A_219 : i32
    %while3A_221 = arith.constant 1 : i32
    %while3A_222 = arith.divsi %while3A_219, %while3A_221 : i32
    %while3A_223 = arith.muli %while3A_222, %while3A_221 : i32
    %while3A_224 = arith.addi %while3A, %while3A_223 : i32
    %while3A_225 = arith.constant 1 : i32
    %while3A_226 = scf.for %while3A_469 = %while3A to %while3A_224 step %while3A_225 iter_args(%while3A_470 = %while3A_218) -> (i32)  : i32 {
      %rem3A = arith.constant 4 : i32
      %rem3A_471 = arith.remsi %while3A_469, %rem3A : i32
      %rem3A_472 = arith.constant 2 : i32
      %rem3A_473 = arith.remsi %while3A_469, %rem3A_472 : i32
      %add3A_474 = arith.constant 1 : i32
      %add3A_475 = arith.addi %while3A_469, %add3A_474 : i32
      %rem3A_476 = arith.constant 4 : i32
      %rem3A_477 = arith.remsi %add3A_475, %rem3A_476 : i32
      %add3A_478 = arith.constant 1 : i32
      %add3A_479 = arith.addi %while3A_469, %add3A_478 : i32
      %rem3A_480 = arith.constant 2 : i32
      %rem3A_481 = arith.remsi %add3A_479, %rem3A_480 : i32
      %dma_wait3A_482 = arith.constant 0 : i32
      %dma_wait3A_483 = arith.constant 0 : i32
      %dma_wait3A_484 = arith.constant 0 : i32
      %dma_wait3A_485 = tpu.memref_slice %arg6[%rem3A_473, %dma_wait3A_483, %dma_wait3A_484] : memref<2x128x128xf32, #tpu.memory_space<vmem>> -> memref<1x128x128xf32, #tpu.memory_space<vmem>>
      %dma_wait3A_486 = tpu.memref_squeeze %dma_wait3A_485 : memref<1x128x128xf32, #tpu.memory_space<vmem>> -> memref<128x128xf32, #tpu.memory_space<vmem>>
      %dma_wait3A_487 = arith.constant 0 : i32
      %dma_wait3A_488 = tpu.memref_slice %arg5[%rem3A_471, %dma_wait3A_482, %dma_wait3A_487] : memref<4x2x128xi32, #tpu.memory_space<vmem>> -> memref<1x1x128xi32, #tpu.memory_space<vmem>>
      %dma_wait3A_489 = tpu.memref_squeeze %dma_wait3A_488 : memref<1x1x128xi32, #tpu.memory_space<vmem>> -> memref<128xi32, #tpu.memory_space<vmem>>
      %dma_wait3A_490 = arith.constant 0 : i32
      %dma_wait3A_491 = arith.constant 0 : i32
      %dma_wait3A_492 = tpu.memref_slice %arg2[%dma_wait3A_490, %dma_wait3A_491] : memref<10000x128xf32, #tpu.memory_space<hbm>> -> memref<10000x128xf32, #tpu.memory_space<hbm>>
      %dma_wait3A_493 = tpu.memref_slice %arg9[%rem3A_473] : memref<2x!tpu.dma_semaphore, #tpu.memory_space<semaphore_mem>> -> memref<1x!tpu.dma_semaphore, #tpu.memory_space<semaphore_mem>>
      %dma_wait3A_494 = tpu.memref_squeeze %dma_wait3A_493 : memref<1x!tpu.dma_semaphore, #tpu.memory_space<semaphore_mem>> -> memref<!tpu.dma_semaphore, #tpu.memory_space<semaphore_mem>>
      tpu.wait_indirect_dma semaphore(%dma_wait3A_494 : memref<!tpu.dma_semaphore, #tpu.memory_space<semaphore_mem>>) src(%dma_wait3A_492 : memref<10000x128xf32, #tpu.memory_space<hbm>>) dst(%dma_wait3A_486 : memref<128x128xf32, #tpu.memory_space<vmem>>)
      %dma_start3A_495 = arith.constant 1 : i32
      %dma_start3A_496 = arith.constant 0 : i32
      %dma_start3A_497 = arith.constant 0 : i32
      %dma_start3A_498 = tpu.memref_slice %arg6[%rem3A_473, %dma_start3A_496, %dma_start3A_497] : memref<2x128x128xf32, #tpu.memory_space<vmem>> -> memref<1x128x128xf32, #tpu.memory_space<vmem>>
      %dma_start3A_499 = tpu.memref_squeeze %dma_start3A_498 : memref<1x128x128xf32, #tpu.memory_space<vmem>> -> memref<128x128xf32, #tpu.memory_space<vmem>>
      %dma_start3A_500 = arith.constant 0 : i32
      %dma_start3A_501 = tpu.memref_slice %arg5[%rem3A_471, %dma_start3A_495, %dma_start3A_500] : memref<4x2x128xi32, #tpu.memory_space<vmem>> -> memref<1x1x128xi32, #tpu.memory_space<vmem>>
      %dma_start3A_502 = tpu.memref_squeeze %dma_start3A_501 : memref<1x1x128xi32, #tpu.memory_space<vmem>> -> memref<128xi32, #tpu.memory_space<vmem>>
      %dma_start3A_503 = arith.constant 0 : i32
      %dma_start3A_504 = arith.constant 0 : i32
      %dma_start3A_505 = tpu.memref_slice %arg8[%dma_start3A_503, %dma_start3A_504] : memref<10512x128xf32, #tpu.memory_space<vmem_shared>> -> memref<10512x128xf32, #tpu.memory_space<vmem_shared>>
      %dma_start3A_506 = tpu.memref_slice %arg10[%rem3A_473] : memref<2x!tpu.dma_semaphore, #tpu.memory_space<semaphore_mem>> -> memref<1x!tpu.dma_semaphore, #tpu.memory_space<semaphore_mem>>
      %dma_start3A_507 = tpu.memref_squeeze %dma_start3A_506 : memref<1x!tpu.dma_semaphore, #tpu.memory_space<semaphore_mem>> -> memref<!tpu.dma_semaphore, #tpu.memory_space<semaphore_mem>>
      tpu.enqueue_indirect_dma source(%dma_start3A_499 : memref<128x128xf32, #tpu.memory_space<vmem>>) target(%dma_start3A_505 : memref<10512x128xf32, #tpu.memory_space<vmem_shared>>) offsets(%dma_start3A_502 : memref<128xi32, #tpu.memory_space<vmem>>) semaphore(%dma_start3A_507 : memref<!tpu.dma_semaphore, #tpu.memory_space<semaphore_mem>>) {add = true}
      %add3A_508 = arith.constant 1 : i32
      %add3A_509 = arith.addi %while3A_469, %add3A_508 : i32
      %mul3A_510 = arith.constant 128 : i32
      %mul3A_511 = arith.muli %add3A_509, %mul3A_510 : i32
      %add3A_512 = arith.addi %mul3A_10, %mul3A_511 : i32
      %dma_wait3A_513 = arith.constant 0 : i32
      %dma_wait3A_514 = arith.constant 0 : i32
      %dma_wait3A_515 = tpu.memref_slice %arg5[%rem3A_477, %dma_wait3A_513, %dma_wait3A_514] : memref<4x2x128xi32, #tpu.memory_space<vmem>> -> memref<1x2x128xi32, #tpu.memory_space<vmem>>
      %dma_wait3A_516 = tpu.memref_squeeze %dma_wait3A_515 : memref<1x2x128xi32, #tpu.memory_space<vmem>> -> memref<2x128xi32, #tpu.memory_space<vmem>>
      %dma_wait3A_517 = arith.constant 0 : i32
      %dma_wait3A_518 = tpu.memref_slice %arg3[%dma_wait3A_517, %add3A_512] : memref<2x323584xi32, #tpu.memory_space<hbm>> -> memref<2x128xi32, #tpu.memory_space<hbm>>
      %dma_wait3A_519 = tpu.memref_slice %arg11[%rem3A_477] : memref<4x!tpu.dma_semaphore, #tpu.memory_space<semaphore_mem>> -> memref<1x!tpu.dma_semaphore, #tpu.memory_space<semaphore_mem>>
      %dma_wait3A_520 = tpu.memref_squeeze %dma_wait3A_519 : memref<1x!tpu.dma_semaphore, #tpu.memory_space<semaphore_mem>> -> memref<!tpu.dma_semaphore, #tpu.memory_space<semaphore_mem>>
      %dma_wait3A_521 = arith.constant 0 : i32
      %dma_wait3A_522 = arith.constant 0 : i32
      %dma_wait3A_523 = tpu.memref_slice %arg5[%rem3A_477, %dma_wait3A_521, %dma_wait3A_522] : memref<4x2x128xi32, #tpu.memory_space<vmem>> -> memref<1x2x128xi32, #tpu.memory_space<vmem>>
      %dma_wait3A_524 = tpu.memref_squeeze %dma_wait3A_523 : memref<1x2x128xi32, #tpu.memory_space<vmem>> -> memref<2x128xi32, #tpu.memory_space<vmem>>
      %dma_wait3A_525 = arith.constant 0 : i32
      %dma_wait3A_526 = tpu.memref_slice %arg3[%dma_wait3A_525, %add3A_512] : memref<2x323584xi32, #tpu.memory_space<hbm>> -> memref<2x128xi32, #tpu.memory_space<hbm>>
      tpu.wait_dma2 semaphore(%dma_wait3A_520 : memref<!tpu.dma_semaphore, #tpu.memory_space<semaphore_mem>>) src(%dma_wait3A_526 : memref<2x128xi32, #tpu.memory_space<hbm>>) dst(%dma_wait3A_524 : memref<2x128xi32, #tpu.memory_space<vmem>>)
      %sub3A_527 = arith.constant 1 : i32
      %sub3A_528 = arith.subi %while3A_469, %sub3A_527 : i32
      %rem3A_529 = arith.constant 4 : i32
      %rem3A_530 = arith.remsi %sub3A_528, %rem3A_529 : i32
      %dma_wait3A_531 = arith.constant 1 : i32
      %dma_wait3A_532 = arith.constant 0 : i32
      %dma_wait3A_533 = arith.constant 0 : i32
      %dma_wait3A_534 = tpu.memref_slice %arg6[%rem3A_481, %dma_wait3A_532, %dma_wait3A_533] : memref<2x128x128xf32, #tpu.memory_space<vmem>> -> memref<1x128x128xf32, #tpu.memory_space<vmem>>
      %dma_wait3A_535 = tpu.memref_squeeze %dma_wait3A_534 : memref<1x128x128xf32, #tpu.memory_space<vmem>> -> memref<128x128xf32, #tpu.memory_space<vmem>>
      %dma_wait3A_536 = arith.constant 0 : i32
      %dma_wait3A_537 = tpu.memref_slice %arg5[%rem3A_530, %dma_wait3A_531, %dma_wait3A_536] : memref<4x2x128xi32, #tpu.memory_space<vmem>> -> memref<1x1x128xi32, #tpu.memory_space<vmem>>
      %dma_wait3A_538 = tpu.memref_squeeze %dma_wait3A_537 : memref<1x1x128xi32, #tpu.memory_space<vmem>> -> memref<128xi32, #tpu.memory_space<vmem>>
      %dma_wait3A_539 = arith.constant 0 : i32
      %dma_wait3A_540 = arith.constant 0 : i32
      %dma_wait3A_541 = tpu.memref_slice %arg8[%dma_wait3A_539, %dma_wait3A_540] : memref<10512x128xf32, #tpu.memory_space<vmem_shared>> -> memref<10512x128xf32, #tpu.memory_space<vmem_shared>>
      %dma_wait3A_542 = tpu.memref_slice %arg10[%rem3A_481] : memref<2x!tpu.dma_semaphore, #tpu.memory_space<semaphore_mem>> -> memref<1x!tpu.dma_semaphore, #tpu.memory_space<semaphore_mem>>
      %dma_wait3A_543 = tpu.memref_squeeze %dma_wait3A_542 : memref<1x!tpu.dma_semaphore, #tpu.memory_space<semaphore_mem>> -> memref<!tpu.dma_semaphore, #tpu.memory_space<semaphore_mem>>
      tpu.wait_indirect_dma semaphore(%dma_wait3A_543 : memref<!tpu.dma_semaphore, #tpu.memory_space<semaphore_mem>>) src(%dma_wait3A_535 : memref<128x128xf32, #tpu.memory_space<vmem>>) dst(%dma_wait3A_541 : memref<10512x128xf32, #tpu.memory_space<vmem_shared>>)
      %dma_start3A_544 = arith.constant 0 : i32
      %dma_start3A_545 = arith.constant 0 : i32
      %dma_start3A_546 = arith.constant 0 : i32
      %dma_start3A_547 = tpu.memref_slice %arg6[%rem3A_481, %dma_start3A_545, %dma_start3A_546] : memref<2x128x128xf32, #tpu.memory_space<vmem>> -> memref<1x128x128xf32, #tpu.memory_space<vmem>>
      %dma_start3A_548 = tpu.memref_squeeze %dma_start3A_547 : memref<1x128x128xf32, #tpu.memory_space<vmem>> -> memref<128x128xf32, #tpu.memory_space<vmem>>
      %dma_start3A_549 = arith.constant 0 : i32
      %dma_start3A_550 = tpu.memref_slice %arg5[%rem3A_477, %dma_start3A_544, %dma_start3A_549] : memref<4x2x128xi32, #tpu.memory_space<vmem>> -> memref<1x1x128xi32, #tpu.memory_space<vmem>>
      %dma_start3A_551 = tpu.memref_squeeze %dma_start3A_550 : memref<1x1x128xi32, #tpu.memory_space<vmem>> -> memref<128xi32, #tpu.memory_space<vmem>>
      %dma_start3A_552 = arith.constant 0 : i32
      %dma_start3A_553 = arith.constant 0 : i32
      %dma_start3A_554 = tpu.memref_slice %arg2[%dma_start3A_552, %dma_start3A_553] : memref<10000x128xf32, #tpu.memory_space<hbm>> -> memref<10000x128xf32, #tpu.memory_space<hbm>>
      %dma_start3A_555 = tpu.memref_slice %arg9[%rem3A_481] : memref<2x!tpu.dma_semaphore, #tpu.memory_space<semaphore_mem>> -> memref<1x!tpu.dma_semaphore, #tpu.memory_space<semaphore_mem>>
      %dma_start3A_556 = tpu.memref_squeeze %dma_start3A_555 : memref<1x!tpu.dma_semaphore, #tpu.memory_space<semaphore_mem>> -> memref<!tpu.dma_semaphore, #tpu.memory_space<semaphore_mem>>
      tpu.enqueue_indirect_dma source(%dma_start3A_554 : memref<10000x128xf32, #tpu.memory_space<hbm>>) target(%dma_start3A_548 : memref<128x128xf32, #tpu.memory_space<vmem>>) offsets(%dma_start3A_551 : memref<128xi32, #tpu.memory_space<vmem>>) semaphore(%dma_start3A_556 : memref<!tpu.dma_semaphore, #tpu.memory_space<semaphore_mem>>)
      %add3A_557 = arith.constant 3 : i32
      %add3A_558 = arith.addi %while3A_469, %add3A_557 : i32
      %add3A_559 = arith.constant 3 : i32
      %add3A_560 = arith.addi %while3A_469, %add3A_559 : i32
      %rem3A_561 = arith.constant 4 : i32
      %rem3A_562 = arith.remsi %add3A_560, %rem3A_561 : i32
      %mul3A_563 = arith.constant 128 : i32
      %mul3A_564 = arith.muli %add3A_558, %mul3A_563 : i32
      %add3A_565 = arith.addi %mul3A_10, %mul3A_564 : i32
      %dma_start3A_566 = arith.constant 0 : i32
      %dma_start3A_567 = arith.constant 0 : i32
      %dma_start3A_568 = tpu.memref_slice %arg5[%rem3A_562, %dma_start3A_566, %dma_start3A_567] : memref<4x2x128xi32, #tpu.memory_space<vmem>> -> memref<1x2x128xi32, #tpu.memory_space<vmem>>
      %dma_start3A_569 = tpu.memref_squeeze %dma_start3A_568 : memref<1x2x128xi32, #tpu.memory_space<vmem>> -> memref<2x128xi32, #tpu.memory_space<vmem>>
      %dma_start3A_570 = arith.constant 0 : i32
      %dma_start3A_571 = tpu.memref_slice %arg3[%dma_start3A_570, %add3A_565] : memref<2x323584xi32, #tpu.memory_space<hbm>> -> memref<2x128xi32, #tpu.memory_space<hbm>>
      %dma_start3A_572 = tpu.memref_slice %arg11[%rem3A_562] : memref<4x!tpu.dma_semaphore, #tpu.memory_space<semaphore_mem>> -> memref<1x!tpu.dma_semaphore, #tpu.memory_space<semaphore_mem>>
      %dma_start3A_573 = tpu.memref_squeeze %dma_start3A_572 : memref<1x!tpu.dma_semaphore, #tpu.memory_space<semaphore_mem>> -> memref<!tpu.dma_semaphore, #tpu.memory_space<semaphore_mem>>
      %dma_start3A_574 = arith.constant 0 : i32
      %dma_start3A_575 = arith.constant 0 : i32
      %dma_start3A_576 = tpu.memref_slice %arg5[%rem3A_562, %dma_start3A_574, %dma_start3A_575] : memref<4x2x128xi32, #tpu.memory_space<vmem>> -> memref<1x2x128xi32, #tpu.memory_space<vmem>>
      %dma_start3A_577 = tpu.memref_squeeze %dma_start3A_576 : memref<1x2x128xi32, #tpu.memory_space<vmem>> -> memref<2x128xi32, #tpu.memory_space<vmem>>
      %dma_start3A_578 = arith.constant 0 : i32
      %dma_start3A_579 = tpu.memref_slice %arg3[%dma_start3A_578, %add3A_565] : memref<2x323584xi32, #tpu.memory_space<hbm>> -> memref<2x128xi32, #tpu.memory_space<hbm>>
      tpu.enqueue_dma source(%dma_start3A_579 : memref<2x128xi32, #tpu.memory_space<hbm>>) target(%dma_start3A_577 : memref<2x128xi32, #tpu.memory_space<vmem>>) target_semaphore(%dma_start3A_573 : memref<!tpu.dma_semaphore, #tpu.memory_space<semaphore_mem>>)
      %while3A_580 = arith.constant 0 : i32
      scf.yield %while3A_580 : i32
    }
    %while3A_227 = arith.constant 1 : i32
    %while3A_228 = scf.for %while3A_469 = %while3A_224 to %while3A_220 step %while3A_227 iter_args(%while3A_470 = %while3A_226) -> (i32)  : i32 {
      %rem3A = arith.constant 4 : i32
      %rem3A_471 = arith.remsi %while3A_469, %rem3A : i32
      %rem3A_472 = arith.constant 2 : i32
      %rem3A_473 = arith.remsi %while3A_469, %rem3A_472 : i32
      %add3A_474 = arith.constant 1 : i32
      %add3A_475 = arith.addi %while3A_469, %add3A_474 : i32
      %rem3A_476 = arith.constant 4 : i32
      %rem3A_477 = arith.remsi %add3A_475, %rem3A_476 : i32
      %add3A_478 = arith.constant 1 : i32
      %add3A_479 = arith.addi %while3A_469, %add3A_478 : i32
      %rem3A_480 = arith.constant 2 : i32
      %rem3A_481 = arith.remsi %add3A_479, %rem3A_480 : i32
      %dma_wait3A_482 = arith.constant 0 : i32
      %dma_wait3A_483 = arith.constant 0 : i32
      %dma_wait3A_484 = arith.constant 0 : i32
      %dma_wait3A_485 = tpu.memref_slice %arg6[%rem3A_473, %dma_wait3A_483, %dma_wait3A_484] : memref<2x128x128xf32, #tpu.memory_space<vmem>> -> memref<1x128x128xf32, #tpu.memory_space<vmem>>
      %dma_wait3A_486 = tpu.memref_squeeze %dma_wait3A_485 : memref<1x128x128xf32, #tpu.memory_space<vmem>> -> memref<128x128xf32, #tpu.memory_space<vmem>>
      %dma_wait3A_487 = arith.constant 0 : i32
      %dma_wait3A_488 = tpu.memref_slice %arg5[%rem3A_471, %dma_wait3A_482, %dma_wait3A_487] : memref<4x2x128xi32, #tpu.memory_space<vmem>> -> memref<1x1x128xi32, #tpu.memory_space<vmem>>
      %dma_wait3A_489 = tpu.memref_squeeze %dma_wait3A_488 : memref<1x1x128xi32, #tpu.memory_space<vmem>> -> memref<128xi32, #tpu.memory_space<vmem>>
      %dma_wait3A_490 = arith.constant 0 : i32
      %dma_wait3A_491 = arith.constant 0 : i32
      %dma_wait3A_492 = tpu.memref_slice %arg2[%dma_wait3A_490, %dma_wait3A_491] : memref<10000x128xf32, #tpu.memory_space<hbm>> -> memref<10000x128xf32, #tpu.memory_space<hbm>>
      %dma_wait3A_493 = tpu.memref_slice %arg9[%rem3A_473] : memref<2x!tpu.dma_semaphore, #tpu.memory_space<semaphore_mem>> -> memref<1x!tpu.dma_semaphore, #tpu.memory_space<semaphore_mem>>
      %dma_wait3A_494 = tpu.memref_squeeze %dma_wait3A_493 : memref<1x!tpu.dma_semaphore, #tpu.memory_space<semaphore_mem>> -> memref<!tpu.dma_semaphore, #tpu.memory_space<semaphore_mem>>
      tpu.wait_indirect_dma semaphore(%dma_wait3A_494 : memref<!tpu.dma_semaphore, #tpu.memory_space<semaphore_mem>>) src(%dma_wait3A_492 : memref<10000x128xf32, #tpu.memory_space<hbm>>) dst(%dma_wait3A_486 : memref<128x128xf32, #tpu.memory_space<vmem>>)
      %dma_start3A_495 = arith.constant 1 : i32
      %dma_start3A_496 = arith.constant 0 : i32
      %dma_start3A_497 = arith.constant 0 : i32
      %dma_start3A_498 = tpu.memref_slice %arg6[%rem3A_473, %dma_start3A_496, %dma_start3A_497] : memref<2x128x128xf32, #tpu.memory_space<vmem>> -> memref<1x128x128xf32, #tpu.memory_space<vmem>>
      %dma_start3A_499 = tpu.memref_squeeze %dma_start3A_498 : memref<1x128x128xf32, #tpu.memory_space<vmem>> -> memref<128x128xf32, #tpu.memory_space<vmem>>
      %dma_start3A_500 = arith.constant 0 : i32
      %dma_start3A_501 = tpu.memref_slice %arg5[%rem3A_471, %dma_start3A_495, %dma_start3A_500] : memref<4x2x128xi32, #tpu.memory_space<vmem>> -> memref<1x1x128xi32, #tpu.memory_space<vmem>>
      %dma_start3A_502 = tpu.memref_squeeze %dma_start3A_501 : memref<1x1x128xi32, #tpu.memory_space<vmem>> -> memref<128xi32, #tpu.memory_space<vmem>>
      %dma_start3A_503 = arith.constant 0 : i32
      %dma_start3A_504 = arith.constant 0 : i32
      %dma_start3A_505 = tpu.memref_slice %arg8[%dma_start3A_503, %dma_start3A_504] : memref<10512x128xf32, #tpu.memory_space<vmem_shared>> -> memref<10512x128xf32, #tpu.memory_space<vmem_shared>>
      %dma_start3A_506 = tpu.memref_slice %arg10[%rem3A_473] : memref<2x!tpu.dma_semaphore, #tpu.memory_space<semaphore_mem>> -> memref<1x!tpu.dma_semaphore, #tpu.memory_space<semaphore_mem>>
      %dma_start3A_507 = tpu.memref_squeeze %dma_start3A_506 : memref<1x!tpu.dma_semaphore, #tpu.memory_space<semaphore_mem>> -> memref<!tpu.dma_semaphore, #tpu.memory_space<semaphore_mem>>
      tpu.enqueue_indirect_dma source(%dma_start3A_499 : memref<128x128xf32, #tpu.memory_space<vmem>>) target(%dma_start3A_505 : memref<10512x128xf32, #tpu.memory_space<vmem_shared>>) offsets(%dma_start3A_502 : memref<128xi32, #tpu.memory_space<vmem>>) semaphore(%dma_start3A_507 : memref<!tpu.dma_semaphore, #tpu.memory_space<semaphore_mem>>) {add = true}
      %add3A_508 = arith.constant 1 : i32
      %add3A_509 = arith.addi %while3A_469, %add3A_508 : i32
      %mul3A_510 = arith.constant 128 : i32
      %mul3A_511 = arith.muli %add3A_509, %mul3A_510 : i32
      %add3A_512 = arith.addi %mul3A_10, %mul3A_511 : i32
      %dma_wait3A_513 = arith.constant 0 : i32
      %dma_wait3A_514 = arith.constant 0 : i32
      %dma_wait3A_515 = tpu.memref_slice %arg5[%rem3A_477, %dma_wait3A_513, %dma_wait3A_514] : memref<4x2x128xi32, #tpu.memory_space<vmem>> -> memref<1x2x128xi32, #tpu.memory_space<vmem>>
      %dma_wait3A_516 = tpu.memref_squeeze %dma_wait3A_515 : memref<1x2x128xi32, #tpu.memory_space<vmem>> -> memref<2x128xi32, #tpu.memory_space<vmem>>
      %dma_wait3A_517 = arith.constant 0 : i32
      %dma_wait3A_518 = tpu.memref_slice %arg3[%dma_wait3A_517, %add3A_512] : memref<2x323584xi32, #tpu.memory_space<hbm>> -> memref<2x128xi32, #tpu.memory_space<hbm>>
      %dma_wait3A_519 = tpu.memref_slice %arg11[%rem3A_477] : memref<4x!tpu.dma_semaphore, #tpu.memory_space<semaphore_mem>> -> memref<1x!tpu.dma_semaphore, #tpu.memory_space<semaphore_mem>>
      %dma_wait3A_520 = tpu.memref_squeeze %dma_wait3A_519 : memref<1x!tpu.dma_semaphore, #tpu.memory_space<semaphore_mem>> -> memref<!tpu.dma_semaphore, #tpu.memory_space<semaphore_mem>>
      %dma_wait3A_521 = arith.constant 0 : i32
      %dma_wait3A_522 = arith.constant 0 : i32
      %dma_wait3A_523 = tpu.memref_slice %arg5[%rem3A_477, %dma_wait3A_521, %dma_wait3A_522] : memref<4x2x128xi32, #tpu.memory_space<vmem>> -> memref<1x2x128xi32, #tpu.memory_space<vmem>>
      %dma_wait3A_524 = tpu.memref_squeeze %dma_wait3A_523 : memref<1x2x128xi32, #tpu.memory_space<vmem>> -> memref<2x128xi32, #tpu.memory_space<vmem>>
      %dma_wait3A_525 = arith.constant 0 : i32
      %dma_wait3A_526 = tpu.memref_slice %arg3[%dma_wait3A_525, %add3A_512] : memref<2x323584xi32, #tpu.memory_space<hbm>> -> memref<2x128xi32, #tpu.memory_space<hbm>>
      tpu.wait_dma2 semaphore(%dma_wait3A_520 : memref<!tpu.dma_semaphore, #tpu.memory_space<semaphore_mem>>) src(%dma_wait3A_526 : memref<2x128xi32, #tpu.memory_space<hbm>>) dst(%dma_wait3A_524 : memref<2x128xi32, #tpu.memory_space<vmem>>)
      %sub3A_527 = arith.constant 1 : i32
      %sub3A_528 = arith.subi %while3A_469, %sub3A_527 : i32
      %rem3A_529 = arith.constant 4 : i32
      %rem3A_530 = arith.remsi %sub3A_528, %rem3A_529 : i32
      %dma_wait3A_531 = arith.constant 1 : i32
      %dma_wait3A_532 = arith.constant 0 : i32
      %dma_wait3A_533 = arith.constant 0 : i32
      %dma_wait3A_534 = tpu.memref_slice %arg6[%rem3A_481, %dma_wait3A_532, %dma_wait3A_533] : memref<2x128x128xf32, #tpu.memory_space<vmem>> -> memref<1x128x128xf32, #tpu.memory_space<vmem>>
      %dma_wait3A_535 = tpu.memref_squeeze %dma_wait3A_534 : memref<1x128x128xf32, #tpu.memory_space<vmem>> -> memref<128x128xf32, #tpu.memory_space<vmem>>
      %dma_wait3A_536 = arith.constant 0 : i32
      %dma_wait3A_537 = tpu.memref_slice %arg5[%rem3A_530, %dma_wait3A_531, %dma_wait3A_536] : memref<4x2x128xi32, #tpu.memory_space<vmem>> -> memref<1x1x128xi32, #tpu.memory_space<vmem>>
      %dma_wait3A_538 = tpu.memref_squeeze %dma_wait3A_537 : memref<1x1x128xi32, #tpu.memory_space<vmem>> -> memref<128xi32, #tpu.memory_space<vmem>>
      %dma_wait3A_539 = arith.constant 0 : i32
      %dma_wait3A_540 = arith.constant 0 : i32
      %dma_wait3A_541 = tpu.memref_slice %arg8[%dma_wait3A_539, %dma_wait3A_540] : memref<10512x128xf32, #tpu.memory_space<vmem_shared>> -> memref<10512x128xf32, #tpu.memory_space<vmem_shared>>
      %dma_wait3A_542 = tpu.memref_slice %arg10[%rem3A_481] : memref<2x!tpu.dma_semaphore, #tpu.memory_space<semaphore_mem>> -> memref<1x!tpu.dma_semaphore, #tpu.memory_space<semaphore_mem>>
      %dma_wait3A_543 = tpu.memref_squeeze %dma_wait3A_542 : memref<1x!tpu.dma_semaphore, #tpu.memory_space<semaphore_mem>> -> memref<!tpu.dma_semaphore, #tpu.memory_space<semaphore_mem>>
      tpu.wait_indirect_dma semaphore(%dma_wait3A_543 : memref<!tpu.dma_semaphore, #tpu.memory_space<semaphore_mem>>) src(%dma_wait3A_535 : memref<128x128xf32, #tpu.memory_space<vmem>>) dst(%dma_wait3A_541 : memref<10512x128xf32, #tpu.memory_space<vmem_shared>>)
      %dma_start3A_544 = arith.constant 0 : i32
      %dma_start3A_545 = arith.constant 0 : i32
      %dma_start3A_546 = arith.constant 0 : i32
      %dma_start3A_547 = tpu.memref_slice %arg6[%rem3A_481, %dma_start3A_545, %dma_start3A_546] : memref<2x128x128xf32, #tpu.memory_space<vmem>> -> memref<1x128x128xf32, #tpu.memory_space<vmem>>
      %dma_start3A_548 = tpu.memref_squeeze %dma_start3A_547 : memref<1x128x128xf32, #tpu.memory_space<vmem>> -> memref<128x128xf32, #tpu.memory_space<vmem>>
      %dma_start3A_549 = arith.constant 0 : i32
      %dma_start3A_550 = tpu.memref_slice %arg5[%rem3A_477, %dma_start3A_544, %dma_start3A_549] : memref<4x2x128xi32, #tpu.memory_space<vmem>> -> memref<1x1x128xi32, #tpu.memory_space<vmem>>
      %dma_start3A_551 = tpu.memref_squeeze %dma_start3A_550 : memref<1x1x128xi32, #tpu.memory_space<vmem>> -> memref<128xi32, #tpu.memory_space<vmem>>
      %dma_start3A_552 = arith.constant 0 : i32
      %dma_start3A_553 = arith.constant 0 : i32
      %dma_start3A_554 = tpu.memref_slice %arg2[%dma_start3A_552, %dma_start3A_553] : memref<10000x128xf32, #tpu.memory_space<hbm>> -> memref<10000x128xf32, #tpu.memory_space<hbm>>
      %dma_start3A_555 = tpu.memref_slice %arg9[%rem3A_481] : memref<2x!tpu.dma_semaphore, #tpu.memory_space<semaphore_mem>> -> memref<1x!tpu.dma_semaphore, #tpu.memory_space<semaphore_mem>>
      %dma_start3A_556 = tpu.memref_squeeze %dma_start3A_555 : memref<1x!tpu.dma_semaphore, #tpu.memory_space<semaphore_mem>> -> memref<!tpu.dma_semaphore, #tpu.memory_space<semaphore_mem>>
      tpu.enqueue_indirect_dma source(%dma_start3A_554 : memref<10000x128xf32, #tpu.memory_space<hbm>>) target(%dma_start3A_548 : memref<128x128xf32, #tpu.memory_space<vmem>>) offsets(%dma_start3A_551 : memref<128xi32, #tpu.memory_space<vmem>>) semaphore(%dma_start3A_556 : memref<!tpu.dma_semaphore, #tpu.memory_space<semaphore_mem>>)
      %add3A_557 = arith.constant 3 : i32
      %add3A_558 = arith.addi %while3A_469, %add3A_557 : i32
      %add3A_559 = arith.constant 3 : i32
      %add3A_560 = arith.addi %while3A_469, %add3A_559 : i32
      %rem3A_561 = arith.constant 4 : i32
      %rem3A_562 = arith.remsi %add3A_560, %rem3A_561 : i32
      %mul3A_563 = arith.constant 128 : i32
      %mul3A_564 = arith.muli %add3A_558, %mul3A_563 : i32
      %add3A_565 = arith.addi %mul3A_10, %mul3A_564 : i32
      %dma_start3A_566 = arith.constant 0 : i32
      %dma_start3A_567 = arith.constant 0 : i32
      %dma_start3A_568 = tpu.memref_slice %arg5[%rem3A_562, %dma_start3A_566, %dma_start3A_567] : memref<4x2x128xi32, #tpu.memory_space<vmem>> -> memref<1x2x128xi32, #tpu.memory_space<vmem>>
      %dma_start3A_569 = tpu.memref_squeeze %dma_start3A_568 : memref<1x2x128xi32, #tpu.memory_space<vmem>> -> memref<2x128xi32, #tpu.memory_space<vmem>>
      %dma_start3A_570 = arith.constant 0 : i32
      %dma_start3A_571 = tpu.memref_slice %arg3[%dma_start3A_570, %add3A_565] : memref<2x323584xi32, #tpu.memory_space<hbm>> -> memref<2x128xi32, #tpu.memory_space<hbm>>
      %dma_start3A_572 = tpu.memref_slice %arg11[%rem3A_562] : memref<4x!tpu.dma_semaphore, #tpu.memory_space<semaphore_mem>> -> memref<1x!tpu.dma_semaphore, #tpu.memory_space<semaphore_mem>>
      %dma_start3A_573 = tpu.memref_squeeze %dma_start3A_572 : memref<1x!tpu.dma_semaphore, #tpu.memory_space<semaphore_mem>> -> memref<!tpu.dma_semaphore, #tpu.memory_space<semaphore_mem>>
      %dma_start3A_574 = arith.constant 0 : i32
      %dma_start3A_575 = arith.constant 0 : i32
      %dma_start3A_576 = tpu.memref_slice %arg5[%rem3A_562, %dma_start3A_574, %dma_start3A_575] : memref<4x2x128xi32, #tpu.memory_space<vmem>> -> memref<1x2x128xi32, #tpu.memory_space<vmem>>
      %dma_start3A_577 = tpu.memref_squeeze %dma_start3A_576 : memref<1x2x128xi32, #tpu.memory_space<vmem>> -> memref<2x128xi32, #tpu.memory_space<vmem>>
      %dma_start3A_578 = arith.constant 0 : i32
      %dma_start3A_579 = tpu.memref_slice %arg3[%dma_start3A_578, %add3A_565] : memref<2x323584xi32, #tpu.memory_space<hbm>> -> memref<2x128xi32, #tpu.memory_space<hbm>>
      tpu.enqueue_dma source(%dma_start3A_579 : memref<2x128xi32, #tpu.memory_space<hbm>>) target(%dma_start3A_577 : memref<2x128xi32, #tpu.memory_space<vmem>>) target_semaphore(%dma_start3A_573 : memref<!tpu.dma_semaphore, #tpu.memory_space<semaphore_mem>>)
      %while3A_580 = arith.constant 0 : i32
      scf.yield %while3A_580 : i32
    }
    %dma_wait3A_229 = arith.constant 0 : i32
    %dma_wait3A_230 = arith.constant 0 : i32
    %dma_wait3A_231 = arith.constant 0 : i32
    %dma_wait3A_232 = arith.constant 0 : i32
    "tpu.trace_stop"() : () -> ()
    "tpu.trace_start"() <{level = 10 : i32, message = "tail_scope"}> : () -> ()
    %dma_wait3A_233 = arith.constant 0 : i32
    %dma_wait3A_234 = arith.constant 0 : i32
    %dma_wait3A_235 = tpu.memref_slice %arg6[%dma_wait3A_231, %dma_wait3A_233, %dma_wait3A_234] : memref<2x128x128xf32, #tpu.memory_space<vmem>> -> memref<1x128x128xf32, #tpu.memory_space<vmem>>
    %dma_wait3A_236 = tpu.memref_squeeze %dma_wait3A_235 : memref<1x128x128xf32, #tpu.memory_space<vmem>> -> memref<128x128xf32, #tpu.memory_space<vmem>>
    %dma_wait3A_237 = arith.constant 0 : i32
    %dma_wait3A_238 = tpu.memref_slice %arg5[%dma_wait3A_229, %dma_wait3A_230, %dma_wait3A_237] : memref<4x2x128xi32, #tpu.memory_space<vmem>> -> memref<1x1x128xi32, #tpu.memory_space<vmem>>
    %dma_wait3A_239 = tpu.memref_squeeze %dma_wait3A_238 : memref<1x1x128xi32, #tpu.memory_space<vmem>> -> memref<128xi32, #tpu.memory_space<vmem>>
    %dma_wait3A_240 = arith.constant 0 : i32
    %dma_wait3A_241 = arith.constant 0 : i32
    %dma_wait3A_242 = tpu.memref_slice %arg2[%dma_wait3A_240, %dma_wait3A_241] : memref<10000x128xf32, #tpu.memory_space<hbm>> -> memref<10000x128xf32, #tpu.memory_space<hbm>>
    %dma_wait3A_243 = tpu.memref_slice %arg9[%dma_wait3A_232] : memref<2x!tpu.dma_semaphore, #tpu.memory_space<semaphore_mem>> -> memref<1x!tpu.dma_semaphore, #tpu.memory_space<semaphore_mem>>
    %dma_wait3A_244 = tpu.memref_squeeze %dma_wait3A_243 : memref<1x!tpu.dma_semaphore, #tpu.memory_space<semaphore_mem>> -> memref<!tpu.dma_semaphore, #tpu.memory_space<semaphore_mem>>
    tpu.wait_indirect_dma semaphore(%dma_wait3A_244 : memref<!tpu.dma_semaphore, #tpu.memory_space<semaphore_mem>>) src(%dma_wait3A_242 : memref<10000x128xf32, #tpu.memory_space<hbm>>) dst(%dma_wait3A_236 : memref<128x128xf32, #tpu.memory_space<vmem>>)
    %dma_start3A_245 = arith.constant 0 : i32
    %dma_start3A_246 = arith.constant 0 : i32
    %dma_start3A_247 = arith.constant 1 : i32
    %dma_start3A_248 = arith.constant 0 : i32
    %dma_start3A_249 = arith.constant 0 : i32
    %dma_start3A_250 = arith.constant 0 : i32
    %dma_start3A_251 = tpu.memref_slice %arg6[%dma_start3A_245, %dma_start3A_249, %dma_start3A_250] : memref<2x128x128xf32, #tpu.memory_space<vmem>> -> memref<1x128x128xf32, #tpu.memory_space<vmem>>
    %dma_start3A_252 = tpu.memref_squeeze %dma_start3A_251 : memref<1x128x128xf32, #tpu.memory_space<vmem>> -> memref<128x128xf32, #tpu.memory_space<vmem>>
    %dma_start3A_253 = arith.constant 0 : i32
    %dma_start3A_254 = tpu.memref_slice %arg5[%dma_start3A_246, %dma_start3A_247, %dma_start3A_253] : memref<4x2x128xi32, #tpu.memory_space<vmem>> -> memref<1x1x128xi32, #tpu.memory_space<vmem>>
    %dma_start3A_255 = tpu.memref_squeeze %dma_start3A_254 : memref<1x1x128xi32, #tpu.memory_space<vmem>> -> memref<128xi32, #tpu.memory_space<vmem>>
    %dma_start3A_256 = arith.constant 0 : i32
    %dma_start3A_257 = arith.constant 0 : i32
    %dma_start3A_258 = tpu.memref_slice %arg8[%dma_start3A_256, %dma_start3A_257] : memref<10512x128xf32, #tpu.memory_space<vmem_shared>> -> memref<10512x128xf32, #tpu.memory_space<vmem_shared>>
    %dma_start3A_259 = tpu.memref_slice %arg10[%dma_start3A_248] : memref<2x!tpu.dma_semaphore, #tpu.memory_space<semaphore_mem>> -> memref<1x!tpu.dma_semaphore, #tpu.memory_space<semaphore_mem>>
    %dma_start3A_260 = tpu.memref_squeeze %dma_start3A_259 : memref<1x!tpu.dma_semaphore, #tpu.memory_space<semaphore_mem>> -> memref<!tpu.dma_semaphore, #tpu.memory_space<semaphore_mem>>
    tpu.enqueue_indirect_dma source(%dma_start3A_252 : memref<128x128xf32, #tpu.memory_space<vmem>>) target(%dma_start3A_258 : memref<10512x128xf32, #tpu.memory_space<vmem_shared>>) offsets(%dma_start3A_255 : memref<128xi32, #tpu.memory_space<vmem>>) semaphore(%dma_start3A_260 : memref<!tpu.dma_semaphore, #tpu.memory_space<semaphore_mem>>) {add = true}
    %sub3A_261 = arith.constant 2 : i32
    %sub3A_262 = arith.subi %select_n3A, %sub3A_261 : i32
    %mul3A_263 = arith.constant 128 : i32
    %mul3A_264 = arith.muli %sub3A_262, %mul3A_263 : i32
    %add3A_265 = arith.addi %mul3A_10, %mul3A_264 : i32
    %dma_wait3A_266 = arith.constant 1 : i32
    %dma_wait3A_267 = arith.constant 1 : i32
    %dma_wait3A_268 = arith.constant 0 : i32
    %dma_wait3A_269 = arith.constant 0 : i32
    %dma_wait3A_270 = tpu.memref_slice %arg5[%dma_wait3A_266, %dma_wait3A_268, %dma_wait3A_269] : memref<4x2x128xi32, #tpu.memory_space<vmem>> -> memref<1x2x128xi32, #tpu.memory_space<vmem>>
    %dma_wait3A_271 = tpu.memref_squeeze %dma_wait3A_270 : memref<1x2x128xi32, #tpu.memory_space<vmem>> -> memref<2x128xi32, #tpu.memory_space<vmem>>
    %dma_wait3A_272 = arith.constant 0 : i32
    %dma_wait3A_273 = tpu.memref_slice %arg3[%dma_wait3A_272, %add3A_265] : memref<2x323584xi32, #tpu.memory_space<hbm>> -> memref<2x128xi32, #tpu.memory_space<hbm>>
    %dma_wait3A_274 = tpu.memref_slice %arg11[%dma_wait3A_267] : memref<4x!tpu.dma_semaphore, #tpu.memory_space<semaphore_mem>> -> memref<1x!tpu.dma_semaphore, #tpu.memory_space<semaphore_mem>>
    %dma_wait3A_275 = tpu.memref_squeeze %dma_wait3A_274 : memref<1x!tpu.dma_semaphore, #tpu.memory_space<semaphore_mem>> -> memref<!tpu.dma_semaphore, #tpu.memory_space<semaphore_mem>>
    %dma_wait3A_276 = arith.constant 0 : i32
    %dma_wait3A_277 = arith.constant 0 : i32
    %dma_wait3A_278 = tpu.memref_slice %arg5[%dma_wait3A_266, %dma_wait3A_276, %dma_wait3A_277] : memref<4x2x128xi32, #tpu.memory_space<vmem>> -> memref<1x2x128xi32, #tpu.memory_space<vmem>>
    %dma_wait3A_279 = tpu.memref_squeeze %dma_wait3A_278 : memref<1x2x128xi32, #tpu.memory_space<vmem>> -> memref<2x128xi32, #tpu.memory_space<vmem>>
    %dma_wait3A_280 = arith.constant 0 : i32
    %dma_wait3A_281 = tpu.memref_slice %arg3[%dma_wait3A_280, %add3A_265] : memref<2x323584xi32, #tpu.memory_space<hbm>> -> memref<2x128xi32, #tpu.memory_space<hbm>>
    tpu.wait_dma2 semaphore(%dma_wait3A_275 : memref<!tpu.dma_semaphore, #tpu.memory_space<semaphore_mem>>) src(%dma_wait3A_281 : memref<2x128xi32, #tpu.memory_space<hbm>>) dst(%dma_wait3A_279 : memref<2x128xi32, #tpu.memory_space<vmem>>)
    %dma_wait3A_282 = arith.constant 1 : i32
    %dma_wait3A_283 = arith.constant 3 : i32
    %dma_wait3A_284 = arith.constant 1 : i32
    %dma_wait3A_285 = arith.constant 1 : i32
    %dma_wait3A_286 = arith.constant 0 : i32
    %dma_wait3A_287 = arith.constant 0 : i32
    %dma_wait3A_288 = tpu.memref_slice %arg6[%dma_wait3A_282, %dma_wait3A_286, %dma_wait3A_287] : memref<2x128x128xf32, #tpu.memory_space<vmem>> -> memref<1x128x128xf32, #tpu.memory_space<vmem>>
    %dma_wait3A_289 = tpu.memref_squeeze %dma_wait3A_288 : memref<1x128x128xf32, #tpu.memory_space<vmem>> -> memref<128x128xf32, #tpu.memory_space<vmem>>
    %dma_wait3A_290 = arith.constant 0 : i32
    %dma_wait3A_291 = tpu.memref_slice %arg5[%dma_wait3A_283, %dma_wait3A_284, %dma_wait3A_290] : memref<4x2x128xi32, #tpu.memory_space<vmem>> -> memref<1x1x128xi32, #tpu.memory_space<vmem>>
    %dma_wait3A_292 = tpu.memref_squeeze %dma_wait3A_291 : memref<1x1x128xi32, #tpu.memory_space<vmem>> -> memref<128xi32, #tpu.memory_space<vmem>>
    %dma_wait3A_293 = arith.constant 0 : i32
    %dma_wait3A_294 = arith.constant 0 : i32
    %dma_wait3A_295 = tpu.memref_slice %arg8[%dma_wait3A_293, %dma_wait3A_294] : memref<10512x128xf32, #tpu.memory_space<vmem_shared>> -> memref<10512x128xf32, #tpu.memory_space<vmem_shared>>
    %dma_wait3A_296 = tpu.memref_slice %arg10[%dma_wait3A_285] : memref<2x!tpu.dma_semaphore, #tpu.memory_space<semaphore_mem>> -> memref<1x!tpu.dma_semaphore, #tpu.memory_space<semaphore_mem>>
    %dma_wait3A_297 = tpu.memref_squeeze %dma_wait3A_296 : memref<1x!tpu.dma_semaphore, #tpu.memory_space<semaphore_mem>> -> memref<!tpu.dma_semaphore, #tpu.memory_space<semaphore_mem>>
    tpu.wait_indirect_dma semaphore(%dma_wait3A_297 : memref<!tpu.dma_semaphore, #tpu.memory_space<semaphore_mem>>) src(%dma_wait3A_289 : memref<128x128xf32, #tpu.memory_space<vmem>>) dst(%dma_wait3A_295 : memref<10512x128xf32, #tpu.memory_space<vmem_shared>>)
    %dma_start3A_298 = arith.constant 1 : i32
    %dma_start3A_299 = arith.constant 0 : i32
    %dma_start3A_300 = arith.constant 1 : i32
    %dma_start3A_301 = arith.constant 1 : i32
    %dma_start3A_302 = arith.constant 0 : i32
    %dma_start3A_303 = arith.constant 0 : i32
    %dma_start3A_304 = tpu.memref_slice %arg6[%dma_start3A_300, %dma_start3A_302, %dma_start3A_303] : memref<2x128x128xf32, #tpu.memory_space<vmem>> -> memref<1x128x128xf32, #tpu.memory_space<vmem>>
    %dma_start3A_305 = tpu.memref_squeeze %dma_start3A_304 : memref<1x128x128xf32, #tpu.memory_space<vmem>> -> memref<128x128xf32, #tpu.memory_space<vmem>>
    %dma_start3A_306 = arith.constant 0 : i32
    %dma_start3A_307 = tpu.memref_slice %arg5[%dma_start3A_298, %dma_start3A_299, %dma_start3A_306] : memref<4x2x128xi32, #tpu.memory_space<vmem>> -> memref<1x1x128xi32, #tpu.memory_space<vmem>>
    %dma_start3A_308 = tpu.memref_squeeze %dma_start3A_307 : memref<1x1x128xi32, #tpu.memory_space<vmem>> -> memref<128xi32, #tpu.memory_space<vmem>>
    %dma_start3A_309 = arith.constant 0 : i32
    %dma_start3A_310 = arith.constant 0 : i32
    %dma_start3A_311 = tpu.memref_slice %arg2[%dma_start3A_309, %dma_start3A_310] : memref<10000x128xf32, #tpu.memory_space<hbm>> -> memref<10000x128xf32, #tpu.memory_space<hbm>>
    %dma_start3A_312 = tpu.memref_slice %arg9[%dma_start3A_301] : memref<2x!tpu.dma_semaphore, #tpu.memory_space<semaphore_mem>> -> memref<1x!tpu.dma_semaphore, #tpu.memory_space<semaphore_mem>>
    %dma_start3A_313 = tpu.memref_squeeze %dma_start3A_312 : memref<1x!tpu.dma_semaphore, #tpu.memory_space<semaphore_mem>> -> memref<!tpu.dma_semaphore, #tpu.memory_space<semaphore_mem>>
    tpu.enqueue_indirect_dma source(%dma_start3A_311 : memref<10000x128xf32, #tpu.memory_space<hbm>>) target(%dma_start3A_305 : memref<128x128xf32, #tpu.memory_space<vmem>>) offsets(%dma_start3A_308 : memref<128xi32, #tpu.memory_space<vmem>>) semaphore(%dma_start3A_313 : memref<!tpu.dma_semaphore, #tpu.memory_space<semaphore_mem>>)
    %dma_wait3A_314 = arith.constant 1 : i32
    %dma_wait3A_315 = arith.constant 0 : i32
    %dma_wait3A_316 = arith.constant 1 : i32
    %dma_wait3A_317 = arith.constant 1 : i32
    %dma_wait3A_318 = arith.constant 0 : i32
    %dma_wait3A_319 = arith.constant 0 : i32
    %dma_wait3A_320 = tpu.memref_slice %arg6[%dma_wait3A_316, %dma_wait3A_318, %dma_wait3A_319] : memref<2x128x128xf32, #tpu.memory_space<vmem>> -> memref<1x128x128xf32, #tpu.memory_space<vmem>>
    %dma_wait3A_321 = tpu.memref_squeeze %dma_wait3A_320 : memref<1x128x128xf32, #tpu.memory_space<vmem>> -> memref<128x128xf32, #tpu.memory_space<vmem>>
    %dma_wait3A_322 = arith.constant 0 : i32
    %dma_wait3A_323 = tpu.memref_slice %arg5[%dma_wait3A_314, %dma_wait3A_315, %dma_wait3A_322] : memref<4x2x128xi32, #tpu.memory_space<vmem>> -> memref<1x1x128xi32, #tpu.memory_space<vmem>>
    %dma_wait3A_324 = tpu.memref_squeeze %dma_wait3A_323 : memref<1x1x128xi32, #tpu.memory_space<vmem>> -> memref<128xi32, #tpu.memory_space<vmem>>
    %dma_wait3A_325 = arith.constant 0 : i32
    %dma_wait3A_326 = arith.constant 0 : i32
    %dma_wait3A_327 = tpu.memref_slice %arg2[%dma_wait3A_325, %dma_wait3A_326] : memref<10000x128xf32, #tpu.memory_space<hbm>> -> memref<10000x128xf32, #tpu.memory_space<hbm>>
    %dma_wait3A_328 = tpu.memref_slice %arg9[%dma_wait3A_317] : memref<2x!tpu.dma_semaphore, #tpu.memory_space<semaphore_mem>> -> memref<1x!tpu.dma_semaphore, #tpu.memory_space<semaphore_mem>>
    %dma_wait3A_329 = tpu.memref_squeeze %dma_wait3A_328 : memref<1x!tpu.dma_semaphore, #tpu.memory_space<semaphore_mem>> -> memref<!tpu.dma_semaphore, #tpu.memory_space<semaphore_mem>>
    tpu.wait_indirect_dma semaphore(%dma_wait3A_329 : memref<!tpu.dma_semaphore, #tpu.memory_space<semaphore_mem>>) src(%dma_wait3A_327 : memref<10000x128xf32, #tpu.memory_space<hbm>>) dst(%dma_wait3A_321 : memref<128x128xf32, #tpu.memory_space<vmem>>)
    %dma_start3A_330 = arith.constant 1 : i32
    %dma_start3A_331 = arith.constant 1 : i32
    %dma_start3A_332 = arith.constant 1 : i32
    %dma_start3A_333 = arith.constant 1 : i32
    %dma_start3A_334 = arith.constant 0 : i32
    %dma_start3A_335 = arith.constant 0 : i32
    %dma_start3A_336 = tpu.memref_slice %arg6[%dma_start3A_330, %dma_start3A_334, %dma_start3A_335] : memref<2x128x128xf32, #tpu.memory_space<vmem>> -> memref<1x128x128xf32, #tpu.memory_space<vmem>>
    %dma_start3A_337 = tpu.memref_squeeze %dma_start3A_336 : memref<1x128x128xf32, #tpu.memory_space<vmem>> -> memref<128x128xf32, #tpu.memory_space<vmem>>
    %dma_start3A_338 = arith.constant 0 : i32
    %dma_start3A_339 = tpu.memref_slice %arg5[%dma_start3A_331, %dma_start3A_332, %dma_start3A_338] : memref<4x2x128xi32, #tpu.memory_space<vmem>> -> memref<1x1x128xi32, #tpu.memory_space<vmem>>
    %dma_start3A_340 = tpu.memref_squeeze %dma_start3A_339 : memref<1x1x128xi32, #tpu.memory_space<vmem>> -> memref<128xi32, #tpu.memory_space<vmem>>
    %dma_start3A_341 = arith.constant 0 : i32
    %dma_start3A_342 = arith.constant 0 : i32
    %dma_start3A_343 = tpu.memref_slice %arg8[%dma_start3A_341, %dma_start3A_342] : memref<10512x128xf32, #tpu.memory_space<vmem_shared>> -> memref<10512x128xf32, #tpu.memory_space<vmem_shared>>
    %dma_start3A_344 = tpu.memref_slice %arg10[%dma_start3A_333] : memref<2x!tpu.dma_semaphore, #tpu.memory_space<semaphore_mem>> -> memref<1x!tpu.dma_semaphore, #tpu.memory_space<semaphore_mem>>
    %dma_start3A_345 = tpu.memref_squeeze %dma_start3A_344 : memref<1x!tpu.dma_semaphore, #tpu.memory_space<semaphore_mem>> -> memref<!tpu.dma_semaphore, #tpu.memory_space<semaphore_mem>>
    tpu.enqueue_indirect_dma source(%dma_start3A_337 : memref<128x128xf32, #tpu.memory_space<vmem>>) target(%dma_start3A_343 : memref<10512x128xf32, #tpu.memory_space<vmem_shared>>) offsets(%dma_start3A_340 : memref<128xi32, #tpu.memory_space<vmem>>) semaphore(%dma_start3A_345 : memref<!tpu.dma_semaphore, #tpu.memory_space<semaphore_mem>>) {add = true}
    %sub3A_346 = arith.constant 1 : i32
    %sub3A_347 = arith.subi %select_n3A, %sub3A_346 : i32
    %mul3A_348 = arith.constant 128 : i32
    %mul3A_349 = arith.muli %sub3A_347, %mul3A_348 : i32
    %add3A_350 = arith.addi %mul3A_10, %mul3A_349 : i32
    %dma_wait3A_351 = arith.constant 2 : i32
    %dma_wait3A_352 = arith.constant 2 : i32
    %dma_wait3A_353 = arith.constant 0 : i32
    %dma_wait3A_354 = arith.constant 0 : i32
    %dma_wait3A_355 = tpu.memref_slice %arg5[%dma_wait3A_351, %dma_wait3A_353, %dma_wait3A_354] : memref<4x2x128xi32, #tpu.memory_space<vmem>> -> memref<1x2x128xi32, #tpu.memory_space<vmem>>
    %dma_wait3A_356 = tpu.memref_squeeze %dma_wait3A_355 : memref<1x2x128xi32, #tpu.memory_space<vmem>> -> memref<2x128xi32, #tpu.memory_space<vmem>>
    %dma_wait3A_357 = arith.constant 0 : i32
    %dma_wait3A_358 = tpu.memref_slice %arg3[%dma_wait3A_357, %add3A_350] : memref<2x323584xi32, #tpu.memory_space<hbm>> -> memref<2x128xi32, #tpu.memory_space<hbm>>
    %dma_wait3A_359 = tpu.memref_slice %arg11[%dma_wait3A_352] : memref<4x!tpu.dma_semaphore, #tpu.memory_space<semaphore_mem>> -> memref<1x!tpu.dma_semaphore, #tpu.memory_space<semaphore_mem>>
    %dma_wait3A_360 = tpu.memref_squeeze %dma_wait3A_359 : memref<1x!tpu.dma_semaphore, #tpu.memory_space<semaphore_mem>> -> memref<!tpu.dma_semaphore, #tpu.memory_space<semaphore_mem>>
    %dma_wait3A_361 = arith.constant 0 : i32
    %dma_wait3A_362 = arith.constant 0 : i32
    %dma_wait3A_363 = tpu.memref_slice %arg5[%dma_wait3A_351, %dma_wait3A_361, %dma_wait3A_362] : memref<4x2x128xi32, #tpu.memory_space<vmem>> -> memref<1x2x128xi32, #tpu.memory_space<vmem>>
    %dma_wait3A_364 = tpu.memref_squeeze %dma_wait3A_363 : memref<1x2x128xi32, #tpu.memory_space<vmem>> -> memref<2x128xi32, #tpu.memory_space<vmem>>
    %dma_wait3A_365 = arith.constant 0 : i32
    %dma_wait3A_366 = tpu.memref_slice %arg3[%dma_wait3A_365, %add3A_350] : memref<2x323584xi32, #tpu.memory_space<hbm>> -> memref<2x128xi32, #tpu.memory_space<hbm>>
    tpu.wait_dma2 semaphore(%dma_wait3A_360 : memref<!tpu.dma_semaphore, #tpu.memory_space<semaphore_mem>>) src(%dma_wait3A_366 : memref<2x128xi32, #tpu.memory_space<hbm>>) dst(%dma_wait3A_364 : memref<2x128xi32, #tpu.memory_space<vmem>>)
    %dma_wait3A_367 = arith.constant 0 : i32
    %dma_wait3A_368 = arith.constant 0 : i32
    %dma_wait3A_369 = arith.constant 1 : i32
    %dma_wait3A_370 = arith.constant 0 : i32
    %dma_wait3A_371 = arith.constant 0 : i32
    %dma_wait3A_372 = arith.constant 0 : i32
    %dma_wait3A_373 = tpu.memref_slice %arg6[%dma_wait3A_367, %dma_wait3A_371, %dma_wait3A_372] : memref<2x128x128xf32, #tpu.memory_space<vmem>> -> memref<1x128x128xf32, #tpu.memory_space<vmem>>
    %dma_wait3A_374 = tpu.memref_squeeze %dma_wait3A_373 : memref<1x128x128xf32, #tpu.memory_space<vmem>> -> memref<128x128xf32, #tpu.memory_space<vmem>>
    %dma_wait3A_375 = arith.constant 0 : i32
    %dma_wait3A_376 = tpu.memref_slice %arg5[%dma_wait3A_368, %dma_wait3A_369, %dma_wait3A_375] : memref<4x2x128xi32, #tpu.memory_space<vmem>> -> memref<1x1x128xi32, #tpu.memory_space<vmem>>
    %dma_wait3A_377 = tpu.memref_squeeze %dma_wait3A_376 : memref<1x1x128xi32, #tpu.memory_space<vmem>> -> memref<128xi32, #tpu.memory_space<vmem>>
    %dma_wait3A_378 = arith.constant 0 : i32
    %dma_wait3A_379 = arith.constant 0 : i32
    %dma_wait3A_380 = tpu.memref_slice %arg8[%dma_wait3A_378, %dma_wait3A_379] : memref<10512x128xf32, #tpu.memory_space<vmem_shared>> -> memref<10512x128xf32, #tpu.memory_space<vmem_shared>>
    %dma_wait3A_381 = tpu.memref_slice %arg10[%dma_wait3A_370] : memref<2x!tpu.dma_semaphore, #tpu.memory_space<semaphore_mem>> -> memref<1x!tpu.dma_semaphore, #tpu.memory_space<semaphore_mem>>
    %dma_wait3A_382 = tpu.memref_squeeze %dma_wait3A_381 : memref<1x!tpu.dma_semaphore, #tpu.memory_space<semaphore_mem>> -> memref<!tpu.dma_semaphore, #tpu.memory_space<semaphore_mem>>
    tpu.wait_indirect_dma semaphore(%dma_wait3A_382 : memref<!tpu.dma_semaphore, #tpu.memory_space<semaphore_mem>>) src(%dma_wait3A_374 : memref<128x128xf32, #tpu.memory_space<vmem>>) dst(%dma_wait3A_380 : memref<10512x128xf32, #tpu.memory_space<vmem_shared>>)
    %dma_start3A_383 = arith.constant 2 : i32
    %dma_start3A_384 = arith.constant 0 : i32
    %dma_start3A_385 = arith.constant 0 : i32
    %dma_start3A_386 = arith.constant 0 : i32
    %dma_start3A_387 = arith.constant 0 : i32
    %dma_start3A_388 = arith.constant 0 : i32
    %dma_start3A_389 = tpu.memref_slice %arg6[%dma_start3A_385, %dma_start3A_387, %dma_start3A_388] : memref<2x128x128xf32, #tpu.memory_space<vmem>> -> memref<1x128x128xf32, #tpu.memory_space<vmem>>
    %dma_start3A_390 = tpu.memref_squeeze %dma_start3A_389 : memref<1x128x128xf32, #tpu.memory_space<vmem>> -> memref<128x128xf32, #tpu.memory_space<vmem>>
    %dma_start3A_391 = arith.constant 0 : i32
    %dma_start3A_392 = tpu.memref_slice %arg5[%dma_start3A_383, %dma_start3A_384, %dma_start3A_391] : memref<4x2x128xi32, #tpu.memory_space<vmem>> -> memref<1x1x128xi32, #tpu.memory_space<vmem>>
    %dma_start3A_393 = tpu.memref_squeeze %dma_start3A_392 : memref<1x1x128xi32, #tpu.memory_space<vmem>> -> memref<128xi32, #tpu.memory_space<vmem>>
    %dma_start3A_394 = arith.constant 0 : i32
    %dma_start3A_395 = arith.constant 0 : i32
    %dma_start3A_396 = tpu.memref_slice %arg2[%dma_start3A_394, %dma_start3A_395] : memref<10000x128xf32, #tpu.memory_space<hbm>> -> memref<10000x128xf32, #tpu.memory_space<hbm>>
    %dma_start3A_397 = tpu.memref_slice %arg9[%dma_start3A_386] : memref<2x!tpu.dma_semaphore, #tpu.memory_space<semaphore_mem>> -> memref<1x!tpu.dma_semaphore, #tpu.memory_space<semaphore_mem>>
    %dma_start3A_398 = tpu.memref_squeeze %dma_start3A_397 : memref<1x!tpu.dma_semaphore, #tpu.memory_space<semaphore_mem>> -> memref<!tpu.dma_semaphore, #tpu.memory_space<semaphore_mem>>
    tpu.enqueue_indirect_dma source(%dma_start3A_396 : memref<10000x128xf32, #tpu.memory_space<hbm>>) target(%dma_start3A_390 : memref<128x128xf32, #tpu.memory_space<vmem>>) offsets(%dma_start3A_393 : memref<128xi32, #tpu.memory_space<vmem>>) semaphore(%dma_start3A_398 : memref<!tpu.dma_semaphore, #tpu.memory_space<semaphore_mem>>)
    %dma_wait3A_399 = arith.constant 2 : i32
    %dma_wait3A_400 = arith.constant 0 : i32
    %dma_wait3A_401 = arith.constant 0 : i32
    %dma_wait3A_402 = arith.constant 0 : i32
    %dma_wait3A_403 = arith.constant 0 : i32
    %dma_wait3A_404 = arith.constant 0 : i32
    %dma_wait3A_405 = tpu.memref_slice %arg6[%dma_wait3A_401, %dma_wait3A_403, %dma_wait3A_404] : memref<2x128x128xf32, #tpu.memory_space<vmem>> -> memref<1x128x128xf32, #tpu.memory_space<vmem>>
    %dma_wait3A_406 = tpu.memref_squeeze %dma_wait3A_405 : memref<1x128x128xf32, #tpu.memory_space<vmem>> -> memref<128x128xf32, #tpu.memory_space<vmem>>
    %dma_wait3A_407 = arith.constant 0 : i32
    %dma_wait3A_408 = tpu.memref_slice %arg5[%dma_wait3A_399, %dma_wait3A_400, %dma_wait3A_407] : memref<4x2x128xi32, #tpu.memory_space<vmem>> -> memref<1x1x128xi32, #tpu.memory_space<vmem>>
    %dma_wait3A_409 = tpu.memref_squeeze %dma_wait3A_408 : memref<1x1x128xi32, #tpu.memory_space<vmem>> -> memref<128xi32, #tpu.memory_space<vmem>>
    %dma_wait3A_410 = arith.constant 0 : i32
    %dma_wait3A_411 = arith.constant 0 : i32
    %dma_wait3A_412 = tpu.memref_slice %arg2[%dma_wait3A_410, %dma_wait3A_411] : memref<10000x128xf32, #tpu.memory_space<hbm>> -> memref<10000x128xf32, #tpu.memory_space<hbm>>
    %dma_wait3A_413 = tpu.memref_slice %arg9[%dma_wait3A_402] : memref<2x!tpu.dma_semaphore, #tpu.memory_space<semaphore_mem>> -> memref<1x!tpu.dma_semaphore, #tpu.memory_space<semaphore_mem>>
    %dma_wait3A_414 = tpu.memref_squeeze %dma_wait3A_413 : memref<1x!tpu.dma_semaphore, #tpu.memory_space<semaphore_mem>> -> memref<!tpu.dma_semaphore, #tpu.memory_space<semaphore_mem>>
    tpu.wait_indirect_dma semaphore(%dma_wait3A_414 : memref<!tpu.dma_semaphore, #tpu.memory_space<semaphore_mem>>) src(%dma_wait3A_412 : memref<10000x128xf32, #tpu.memory_space<hbm>>) dst(%dma_wait3A_406 : memref<128x128xf32, #tpu.memory_space<vmem>>)
    %dma_start3A_415 = arith.constant 0 : i32
    %dma_start3A_416 = arith.constant 2 : i32
    %dma_start3A_417 = arith.constant 1 : i32
    %dma_start3A_418 = arith.constant 0 : i32
    %dma_start3A_419 = arith.constant 0 : i32
    %dma_start3A_420 = arith.constant 0 : i32
    %dma_start3A_421 = tpu.memref_slice %arg6[%dma_start3A_415, %dma_start3A_419, %dma_start3A_420] : memref<2x128x128xf32, #tpu.memory_space<vmem>> -> memref<1x128x128xf32, #tpu.memory_space<vmem>>
    %dma_start3A_422 = tpu.memref_squeeze %dma_start3A_421 : memref<1x128x128xf32, #tpu.memory_space<vmem>> -> memref<128x128xf32, #tpu.memory_space<vmem>>
    %dma_start3A_423 = arith.constant 0 : i32
    %dma_start3A_424 = tpu.memref_slice %arg5[%dma_start3A_416, %dma_start3A_417, %dma_start3A_423] : memref<4x2x128xi32, #tpu.memory_space<vmem>> -> memref<1x1x128xi32, #tpu.memory_space<vmem>>
    %dma_start3A_425 = tpu.memref_squeeze %dma_start3A_424 : memref<1x1x128xi32, #tpu.memory_space<vmem>> -> memref<128xi32, #tpu.memory_space<vmem>>
    %dma_start3A_426 = arith.constant 0 : i32
    %dma_start3A_427 = arith.constant 0 : i32
    %dma_start3A_428 = tpu.memref_slice %arg8[%dma_start3A_426, %dma_start3A_427] : memref<10512x128xf32, #tpu.memory_space<vmem_shared>> -> memref<10512x128xf32, #tpu.memory_space<vmem_shared>>
    %dma_start3A_429 = tpu.memref_slice %arg10[%dma_start3A_418] : memref<2x!tpu.dma_semaphore, #tpu.memory_space<semaphore_mem>> -> memref<1x!tpu.dma_semaphore, #tpu.memory_space<semaphore_mem>>
    %dma_start3A_430 = tpu.memref_squeeze %dma_start3A_429 : memref<1x!tpu.dma_semaphore, #tpu.memory_space<semaphore_mem>> -> memref<!tpu.dma_semaphore, #tpu.memory_space<semaphore_mem>>
    tpu.enqueue_indirect_dma source(%dma_start3A_422 : memref<128x128xf32, #tpu.memory_space<vmem>>) target(%dma_start3A_428 : memref<10512x128xf32, #tpu.memory_space<vmem_shared>>) offsets(%dma_start3A_425 : memref<128xi32, #tpu.memory_space<vmem>>) semaphore(%dma_start3A_430 : memref<!tpu.dma_semaphore, #tpu.memory_space<semaphore_mem>>) {add = true}
    %dma_wait3A_431 = arith.constant 1 : i32
    %dma_wait3A_432 = arith.constant 1 : i32
    %dma_wait3A_433 = arith.constant 1 : i32
    %dma_wait3A_434 = arith.constant 1 : i32
    %dma_wait3A_435 = arith.constant 0 : i32
    %dma_wait3A_436 = arith.constant 0 : i32
    %dma_wait3A_437 = tpu.memref_slice %arg6[%dma_wait3A_431, %dma_wait3A_435, %dma_wait3A_436] : memref<2x128x128xf32, #tpu.memory_space<vmem>> -> memref<1x128x128xf32, #tpu.memory_space<vmem>>
    %dma_wait3A_438 = tpu.memref_squeeze %dma_wait3A_437 : memref<1x128x128xf32, #tpu.memory_space<vmem>> -> memref<128x128xf32, #tpu.memory_space<vmem>>
    %dma_wait3A_439 = arith.constant 0 : i32
    %dma_wait3A_440 = tpu.memref_slice %arg5[%dma_wait3A_432, %dma_wait3A_433, %dma_wait3A_439] : memref<4x2x128xi32, #tpu.memory_space<vmem>> -> memref<1x1x128xi32, #tpu.memory_space<vmem>>
    %dma_wait3A_441 = tpu.memref_squeeze %dma_wait3A_440 : memref<1x1x128xi32, #tpu.memory_space<vmem>> -> memref<128xi32, #tpu.memory_space<vmem>>
    %dma_wait3A_442 = arith.constant 0 : i32
    %dma_wait3A_443 = arith.constant 0 : i32
    %dma_wait3A_444 = tpu.memref_slice %arg8[%dma_wait3A_442, %dma_wait3A_443] : memref<10512x128xf32, #tpu.memory_space<vmem_shared>> -> memref<10512x128xf32, #tpu.memory_space<vmem_shared>>
    %dma_wait3A_445 = tpu.memref_slice %arg10[%dma_wait3A_434] : memref<2x!tpu.dma_semaphore, #tpu.memory_space<semaphore_mem>> -> memref<1x!tpu.dma_semaphore, #tpu.memory_space<semaphore_mem>>
    %dma_wait3A_446 = tpu.memref_squeeze %dma_wait3A_445 : memref<1x!tpu.dma_semaphore, #tpu.memory_space<semaphore_mem>> -> memref<!tpu.dma_semaphore, #tpu.memory_space<semaphore_mem>>
    tpu.wait_indirect_dma semaphore(%dma_wait3A_446 : memref<!tpu.dma_semaphore, #tpu.memory_space<semaphore_mem>>) src(%dma_wait3A_438 : memref<128x128xf32, #tpu.memory_space<vmem>>) dst(%dma_wait3A_444 : memref<10512x128xf32, #tpu.memory_space<vmem_shared>>)
    %dma_wait3A_447 = arith.constant 0 : i32
    %dma_wait3A_448 = arith.constant 2 : i32
    %dma_wait3A_449 = arith.constant 1 : i32
    %dma_wait3A_450 = arith.constant 0 : i32
    %dma_wait3A_451 = arith.constant 0 : i32
    %dma_wait3A_452 = arith.constant 0 : i32
    %dma_wait3A_453 = tpu.memref_slice %arg6[%dma_wait3A_447, %dma_wait3A_451, %dma_wait3A_452] : memref<2x128x128xf32, #tpu.memory_space<vmem>> -> memref<1x128x128xf32, #tpu.memory_space<vmem>>
    %dma_wait3A_454 = tpu.memref_squeeze %dma_wait3A_453 : memref<1x128x128xf32, #tpu.memory_space<vmem>> -> memref<128x128xf32, #tpu.memory_space<vmem>>
    %dma_wait3A_455 = arith.constant 0 : i32
    %dma_wait3A_456 = tpu.memref_slice %arg5[%dma_wait3A_448, %dma_wait3A_449, %dma_wait3A_455] : memref<4x2x128xi32, #tpu.memory_space<vmem>> -> memref<1x1x128xi32, #tpu.memory_space<vmem>>
    %dma_wait3A_457 = tpu.memref_squeeze %dma_wait3A_456 : memref<1x1x128xi32, #tpu.memory_space<vmem>> -> memref<128xi32, #tpu.memory_space<vmem>>
    %dma_wait3A_458 = arith.constant 0 : i32
    %dma_wait3A_459 = arith.constant 0 : i32
    %dma_wait3A_460 = tpu.memref_slice %arg8[%dma_wait3A_458, %dma_wait3A_459] : memref<10512x128xf32, #tpu.memory_space<vmem_shared>> -> memref<10512x128xf32, #tpu.memory_space<vmem_shared>>
    %dma_wait3A_461 = tpu.memref_slice %arg10[%dma_wait3A_450] : memref<2x!tpu.dma_semaphore, #tpu.memory_space<semaphore_mem>> -> memref<1x!tpu.dma_semaphore, #tpu.memory_space<semaphore_mem>>
    %dma_wait3A_462 = tpu.memref_squeeze %dma_wait3A_461 : memref<1x!tpu.dma_semaphore, #tpu.memory_space<semaphore_mem>> -> memref<!tpu.dma_semaphore, #tpu.memory_space<semaphore_mem>>
    tpu.wait_indirect_dma semaphore(%dma_wait3A_462 : memref<!tpu.dma_semaphore, #tpu.memory_space<semaphore_mem>>) src(%dma_wait3A_454 : memref<128x128xf32, #tpu.memory_space<vmem>>) dst(%dma_wait3A_460 : memref<10512x128xf32, #tpu.memory_space<vmem_shared>>)
    "tpu.trace_stop"() : () -> ()
    "tpu.trace_start"() <{level = 10 : i32, message = "end_barrier"}> : () -> ()
    %barrier3A_463 = arith.constant 0 : index
    tpu.barrier barrier_id(%barrier3A_463)
    "tpu.trace_stop"() : () -> ()
    "tpu.trace_start"() <{level = 10 : i32, message = "publish"}> : () -> ()
    "tpu.region"() ({
      %run_scoped3A = tpu.sem_alloc : memref<!tpu.dma_semaphore, #tpu.memory_space<semaphore_mem>>
      %dma_start3A_469 = arith.constant 0 : i32
      %dma_start3A_470 = tpu.memref_slice %arg4[%arg0, %mul3A_139, %dma_start3A_469] : memref<2x10000x128xf32, #tpu.memory_space<hbm>> -> memref<1x624x128xf32, #tpu.memory_space<hbm>>
      %dma_start3A_471 = tpu.memref_squeeze %dma_start3A_470 : memref<1x624x128xf32, #tpu.memory_space<hbm>> -> memref<624x128xf32, #tpu.memory_space<hbm>>
      %dma_start3A_472 = arith.constant 0 : i32
      %dma_start3A_473 = tpu.memref_slice %arg8[%mul3A_139, %dma_start3A_472] : memref<10512x128xf32, #tpu.memory_space<vmem_shared>> -> memref<624x128xf32, #tpu.memory_space<vmem_shared>>
      tpu.enqueue_dma source(%dma_start3A_473 : memref<624x128xf32, #tpu.memory_space<vmem_shared>>) target(%dma_start3A_471 : memref<624x128xf32, #tpu.memory_space<hbm>>) target_semaphore(%run_scoped3A : memref<!tpu.dma_semaphore, #tpu.memory_space<semaphore_mem>>)
      %dma_wait3A_474 = arith.constant 0 : i32
      %dma_wait3A_475 = tpu.memref_slice %arg4[%arg0, %mul3A_139, %dma_wait3A_474] : memref<2x10000x128xf32, #tpu.memory_space<hbm>> -> memref<1x624x128xf32, #tpu.memory_space<hbm>>
      %dma_wait3A_476 = tpu.memref_squeeze %dma_wait3A_475 : memref<1x624x128xf32, #tpu.memory_space<hbm>> -> memref<624x128xf32, #tpu.memory_space<hbm>>
      %dma_wait3A_477 = arith.constant 0 : i32
      %dma_wait3A_478 = tpu.memref_slice %arg8[%mul3A_139, %dma_wait3A_477] : memref<10512x128xf32, #tpu.memory_space<vmem_shared>> -> memref<624x128xf32, #tpu.memory_space<vmem_shared>>
      tpu.wait_dma2 semaphore(%run_scoped3A : memref<!tpu.dma_semaphore, #tpu.memory_space<semaphore_mem>>) src(%dma_wait3A_478 : memref<624x128xf32, #tpu.memory_space<vmem_shared>>) dst(%dma_wait3A_476 : memref<624x128xf32, #tpu.memory_space<hbm>>)
      tpu.yield
    }) : () -> ()
    %eq3A_464 = arith.constant 15 : i32
    %eq3A_465 = arith.cmpi eq, %arg1, %eq3A_464 : i32
    %convert_element_type3A_466 = arith.extui %eq3A_465 : i1 to i32
    %cond3A_467 = arith.constant 0 : i32
    %cond3A_468 = arith.cmpi ne, %convert_element_type3A_466, %cond3A_467 : i32
    scf.if %cond3A_468 {
      "tpu.region"() ({
        %run_scoped3A = tpu.sem_alloc : memref<!tpu.dma_semaphore, #tpu.memory_space<semaphore_mem>>
        %dma_start3A_469 = arith.constant 9984 : i32
        %dma_start3A_470 = arith.constant 0 : i32
        %dma_start3A_471 = tpu.memref_slice %arg4[%arg0, %dma_start3A_469, %dma_start3A_470] : memref<2x10000x128xf32, #tpu.memory_space<hbm>> -> memref<1x16x128xf32, #tpu.memory_space<hbm>>
        %dma_start3A_472 = tpu.memref_squeeze %dma_start3A_471 : memref<1x16x128xf32, #tpu.memory_space<hbm>> -> memref<16x128xf32, #tpu.memory_space<hbm>>
        %dma_start3A_473 = arith.constant 9984 : i32
        %dma_start3A_474 = arith.constant 0 : i32
        %dma_start3A_475 = tpu.memref_slice %arg8[%dma_start3A_473, %dma_start3A_474] : memref<10512x128xf32, #tpu.memory_space<vmem_shared>> -> memref<16x128xf32, #tpu.memory_space<vmem_shared>>
        tpu.enqueue_dma source(%dma_start3A_475 : memref<16x128xf32, #tpu.memory_space<vmem_shared>>) target(%dma_start3A_472 : memref<16x128xf32, #tpu.memory_space<hbm>>) target_semaphore(%run_scoped3A : memref<!tpu.dma_semaphore, #tpu.memory_space<semaphore_mem>>)
        %dma_wait3A_476 = arith.constant 9984 : i32
        %dma_wait3A_477 = arith.constant 0 : i32
        %dma_wait3A_478 = tpu.memref_slice %arg4[%arg0, %dma_wait3A_476, %dma_wait3A_477] : memref<2x10000x128xf32, #tpu.memory_space<hbm>> -> memref<1x16x128xf32, #tpu.memory_space<hbm>>
        %dma_wait3A_479 = tpu.memref_squeeze %dma_wait3A_478 : memref<1x16x128xf32, #tpu.memory_space<hbm>> -> memref<16x128xf32, #tpu.memory_space<hbm>>
        %dma_wait3A_480 = arith.constant 9984 : i32
        %dma_wait3A_481 = arith.constant 0 : i32
        %dma_wait3A_482 = tpu.memref_slice %arg8[%dma_wait3A_480, %dma_wait3A_481] : memref<10512x128xf32, #tpu.memory_space<vmem_shared>> -> memref<16x128xf32, #tpu.memory_space<vmem_shared>>
        tpu.wait_dma2 semaphore(%run_scoped3A : memref<!tpu.dma_semaphore, #tpu.memory_space<semaphore_mem>>) src(%dma_wait3A_482 : memref<16x128xf32, #tpu.memory_space<vmem_shared>>) dst(%dma_wait3A_479 : memref<16x128xf32, #tpu.memory_space<hbm>>)
        tpu.yield
      }) : () -> ()
    } else {
    }
    "tpu.trace_stop"() : () -> ()
    return
  }
}

#map = affine_map<(d0, d1) -> (0, 0)>
#map1 = affine_map<(d0, d1) -> (0, 0, 0)>
module attributes {stable_mosaic.version = 14 : i64} {
  func.func @seg_sum(%arg0: i32, %arg1: i32, %arg2: memref<10000x128xf32, #tpu.memory_space<hbm>>, %arg3: memref<2x323584xi32, #tpu.memory_space<hbm>>, %arg4: memref<2x10000x128xf32, #tpu.memory_space<hbm>>, %arg5: memref<4x2x128xi32, #tpu.memory_space<vmem>>, %arg6: memref<2x128x128xf32, #tpu.memory_space<vmem>>, %arg7: memref<52x128xf32, #tpu.memory_space<vmem>>, %arg8: memref<10512x128xf32, #tpu.memory_space<vmem_shared>>, %arg9: memref<2x!tpu.dma_semaphore, #tpu.memory_space<semaphore_mem>>, %arg10: memref<2x!tpu.dma_semaphore, #tpu.memory_space<semaphore_mem>>, %arg11: memref<4x!tpu.dma_semaphore, #tpu.memory_space<semaphore_mem>>) attributes {dimension_semantics = [#tpu.dimension_semantics<core_parallel>, #tpu.dimension_semantics<subcore_parallel>], iteration_bounds = array<i64: 2, 16>, scalar_prefetch = 0 : i64, scratch_operands = 7 : i64, tpu.core_type = #tpu.core_type<sc_vector_subcore>, window_params = [{transform_indices = #map}, {transform_indices = #map}, {transform_indices = #map1}]} {
    %eq3A = arith.constant 0 : i32
    %eq3A_0 = arith.cmpi eq, %arg0, %eq3A : i32
    %jit3A = arith.constant 79 : i32
    %jit3A_1 = arith.constant 79 : i32
    %select_n3A = arith.select %eq3A_0, %jit3A, %jit3A_1 : i32
    %eq3A_2 = arith.constant 0 : i32
    %eq3A_3 = arith.cmpi eq, %arg0, %eq3A_2 : i32
    %mul3A = arith.constant 79 : i32
    %mul3A_4 = arith.muli %arg1, %mul3A : i32
    %mul3A_5 = arith.constant 79 : i32
    %mul3A_6 = arith.muli %arg1, %mul3A_5 : i32
    %add3A = arith.constant 1264 : i32
    %add3A_7 = arith.addi %add3A, %mul3A_6 : i32
    %select_n3A_8 = arith.select %eq3A_3, %mul3A_4, %add3A_7 : i32
    %mul3A_9 = arith.constant 128 : i32
    %mul3A_10 = arith.muli %select_n3A_8, %mul3A_9 : i32
    "tpu.trace_start"() <{level = 10 : i32, message = "prologue"}> : () -> ()
    %add3A_11 = arith.constant 0 : i32
    %add3A_12 = arith.addi %mul3A_10, %add3A_11 : i32
    %dma_start3A = arith.constant 0 : i32
    %dma_start3A_13 = arith.constant 0 : i32
    %dma_start3A_14 = arith.constant 0 : i32
    %dma_start3A_15 = arith.constant 0 : i32
    %dma_start3A_16 = tpu.memref_slice %arg5[%dma_start3A, %dma_start3A_14, %dma_start3A_15] : memref<4x2x128xi32, #tpu.memory_space<vmem>> -> memref<1x2x128xi32, #tpu.memory_space<vmem>>
    %dma_start3A_17 = tpu.memref_squeeze %dma_start3A_16 : memref<1x2x128xi32, #tpu.memory_space<vmem>> -> memref<2x128xi32, #tpu.memory_space<vmem>>
    %dma_start3A_18 = arith.constant 0 : i32
    %dma_start3A_19 = tpu.memref_slice %arg3[%dma_start3A_18, %add3A_12] : memref<2x323584xi32, #tpu.memory_space<hbm>> -> memref<2x128xi32, #tpu.memory_space<hbm>>
    %dma_start3A_20 = tpu.memref_slice %arg11[%dma_start3A_13] : memref<4x!tpu.dma_semaphore, #tpu.memory_space<semaphore_mem>> -> memref<1x!tpu.dma_semaphore, #tpu.memory_space<semaphore_mem>>
    %dma_start3A_21 = tpu.memref_squeeze %dma_start3A_20 : memref<1x!tpu.dma_semaphore, #tpu.memory_space<semaphore_mem>> -> memref<!tpu.dma_semaphore, #tpu.memory_space<semaphore_mem>>
    %dma_start3A_22 = arith.constant 0 : i32
    %dma_start3A_23 = arith.constant 0 : i32
    %dma_start3A_24 = tpu.memref_slice %arg5[%dma_start3A, %dma_start3A_22, %dma_start3A_23] : memref<4x2x128xi32, #tpu.memory_space<vmem>> -> memref<1x2x128xi32, #tpu.memory_space<vmem>>
    %dma_start3A_25 = tpu.memref_squeeze %dma_start3A_24 : memref<1x2x128xi32, #tpu.memory_space<vmem>> -> memref<2x128xi32, #tpu.memory_space<vmem>>
    %dma_start3A_26 = arith.constant 0 : i32
    %dma_start3A_27 = tpu.memref_slice %arg3[%dma_start3A_26, %add3A_12] : memref<2x323584xi32, #tpu.memory_space<hbm>> -> memref<2x128xi32, #tpu.memory_space<hbm>>
    tpu.enqueue_dma source(%dma_start3A_27 : memref<2x128xi32, #tpu.memory_space<hbm>>) target(%dma_start3A_25 : memref<2x128xi32, #tpu.memory_space<vmem>>) target_semaphore(%dma_start3A_21 : memref<!tpu.dma_semaphore, #tpu.memory_space<semaphore_mem>>)
    %add3A_28 = arith.constant 128 : i32
    %add3A_29 = arith.addi %mul3A_10, %add3A_28 : i32
    %dma_start3A_30 = arith.constant 1 : i32
    %dma_start3A_31 = arith.constant 1 : i32
    %dma_start3A_32 = arith.constant 0 : i32
    %dma_start3A_33 = arith.constant 0 : i32
    %dma_start3A_34 = tpu.memref_slice %arg5[%dma_start3A_30, %dma_start3A_32, %dma_start3A_33] : memref<4x2x128xi32, #tpu.memory_space<vmem>> -> memref<1x2x128xi32, #tpu.memory_space<vmem>>
    %dma_start3A_35 = tpu.memref_squeeze %dma_start3A_34 : memref<1x2x128xi32, #tpu.memory_space<vmem>> -> memref<2x128xi32, #tpu.memory_space<vmem>>
    %dma_start3A_36 = arith.constant 0 : i32
    %dma_start3A_37 = tpu.memref_slice %arg3[%dma_start3A_36, %add3A_29] : memref<2x323584xi32, #tpu.memory_space<hbm>> -> memref<2x128xi32, #tpu.memory_space<hbm>>
    %dma_start3A_38 = tpu.memref_slice %arg11[%dma_start3A_31] : memref<4x!tpu.dma_semaphore, #tpu.memory_space<semaphore_mem>> -> memref<1x!tpu.dma_semaphore, #tpu.memory_space<semaphore_mem>>
    %dma_start3A_39 = tpu.memref_squeeze %dma_start3A_38 : memref<1x!tpu.dma_semaphore, #tpu.memory_space<semaphore_mem>> -> memref<!tpu.dma_semaphore, #tpu.memory_space<semaphore_mem>>
    %dma_start3A_40 = arith.constant 0 : i32
    %dma_start3A_41 = arith.constant 0 : i32
    %dma_start3A_42 = tpu.memref_slice %arg5[%dma_start3A_30, %dma_start3A_40, %dma_start3A_41] : memref<4x2x128xi32, #tpu.memory_space<vmem>> -> memref<1x2x128xi32, #tpu.memory_space<vmem>>
    %dma_start3A_43 = tpu.memref_squeeze %dma_start3A_42 : memref<1x2x128xi32, #tpu.memory_space<vmem>> -> memref<2x128xi32, #tpu.memory_space<vmem>>
    %dma_start3A_44 = arith.constant 0 : i32
    %dma_start3A_45 = tpu.memref_slice %arg3[%dma_start3A_44, %add3A_29] : memref<2x323584xi32, #tpu.memory_space<hbm>> -> memref<2x128xi32, #tpu.memory_space<hbm>>
    tpu.enqueue_dma source(%dma_start3A_45 : memref<2x128xi32, #tpu.memory_space<hbm>>) target(%dma_start3A_43 : memref<2x128xi32, #tpu.memory_space<vmem>>) target_semaphore(%dma_start3A_39 : memref<!tpu.dma_semaphore, #tpu.memory_space<semaphore_mem>>)
    %add3A_46 = arith.constant 256 : i32
    %add3A_47 = arith.addi %mul3A_10, %add3A_46 : i32
    %dma_start3A_48 = arith.constant 2 : i32
    %dma_start3A_49 = arith.constant 2 : i32
    %dma_start3A_50 = arith.constant 0 : i32
    %dma_start3A_51 = arith.constant 0 : i32
    %dma_start3A_52 = tpu.memref_slice %arg5[%dma_start3A_48, %dma_start3A_50, %dma_start3A_51] : memref<4x2x128xi32, #tpu.memory_space<vmem>> -> memref<1x2x128xi32, #tpu.memory_space<vmem>>
    %dma_start3A_53 = tpu.memref_squeeze %dma_start3A_52 : memref<1x2x128xi32, #tpu.memory_space<vmem>> -> memref<2x128xi32, #tpu.memory_space<vmem>>
    %dma_start3A_54 = arith.constant 0 : i32
    %dma_start3A_55 = tpu.memref_slice %arg3[%dma_start3A_54, %add3A_47] : memref<2x323584xi32, #tpu.memory_space<hbm>> -> memref<2x128xi32, #tpu.memory_space<hbm>>
    %dma_start3A_56 = tpu.memref_slice %arg11[%dma_start3A_49] : memref<4x!tpu.dma_semaphore, #tpu.memory_space<semaphore_mem>> -> memref<1x!tpu.dma_semaphore, #tpu.memory_space<semaphore_mem>>
    %dma_start3A_57 = tpu.memref_squeeze %dma_start3A_56 : memref<1x!tpu.dma_semaphore, #tpu.memory_space<semaphore_mem>> -> memref<!tpu.dma_semaphore, #tpu.memory_space<semaphore_mem>>
    %dma_start3A_58 = arith.constant 0 : i32
    %dma_start3A_59 = arith.constant 0 : i32
    %dma_start3A_60 = tpu.memref_slice %arg5[%dma_start3A_48, %dma_start3A_58, %dma_start3A_59] : memref<4x2x128xi32, #tpu.memory_space<vmem>> -> memref<1x2x128xi32, #tpu.memory_space<vmem>>
    %dma_start3A_61 = tpu.memref_squeeze %dma_start3A_60 : memref<1x2x128xi32, #tpu.memory_space<vmem>> -> memref<2x128xi32, #tpu.memory_space<vmem>>
    %dma_start3A_62 = arith.constant 0 : i32
    %dma_start3A_63 = tpu.memref_slice %arg3[%dma_start3A_62, %add3A_47] : memref<2x323584xi32, #tpu.memory_space<hbm>> -> memref<2x128xi32, #tpu.memory_space<hbm>>
    tpu.enqueue_dma source(%dma_start3A_63 : memref<2x128xi32, #tpu.memory_space<hbm>>) target(%dma_start3A_61 : memref<2x128xi32, #tpu.memory_space<vmem>>) target_semaphore(%dma_start3A_57 : memref<!tpu.dma_semaphore, #tpu.memory_space<semaphore_mem>>)
    %add3A_64 = arith.constant 0 : i32
    %add3A_65 = arith.addi %mul3A_10, %add3A_64 : i32
    %dma_wait3A = arith.constant 0 : i32
    %dma_wait3A_66 = arith.constant 0 : i32
    %dma_wait3A_67 = arith.constant 0 : i32
    %dma_wait3A_68 = arith.constant 0 : i32
    %dma_wait3A_69 = tpu.memref_slice %arg5[%dma_wait3A, %dma_wait3A_67, %dma_wait3A_68] : memref<4x2x128xi32, #tpu.memory_space<vmem>> -> memref<1x2x128xi32, #tpu.memory_space<vmem>>
    %dma_wait3A_70 = tpu.memref_squeeze %dma_wait3A_69 : memref<1x2x128xi32, #tpu.memory_space<vmem>> -> memref<2x128xi32, #tpu.memory_space<vmem>>
    %dma_wait3A_71 = arith.constant 0 : i32
    %dma_wait3A_72 = tpu.memref_slice %arg3[%dma_wait3A_71, %add3A_65] : memref<2x323584xi32, #tpu.memory_space<hbm>> -> memref<2x128xi32, #tpu.memory_space<hbm>>
    %dma_wait3A_73 = tpu.memref_slice %arg11[%dma_wait3A_66] : memref<4x!tpu.dma_semaphore, #tpu.memory_space<semaphore_mem>> -> memref<1x!tpu.dma_semaphore, #tpu.memory_space<semaphore_mem>>
    %dma_wait3A_74 = tpu.memref_squeeze %dma_wait3A_73 : memref<1x!tpu.dma_semaphore, #tpu.memory_space<semaphore_mem>> -> memref<!tpu.dma_semaphore, #tpu.memory_space<semaphore_mem>>
    %dma_wait3A_75 = arith.constant 0 : i32
    %dma_wait3A_76 = arith.constant 0 : i32
    %dma_wait3A_77 = tpu.memref_slice %arg5[%dma_wait3A, %dma_wait3A_75, %dma_wait3A_76] : memref<4x2x128xi32, #tpu.memory_space<vmem>> -> memref<1x2x128xi32, #tpu.memory_space<vmem>>
    %dma_wait3A_78 = tpu.memref_squeeze %dma_wait3A_77 : memref<1x2x128xi32, #tpu.memory_space<vmem>> -> memref<2x128xi32, #tpu.memory_space<vmem>>
    %dma_wait3A_79 = arith.constant 0 : i32
    %dma_wait3A_80 = tpu.memref_slice %arg3[%dma_wait3A_79, %add3A_65] : memref<2x323584xi32, #tpu.memory_space<hbm>> -> memref<2x128xi32, #tpu.memory_space<hbm>>
    tpu.wait_dma2 semaphore(%dma_wait3A_74 : memref<!tpu.dma_semaphore, #tpu.memory_space<semaphore_mem>>) src(%dma_wait3A_80 : memref<2x128xi32, #tpu.memory_space<hbm>>) dst(%dma_wait3A_78 : memref<2x128xi32, #tpu.memory_space<vmem>>)
    %dma_start3A_81 = arith.constant 0 : i32
    %dma_start3A_82 = arith.constant 0 : i32
    %dma_start3A_83 = arith.constant 0 : i32
    %dma_start3A_84 = arith.constant 0 : i32
    %dma_start3A_85 = arith.constant 0 : i32
    %dma_start3A_86 = arith.constant 0 : i32
    %dma_start3A_87 = tpu.memref_slice %arg6[%dma_start3A_83, %dma_start3A_85, %dma_start3A_86] : memref<2x128x128xf32, #tpu.memory_space<vmem>> -> memref<1x128x128xf32, #tpu.memory_space<vmem>>
    %dma_start3A_88 = tpu.memref_squeeze %dma_start3A_87 : memref<1x128x128xf32, #tpu.memory_space<vmem>> -> memref<128x128xf32, #tpu.memory_space<vmem>>
    %dma_start3A_89 = arith.constant 0 : i32
    %dma_start3A_90 = tpu.memref_slice %arg5[%dma_start3A_81, %dma_start3A_82, %dma_start3A_89] : memref<4x2x128xi32, #tpu.memory_space<vmem>> -> memref<1x1x128xi32, #tpu.memory_space<vmem>>
    %dma_start3A_91 = tpu.memref_squeeze %dma_start3A_90 : memref<1x1x128xi32, #tpu.memory_space<vmem>> -> memref<128xi32, #tpu.memory_space<vmem>>
    %dma_start3A_92 = arith.constant 0 : i32
    %dma_start3A_93 = arith.constant 0 : i32
    %dma_start3A_94 = tpu.memref_slice %arg2[%dma_start3A_92, %dma_start3A_93] : memref<10000x128xf32, #tpu.memory_space<hbm>> -> memref<10000x128xf32, #tpu.memory_space<hbm>>
    %dma_start3A_95 = tpu.memref_slice %arg9[%dma_start3A_84] : memref<2x!tpu.dma_semaphore, #tpu.memory_space<semaphore_mem>> -> memref<1x!tpu.dma_semaphore, #tpu.memory_space<semaphore_mem>>
    %dma_start3A_96 = tpu.memref_squeeze %dma_start3A_95 : memref<1x!tpu.dma_semaphore, #tpu.memory_space<semaphore_mem>> -> memref<!tpu.dma_semaphore, #tpu.memory_space<semaphore_mem>>
    tpu.enqueue_indirect_dma source(%dma_start3A_94 : memref<10000x128xf32, #tpu.memory_space<hbm>>) target(%dma_start3A_88 : memref<128x128xf32, #tpu.memory_space<vmem>>) offsets(%dma_start3A_91 : memref<128xi32, #tpu.memory_space<vmem>>) semaphore(%dma_start3A_96 : memref<!tpu.dma_semaphore, #tpu.memory_space<semaphore_mem>>)
    %add3A_97 = arith.constant 128 : i32
    %add3A_98 = arith.addi %mul3A_10, %add3A_97 : i32
    %dma_wait3A_99 = arith.constant 1 : i32
    %dma_wait3A_100 = arith.constant 1 : i32
    %dma_wait3A_101 = arith.constant 0 : i32
    %dma_wait3A_102 = arith.constant 0 : i32
    %dma_wait3A_103 = tpu.memref_slice %arg5[%dma_wait3A_99, %dma_wait3A_101, %dma_wait3A_102] : memref<4x2x128xi32, #tpu.memory_space<vmem>> -> memref<1x2x128xi32, #tpu.memory_space<vmem>>
    %dma_wait3A_104 = tpu.memref_squeeze %dma_wait3A_103 : memref<1x2x128xi32, #tpu.memory_space<vmem>> -> memref<2x128xi32, #tpu.memory_space<vmem>>
    %dma_wait3A_105 = arith.constant 0 : i32
    %dma_wait3A_106 = tpu.memref_slice %arg3[%dma_wait3A_105, %add3A_98] : memref<2x323584xi32, #tpu.memory_space<hbm>> -> memref<2x128xi32, #tpu.memory_space<hbm>>
    %dma_wait3A_107 = tpu.memref_slice %arg11[%dma_wait3A_100] : memref<4x!tpu.dma_semaphore, #tpu.memory_space<semaphore_mem>> -> memref<1x!tpu.dma_semaphore, #tpu.memory_space<semaphore_mem>>
    %dma_wait3A_108 = tpu.memref_squeeze %dma_wait3A_107 : memref<1x!tpu.dma_semaphore, #tpu.memory_space<semaphore_mem>> -> memref<!tpu.dma_semaphore, #tpu.memory_space<semaphore_mem>>
    %dma_wait3A_109 = arith.constant 0 : i32
    %dma_wait3A_110 = arith.constant 0 : i32
    %dma_wait3A_111 = tpu.memref_slice %arg5[%dma_wait3A_99, %dma_wait3A_109, %dma_wait3A_110] : memref<4x2x128xi32, #tpu.memory_space<vmem>> -> memref<1x2x128xi32, #tpu.memory_space<vmem>>
    %dma_wait3A_112 = tpu.memref_squeeze %dma_wait3A_111 : memref<1x2x128xi32, #tpu.memory_space<vmem>> -> memref<2x128xi32, #tpu.memory_space<vmem>>
    %dma_wait3A_113 = arith.constant 0 : i32
    %dma_wait3A_114 = tpu.memref_slice %arg3[%dma_wait3A_113, %add3A_98] : memref<2x323584xi32, #tpu.memory_space<hbm>> -> memref<2x128xi32, #tpu.memory_space<hbm>>
    tpu.wait_dma2 semaphore(%dma_wait3A_108 : memref<!tpu.dma_semaphore, #tpu.memory_space<semaphore_mem>>) src(%dma_wait3A_114 : memref<2x128xi32, #tpu.memory_space<hbm>>) dst(%dma_wait3A_112 : memref<2x128xi32, #tpu.memory_space<vmem>>)
    %dma_start3A_115 = arith.constant 1 : i32
    %dma_start3A_116 = arith.constant 0 : i32
    %dma_start3A_117 = arith.constant 1 : i32
    %dma_start3A_118 = arith.constant 1 : i32
    %dma_start3A_119 = arith.constant 0 : i32
    %dma_start3A_120 = arith.constant 0 : i32
    %dma_start3A_121 = tpu.memref_slice %arg6[%dma_start3A_117, %dma_start3A_119, %dma_start3A_120] : memref<2x128x128xf32, #tpu.memory_space<vmem>> -> memref<1x128x128xf32, #tpu.memory_space<vmem>>
    %dma_start3A_122 = tpu.memref_squeeze %dma_start3A_121 : memref<1x128x128xf32, #tpu.memory_space<vmem>> -> memref<128x128xf32, #tpu.memory_space<vmem>>
    %dma_start3A_123 = arith.constant 0 : i32
    %dma_start3A_124 = tpu.memref_slice %arg5[%dma_start3A_115, %dma_start3A_116, %dma_start3A_123] : memref<4x2x128xi32, #tpu.memory_space<vmem>> -> memref<1x1x128xi32, #tpu.memory_space<vmem>>
    %dma_start3A_125 = tpu.memref_squeeze %dma_start3A_124 : memref<1x1x128xi32, #tpu.memory_space<vmem>> -> memref<128xi32, #tpu.memory_space<vmem>>
    %dma_start3A_126 = arith.constant 0 : i32
    %dma_start3A_127 = arith.constant 0 : i32
    %dma_start3A_128 = tpu.memref_slice %arg2[%dma_start3A_126, %dma_start3A_127] : memref<10000x128xf32, #tpu.memory_space<hbm>> -> memref<10000x128xf32, #tpu.memory_space<hbm>>
    %dma_start3A_129 = tpu.memref_slice %arg9[%dma_start3A_118] : memref<2x!tpu.dma_semaphore, #tpu.memory_space<semaphore_mem>> -> memref<1x!tpu.dma_semaphore, #tpu.memory_space<semaphore_mem>>
    %dma_start3A_130 = tpu.memref_squeeze %dma_start3A_129 : memref<1x!tpu.dma_semaphore, #tpu.memory_space<semaphore_mem>> -> memref<!tpu.dma_semaphore, #tpu.memory_space<semaphore_mem>>
    tpu.enqueue_indirect_dma source(%dma_start3A_128 : memref<10000x128xf32, #tpu.memory_space<hbm>>) target(%dma_start3A_122 : memref<128x128xf32, #tpu.memory_space<vmem>>) offsets(%dma_start3A_125 : memref<128xi32, #tpu.memory_space<vmem>>) semaphore(%dma_start3A_130 : memref<!tpu.dma_semaphore, #tpu.memory_space<semaphore_mem>>)
    %broadcast_in_dim3A = arith.constant 0.000000e+00 : f32
    "tpu.trace_stop"() : () -> ()
    "tpu.trace_start"() <{level = 10 : i32, message = "zero_phase"}> : () -> ()
    %broadcast_in_dim3A_131 = vector.broadcast %broadcast_in_dim3A : f32 to vector<16xf32>
    %scan3A = arith.constant 0 : i32
    %scan3A_132 = arith.constant 0 : i32
    %scan3A_133 = arith.constant 52 : i32
    %scan3A_134 = arith.addi %scan3A_132, %scan3A_133 : i32
    %scan3A_135 = arith.constant 1 : i32
    %scan3A_136 = scf.for %scan3A_469 = %scan3A_132 to %scan3A_134 step %scan3A_135 iter_args(%scan3A_470 = %scan3A) -> (i32)  : i32 {
      %swap3A = arith.index_cast %scan3A_469 : i32 to index
      %swap3A_471 = arith.constant 0 : index
      %swap3A_472 = tpu.vector_load %arg7[%swap3A, %swap3A_471] {strides = array<i32>} : memref<52x128xf32, #tpu.memory_space<vmem>>, vector<1x16xf32>,
      %swap3A_473 = vector.shape_cast %swap3A_472 : vector<1x16xf32> to vector<16xf32>
      %swap3A_474 = vector.shape_cast %broadcast_in_dim3A_131 : vector<16xf32> to vector<1x16xf32>
      tpu.vector_store %arg7[%swap3A, %swap3A_471], %swap3A_474 {strides = array<i32>} : memref<52x128xf32, #tpu.memory_space<vmem>>, vector<1x16xf32>,
      %swap3A_475 = arith.index_cast %scan3A_469 : i32 to index
      %swap3A_476 = arith.constant 16 : index
      %swap3A_477 = tpu.vector_load %arg7[%swap3A_475, %swap3A_476] {strides = array<i32>} : memref<52x128xf32, #tpu.memory_space<vmem>>, vector<1x16xf32>,
      %swap3A_478 = vector.shape_cast %swap3A_477 : vector<1x16xf32> to vector<16xf32>
      %swap3A_479 = vector.shape_cast %broadcast_in_dim3A_131 : vector<16xf32> to vector<1x16xf32>
      tpu.vector_store %arg7[%swap3A_475, %swap3A_476], %swap3A_479 {strides = array<i32>} : memref<52x128xf32, #tpu.memory_space<vmem>>, vector<1x16xf32>,
      %swap3A_480 = arith.index_cast %scan3A_469 : i32 to index
      %swap3A_481 = arith.constant 32 : index
      %swap3A_482 = tpu.vector_load %arg7[%swap3A_480, %swap3A_481] {strides = array<i32>} : memref<52x128xf32, #tpu.memory_space<vmem>>, vector<1x16xf32>,
      %swap3A_483 = vector.shape_cast %swap3A_482 : vector<1x16xf32> to vector<16xf32>
      %swap3A_484 = vector.shape_cast %broadcast_in_dim3A_131 : vector<16xf32> to vector<1x16xf32>
      tpu.vector_store %arg7[%swap3A_480, %swap3A_481], %swap3A_484 {strides = array<i32>} : memref<52x128xf32, #tpu.memory_space<vmem>>, vector<1x16xf32>,
      %swap3A_485 = arith.index_cast %scan3A_469 : i32 to index
      %swap3A_486 = arith.constant 48 : index
      %swap3A_487 = tpu.vector_load %arg7[%swap3A_485, %swap3A_486] {strides = array<i32>} : memref<52x128xf32, #tpu.memory_space<vmem>>, vector<1x16xf32>,
      %swap3A_488 = vector.shape_cast %swap3A_487 : vector<1x16xf32> to vector<16xf32>
      %swap3A_489 = vector.shape_cast %broadcast_in_dim3A_131 : vector<16xf32> to vector<1x16xf32>
      tpu.vector_store %arg7[%swap3A_485, %swap3A_486], %swap3A_489 {strides = array<i32>} : memref<52x128xf32, #tpu.memory_space<vmem>>, vector<1x16xf32>,
      %swap3A_490 = arith.index_cast %scan3A_469 : i32 to index
      %swap3A_491 = arith.constant 64 : index
      %swap3A_492 = tpu.vector_load %arg7[%swap3A_490, %swap3A_491] {strides = array<i32>} : memref<52x128xf32, #tpu.memory_space<vmem>>, vector<1x16xf32>,
      %swap3A_493 = vector.shape_cast %swap3A_492 : vector<1x16xf32> to vector<16xf32>
      %swap3A_494 = vector.shape_cast %broadcast_in_dim3A_131 : vector<16xf32> to vector<1x16xf32>
      tpu.vector_store %arg7[%swap3A_490, %swap3A_491], %swap3A_494 {strides = array<i32>} : memref<52x128xf32, #tpu.memory_space<vmem>>, vector<1x16xf32>,
      %swap3A_495 = arith.index_cast %scan3A_469 : i32 to index
      %swap3A_496 = arith.constant 80 : index
      %swap3A_497 = tpu.vector_load %arg7[%swap3A_495, %swap3A_496] {strides = array<i32>} : memref<52x128xf32, #tpu.memory_space<vmem>>, vector<1x16xf32>,
      %swap3A_498 = vector.shape_cast %swap3A_497 : vector<1x16xf32> to vector<16xf32>
      %swap3A_499 = vector.shape_cast %broadcast_in_dim3A_131 : vector<16xf32> to vector<1x16xf32>
      tpu.vector_store %arg7[%swap3A_495, %swap3A_496], %swap3A_499 {strides = array<i32>} : memref<52x128xf32, #tpu.memory_space<vmem>>, vector<1x16xf32>,
      %swap3A_500 = arith.index_cast %scan3A_469 : i32 to index
      %swap3A_501 = arith.constant 96 : index
      %swap3A_502 = tpu.vector_load %arg7[%swap3A_500, %swap3A_501] {strides = array<i32>} : memref<52x128xf32, #tpu.memory_space<vmem>>, vector<1x16xf32>,
      %swap3A_503 = vector.shape_cast %swap3A_502 : vector<1x16xf32> to vector<16xf32>
      %swap3A_504 = vector.shape_cast %broadcast_in_dim3A_131 : vector<16xf32> to vector<1x16xf32>
      tpu.vector_store %arg7[%swap3A_500, %swap3A_501], %swap3A_504 {strides = array<i32>} : memref<52x128xf32, #tpu.memory_space<vmem>>, vector<1x16xf32>,
      %swap3A_505 = arith.index_cast %scan3A_469 : i32 to index
      %swap3A_506 = arith.constant 112 : index
      %swap3A_507 = tpu.vector_load %arg7[%swap3A_505, %swap3A_506] {strides = array<i32>} : memref<52x128xf32, #tpu.memory_space<vmem>>, vector<1x16xf32>,
      %swap3A_508 = vector.shape_cast %swap3A_507 : vector<1x16xf32> to vector<16xf32>
      %swap3A_509 = vector.shape_cast %broadcast_in_dim3A_131 : vector<16xf32> to vector<1x16xf32>
      tpu.vector_store %arg7[%swap3A_505, %swap3A_506], %swap3A_509 {strides = array<i32>} : memref<52x128xf32, #tpu.memory_space<vmem>>, vector<1x16xf32>,
      %scan3A_510 = arith.constant 0 : i32
      scf.yield %scan3A_510 : i32
    }
    %scan3A_137 = arith.constant 52 : i32
    %mul3A_138 = arith.constant 624 : i32
    %mul3A_139 = arith.muli %arg1, %mul3A_138 : i32
    %add3A_140 = arith.constant 0 : i32
    %add3A_141 = arith.addi %mul3A_139, %add3A_140 : i32
    "tpu.region"() ({
      %run_scoped3A = tpu.sem_alloc : memref<!tpu.dma_semaphore, #tpu.memory_space<semaphore_mem>>
      %dma_start3A_469 = arith.constant 0 : i32
      %dma_start3A_470 = tpu.memref_slice %arg8[%add3A_141, %dma_start3A_469] : memref<10512x128xf32, #tpu.memory_space<vmem_shared>> -> memref<52x128xf32, #tpu.memory_space<vmem_shared>>
      %dma_start3A_471 = arith.constant 0 : i32
      %dma_start3A_472 = tpu.memref_slice %arg8[%add3A_141, %dma_start3A_471] : memref<10512x128xf32, #tpu.memory_space<vmem_shared>> -> memref<52x128xf32, #tpu.memory_space<vmem_shared>>
      tpu.enqueue_dma source(%arg7 : memref<52x128xf32, #tpu.memory_space<vmem>>) target(%dma_start3A_472 : memref<52x128xf32, #tpu.memory_space<vmem_shared>>) target_semaphore(%run_scoped3A : memref<!tpu.dma_semaphore, #tpu.memory_space<semaphore_mem>>)
      %dma_wait3A_473 = arith.constant 0 : i32
      %dma_wait3A_474 = tpu.memref_slice %arg8[%add3A_141, %dma_wait3A_473] : memref<10512x128xf32, #tpu.memory_space<vmem_shared>> -> memref<52x128xf32, #tpu.memory_space<vmem_shared>>
      %dma_wait3A_475 = arith.constant 0 : i32
      %dma_wait3A_476 = tpu.memref_slice %arg8[%add3A_141, %dma_wait3A_475] : memref<10512x128xf32, #tpu.memory_space<vmem_shared>> -> memref<52x128xf32, #tpu.memory_space<vmem_shared>>
      tpu.wait_dma2 semaphore(%run_scoped3A : memref<!tpu.dma_semaphore, #tpu.memory_space<semaphore_mem>>) src(%arg7 : memref<52x128xf32, #tpu.memory_space<vmem>>) dst(%dma_wait3A_476 : memref<52x128xf32, #tpu.memory_space<vmem_shared>>)
      tpu.yield
    }) : () -> ()
    %add3A_142 = arith.constant 52 : i32
    %add3A_143 = arith.addi %mul3A_139, %add3A_142 : i32
    "tpu.region"() ({
      %run_scoped3A = tpu.sem_alloc : memref<!tpu.dma_semaphore, #tpu.memory_space<semaphore_mem>>
      %dma_start3A_469 = arith.constant 0 : i32
      %dma_start3A_470 = tpu.memref_slice %arg8[%add3A_143, %dma_start3A_469] : memref<10512x128xf32, #tpu.memory_space<vmem_shared>> -> memref<52x128xf32, #tpu.memory_space<vmem_shared>>
      %dma_start3A_471 = arith.constant 0 : i32
      %dma_start3A_472 = tpu.memref_slice %arg8[%add3A_143, %dma_start3A_471] : memref<10512x128xf32, #tpu.memory_space<vmem_shared>> -> memref<52x128xf32, #tpu.memory_space<vmem_shared>>
      tpu.enqueue_dma source(%arg7 : memref<52x128xf32, #tpu.memory_space<vmem>>) target(%dma_start3A_472 : memref<52x128xf32, #tpu.memory_space<vmem_shared>>) target_semaphore(%run_scoped3A : memref<!tpu.dma_semaphore, #tpu.memory_space<semaphore_mem>>)
      %dma_wait3A_473 = arith.constant 0 : i32
      %dma_wait3A_474 = tpu.memref_slice %arg8[%add3A_143, %dma_wait3A_473] : memref<10512x128xf32, #tpu.memory_space<vmem_shared>> -> memref<52x128xf32, #tpu.memory_space<vmem_shared>>
      %dma_wait3A_475 = arith.constant 0 : i32
      %dma_wait3A_476 = tpu.memref_slice %arg8[%add3A_143, %dma_wait3A_475] : memref<10512x128xf32, #tpu.memory_space<vmem_shared>> -> memref<52x128xf32, #tpu.memory_space<vmem_shared>>
      tpu.wait_dma2 semaphore(%run_scoped3A : memref<!tpu.dma_semaphore, #tpu.memory_space<semaphore_mem>>) src(%arg7 : memref<52x128xf32, #tpu.memory_space<vmem>>) dst(%dma_wait3A_476 : memref<52x128xf32, #tpu.memory_space<vmem_shared>>)
      tpu.yield
    }) : () -> ()
    %add3A_144 = arith.constant 104 : i32
    %add3A_145 = arith.addi %mul3A_139, %add3A_144 : i32
    "tpu.region"() ({
      %run_scoped3A = tpu.sem_alloc : memref<!tpu.dma_semaphore, #tpu.memory_space<semaphore_mem>>
      %dma_start3A_469 = arith.constant 0 : i32
      %dma_start3A_470 = tpu.memref_slice %arg8[%add3A_145, %dma_start3A_469] : memref<10512x128xf32, #tpu.memory_space<vmem_shared>> -> memref<52x128xf32, #tpu.memory_space<vmem_shared>>
      %dma_start3A_471 = arith.constant 0 : i32
      %dma_start3A_472 = tpu.memref_slice %arg8[%add3A_145, %dma_start3A_471] : memref<10512x128xf32, #tpu.memory_space<vmem_shared>> -> memref<52x128xf32, #tpu.memory_space<vmem_shared>>
      tpu.enqueue_dma source(%arg7 : memref<52x128xf32, #tpu.memory_space<vmem>>) target(%dma_start3A_472 : memref<52x128xf32, #tpu.memory_space<vmem_shared>>) target_semaphore(%run_scoped3A : memref<!tpu.dma_semaphore, #tpu.memory_space<semaphore_mem>>)
      %dma_wait3A_473 = arith.constant 0 : i32
      %dma_wait3A_474 = tpu.memref_slice %arg8[%add3A_145, %dma_wait3A_473] : memref<10512x128xf32, #tpu.memory_space<vmem_shared>> -> memref<52x128xf32, #tpu.memory_space<vmem_shared>>
      %dma_wait3A_475 = arith.constant 0 : i32
      %dma_wait3A_476 = tpu.memref_slice %arg8[%add3A_145, %dma_wait3A_475] : memref<10512x128xf32, #tpu.memory_space<vmem_shared>> -> memref<52x128xf32, #tpu.memory_space<vmem_shared>>
      tpu.wait_dma2 semaphore(%run_scoped3A : memref<!tpu.dma_semaphore, #tpu.memory_space<semaphore_mem>>) src(%arg7 : memref<52x128xf32, #tpu.memory_space<vmem>>) dst(%dma_wait3A_476 : memref<52x128xf32, #tpu.memory_space<vmem_shared>>)
      tpu.yield
    }) : () -> ()
    %add3A_146 = arith.constant 156 : i32
    %add3A_147 = arith.addi %mul3A_139, %add3A_146 : i32
    "tpu.region"() ({
      %run_scoped3A = tpu.sem_alloc : memref<!tpu.dma_semaphore, #tpu.memory_space<semaphore_mem>>
      %dma_start3A_469 = arith.constant 0 : i32
      %dma_start3A_470 = tpu.memref_slice %arg8[%add3A_147, %dma_start3A_469] : memref<10512x128xf32, #tpu.memory_space<vmem_shared>> -> memref<52x128xf32, #tpu.memory_space<vmem_shared>>
      %dma_start3A_471 = arith.constant 0 : i32
      %dma_start3A_472 = tpu.memref_slice %arg8[%add3A_147, %dma_start3A_471] : memref<10512x128xf32, #tpu.memory_space<vmem_shared>> -> memref<52x128xf32, #tpu.memory_space<vmem_shared>>
      tpu.enqueue_dma source(%arg7 : memref<52x128xf32, #tpu.memory_space<vmem>>) target(%dma_start3A_472 : memref<52x128xf32, #tpu.memory_space<vmem_shared>>) target_semaphore(%run_scoped3A : memref<!tpu.dma_semaphore, #tpu.memory_space<semaphore_mem>>)
      %dma_wait3A_473 = arith.constant 0 : i32
      %dma_wait3A_474 = tpu.memref_slice %arg8[%add3A_147, %dma_wait3A_473] : memref<10512x128xf32, #tpu.memory_space<vmem_shared>> -> memref<52x128xf32, #tpu.memory_space<vmem_shared>>
      %dma_wait3A_475 = arith.constant 0 : i32
      %dma_wait3A_476 = tpu.memref_slice %arg8[%add3A_147, %dma_wait3A_475] : memref<10512x128xf32, #tpu.memory_space<vmem_shared>> -> memref<52x128xf32, #tpu.memory_space<vmem_shared>>
      tpu.wait_dma2 semaphore(%run_scoped3A : memref<!tpu.dma_semaphore, #tpu.memory_space<semaphore_mem>>) src(%arg7 : memref<52x128xf32, #tpu.memory_space<vmem>>) dst(%dma_wait3A_476 : memref<52x128xf32, #tpu.memory_space<vmem_shared>>)
      tpu.yield
    }) : () -> ()
    %add3A_148 = arith.constant 208 : i32
    %add3A_149 = arith.addi %mul3A_139, %add3A_148 : i32
    "tpu.region"() ({
      %run_scoped3A = tpu.sem_alloc : memref<!tpu.dma_semaphore, #tpu.memory_space<semaphore_mem>>
      %dma_start3A_469 = arith.constant 0 : i32
      %dma_start3A_470 = tpu.memref_slice %arg8[%add3A_149, %dma_start3A_469] : memref<10512x128xf32, #tpu.memory_space<vmem_shared>> -> memref<52x128xf32, #tpu.memory_space<vmem_shared>>
      %dma_start3A_471 = arith.constant 0 : i32
      %dma_start3A_472 = tpu.memref_slice %arg8[%add3A_149, %dma_start3A_471] : memref<10512x128xf32, #tpu.memory_space<vmem_shared>> -> memref<52x128xf32, #tpu.memory_space<vmem_shared>>
      tpu.enqueue_dma source(%arg7 : memref<52x128xf32, #tpu.memory_space<vmem>>) target(%dma_start3A_472 : memref<52x128xf32, #tpu.memory_space<vmem_shared>>) target_semaphore(%run_scoped3A : memref<!tpu.dma_semaphore, #tpu.memory_space<semaphore_mem>>)
      %dma_wait3A_473 = arith.constant 0 : i32
      %dma_wait3A_474 = tpu.memref_slice %arg8[%add3A_149, %dma_wait3A_473] : memref<10512x128xf32, #tpu.memory_space<vmem_shared>> -> memref<52x128xf32, #tpu.memory_space<vmem_shared>>
      %dma_wait3A_475 = arith.constant 0 : i32
      %dma_wait3A_476 = tpu.memref_slice %arg8[%add3A_149, %dma_wait3A_475] : memref<10512x128xf32, #tpu.memory_space<vmem_shared>> -> memref<52x128xf32, #tpu.memory_space<vmem_shared>>
      tpu.wait_dma2 semaphore(%run_scoped3A : memref<!tpu.dma_semaphore, #tpu.memory_space<semaphore_mem>>) src(%arg7 : memref<52x128xf32, #tpu.memory_space<vmem>>) dst(%dma_wait3A_476 : memref<52x128xf32, #tpu.memory_space<vmem_shared>>)
      tpu.yield
    }) : () -> ()
    %add3A_150 = arith.constant 260 : i32
    %add3A_151 = arith.addi %mul3A_139, %add3A_150 : i32
    "tpu.region"() ({
      %run_scoped3A = tpu.sem_alloc : memref<!tpu.dma_semaphore, #tpu.memory_space<semaphore_mem>>
      %dma_start3A_469 = arith.constant 0 : i32
      %dma_start3A_470 = tpu.memref_slice %arg8[%add3A_151, %dma_start3A_469] : memref<10512x128xf32, #tpu.memory_space<vmem_shared>> -> memref<52x128xf32, #tpu.memory_space<vmem_shared>>
      %dma_start3A_471 = arith.constant 0 : i32
      %dma_start3A_472 = tpu.memref_slice %arg8[%add3A_151, %dma_start3A_471] : memref<10512x128xf32, #tpu.memory_space<vmem_shared>> -> memref<52x128xf32, #tpu.memory_space<vmem_shared>>
      tpu.enqueue_dma source(%arg7 : memref<52x128xf32, #tpu.memory_space<vmem>>) target(%dma_start3A_472 : memref<52x128xf32, #tpu.memory_space<vmem_shared>>) target_semaphore(%run_scoped3A : memref<!tpu.dma_semaphore, #tpu.memory_space<semaphore_mem>>)
      %dma_wait3A_473 = arith.constant 0 : i32
      %dma_wait3A_474 = tpu.memref_slice %arg8[%add3A_151, %dma_wait3A_473] : memref<10512x128xf32, #tpu.memory_space<vmem_shared>> -> memref<52x128xf32, #tpu.memory_space<vmem_shared>>
      %dma_wait3A_475 = arith.constant 0 : i32
      %dma_wait3A_476 = tpu.memref_slice %arg8[%add3A_151, %dma_wait3A_475] : memref<10512x128xf32, #tpu.memory_space<vmem_shared>> -> memref<52x128xf32, #tpu.memory_space<vmem_shared>>
      tpu.wait_dma2 semaphore(%run_scoped3A : memref<!tpu.dma_semaphore, #tpu.memory_space<semaphore_mem>>) src(%arg7 : memref<52x128xf32, #tpu.memory_space<vmem>>) dst(%dma_wait3A_476 : memref<52x128xf32, #tpu.memory_space<vmem_shared>>)
      tpu.yield
    }) : () -> ()
    %add3A_152 = arith.constant 312 : i32
    %add3A_153 = arith.addi %mul3A_139, %add3A_152 : i32
    "tpu.region"() ({
      %run_scoped3A = tpu.sem_alloc : memref<!tpu.dma_semaphore, #tpu.memory_space<semaphore_mem>>
      %dma_start3A_469 = arith.constant 0 : i32
      %dma_start3A_470 = tpu.memref_slice %arg8[%add3A_153, %dma_start3A_469] : memref<10512x128xf32, #tpu.memory_space<vmem_shared>> -> memref<52x128xf32, #tpu.memory_space<vmem_shared>>
      %dma_start3A_471 = arith.constant 0 : i32
      %dma_start3A_472 = tpu.memref_slice %arg8[%add3A_153, %dma_start3A_471] : memref<10512x128xf32, #tpu.memory_space<vmem_shared>> -> memref<52x128xf32, #tpu.memory_space<vmem_shared>>
      tpu.enqueue_dma source(%arg7 : memref<52x128xf32, #tpu.memory_space<vmem>>) target(%dma_start3A_472 : memref<52x128xf32, #tpu.memory_space<vmem_shared>>) target_semaphore(%run_scoped3A : memref<!tpu.dma_semaphore, #tpu.memory_space<semaphore_mem>>)
      %dma_wait3A_473 = arith.constant 0 : i32
      %dma_wait3A_474 = tpu.memref_slice %arg8[%add3A_153, %dma_wait3A_473] : memref<10512x128xf32, #tpu.memory_space<vmem_shared>> -> memref<52x128xf32, #tpu.memory_space<vmem_shared>>
      %dma_wait3A_475 = arith.constant 0 : i32
      %dma_wait3A_476 = tpu.memref_slice %arg8[%add3A_153, %dma_wait3A_475] : memref<10512x128xf32, #tpu.memory_space<vmem_shared>> -> memref<52x128xf32, #tpu.memory_space<vmem_shared>>
      tpu.wait_dma2 semaphore(%run_scoped3A : memref<!tpu.dma_semaphore, #tpu.memory_space<semaphore_mem>>) src(%arg7 : memref<52x128xf32, #tpu.memory_space<vmem>>) dst(%dma_wait3A_476 : memref<52x128xf32, #tpu.memory_space<vmem_shared>>)
      tpu.yield
    }) : () -> ()
    %add3A_154 = arith.constant 364 : i32
    %add3A_155 = arith.addi %mul3A_139, %add3A_154 : i32
    "tpu.region"() ({
      %run_scoped3A = tpu.sem_alloc : memref<!tpu.dma_semaphore, #tpu.memory_space<semaphore_mem>>
      %dma_start3A_469 = arith.constant 0 : i32
      %dma_start3A_470 = tpu.memref_slice %arg8[%add3A_155, %dma_start3A_469] : memref<10512x128xf32, #tpu.memory_space<vmem_shared>> -> memref<52x128xf32, #tpu.memory_space<vmem_shared>>
      %dma_start3A_471 = arith.constant 0 : i32
      %dma_start3A_472 = tpu.memref_slice %arg8[%add3A_155, %dma_start3A_471] : memref<10512x128xf32, #tpu.memory_space<vmem_shared>> -> memref<52x128xf32, #tpu.memory_space<vmem_shared>>
      tpu.enqueue_dma source(%arg7 : memref<52x128xf32, #tpu.memory_space<vmem>>) target(%dma_start3A_472 : memref<52x128xf32, #tpu.memory_space<vmem_shared>>) target_semaphore(%run_scoped3A : memref<!tpu.dma_semaphore, #tpu.memory_space<semaphore_mem>>)
      %dma_wait3A_473 = arith.constant 0 : i32
      %dma_wait3A_474 = tpu.memref_slice %arg8[%add3A_155, %dma_wait3A_473] : memref<10512x128xf32, #tpu.memory_space<vmem_shared>> -> memref<52x128xf32, #tpu.memory_space<vmem_shared>>
      %dma_wait3A_475 = arith.constant 0 : i32
      %dma_wait3A_476 = tpu.memref_slice %arg8[%add3A_155, %dma_wait3A_475] : memref<10512x128xf32, #tpu.memory_space<vmem_shared>> -> memref<52x128xf32, #tpu.memory_space<vmem_shared>>
      tpu.wait_dma2 semaphore(%run_scoped3A : memref<!tpu.dma_semaphore, #tpu.memory_space<semaphore_mem>>) src(%arg7 : memref<52x128xf32, #tpu.memory_space<vmem>>) dst(%dma_wait3A_476 : memref<52x128xf32, #tpu.memory_space<vmem_shared>>)
      tpu.yield
    }) : () -> ()
    %add3A_156 = arith.constant 416 : i32
    %add3A_157 = arith.addi %mul3A_139, %add3A_156 : i32
    "tpu.region"() ({
      %run_scoped3A = tpu.sem_alloc : memref<!tpu.dma_semaphore, #tpu.memory_space<semaphore_mem>>
      %dma_start3A_469 = arith.constant 0 : i32
      %dma_start3A_470 = tpu.memref_slice %arg8[%add3A_157, %dma_start3A_469] : memref<10512x128xf32, #tpu.memory_space<vmem_shared>> -> memref<52x128xf32, #tpu.memory_space<vmem_shared>>
      %dma_start3A_471 = arith.constant 0 : i32
      %dma_start3A_472 = tpu.memref_slice %arg8[%add3A_157, %dma_start3A_471] : memref<10512x128xf32, #tpu.memory_space<vmem_shared>> -> memref<52x128xf32, #tpu.memory_space<vmem_shared>>
      tpu.enqueue_dma source(%arg7 : memref<52x128xf32, #tpu.memory_space<vmem>>) target(%dma_start3A_472 : memref<52x128xf32, #tpu.memory_space<vmem_shared>>) target_semaphore(%run_scoped3A : memref<!tpu.dma_semaphore, #tpu.memory_space<semaphore_mem>>)
      %dma_wait3A_473 = arith.constant 0 : i32
      %dma_wait3A_474 = tpu.memref_slice %arg8[%add3A_157, %dma_wait3A_473] : memref<10512x128xf32, #tpu.memory_space<vmem_shared>> -> memref<52x128xf32, #tpu.memory_space<vmem_shared>>
      %dma_wait3A_475 = arith.constant 0 : i32
      %dma_wait3A_476 = tpu.memref_slice %arg8[%add3A_157, %dma_wait3A_475] : memref<10512x128xf32, #tpu.memory_space<vmem_shared>> -> memref<52x128xf32, #tpu.memory_space<vmem_shared>>
      tpu.wait_dma2 semaphore(%run_scoped3A : memref<!tpu.dma_semaphore, #tpu.memory_space<semaphore_mem>>) src(%arg7 : memref<52x128xf32, #tpu.memory_space<vmem>>) dst(%dma_wait3A_476 : memref<52x128xf32, #tpu.memory_space<vmem_shared>>)
      tpu.yield
    }) : () -> ()
    %add3A_158 = arith.constant 468 : i32
    %add3A_159 = arith.addi %mul3A_139, %add3A_158 : i32
    "tpu.region"() ({
      %run_scoped3A = tpu.sem_alloc : memref<!tpu.dma_semaphore, #tpu.memory_space<semaphore_mem>>
      %dma_start3A_469 = arith.constant 0 : i32
      %dma_start3A_470 = tpu.memref_slice %arg8[%add3A_159, %dma_start3A_469] : memref<10512x128xf32, #tpu.memory_space<vmem_shared>> -> memref<52x128xf32, #tpu.memory_space<vmem_shared>>
      %dma_start3A_471 = arith.constant 0 : i32
      %dma_start3A_472 = tpu.memref_slice %arg8[%add3A_159, %dma_start3A_471] : memref<10512x128xf32, #tpu.memory_space<vmem_shared>> -> memref<52x128xf32, #tpu.memory_space<vmem_shared>>
      tpu.enqueue_dma source(%arg7 : memref<52x128xf32, #tpu.memory_space<vmem>>) target(%dma_start3A_472 : memref<52x128xf32, #tpu.memory_space<vmem_shared>>) target_semaphore(%run_scoped3A : memref<!tpu.dma_semaphore, #tpu.memory_space<semaphore_mem>>)
      %dma_wait3A_473 = arith.constant 0 : i32
      %dma_wait3A_474 = tpu.memref_slice %arg8[%add3A_159, %dma_wait3A_473] : memref<10512x128xf32, #tpu.memory_space<vmem_shared>> -> memref<52x128xf32, #tpu.memory_space<vmem_shared>>
      %dma_wait3A_475 = arith.constant 0 : i32
      %dma_wait3A_476 = tpu.memref_slice %arg8[%add3A_159, %dma_wait3A_475] : memref<10512x128xf32, #tpu.memory_space<vmem_shared>> -> memref<52x128xf32, #tpu.memory_space<vmem_shared>>
      tpu.wait_dma2 semaphore(%run_scoped3A : memref<!tpu.dma_semaphore, #tpu.memory_space<semaphore_mem>>) src(%arg7 : memref<52x128xf32, #tpu.memory_space<vmem>>) dst(%dma_wait3A_476 : memref<52x128xf32, #tpu.memory_space<vmem_shared>>)
      tpu.yield
    }) : () -> ()
    %add3A_160 = arith.constant 520 : i32
    %add3A_161 = arith.addi %mul3A_139, %add3A_160 : i32
    "tpu.region"() ({
      %run_scoped3A = tpu.sem_alloc : memref<!tpu.dma_semaphore, #tpu.memory_space<semaphore_mem>>
      %dma_start3A_469 = arith.constant 0 : i32
      %dma_start3A_470 = tpu.memref_slice %arg8[%add3A_161, %dma_start3A_469] : memref<10512x128xf32, #tpu.memory_space<vmem_shared>> -> memref<52x128xf32, #tpu.memory_space<vmem_shared>>
      %dma_start3A_471 = arith.constant 0 : i32
      %dma_start3A_472 = tpu.memref_slice %arg8[%add3A_161, %dma_start3A_471] : memref<10512x128xf32, #tpu.memory_space<vmem_shared>> -> memref<52x128xf32, #tpu.memory_space<vmem_shared>>
      tpu.enqueue_dma source(%arg7 : memref<52x128xf32, #tpu.memory_space<vmem>>) target(%dma_start3A_472 : memref<52x128xf32, #tpu.memory_space<vmem_shared>>) target_semaphore(%run_scoped3A : memref<!tpu.dma_semaphore, #tpu.memory_space<semaphore_mem>>)
      %dma_wait3A_473 = arith.constant 0 : i32
      %dma_wait3A_474 = tpu.memref_slice %arg8[%add3A_161, %dma_wait3A_473] : memref<10512x128xf32, #tpu.memory_space<vmem_shared>> -> memref<52x128xf32, #tpu.memory_space<vmem_shared>>
      %dma_wait3A_475 = arith.constant 0 : i32
      %dma_wait3A_476 = tpu.memref_slice %arg8[%add3A_161, %dma_wait3A_475] : memref<10512x128xf32, #tpu.memory_space<vmem_shared>> -> memref<52x128xf32, #tpu.memory_space<vmem_shared>>
      tpu.wait_dma2 semaphore(%run_scoped3A : memref<!tpu.dma_semaphore, #tpu.memory_space<semaphore_mem>>) src(%arg7 : memref<52x128xf32, #tpu.memory_space<vmem>>) dst(%dma_wait3A_476 : memref<52x128xf32, #tpu.memory_space<vmem_shared>>)
      tpu.yield
    }) : () -> ()
    %add3A_162 = arith.constant 572 : i32
    %add3A_163 = arith.addi %mul3A_139, %add3A_162 : i32
    "tpu.region"() ({
      %run_scoped3A = tpu.sem_alloc : memref<!tpu.dma_semaphore, #tpu.memory_space<semaphore_mem>>
      %dma_start3A_469 = arith.constant 0 : i32
      %dma_start3A_470 = tpu.memref_slice %arg8[%add3A_163, %dma_start3A_469] : memref<10512x128xf32, #tpu.memory_space<vmem_shared>> -> memref<52x128xf32, #tpu.memory_space<vmem_shared>>
      %dma_start3A_471 = arith.constant 0 : i32
      %dma_start3A_472 = tpu.memref_slice %arg8[%add3A_163, %dma_start3A_471] : memref<10512x128xf32, #tpu.memory_space<vmem_shared>> -> memref<52x128xf32, #tpu.memory_space<vmem_shared>>
      tpu.enqueue_dma source(%arg7 : memref<52x128xf32, #tpu.memory_space<vmem>>) target(%dma_start3A_472 : memref<52x128xf32, #tpu.memory_space<vmem_shared>>) target_semaphore(%run_scoped3A : memref<!tpu.dma_semaphore, #tpu.memory_space<semaphore_mem>>)
      %dma_wait3A_473 = arith.constant 0 : i32
      %dma_wait3A_474 = tpu.memref_slice %arg8[%add3A_163, %dma_wait3A_473] : memref<10512x128xf32, #tpu.memory_space<vmem_shared>> -> memref<52x128xf32, #tpu.memory_space<vmem_shared>>
      %dma_wait3A_475 = arith.constant 0 : i32
      %dma_wait3A_476 = tpu.memref_slice %arg8[%add3A_163, %dma_wait3A_475] : memref<10512x128xf32, #tpu.memory_space<vmem_shared>> -> memref<52x128xf32, #tpu.memory_space<vmem_shared>>
      tpu.wait_dma2 semaphore(%run_scoped3A : memref<!tpu.dma_semaphore, #tpu.memory_space<semaphore_mem>>) src(%arg7 : memref<52x128xf32, #tpu.memory_space<vmem>>) dst(%dma_wait3A_476 : memref<52x128xf32, #tpu.memory_space<vmem_shared>>)
      tpu.yield
    }) : () -> ()
    %eq3A_164 = arith.constant 15 : i32
    %eq3A_165 = arith.cmpi eq, %arg1, %eq3A_164 : i32
    %convert_element_type3A = arith.extui %eq3A_165 : i1 to i32
    %cond3A = arith.constant 0 : i32
    %cond3A_166 = arith.cmpi ne, %convert_element_type3A, %cond3A : i32
    scf.if %cond3A_166 {
      "tpu.region"() ({
        %run_scoped3A = tpu.sem_alloc : memref<!tpu.dma_semaphore, #tpu.memory_space<semaphore_mem>>
        %dma_start3A_469 = arith.constant 0 : i32
        %dma_start3A_470 = arith.constant 0 : i32
        %dma_start3A_471 = tpu.memref_slice %arg7[%dma_start3A_469, %dma_start3A_470] : memref<52x128xf32, #tpu.memory_space<vmem>> -> memref<16x128xf32, #tpu.memory_space<vmem>>
        %dma_start3A_472 = arith.constant 9984 : i32
        %dma_start3A_473 = arith.constant 0 : i32
        %dma_start3A_474 = tpu.memref_slice %arg8[%dma_start3A_472, %dma_start3A_473] : memref<10512x128xf32, #tpu.memory_space<vmem_shared>> -> memref<16x128xf32, #tpu.memory_space<vmem_shared>>
        %dma_start3A_475 = arith.constant 9984 : i32
        %dma_start3A_476 = arith.constant 0 : i32
        %dma_start3A_477 = tpu.memref_slice %arg8[%dma_start3A_475, %dma_start3A_476] : memref<10512x128xf32, #tpu.memory_space<vmem_shared>> -> memref<16x128xf32, #tpu.memory_space<vmem_shared>>
        %dma_start3A_478 = arith.constant 0 : i32
        %dma_start3A_479 = arith.constant 0 : i32
        %dma_start3A_480 = tpu.memref_slice %arg7[%dma_start3A_478, %dma_start3A_479] : memref<52x128xf32, #tpu.memory_space<vmem>> -> memref<16x128xf32, #tpu.memory_space<vmem>>
        tpu.enqueue_dma source(%dma_start3A_480 : memref<16x128xf32, #tpu.memory_space<vmem>>) target(%dma_start3A_477 : memref<16x128xf32, #tpu.memory_space<vmem_shared>>) target_semaphore(%run_scoped3A : memref<!tpu.dma_semaphore, #tpu.memory_space<semaphore_mem>>)
        %dma_wait3A_481 = arith.constant 0 : i32
        %dma_wait3A_482 = arith.constant 0 : i32
        %dma_wait3A_483 = tpu.memref_slice %arg7[%dma_wait3A_481, %dma_wait3A_482] : memref<52x128xf32, #tpu.memory_space<vmem>> -> memref<16x128xf32, #tpu.memory_space<vmem>>
        %dma_wait3A_484 = arith.constant 9984 : i32
        %dma_wait3A_485 = arith.constant 0 : i32
        %dma_wait3A_486 = tpu.memref_slice %arg8[%dma_wait3A_484, %dma_wait3A_485] : memref<10512x128xf32, #tpu.memory_space<vmem_shared>> -> memref<16x128xf32, #tpu.memory_space<vmem_shared>>
        %dma_wait3A_487 = arith.constant 9984 : i32
        %dma_wait3A_488 = arith.constant 0 : i32
        %dma_wait3A_489 = tpu.memref_slice %arg8[%dma_wait3A_487, %dma_wait3A_488] : memref<10512x128xf32, #tpu.memory_space<vmem_shared>> -> memref<16x128xf32, #tpu.memory_space<vmem_shared>>
        %dma_wait3A_490 = arith.constant 0 : i32
        %dma_wait3A_491 = arith.constant 0 : i32
        %dma_wait3A_492 = tpu.memref_slice %arg7[%dma_wait3A_490, %dma_wait3A_491] : memref<52x128xf32, #tpu.memory_space<vmem>> -> memref<16x128xf32, #tpu.memory_space<vmem>>
        tpu.wait_dma2 semaphore(%run_scoped3A : memref<!tpu.dma_semaphore, #tpu.memory_space<semaphore_mem>>) src(%dma_wait3A_492 : memref<16x128xf32, #tpu.memory_space<vmem>>) dst(%dma_wait3A_489 : memref<16x128xf32, #tpu.memory_space<vmem_shared>>)
        tpu.yield
      }) : () -> ()
    } else {
    }
    %barrier3A = arith.constant 0 : index
    tpu.barrier barrier_id(%barrier3A)
    %dma_wait3A_167 = arith.constant 0 : i32
    %dma_wait3A_168 = arith.constant 0 : i32
    %dma_wait3A_169 = arith.constant 0 : i32
    %dma_wait3A_170 = arith.constant 0 : i32
    "tpu.trace_stop"() : () -> ()
    "tpu.trace_start"() <{level = 10 : i32, message = "warmup"}> : () -> ()
    %dma_wait3A_171 = arith.constant 0 : i32
    %dma_wait3A_172 = arith.constant 0 : i32
    %dma_wait3A_173 = tpu.memref_slice %arg6[%dma_wait3A_169, %dma_wait3A_171, %dma_wait3A_172] : memref<2x128x128xf32, #tpu.memory_space<vmem>> -> memref<1x128x128xf32, #tpu.memory_space<vmem>>
    %dma_wait3A_174 = tpu.memref_squeeze %dma_wait3A_173 : memref<1x128x128xf32, #tpu.memory_space<vmem>> -> memref<128x128xf32, #tpu.memory_space<vmem>>
    %dma_wait3A_175 = arith.constant 0 : i32
    %dma_wait3A_176 = tpu.memref_slice %arg5[%dma_wait3A_167, %dma_wait3A_168, %dma_wait3A_175] : memref<4x2x128xi32, #tpu.memory_space<vmem>> -> memref<1x1x128xi32, #tpu.memory_space<vmem>>
    %dma_wait3A_177 = tpu.memref_squeeze %dma_wait3A_176 : memref<1x1x128xi32, #tpu.memory_space<vmem>> -> memref<128xi32, #tpu.memory_space<vmem>>
    %dma_wait3A_178 = arith.constant 0 : i32
    %dma_wait3A_179 = arith.constant 0 : i32
    %dma_wait3A_180 = tpu.memref_slice %arg2[%dma_wait3A_178, %dma_wait3A_179] : memref<10000x128xf32, #tpu.memory_space<hbm>> -> memref<10000x128xf32, #tpu.memory_space<hbm>>
    %dma_wait3A_181 = tpu.memref_slice %arg9[%dma_wait3A_170] : memref<2x!tpu.dma_semaphore, #tpu.memory_space<semaphore_mem>> -> memref<1x!tpu.dma_semaphore, #tpu.memory_space<semaphore_mem>>
    %dma_wait3A_182 = tpu.memref_squeeze %dma_wait3A_181 : memref<1x!tpu.dma_semaphore, #tpu.memory_space<semaphore_mem>> -> memref<!tpu.dma_semaphore, #tpu.memory_space<semaphore_mem>>
    tpu.wait_indirect_dma semaphore(%dma_wait3A_182 : memref<!tpu.dma_semaphore, #tpu.memory_space<semaphore_mem>>) src(%dma_wait3A_180 : memref<10000x128xf32, #tpu.memory_space<hbm>>) dst(%dma_wait3A_174 : memref<128x128xf32, #tpu.memory_space<vmem>>)
    %dma_start3A_183 = arith.constant 0 : i32
    %dma_start3A_184 = arith.constant 0 : i32
    %dma_start3A_185 = arith.constant 1 : i32
    %dma_start3A_186 = arith.constant 0 : i32
    %dma_start3A_187 = arith.constant 0 : i32
    %dma_start3A_188 = arith.constant 0 : i32
    %dma_start3A_189 = tpu.memref_slice %arg6[%dma_start3A_183, %dma_start3A_187, %dma_start3A_188] : memref<2x128x128xf32, #tpu.memory_space<vmem>> -> memref<1x128x128xf32, #tpu.memory_space<vmem>>
    %dma_start3A_190 = tpu.memref_squeeze %dma_start3A_189 : memref<1x128x128xf32, #tpu.memory_space<vmem>> -> memref<128x128xf32, #tpu.memory_space<vmem>>
    %dma_start3A_191 = arith.constant 0 : i32
    %dma_start3A_192 = tpu.memref_slice %arg5[%dma_start3A_184, %dma_start3A_185, %dma_start3A_191] : memref<4x2x128xi32, #tpu.memory_space<vmem>> -> memref<1x1x128xi32, #tpu.memory_space<vmem>>
    %dma_start3A_193 = tpu.memref_squeeze %dma_start3A_192 : memref<1x1x128xi32, #tpu.memory_space<vmem>> -> memref<128xi32, #tpu.memory_space<vmem>>
    %dma_start3A_194 = arith.constant 0 : i32
    %dma_start3A_195 = arith.constant 0 : i32
    %dma_start3A_196 = tpu.memref_slice %arg8[%dma_start3A_194, %dma_start3A_195] : memref<10512x128xf32, #tpu.memory_space<vmem_shared>> -> memref<10512x128xf32, #tpu.memory_space<vmem_shared>>
    %dma_start3A_197 = tpu.memref_slice %arg10[%dma_start3A_186] : memref<2x!tpu.dma_semaphore, #tpu.memory_space<semaphore_mem>> -> memref<1x!tpu.dma_semaphore, #tpu.memory_space<semaphore_mem>>
    %dma_start3A_198 = tpu.memref_squeeze %dma_start3A_197 : memref<1x!tpu.dma_semaphore, #tpu.memory_space<semaphore_mem>> -> memref<!tpu.dma_semaphore, #tpu.memory_space<semaphore_mem>>
    tpu.enqueue_indirect_dma source(%dma_start3A_190 : memref<128x128xf32, #tpu.memory_space<vmem>>) target(%dma_start3A_196 : memref<10512x128xf32, #tpu.memory_space<vmem_shared>>) offsets(%dma_start3A_193 : memref<128xi32, #tpu.memory_space<vmem>>) semaphore(%dma_start3A_198 : memref<!tpu.dma_semaphore, #tpu.memory_space<semaphore_mem>>) {add = true}
    %add3A_199 = arith.constant 384 : i32
    %add3A_200 = arith.addi %mul3A_10, %add3A_199 : i32
    %dma_start3A_201 = arith.constant 3 : i32
    %dma_start3A_202 = arith.constant 3 : i32
    %dma_start3A_203 = arith.constant 0 : i32
    %dma_start3A_204 = arith.constant 0 : i32
    %dma_start3A_205 = tpu.memref_slice %arg5[%dma_start3A_201, %dma_start3A_203, %dma_start3A_204] : memref<4x2x128xi32, #tpu.memory_space<vmem>> -> memref<1x2x128xi32, #tpu.memory_space<vmem>>
    %dma_start3A_206 = tpu.memref_squeeze %dma_start3A_205 : memref<1x2x128xi32, #tpu.memory_space<vmem>> -> memref<2x128xi32, #tpu.memory_space<vmem>>
    %dma_start3A_207 = arith.constant 0 : i32
    %dma_start3A_208 = tpu.memref_slice %arg3[%dma_start3A_207, %add3A_200] : memref<2x323584xi32, #tpu.memory_space<hbm>> -> memref<2x128xi32, #tpu.memory_space<hbm>>
    %dma_start3A_209 = tpu.memref_slice %arg11[%dma_start3A_202] : memref<4x!tpu.dma_semaphore, #tpu.memory_space<semaphore_mem>> -> memref<1x!tpu.dma_semaphore, #tpu.memory_space<semaphore_mem>>
    %dma_start3A_210 = tpu.memref_squeeze %dma_start3A_209 : memref<1x!tpu.dma_semaphore, #tpu.memory_space<semaphore_mem>> -> memref<!tpu.dma_semaphore, #tpu.memory_space<semaphore_mem>>
    %dma_start3A_211 = arith.constant 0 : i32
    %dma_start3A_212 = arith.constant 0 : i32
    %dma_start3A_213 = tpu.memref_slice %arg5[%dma_start3A_201, %dma_start3A_211, %dma_start3A_212] : memref<4x2x128xi32, #tpu.memory_space<vmem>> -> memref<1x2x128xi32, #tpu.memory_space<vmem>>
    %dma_start3A_214 = tpu.memref_squeeze %dma_start3A_213 : memref<1x2x128xi32, #tpu.memory_space<vmem>> -> memref<2x128xi32, #tpu.memory_space<vmem>>
    %dma_start3A_215 = arith.constant 0 : i32
    %dma_start3A_216 = tpu.memref_slice %arg3[%dma_start3A_215, %add3A_200] : memref<2x323584xi32, #tpu.memory_space<hbm>> -> memref<2x128xi32, #tpu.memory_space<hbm>>
    tpu.enqueue_dma source(%dma_start3A_216 : memref<2x128xi32, #tpu.memory_space<hbm>>) target(%dma_start3A_214 : memref<2x128xi32, #tpu.memory_space<vmem>>) target_semaphore(%dma_start3A_210 : memref<!tpu.dma_semaphore, #tpu.memory_space<semaphore_mem>>)
    "tpu.trace_stop"() : () -> ()
    "tpu.trace_start"() <{level = 10 : i32, message = "main_loop"}> : () -> ()
    %sub3A = arith.constant 3 : i32
    %sub3A_217 = arith.subi %select_n3A, %sub3A : i32
    %while3A = arith.constant 1 : i32
    %while3A_218 = arith.constant 0 : i32
    %while3A_219 = arith.subi %sub3A_217, %while3A : i32
    %while3A_220 = arith.addi %while3A, %while3A_219 : i32
    %while3A_221 = arith.constant 1 : i32
    %while3A_222 = arith.divsi %while3A_219, %while3A_221 : i32
    %while3A_223 = arith.muli %while3A_222, %while3A_221 : i32
    %while3A_224 = arith.addi %while3A, %while3A_223 : i32
    %while3A_225 = arith.constant 1 : i32
    %while3A_226 = scf.for %while3A_469 = %while3A to %while3A_224 step %while3A_225 iter_args(%while3A_470 = %while3A_218) -> (i32)  : i32 {
      %rem3A = arith.constant 4 : i32
      %rem3A_471 = arith.remsi %while3A_469, %rem3A : i32
      %rem3A_472 = arith.constant 2 : i32
      %rem3A_473 = arith.remsi %while3A_469, %rem3A_472 : i32
      %add3A_474 = arith.constant 1 : i32
      %add3A_475 = arith.addi %while3A_469, %add3A_474 : i32
      %rem3A_476 = arith.constant 4 : i32
      %rem3A_477 = arith.remsi %add3A_475, %rem3A_476 : i32
      %add3A_478 = arith.constant 1 : i32
      %add3A_479 = arith.addi %while3A_469, %add3A_478 : i32
      %rem3A_480 = arith.constant 2 : i32
      %rem3A_481 = arith.remsi %add3A_479, %rem3A_480 : i32
      %dma_wait3A_482 = arith.constant 0 : i32
      %dma_wait3A_483 = arith.constant 0 : i32
      %dma_wait3A_484 = arith.constant 0 : i32
      %dma_wait3A_485 = tpu.memref_slice %arg6[%rem3A_473, %dma_wait3A_483, %dma_wait3A_484] : memref<2x128x128xf32, #tpu.memory_space<vmem>> -> memref<1x128x128xf32, #tpu.memory_space<vmem>>
      %dma_wait3A_486 = tpu.memref_squeeze %dma_wait3A_485 : memref<1x128x128xf32, #tpu.memory_space<vmem>> -> memref<128x128xf32, #tpu.memory_space<vmem>>
      %dma_wait3A_487 = arith.constant 0 : i32
      %dma_wait3A_488 = tpu.memref_slice %arg5[%rem3A_471, %dma_wait3A_482, %dma_wait3A_487] : memref<4x2x128xi32, #tpu.memory_space<vmem>> -> memref<1x1x128xi32, #tpu.memory_space<vmem>>
      %dma_wait3A_489 = tpu.memref_squeeze %dma_wait3A_488 : memref<1x1x128xi32, #tpu.memory_space<vmem>> -> memref<128xi32, #tpu.memory_space<vmem>>
      %dma_wait3A_490 = arith.constant 0 : i32
      %dma_wait3A_491 = arith.constant 0 : i32
      %dma_wait3A_492 = tpu.memref_slice %arg2[%dma_wait3A_490, %dma_wait3A_491] : memref<10000x128xf32, #tpu.memory_space<hbm>> -> memref<10000x128xf32, #tpu.memory_space<hbm>>
      %dma_wait3A_493 = tpu.memref_slice %arg9[%rem3A_473] : memref<2x!tpu.dma_semaphore, #tpu.memory_space<semaphore_mem>> -> memref<1x!tpu.dma_semaphore, #tpu.memory_space<semaphore_mem>>
      %dma_wait3A_494 = tpu.memref_squeeze %dma_wait3A_493 : memref<1x!tpu.dma_semaphore, #tpu.memory_space<semaphore_mem>> -> memref<!tpu.dma_semaphore, #tpu.memory_space<semaphore_mem>>
      tpu.wait_indirect_dma semaphore(%dma_wait3A_494 : memref<!tpu.dma_semaphore, #tpu.memory_space<semaphore_mem>>) src(%dma_wait3A_492 : memref<10000x128xf32, #tpu.memory_space<hbm>>) dst(%dma_wait3A_486 : memref<128x128xf32, #tpu.memory_space<vmem>>)
      %dma_start3A_495 = arith.constant 1 : i32
      %dma_start3A_496 = arith.constant 0 : i32
      %dma_start3A_497 = arith.constant 0 : i32
      %dma_start3A_498 = tpu.memref_slice %arg6[%rem3A_473, %dma_start3A_496, %dma_start3A_497] : memref<2x128x128xf32, #tpu.memory_space<vmem>> -> memref<1x128x128xf32, #tpu.memory_space<vmem>>
      %dma_start3A_499 = tpu.memref_squeeze %dma_start3A_498 : memref<1x128x128xf32, #tpu.memory_space<vmem>> -> memref<128x128xf32, #tpu.memory_space<vmem>>
      %dma_start3A_500 = arith.constant 0 : i32
      %dma_start3A_501 = tpu.memref_slice %arg5[%rem3A_471, %dma_start3A_495, %dma_start3A_500] : memref<4x2x128xi32, #tpu.memory_space<vmem>> -> memref<1x1x128xi32, #tpu.memory_space<vmem>>
      %dma_start3A_502 = tpu.memref_squeeze %dma_start3A_501 : memref<1x1x128xi32, #tpu.memory_space<vmem>> -> memref<128xi32, #tpu.memory_space<vmem>>
      %dma_start3A_503 = arith.constant 0 : i32
      %dma_start3A_504 = arith.constant 0 : i32
      %dma_start3A_505 = tpu.memref_slice %arg8[%dma_start3A_503, %dma_start3A_504] : memref<10512x128xf32, #tpu.memory_space<vmem_shared>> -> memref<10512x128xf32, #tpu.memory_space<vmem_shared>>
      %dma_start3A_506 = tpu.memref_slice %arg10[%rem3A_473] : memref<2x!tpu.dma_semaphore, #tpu.memory_space<semaphore_mem>> -> memref<1x!tpu.dma_semaphore, #tpu.memory_space<semaphore_mem>>
      %dma_start3A_507 = tpu.memref_squeeze %dma_start3A_506 : memref<1x!tpu.dma_semaphore, #tpu.memory_space<semaphore_mem>> -> memref<!tpu.dma_semaphore, #tpu.memory_space<semaphore_mem>>
      tpu.enqueue_indirect_dma source(%dma_start3A_499 : memref<128x128xf32, #tpu.memory_space<vmem>>) target(%dma_start3A_505 : memref<10512x128xf32, #tpu.memory_space<vmem_shared>>) offsets(%dma_start3A_502 : memref<128xi32, #tpu.memory_space<vmem>>) semaphore(%dma_start3A_507 : memref<!tpu.dma_semaphore, #tpu.memory_space<semaphore_mem>>) {add = true}
      %add3A_508 = arith.constant 1 : i32
      %add3A_509 = arith.addi %while3A_469, %add3A_508 : i32
      %mul3A_510 = arith.constant 128 : i32
      %mul3A_511 = arith.muli %add3A_509, %mul3A_510 : i32
      %add3A_512 = arith.addi %mul3A_10, %mul3A_511 : i32
      %dma_wait3A_513 = arith.constant 0 : i32
      %dma_wait3A_514 = arith.constant 0 : i32
      %dma_wait3A_515 = tpu.memref_slice %arg5[%rem3A_477, %dma_wait3A_513, %dma_wait3A_514] : memref<4x2x128xi32, #tpu.memory_space<vmem>> -> memref<1x2x128xi32, #tpu.memory_space<vmem>>
      %dma_wait3A_516 = tpu.memref_squeeze %dma_wait3A_515 : memref<1x2x128xi32, #tpu.memory_space<vmem>> -> memref<2x128xi32, #tpu.memory_space<vmem>>
      %dma_wait3A_517 = arith.constant 0 : i32
      %dma_wait3A_518 = tpu.memref_slice %arg3[%dma_wait3A_517, %add3A_512] : memref<2x323584xi32, #tpu.memory_space<hbm>> -> memref<2x128xi32, #tpu.memory_space<hbm>>
      %dma_wait3A_519 = tpu.memref_slice %arg11[%rem3A_477] : memref<4x!tpu.dma_semaphore, #tpu.memory_space<semaphore_mem>> -> memref<1x!tpu.dma_semaphore, #tpu.memory_space<semaphore_mem>>
      %dma_wait3A_520 = tpu.memref_squeeze %dma_wait3A_519 : memref<1x!tpu.dma_semaphore, #tpu.memory_space<semaphore_mem>> -> memref<!tpu.dma_semaphore, #tpu.memory_space<semaphore_mem>>
      %dma_wait3A_521 = arith.constant 0 : i32
      %dma_wait3A_522 = arith.constant 0 : i32
      %dma_wait3A_523 = tpu.memref_slice %arg5[%rem3A_477, %dma_wait3A_521, %dma_wait3A_522] : memref<4x2x128xi32, #tpu.memory_space<vmem>> -> memref<1x2x128xi32, #tpu.memory_space<vmem>>
      %dma_wait3A_524 = tpu.memref_squeeze %dma_wait3A_523 : memref<1x2x128xi32, #tpu.memory_space<vmem>> -> memref<2x128xi32, #tpu.memory_space<vmem>>
      %dma_wait3A_525 = arith.constant 0 : i32
      %dma_wait3A_526 = tpu.memref_slice %arg3[%dma_wait3A_525, %add3A_512] : memref<2x323584xi32, #tpu.memory_space<hbm>> -> memref<2x128xi32, #tpu.memory_space<hbm>>
      tpu.wait_dma2 semaphore(%dma_wait3A_520 : memref<!tpu.dma_semaphore, #tpu.memory_space<semaphore_mem>>) src(%dma_wait3A_526 : memref<2x128xi32, #tpu.memory_space<hbm>>) dst(%dma_wait3A_524 : memref<2x128xi32, #tpu.memory_space<vmem>>)
      %sub3A_527 = arith.constant 1 : i32
      %sub3A_528 = arith.subi %while3A_469, %sub3A_527 : i32
      %rem3A_529 = arith.constant 4 : i32
      %rem3A_530 = arith.remsi %sub3A_528, %rem3A_529 : i32
      %dma_wait3A_531 = arith.constant 1 : i32
      %dma_wait3A_532 = arith.constant 0 : i32
      %dma_wait3A_533 = arith.constant 0 : i32
      %dma_wait3A_534 = tpu.memref_slice %arg6[%rem3A_481, %dma_wait3A_532, %dma_wait3A_533] : memref<2x128x128xf32, #tpu.memory_space<vmem>> -> memref<1x128x128xf32, #tpu.memory_space<vmem>>
      %dma_wait3A_535 = tpu.memref_squeeze %dma_wait3A_534 : memref<1x128x128xf32, #tpu.memory_space<vmem>> -> memref<128x128xf32, #tpu.memory_space<vmem>>
      %dma_wait3A_536 = arith.constant 0 : i32
      %dma_wait3A_537 = tpu.memref_slice %arg5[%rem3A_530, %dma_wait3A_531, %dma_wait3A_536] : memref<4x2x128xi32, #tpu.memory_space<vmem>> -> memref<1x1x128xi32, #tpu.memory_space<vmem>>
      %dma_wait3A_538 = tpu.memref_squeeze %dma_wait3A_537 : memref<1x1x128xi32, #tpu.memory_space<vmem>> -> memref<128xi32, #tpu.memory_space<vmem>>
      %dma_wait3A_539 = arith.constant 0 : i32
      %dma_wait3A_540 = arith.constant 0 : i32
      %dma_wait3A_541 = tpu.memref_slice %arg8[%dma_wait3A_539, %dma_wait3A_540] : memref<10512x128xf32, #tpu.memory_space<vmem_shared>> -> memref<10512x128xf32, #tpu.memory_space<vmem_shared>>
      %dma_wait3A_542 = tpu.memref_slice %arg10[%rem3A_481] : memref<2x!tpu.dma_semaphore, #tpu.memory_space<semaphore_mem>> -> memref<1x!tpu.dma_semaphore, #tpu.memory_space<semaphore_mem>>
      %dma_wait3A_543 = tpu.memref_squeeze %dma_wait3A_542 : memref<1x!tpu.dma_semaphore, #tpu.memory_space<semaphore_mem>> -> memref<!tpu.dma_semaphore, #tpu.memory_space<semaphore_mem>>
      tpu.wait_indirect_dma semaphore(%dma_wait3A_543 : memref<!tpu.dma_semaphore, #tpu.memory_space<semaphore_mem>>) src(%dma_wait3A_535 : memref<128x128xf32, #tpu.memory_space<vmem>>) dst(%dma_wait3A_541 : memref<10512x128xf32, #tpu.memory_space<vmem_shared>>)
      %dma_start3A_544 = arith.constant 0 : i32
      %dma_start3A_545 = arith.constant 0 : i32
      %dma_start3A_546 = arith.constant 0 : i32
      %dma_start3A_547 = tpu.memref_slice %arg6[%rem3A_481, %dma_start3A_545, %dma_start3A_546] : memref<2x128x128xf32, #tpu.memory_space<vmem>> -> memref<1x128x128xf32, #tpu.memory_space<vmem>>
      %dma_start3A_548 = tpu.memref_squeeze %dma_start3A_547 : memref<1x128x128xf32, #tpu.memory_space<vmem>> -> memref<128x128xf32, #tpu.memory_space<vmem>>
      %dma_start3A_549 = arith.constant 0 : i32
      %dma_start3A_550 = tpu.memref_slice %arg5[%rem3A_477, %dma_start3A_544, %dma_start3A_549] : memref<4x2x128xi32, #tpu.memory_space<vmem>> -> memref<1x1x128xi32, #tpu.memory_space<vmem>>
      %dma_start3A_551 = tpu.memref_squeeze %dma_start3A_550 : memref<1x1x128xi32, #tpu.memory_space<vmem>> -> memref<128xi32, #tpu.memory_space<vmem>>
      %dma_start3A_552 = arith.constant 0 : i32
      %dma_start3A_553 = arith.constant 0 : i32
      %dma_start3A_554 = tpu.memref_slice %arg2[%dma_start3A_552, %dma_start3A_553] : memref<10000x128xf32, #tpu.memory_space<hbm>> -> memref<10000x128xf32, #tpu.memory_space<hbm>>
      %dma_start3A_555 = tpu.memref_slice %arg9[%rem3A_481] : memref<2x!tpu.dma_semaphore, #tpu.memory_space<semaphore_mem>> -> memref<1x!tpu.dma_semaphore, #tpu.memory_space<semaphore_mem>>
      %dma_start3A_556 = tpu.memref_squeeze %dma_start3A_555 : memref<1x!tpu.dma_semaphore, #tpu.memory_space<semaphore_mem>> -> memref<!tpu.dma_semaphore, #tpu.memory_space<semaphore_mem>>
      tpu.enqueue_indirect_dma source(%dma_start3A_554 : memref<10000x128xf32, #tpu.memory_space<hbm>>) target(%dma_start3A_548 : memref<128x128xf32, #tpu.memory_space<vmem>>) offsets(%dma_start3A_551 : memref<128xi32, #tpu.memory_space<vmem>>) semaphore(%dma_start3A_556 : memref<!tpu.dma_semaphore, #tpu.memory_space<semaphore_mem>>)
      %add3A_557 = arith.constant 3 : i32
      %add3A_558 = arith.addi %while3A_469, %add3A_557 : i32
      %add3A_559 = arith.constant 3 : i32
      %add3A_560 = arith.addi %while3A_469, %add3A_559 : i32
      %rem3A_561 = arith.constant 4 : i32
      %rem3A_562 = arith.remsi %add3A_560, %rem3A_561 : i32
      %mul3A_563 = arith.constant 128 : i32
      %mul3A_564 = arith.muli %add3A_558, %mul3A_563 : i32
      %add3A_565 = arith.addi %mul3A_10, %mul3A_564 : i32
      %dma_start3A_566 = arith.constant 0 : i32
      %dma_start3A_567 = arith.constant 0 : i32
      %dma_start3A_568 = tpu.memref_slice %arg5[%rem3A_562, %dma_start3A_566, %dma_start3A_567] : memref<4x2x128xi32, #tpu.memory_space<vmem>> -> memref<1x2x128xi32, #tpu.memory_space<vmem>>
      %dma_start3A_569 = tpu.memref_squeeze %dma_start3A_568 : memref<1x2x128xi32, #tpu.memory_space<vmem>> -> memref<2x128xi32, #tpu.memory_space<vmem>>
      %dma_start3A_570 = arith.constant 0 : i32
      %dma_start3A_571 = tpu.memref_slice %arg3[%dma_start3A_570, %add3A_565] : memref<2x323584xi32, #tpu.memory_space<hbm>> -> memref<2x128xi32, #tpu.memory_space<hbm>>
      %dma_start3A_572 = tpu.memref_slice %arg11[%rem3A_562] : memref<4x!tpu.dma_semaphore, #tpu.memory_space<semaphore_mem>> -> memref<1x!tpu.dma_semaphore, #tpu.memory_space<semaphore_mem>>
      %dma_start3A_573 = tpu.memref_squeeze %dma_start3A_572 : memref<1x!tpu.dma_semaphore, #tpu.memory_space<semaphore_mem>> -> memref<!tpu.dma_semaphore, #tpu.memory_space<semaphore_mem>>
      %dma_start3A_574 = arith.constant 0 : i32
      %dma_start3A_575 = arith.constant 0 : i32
      %dma_start3A_576 = tpu.memref_slice %arg5[%rem3A_562, %dma_start3A_574, %dma_start3A_575] : memref<4x2x128xi32, #tpu.memory_space<vmem>> -> memref<1x2x128xi32, #tpu.memory_space<vmem>>
      %dma_start3A_577 = tpu.memref_squeeze %dma_start3A_576 : memref<1x2x128xi32, #tpu.memory_space<vmem>> -> memref<2x128xi32, #tpu.memory_space<vmem>>
      %dma_start3A_578 = arith.constant 0 : i32
      %dma_start3A_579 = tpu.memref_slice %arg3[%dma_start3A_578, %add3A_565] : memref<2x323584xi32, #tpu.memory_space<hbm>> -> memref<2x128xi32, #tpu.memory_space<hbm>>
      tpu.enqueue_dma source(%dma_start3A_579 : memref<2x128xi32, #tpu.memory_space<hbm>>) target(%dma_start3A_577 : memref<2x128xi32, #tpu.memory_space<vmem>>) target_semaphore(%dma_start3A_573 : memref<!tpu.dma_semaphore, #tpu.memory_space<semaphore_mem>>)
      %while3A_580 = arith.constant 0 : i32
      scf.yield %while3A_580 : i32
    }
    %while3A_227 = arith.constant 1 : i32
    %while3A_228 = scf.for %while3A_469 = %while3A_224 to %while3A_220 step %while3A_227 iter_args(%while3A_470 = %while3A_226) -> (i32)  : i32 {
      %rem3A = arith.constant 4 : i32
      %rem3A_471 = arith.remsi %while3A_469, %rem3A : i32
      %rem3A_472 = arith.constant 2 : i32
      %rem3A_473 = arith.remsi %while3A_469, %rem3A_472 : i32
      %add3A_474 = arith.constant 1 : i32
      %add3A_475 = arith.addi %while3A_469, %add3A_474 : i32
      %rem3A_476 = arith.constant 4 : i32
      %rem3A_477 = arith.remsi %add3A_475, %rem3A_476 : i32
      %add3A_478 = arith.constant 1 : i32
      %add3A_479 = arith.addi %while3A_469, %add3A_478 : i32
      %rem3A_480 = arith.constant 2 : i32
      %rem3A_481 = arith.remsi %add3A_479, %rem3A_480 : i32
      %dma_wait3A_482 = arith.constant 0 : i32
      %dma_wait3A_483 = arith.constant 0 : i32
      %dma_wait3A_484 = arith.constant 0 : i32
      %dma_wait3A_485 = tpu.memref_slice %arg6[%rem3A_473, %dma_wait3A_483, %dma_wait3A_484] : memref<2x128x128xf32, #tpu.memory_space<vmem>> -> memref<1x128x128xf32, #tpu.memory_space<vmem>>
      %dma_wait3A_486 = tpu.memref_squeeze %dma_wait3A_485 : memref<1x128x128xf32, #tpu.memory_space<vmem>> -> memref<128x128xf32, #tpu.memory_space<vmem>>
      %dma_wait3A_487 = arith.constant 0 : i32
      %dma_wait3A_488 = tpu.memref_slice %arg5[%rem3A_471, %dma_wait3A_482, %dma_wait3A_487] : memref<4x2x128xi32, #tpu.memory_space<vmem>> -> memref<1x1x128xi32, #tpu.memory_space<vmem>>
      %dma_wait3A_489 = tpu.memref_squeeze %dma_wait3A_488 : memref<1x1x128xi32, #tpu.memory_space<vmem>> -> memref<128xi32, #tpu.memory_space<vmem>>
      %dma_wait3A_490 = arith.constant 0 : i32
      %dma_wait3A_491 = arith.constant 0 : i32
      %dma_wait3A_492 = tpu.memref_slice %arg2[%dma_wait3A_490, %dma_wait3A_491] : memref<10000x128xf32, #tpu.memory_space<hbm>> -> memref<10000x128xf32, #tpu.memory_space<hbm>>
      %dma_wait3A_493 = tpu.memref_slice %arg9[%rem3A_473] : memref<2x!tpu.dma_semaphore, #tpu.memory_space<semaphore_mem>> -> memref<1x!tpu.dma_semaphore, #tpu.memory_space<semaphore_mem>>
      %dma_wait3A_494 = tpu.memref_squeeze %dma_wait3A_493 : memref<1x!tpu.dma_semaphore, #tpu.memory_space<semaphore_mem>> -> memref<!tpu.dma_semaphore, #tpu.memory_space<semaphore_mem>>
      tpu.wait_indirect_dma semaphore(%dma_wait3A_494 : memref<!tpu.dma_semaphore, #tpu.memory_space<semaphore_mem>>) src(%dma_wait3A_492 : memref<10000x128xf32, #tpu.memory_space<hbm>>) dst(%dma_wait3A_486 : memref<128x128xf32, #tpu.memory_space<vmem>>)
      %dma_start3A_495 = arith.constant 1 : i32
      %dma_start3A_496 = arith.constant 0 : i32
      %dma_start3A_497 = arith.constant 0 : i32
      %dma_start3A_498 = tpu.memref_slice %arg6[%rem3A_473, %dma_start3A_496, %dma_start3A_497] : memref<2x128x128xf32, #tpu.memory_space<vmem>> -> memref<1x128x128xf32, #tpu.memory_space<vmem>>
      %dma_start3A_499 = tpu.memref_squeeze %dma_start3A_498 : memref<1x128x128xf32, #tpu.memory_space<vmem>> -> memref<128x128xf32, #tpu.memory_space<vmem>>
      %dma_start3A_500 = arith.constant 0 : i32
      %dma_start3A_501 = tpu.memref_slice %arg5[%rem3A_471, %dma_start3A_495, %dma_start3A_500] : memref<4x2x128xi32, #tpu.memory_space<vmem>> -> memref<1x1x128xi32, #tpu.memory_space<vmem>>
      %dma_start3A_502 = tpu.memref_squeeze %dma_start3A_501 : memref<1x1x128xi32, #tpu.memory_space<vmem>> -> memref<128xi32, #tpu.memory_space<vmem>>
      %dma_start3A_503 = arith.constant 0 : i32
      %dma_start3A_504 = arith.constant 0 : i32
      %dma_start3A_505 = tpu.memref_slice %arg8[%dma_start3A_503, %dma_start3A_504] : memref<10512x128xf32, #tpu.memory_space<vmem_shared>> -> memref<10512x128xf32, #tpu.memory_space<vmem_shared>>
      %dma_start3A_506 = tpu.memref_slice %arg10[%rem3A_473] : memref<2x!tpu.dma_semaphore, #tpu.memory_space<semaphore_mem>> -> memref<1x!tpu.dma_semaphore, #tpu.memory_space<semaphore_mem>>
      %dma_start3A_507 = tpu.memref_squeeze %dma_start3A_506 : memref<1x!tpu.dma_semaphore, #tpu.memory_space<semaphore_mem>> -> memref<!tpu.dma_semaphore, #tpu.memory_space<semaphore_mem>>
      tpu.enqueue_indirect_dma source(%dma_start3A_499 : memref<128x128xf32, #tpu.memory_space<vmem>>) target(%dma_start3A_505 : memref<10512x128xf32, #tpu.memory_space<vmem_shared>>) offsets(%dma_start3A_502 : memref<128xi32, #tpu.memory_space<vmem>>) semaphore(%dma_start3A_507 : memref<!tpu.dma_semaphore, #tpu.memory_space<semaphore_mem>>) {add = true}
      %add3A_508 = arith.constant 1 : i32
      %add3A_509 = arith.addi %while3A_469, %add3A_508 : i32
      %mul3A_510 = arith.constant 128 : i32
      %mul3A_511 = arith.muli %add3A_509, %mul3A_510 : i32
      %add3A_512 = arith.addi %mul3A_10, %mul3A_511 : i32
      %dma_wait3A_513 = arith.constant 0 : i32
      %dma_wait3A_514 = arith.constant 0 : i32
      %dma_wait3A_515 = tpu.memref_slice %arg5[%rem3A_477, %dma_wait3A_513, %dma_wait3A_514] : memref<4x2x128xi32, #tpu.memory_space<vmem>> -> memref<1x2x128xi32, #tpu.memory_space<vmem>>
      %dma_wait3A_516 = tpu.memref_squeeze %dma_wait3A_515 : memref<1x2x128xi32, #tpu.memory_space<vmem>> -> memref<2x128xi32, #tpu.memory_space<vmem>>
      %dma_wait3A_517 = arith.constant 0 : i32
      %dma_wait3A_518 = tpu.memref_slice %arg3[%dma_wait3A_517, %add3A_512] : memref<2x323584xi32, #tpu.memory_space<hbm>> -> memref<2x128xi32, #tpu.memory_space<hbm>>
      %dma_wait3A_519 = tpu.memref_slice %arg11[%rem3A_477] : memref<4x!tpu.dma_semaphore, #tpu.memory_space<semaphore_mem>> -> memref<1x!tpu.dma_semaphore, #tpu.memory_space<semaphore_mem>>
      %dma_wait3A_520 = tpu.memref_squeeze %dma_wait3A_519 : memref<1x!tpu.dma_semaphore, #tpu.memory_space<semaphore_mem>> -> memref<!tpu.dma_semaphore, #tpu.memory_space<semaphore_mem>>
      %dma_wait3A_521 = arith.constant 0 : i32
      %dma_wait3A_522 = arith.constant 0 : i32
      %dma_wait3A_523 = tpu.memref_slice %arg5[%rem3A_477, %dma_wait3A_521, %dma_wait3A_522] : memref<4x2x128xi32, #tpu.memory_space<vmem>> -> memref<1x2x128xi32, #tpu.memory_space<vmem>>
      %dma_wait3A_524 = tpu.memref_squeeze %dma_wait3A_523 : memref<1x2x128xi32, #tpu.memory_space<vmem>> -> memref<2x128xi32, #tpu.memory_space<vmem>>
      %dma_wait3A_525 = arith.constant 0 : i32
      %dma_wait3A_526 = tpu.memref_slice %arg3[%dma_wait3A_525, %add3A_512] : memref<2x323584xi32, #tpu.memory_space<hbm>> -> memref<2x128xi32, #tpu.memory_space<hbm>>
      tpu.wait_dma2 semaphore(%dma_wait3A_520 : memref<!tpu.dma_semaphore, #tpu.memory_space<semaphore_mem>>) src(%dma_wait3A_526 : memref<2x128xi32, #tpu.memory_space<hbm>>) dst(%dma_wait3A_524 : memref<2x128xi32, #tpu.memory_space<vmem>>)
      %sub3A_527 = arith.constant 1 : i32
      %sub3A_528 = arith.subi %while3A_469, %sub3A_527 : i32
      %rem3A_529 = arith.constant 4 : i32
      %rem3A_530 = arith.remsi %sub3A_528, %rem3A_529 : i32
      %dma_wait3A_531 = arith.constant 1 : i32
      %dma_wait3A_532 = arith.constant 0 : i32
      %dma_wait3A_533 = arith.constant 0 : i32
      %dma_wait3A_534 = tpu.memref_slice %arg6[%rem3A_481, %dma_wait3A_532, %dma_wait3A_533] : memref<2x128x128xf32, #tpu.memory_space<vmem>> -> memref<1x128x128xf32, #tpu.memory_space<vmem>>
      %dma_wait3A_535 = tpu.memref_squeeze %dma_wait3A_534 : memref<1x128x128xf32, #tpu.memory_space<vmem>> -> memref<128x128xf32, #tpu.memory_space<vmem>>
      %dma_wait3A_536 = arith.constant 0 : i32
      %dma_wait3A_537 = tpu.memref_slice %arg5[%rem3A_530, %dma_wait3A_531, %dma_wait3A_536] : memref<4x2x128xi32, #tpu.memory_space<vmem>> -> memref<1x1x128xi32, #tpu.memory_space<vmem>>
      %dma_wait3A_538 = tpu.memref_squeeze %dma_wait3A_537 : memref<1x1x128xi32, #tpu.memory_space<vmem>> -> memref<128xi32, #tpu.memory_space<vmem>>
      %dma_wait3A_539 = arith.constant 0 : i32
      %dma_wait3A_540 = arith.constant 0 : i32
      %dma_wait3A_541 = tpu.memref_slice %arg8[%dma_wait3A_539, %dma_wait3A_540] : memref<10512x128xf32, #tpu.memory_space<vmem_shared>> -> memref<10512x128xf32, #tpu.memory_space<vmem_shared>>
      %dma_wait3A_542 = tpu.memref_slice %arg10[%rem3A_481] : memref<2x!tpu.dma_semaphore, #tpu.memory_space<semaphore_mem>> -> memref<1x!tpu.dma_semaphore, #tpu.memory_space<semaphore_mem>>
      %dma_wait3A_543 = tpu.memref_squeeze %dma_wait3A_542 : memref<1x!tpu.dma_semaphore, #tpu.memory_space<semaphore_mem>> -> memref<!tpu.dma_semaphore, #tpu.memory_space<semaphore_mem>>
      tpu.wait_indirect_dma semaphore(%dma_wait3A_543 : memref<!tpu.dma_semaphore, #tpu.memory_space<semaphore_mem>>) src(%dma_wait3A_535 : memref<128x128xf32, #tpu.memory_space<vmem>>) dst(%dma_wait3A_541 : memref<10512x128xf32, #tpu.memory_space<vmem_shared>>)
      %dma_start3A_544 = arith.constant 0 : i32
      %dma_start3A_545 = arith.constant 0 : i32
      %dma_start3A_546 = arith.constant 0 : i32
      %dma_start3A_547 = tpu.memref_slice %arg6[%rem3A_481, %dma_start3A_545, %dma_start3A_546] : memref<2x128x128xf32, #tpu.memory_space<vmem>> -> memref<1x128x128xf32, #tpu.memory_space<vmem>>
      %dma_start3A_548 = tpu.memref_squeeze %dma_start3A_547 : memref<1x128x128xf32, #tpu.memory_space<vmem>> -> memref<128x128xf32, #tpu.memory_space<vmem>>
      %dma_start3A_549 = arith.constant 0 : i32
      %dma_start3A_550 = tpu.memref_slice %arg5[%rem3A_477, %dma_start3A_544, %dma_start3A_549] : memref<4x2x128xi32, #tpu.memory_space<vmem>> -> memref<1x1x128xi32, #tpu.memory_space<vmem>>
      %dma_start3A_551 = tpu.memref_squeeze %dma_start3A_550 : memref<1x1x128xi32, #tpu.memory_space<vmem>> -> memref<128xi32, #tpu.memory_space<vmem>>
      %dma_start3A_552 = arith.constant 0 : i32
      %dma_start3A_553 = arith.constant 0 : i32
      %dma_start3A_554 = tpu.memref_slice %arg2[%dma_start3A_552, %dma_start3A_553] : memref<10000x128xf32, #tpu.memory_space<hbm>> -> memref<10000x128xf32, #tpu.memory_space<hbm>>
      %dma_start3A_555 = tpu.memref_slice %arg9[%rem3A_481] : memref<2x!tpu.dma_semaphore, #tpu.memory_space<semaphore_mem>> -> memref<1x!tpu.dma_semaphore, #tpu.memory_space<semaphore_mem>>
      %dma_start3A_556 = tpu.memref_squeeze %dma_start3A_555 : memref<1x!tpu.dma_semaphore, #tpu.memory_space<semaphore_mem>> -> memref<!tpu.dma_semaphore, #tpu.memory_space<semaphore_mem>>
      tpu.enqueue_indirect_dma source(%dma_start3A_554 : memref<10000x128xf32, #tpu.memory_space<hbm>>) target(%dma_start3A_548 : memref<128x128xf32, #tpu.memory_space<vmem>>) offsets(%dma_start3A_551 : memref<128xi32, #tpu.memory_space<vmem>>) semaphore(%dma_start3A_556 : memref<!tpu.dma_semaphore, #tpu.memory_space<semaphore_mem>>)
      %add3A_557 = arith.constant 3 : i32
      %add3A_558 = arith.addi %while3A_469, %add3A_557 : i32
      %add3A_559 = arith.constant 3 : i32
      %add3A_560 = arith.addi %while3A_469, %add3A_559 : i32
      %rem3A_561 = arith.constant 4 : i32
      %rem3A_562 = arith.remsi %add3A_560, %rem3A_561 : i32
      %mul3A_563 = arith.constant 128 : i32
      %mul3A_564 = arith.muli %add3A_558, %mul3A_563 : i32
      %add3A_565 = arith.addi %mul3A_10, %mul3A_564 : i32
      %dma_start3A_566 = arith.constant 0 : i32
      %dma_start3A_567 = arith.constant 0 : i32
      %dma_start3A_568 = tpu.memref_slice %arg5[%rem3A_562, %dma_start3A_566, %dma_start3A_567] : memref<4x2x128xi32, #tpu.memory_space<vmem>> -> memref<1x2x128xi32, #tpu.memory_space<vmem>>
      %dma_start3A_569 = tpu.memref_squeeze %dma_start3A_568 : memref<1x2x128xi32, #tpu.memory_space<vmem>> -> memref<2x128xi32, #tpu.memory_space<vmem>>
      %dma_start3A_570 = arith.constant 0 : i32
      %dma_start3A_571 = tpu.memref_slice %arg3[%dma_start3A_570, %add3A_565] : memref<2x323584xi32, #tpu.memory_space<hbm>> -> memref<2x128xi32, #tpu.memory_space<hbm>>
      %dma_start3A_572 = tpu.memref_slice %arg11[%rem3A_562] : memref<4x!tpu.dma_semaphore, #tpu.memory_space<semaphore_mem>> -> memref<1x!tpu.dma_semaphore, #tpu.memory_space<semaphore_mem>>
      %dma_start3A_573 = tpu.memref_squeeze %dma_start3A_572 : memref<1x!tpu.dma_semaphore, #tpu.memory_space<semaphore_mem>> -> memref<!tpu.dma_semaphore, #tpu.memory_space<semaphore_mem>>
      %dma_start3A_574 = arith.constant 0 : i32
      %dma_start3A_575 = arith.constant 0 : i32
      %dma_start3A_576 = tpu.memref_slice %arg5[%rem3A_562, %dma_start3A_574, %dma_start3A_575] : memref<4x2x128xi32, #tpu.memory_space<vmem>> -> memref<1x2x128xi32, #tpu.memory_space<vmem>>
      %dma_start3A_577 = tpu.memref_squeeze %dma_start3A_576 : memref<1x2x128xi32, #tpu.memory_space<vmem>> -> memref<2x128xi32, #tpu.memory_space<vmem>>
      %dma_start3A_578 = arith.constant 0 : i32
      %dma_start3A_579 = tpu.memref_slice %arg3[%dma_start3A_578, %add3A_565] : memref<2x323584xi32, #tpu.memory_space<hbm>> -> memref<2x128xi32, #tpu.memory_space<hbm>>
      tpu.enqueue_dma source(%dma_start3A_579 : memref<2x128xi32, #tpu.memory_space<hbm>>) target(%dma_start3A_577 : memref<2x128xi32, #tpu.memory_space<vmem>>) target_semaphore(%dma_start3A_573 : memref<!tpu.dma_semaphore, #tpu.memory_space<semaphore_mem>>)
      %while3A_580 = arith.constant 0 : i32
      scf.yield %while3A_580 : i32
    }
    %dma_wait3A_229 = arith.constant 0 : i32
    %dma_wait3A_230 = arith.constant 0 : i32
    %dma_wait3A_231 = arith.constant 0 : i32
    %dma_wait3A_232 = arith.constant 0 : i32
    "tpu.trace_stop"() : () -> ()
    "tpu.trace_start"() <{level = 10 : i32, message = "tail_scope"}> : () -> ()
    %dma_wait3A_233 = arith.constant 0 : i32
    %dma_wait3A_234 = arith.constant 0 : i32
    %dma_wait3A_235 = tpu.memref_slice %arg6[%dma_wait3A_231, %dma_wait3A_233, %dma_wait3A_234] : memref<2x128x128xf32, #tpu.memory_space<vmem>> -> memref<1x128x128xf32, #tpu.memory_space<vmem>>
    %dma_wait3A_236 = tpu.memref_squeeze %dma_wait3A_235 : memref<1x128x128xf32, #tpu.memory_space<vmem>> -> memref<128x128xf32, #tpu.memory_space<vmem>>
    %dma_wait3A_237 = arith.constant 0 : i32
    %dma_wait3A_238 = tpu.memref_slice %arg5[%dma_wait3A_229, %dma_wait3A_230, %dma_wait3A_237] : memref<4x2x128xi32, #tpu.memory_space<vmem>> -> memref<1x1x128xi32, #tpu.memory_space<vmem>>
    %dma_wait3A_239 = tpu.memref_squeeze %dma_wait3A_238 : memref<1x1x128xi32, #tpu.memory_space<vmem>> -> memref<128xi32, #tpu.memory_space<vmem>>
    %dma_wait3A_240 = arith.constant 0 : i32
    %dma_wait3A_241 = arith.constant 0 : i32
    %dma_wait3A_242 = tpu.memref_slice %arg2[%dma_wait3A_240, %dma_wait3A_241] : memref<10000x128xf32, #tpu.memory_space<hbm>> -> memref<10000x128xf32, #tpu.memory_space<hbm>>
    %dma_wait3A_243 = tpu.memref_slice %arg9[%dma_wait3A_232] : memref<2x!tpu.dma_semaphore, #tpu.memory_space<semaphore_mem>> -> memref<1x!tpu.dma_semaphore, #tpu.memory_space<semaphore_mem>>
    %dma_wait3A_244 = tpu.memref_squeeze %dma_wait3A_243 : memref<1x!tpu.dma_semaphore, #tpu.memory_space<semaphore_mem>> -> memref<!tpu.dma_semaphore, #tpu.memory_space<semaphore_mem>>
    tpu.wait_indirect_dma semaphore(%dma_wait3A_244 : memref<!tpu.dma_semaphore, #tpu.memory_space<semaphore_mem>>) src(%dma_wait3A_242 : memref<10000x128xf32, #tpu.memory_space<hbm>>) dst(%dma_wait3A_236 : memref<128x128xf32, #tpu.memory_space<vmem>>)
    %dma_start3A_245 = arith.constant 0 : i32
    %dma_start3A_246 = arith.constant 0 : i32
    %dma_start3A_247 = arith.constant 1 : i32
    %dma_start3A_248 = arith.constant 0 : i32
    %dma_start3A_249 = arith.constant 0 : i32
    %dma_start3A_250 = arith.constant 0 : i32
    %dma_start3A_251 = tpu.memref_slice %arg6[%dma_start3A_245, %dma_start3A_249, %dma_start3A_250] : memref<2x128x128xf32, #tpu.memory_space<vmem>> -> memref<1x128x128xf32, #tpu.memory_space<vmem>>
    %dma_start3A_252 = tpu.memref_squeeze %dma_start3A_251 : memref<1x128x128xf32, #tpu.memory_space<vmem>> -> memref<128x128xf32, #tpu.memory_space<vmem>>
    %dma_start3A_253 = arith.constant 0 : i32
    %dma_start3A_254 = tpu.memref_slice %arg5[%dma_start3A_246, %dma_start3A_247, %dma_start3A_253] : memref<4x2x128xi32, #tpu.memory_space<vmem>> -> memref<1x1x128xi32, #tpu.memory_space<vmem>>
    %dma_start3A_255 = tpu.memref_squeeze %dma_start3A_254 : memref<1x1x128xi32, #tpu.memory_space<vmem>> -> memref<128xi32, #tpu.memory_space<vmem>>
    %dma_start3A_256 = arith.constant 0 : i32
    %dma_start3A_257 = arith.constant 0 : i32
    %dma_start3A_258 = tpu.memref_slice %arg8[%dma_start3A_256, %dma_start3A_257] : memref<10512x128xf32, #tpu.memory_space<vmem_shared>> -> memref<10512x128xf32, #tpu.memory_space<vmem_shared>>
    %dma_start3A_259 = tpu.memref_slice %arg10[%dma_start3A_248] : memref<2x!tpu.dma_semaphore, #tpu.memory_space<semaphore_mem>> -> memref<1x!tpu.dma_semaphore, #tpu.memory_space<semaphore_mem>>
    %dma_start3A_260 = tpu.memref_squeeze %dma_start3A_259 : memref<1x!tpu.dma_semaphore, #tpu.memory_space<semaphore_mem>> -> memref<!tpu.dma_semaphore, #tpu.memory_space<semaphore_mem>>
    tpu.enqueue_indirect_dma source(%dma_start3A_252 : memref<128x128xf32, #tpu.memory_space<vmem>>) target(%dma_start3A_258 : memref<10512x128xf32, #tpu.memory_space<vmem_shared>>) offsets(%dma_start3A_255 : memref<128xi32, #tpu.memory_space<vmem>>) semaphore(%dma_start3A_260 : memref<!tpu.dma_semaphore, #tpu.memory_space<semaphore_mem>>) {add = true}
    %sub3A_261 = arith.constant 2 : i32
    %sub3A_262 = arith.subi %select_n3A, %sub3A_261 : i32
    %mul3A_263 = arith.constant 128 : i32
    %mul3A_264 = arith.muli %sub3A_262, %mul3A_263 : i32
    %add3A_265 = arith.addi %mul3A_10, %mul3A_264 : i32
    %dma_wait3A_266 = arith.constant 1 : i32
    %dma_wait3A_267 = arith.constant 1 : i32
    %dma_wait3A_268 = arith.constant 0 : i32
    %dma_wait3A_269 = arith.constant 0 : i32
    %dma_wait3A_270 = tpu.memref_slice %arg5[%dma_wait3A_266, %dma_wait3A_268, %dma_wait3A_269] : memref<4x2x128xi32, #tpu.memory_space<vmem>> -> memref<1x2x128xi32, #tpu.memory_space<vmem>>
    %dma_wait3A_271 = tpu.memref_squeeze %dma_wait3A_270 : memref<1x2x128xi32, #tpu.memory_space<vmem>> -> memref<2x128xi32, #tpu.memory_space<vmem>>
    %dma_wait3A_272 = arith.constant 0 : i32
    %dma_wait3A_273 = tpu.memref_slice %arg3[%dma_wait3A_272, %add3A_265] : memref<2x323584xi32, #tpu.memory_space<hbm>> -> memref<2x128xi32, #tpu.memory_space<hbm>>
    %dma_wait3A_274 = tpu.memref_slice %arg11[%dma_wait3A_267] : memref<4x!tpu.dma_semaphore, #tpu.memory_space<semaphore_mem>> -> memref<1x!tpu.dma_semaphore, #tpu.memory_space<semaphore_mem>>
    %dma_wait3A_275 = tpu.memref_squeeze %dma_wait3A_274 : memref<1x!tpu.dma_semaphore, #tpu.memory_space<semaphore_mem>> -> memref<!tpu.dma_semaphore, #tpu.memory_space<semaphore_mem>>
    %dma_wait3A_276 = arith.constant 0 : i32
    %dma_wait3A_277 = arith.constant 0 : i32
    %dma_wait3A_278 = tpu.memref_slice %arg5[%dma_wait3A_266, %dma_wait3A_276, %dma_wait3A_277] : memref<4x2x128xi32, #tpu.memory_space<vmem>> -> memref<1x2x128xi32, #tpu.memory_space<vmem>>
    %dma_wait3A_279 = tpu.memref_squeeze %dma_wait3A_278 : memref<1x2x128xi32, #tpu.memory_space<vmem>> -> memref<2x128xi32, #tpu.memory_space<vmem>>
    %dma_wait3A_280 = arith.constant 0 : i32
    %dma_wait3A_281 = tpu.memref_slice %arg3[%dma_wait3A_280, %add3A_265] : memref<2x323584xi32, #tpu.memory_space<hbm>> -> memref<2x128xi32, #tpu.memory_space<hbm>>
    tpu.wait_dma2 semaphore(%dma_wait3A_275 : memref<!tpu.dma_semaphore, #tpu.memory_space<semaphore_mem>>) src(%dma_wait3A_281 : memref<2x128xi32, #tpu.memory_space<hbm>>) dst(%dma_wait3A_279 : memref<2x128xi32, #tpu.memory_space<vmem>>)
    %dma_wait3A_282 = arith.constant 1 : i32
    %dma_wait3A_283 = arith.constant 3 : i32
    %dma_wait3A_284 = arith.constant 1 : i32
    %dma_wait3A_285 = arith.constant 1 : i32
    %dma_wait3A_286 = arith.constant 0 : i32
    %dma_wait3A_287 = arith.constant 0 : i32
    %dma_wait3A_288 = tpu.memref_slice %arg6[%dma_wait3A_282, %dma_wait3A_286, %dma_wait3A_287] : memref<2x128x128xf32, #tpu.memory_space<vmem>> -> memref<1x128x128xf32, #tpu.memory_space<vmem>>
    %dma_wait3A_289 = tpu.memref_squeeze %dma_wait3A_288 : memref<1x128x128xf32, #tpu.memory_space<vmem>> -> memref<128x128xf32, #tpu.memory_space<vmem>>
    %dma_wait3A_290 = arith.constant 0 : i32
    %dma_wait3A_291 = tpu.memref_slice %arg5[%dma_wait3A_283, %dma_wait3A_284, %dma_wait3A_290] : memref<4x2x128xi32, #tpu.memory_space<vmem>> -> memref<1x1x128xi32, #tpu.memory_space<vmem>>
    %dma_wait3A_292 = tpu.memref_squeeze %dma_wait3A_291 : memref<1x1x128xi32, #tpu.memory_space<vmem>> -> memref<128xi32, #tpu.memory_space<vmem>>
    %dma_wait3A_293 = arith.constant 0 : i32
    %dma_wait3A_294 = arith.constant 0 : i32
    %dma_wait3A_295 = tpu.memref_slice %arg8[%dma_wait3A_293, %dma_wait3A_294] : memref<10512x128xf32, #tpu.memory_space<vmem_shared>> -> memref<10512x128xf32, #tpu.memory_space<vmem_shared>>
    %dma_wait3A_296 = tpu.memref_slice %arg10[%dma_wait3A_285] : memref<2x!tpu.dma_semaphore, #tpu.memory_space<semaphore_mem>> -> memref<1x!tpu.dma_semaphore, #tpu.memory_space<semaphore_mem>>
    %dma_wait3A_297 = tpu.memref_squeeze %dma_wait3A_296 : memref<1x!tpu.dma_semaphore, #tpu.memory_space<semaphore_mem>> -> memref<!tpu.dma_semaphore, #tpu.memory_space<semaphore_mem>>
    tpu.wait_indirect_dma semaphore(%dma_wait3A_297 : memref<!tpu.dma_semaphore, #tpu.memory_space<semaphore_mem>>) src(%dma_wait3A_289 : memref<128x128xf32, #tpu.memory_space<vmem>>) dst(%dma_wait3A_295 : memref<10512x128xf32, #tpu.memory_space<vmem_shared>>)
    %dma_start3A_298 = arith.constant 1 : i32
    %dma_start3A_299 = arith.constant 0 : i32
    %dma_start3A_300 = arith.constant 1 : i32
    %dma_start3A_301 = arith.constant 1 : i32
    %dma_start3A_302 = arith.constant 0 : i32
    %dma_start3A_303 = arith.constant 0 : i32
    %dma_start3A_304 = tpu.memref_slice %arg6[%dma_start3A_300, %dma_start3A_302, %dma_start3A_303] : memref<2x128x128xf32, #tpu.memory_space<vmem>> -> memref<1x128x128xf32, #tpu.memory_space<vmem>>
    %dma_start3A_305 = tpu.memref_squeeze %dma_start3A_304 : memref<1x128x128xf32, #tpu.memory_space<vmem>> -> memref<128x128xf32, #tpu.memory_space<vmem>>
    %dma_start3A_306 = arith.constant 0 : i32
    %dma_start3A_307 = tpu.memref_slice %arg5[%dma_start3A_298, %dma_start3A_299, %dma_start3A_306] : memref<4x2x128xi32, #tpu.memory_space<vmem>> -> memref<1x1x128xi32, #tpu.memory_space<vmem>>
    %dma_start3A_308 = tpu.memref_squeeze %dma_start3A_307 : memref<1x1x128xi32, #tpu.memory_space<vmem>> -> memref<128xi32, #tpu.memory_space<vmem>>
    %dma_start3A_309 = arith.constant 0 : i32
    %dma_start3A_310 = arith.constant 0 : i32
    %dma_start3A_311 = tpu.memref_slice %arg2[%dma_start3A_309, %dma_start3A_310] : memref<10000x128xf32, #tpu.memory_space<hbm>> -> memref<10000x128xf32, #tpu.memory_space<hbm>>
    %dma_start3A_312 = tpu.memref_slice %arg9[%dma_start3A_301] : memref<2x!tpu.dma_semaphore, #tpu.memory_space<semaphore_mem>> -> memref<1x!tpu.dma_semaphore, #tpu.memory_space<semaphore_mem>>
    %dma_start3A_313 = tpu.memref_squeeze %dma_start3A_312 : memref<1x!tpu.dma_semaphore, #tpu.memory_space<semaphore_mem>> -> memref<!tpu.dma_semaphore, #tpu.memory_space<semaphore_mem>>
    tpu.enqueue_indirect_dma source(%dma_start3A_311 : memref<10000x128xf32, #tpu.memory_space<hbm>>) target(%dma_start3A_305 : memref<128x128xf32, #tpu.memory_space<vmem>>) offsets(%dma_start3A_308 : memref<128xi32, #tpu.memory_space<vmem>>) semaphore(%dma_start3A_313 : memref<!tpu.dma_semaphore, #tpu.memory_space<semaphore_mem>>)
    %dma_wait3A_314 = arith.constant 1 : i32
    %dma_wait3A_315 = arith.constant 0 : i32
    %dma_wait3A_316 = arith.constant 1 : i32
    %dma_wait3A_317 = arith.constant 1 : i32
    %dma_wait3A_318 = arith.constant 0 : i32
    %dma_wait3A_319 = arith.constant 0 : i32
    %dma_wait3A_320 = tpu.memref_slice %arg6[%dma_wait3A_316, %dma_wait3A_318, %dma_wait3A_319] : memref<2x128x128xf32, #tpu.memory_space<vmem>> -> memref<1x128x128xf32, #tpu.memory_space<vmem>>
    %dma_wait3A_321 = tpu.memref_squeeze %dma_wait3A_320 : memref<1x128x128xf32, #tpu.memory_space<vmem>> -> memref<128x128xf32, #tpu.memory_space<vmem>>
    %dma_wait3A_322 = arith.constant 0 : i32
    %dma_wait3A_323 = tpu.memref_slice %arg5[%dma_wait3A_314, %dma_wait3A_315, %dma_wait3A_322] : memref<4x2x128xi32, #tpu.memory_space<vmem>> -> memref<1x1x128xi32, #tpu.memory_space<vmem>>
    %dma_wait3A_324 = tpu.memref_squeeze %dma_wait3A_323 : memref<1x1x128xi32, #tpu.memory_space<vmem>> -> memref<128xi32, #tpu.memory_space<vmem>>
    %dma_wait3A_325 = arith.constant 0 : i32
    %dma_wait3A_326 = arith.constant 0 : i32
    %dma_wait3A_327 = tpu.memref_slice %arg2[%dma_wait3A_325, %dma_wait3A_326] : memref<10000x128xf32, #tpu.memory_space<hbm>> -> memref<10000x128xf32, #tpu.memory_space<hbm>>
    %dma_wait3A_328 = tpu.memref_slice %arg9[%dma_wait3A_317] : memref<2x!tpu.dma_semaphore, #tpu.memory_space<semaphore_mem>> -> memref<1x!tpu.dma_semaphore, #tpu.memory_space<semaphore_mem>>
    %dma_wait3A_329 = tpu.memref_squeeze %dma_wait3A_328 : memref<1x!tpu.dma_semaphore, #tpu.memory_space<semaphore_mem>> -> memref<!tpu.dma_semaphore, #tpu.memory_space<semaphore_mem>>
    tpu.wait_indirect_dma semaphore(%dma_wait3A_329 : memref<!tpu.dma_semaphore, #tpu.memory_space<semaphore_mem>>) src(%dma_wait3A_327 : memref<10000x128xf32, #tpu.memory_space<hbm>>) dst(%dma_wait3A_321 : memref<128x128xf32, #tpu.memory_space<vmem>>)
    %dma_start3A_330 = arith.constant 1 : i32
    %dma_start3A_331 = arith.constant 1 : i32
    %dma_start3A_332 = arith.constant 1 : i32
    %dma_start3A_333 = arith.constant 1 : i32
    %dma_start3A_334 = arith.constant 0 : i32
    %dma_start3A_335 = arith.constant 0 : i32
    %dma_start3A_336 = tpu.memref_slice %arg6[%dma_start3A_330, %dma_start3A_334, %dma_start3A_335] : memref<2x128x128xf32, #tpu.memory_space<vmem>> -> memref<1x128x128xf32, #tpu.memory_space<vmem>>
    %dma_start3A_337 = tpu.memref_squeeze %dma_start3A_336 : memref<1x128x128xf32, #tpu.memory_space<vmem>> -> memref<128x128xf32, #tpu.memory_space<vmem>>
    %dma_start3A_338 = arith.constant 0 : i32
    %dma_start3A_339 = tpu.memref_slice %arg5[%dma_start3A_331, %dma_start3A_332, %dma_start3A_338] : memref<4x2x128xi32, #tpu.memory_space<vmem>> -> memref<1x1x128xi32, #tpu.memory_space<vmem>>
    %dma_start3A_340 = tpu.memref_squeeze %dma_start3A_339 : memref<1x1x128xi32, #tpu.memory_space<vmem>> -> memref<128xi32, #tpu.memory_space<vmem>>
    %dma_start3A_341 = arith.constant 0 : i32
    %dma_start3A_342 = arith.constant 0 : i32
    %dma_start3A_343 = tpu.memref_slice %arg8[%dma_start3A_341, %dma_start3A_342] : memref<10512x128xf32, #tpu.memory_space<vmem_shared>> -> memref<10512x128xf32, #tpu.memory_space<vmem_shared>>
    %dma_start3A_344 = tpu.memref_slice %arg10[%dma_start3A_333] : memref<2x!tpu.dma_semaphore, #tpu.memory_space<semaphore_mem>> -> memref<1x!tpu.dma_semaphore, #tpu.memory_space<semaphore_mem>>
    %dma_start3A_345 = tpu.memref_squeeze %dma_start3A_344 : memref<1x!tpu.dma_semaphore, #tpu.memory_space<semaphore_mem>> -> memref<!tpu.dma_semaphore, #tpu.memory_space<semaphore_mem>>
    tpu.enqueue_indirect_dma source(%dma_start3A_337 : memref<128x128xf32, #tpu.memory_space<vmem>>) target(%dma_start3A_343 : memref<10512x128xf32, #tpu.memory_space<vmem_shared>>) offsets(%dma_start3A_340 : memref<128xi32, #tpu.memory_space<vmem>>) semaphore(%dma_start3A_345 : memref<!tpu.dma_semaphore, #tpu.memory_space<semaphore_mem>>) {add = true}
    %sub3A_346 = arith.constant 1 : i32
    %sub3A_347 = arith.subi %select_n3A, %sub3A_346 : i32
    %mul3A_348 = arith.constant 128 : i32
    %mul3A_349 = arith.muli %sub3A_347, %mul3A_348 : i32
    %add3A_350 = arith.addi %mul3A_10, %mul3A_349 : i32
    %dma_wait3A_351 = arith.constant 2 : i32
    %dma_wait3A_352 = arith.constant 2 : i32
    %dma_wait3A_353 = arith.constant 0 : i32
    %dma_wait3A_354 = arith.constant 0 : i32
    %dma_wait3A_355 = tpu.memref_slice %arg5[%dma_wait3A_351, %dma_wait3A_353, %dma_wait3A_354] : memref<4x2x128xi32, #tpu.memory_space<vmem>> -> memref<1x2x128xi32, #tpu.memory_space<vmem>>
    %dma_wait3A_356 = tpu.memref_squeeze %dma_wait3A_355 : memref<1x2x128xi32, #tpu.memory_space<vmem>> -> memref<2x128xi32, #tpu.memory_space<vmem>>
    %dma_wait3A_357 = arith.constant 0 : i32
    %dma_wait3A_358 = tpu.memref_slice %arg3[%dma_wait3A_357, %add3A_350] : memref<2x323584xi32, #tpu.memory_space<hbm>> -> memref<2x128xi32, #tpu.memory_space<hbm>>
    %dma_wait3A_359 = tpu.memref_slice %arg11[%dma_wait3A_352] : memref<4x!tpu.dma_semaphore, #tpu.memory_space<semaphore_mem>> -> memref<1x!tpu.dma_semaphore, #tpu.memory_space<semaphore_mem>>
    %dma_wait3A_360 = tpu.memref_squeeze %dma_wait3A_359 : memref<1x!tpu.dma_semaphore, #tpu.memory_space<semaphore_mem>> -> memref<!tpu.dma_semaphore, #tpu.memory_space<semaphore_mem>>
    %dma_wait3A_361 = arith.constant 0 : i32
    %dma_wait3A_362 = arith.constant 0 : i32
    %dma_wait3A_363 = tpu.memref_slice %arg5[%dma_wait3A_351, %dma_wait3A_361, %dma_wait3A_362] : memref<4x2x128xi32, #tpu.memory_space<vmem>> -> memref<1x2x128xi32, #tpu.memory_space<vmem>>
    %dma_wait3A_364 = tpu.memref_squeeze %dma_wait3A_363 : memref<1x2x128xi32, #tpu.memory_space<vmem>> -> memref<2x128xi32, #tpu.memory_space<vmem>>
    %dma_wait3A_365 = arith.constant 0 : i32
    %dma_wait3A_366 = tpu.memref_slice %arg3[%dma_wait3A_365, %add3A_350] : memref<2x323584xi32, #tpu.memory_space<hbm>> -> memref<2x128xi32, #tpu.memory_space<hbm>>
    tpu.wait_dma2 semaphore(%dma_wait3A_360 : memref<!tpu.dma_semaphore, #tpu.memory_space<semaphore_mem>>) src(%dma_wait3A_366 : memref<2x128xi32, #tpu.memory_space<hbm>>) dst(%dma_wait3A_364 : memref<2x128xi32, #tpu.memory_space<vmem>>)
    %dma_wait3A_367 = arith.constant 0 : i32
    %dma_wait3A_368 = arith.constant 0 : i32
    %dma_wait3A_369 = arith.constant 1 : i32
    %dma_wait3A_370 = arith.constant 0 : i32
    %dma_wait3A_371 = arith.constant 0 : i32
    %dma_wait3A_372 = arith.constant 0 : i32
    %dma_wait3A_373 = tpu.memref_slice %arg6[%dma_wait3A_367, %dma_wait3A_371, %dma_wait3A_372] : memref<2x128x128xf32, #tpu.memory_space<vmem>> -> memref<1x128x128xf32, #tpu.memory_space<vmem>>
    %dma_wait3A_374 = tpu.memref_squeeze %dma_wait3A_373 : memref<1x128x128xf32, #tpu.memory_space<vmem>> -> memref<128x128xf32, #tpu.memory_space<vmem>>
    %dma_wait3A_375 = arith.constant 0 : i32
    %dma_wait3A_376 = tpu.memref_slice %arg5[%dma_wait3A_368, %dma_wait3A_369, %dma_wait3A_375] : memref<4x2x128xi32, #tpu.memory_space<vmem>> -> memref<1x1x128xi32, #tpu.memory_space<vmem>>
    %dma_wait3A_377 = tpu.memref_squeeze %dma_wait3A_376 : memref<1x1x128xi32, #tpu.memory_space<vmem>> -> memref<128xi32, #tpu.memory_space<vmem>>
    %dma_wait3A_378 = arith.constant 0 : i32
    %dma_wait3A_379 = arith.constant 0 : i32
    %dma_wait3A_380 = tpu.memref_slice %arg8[%dma_wait3A_378, %dma_wait3A_379] : memref<10512x128xf32, #tpu.memory_space<vmem_shared>> -> memref<10512x128xf32, #tpu.memory_space<vmem_shared>>
    %dma_wait3A_381 = tpu.memref_slice %arg10[%dma_wait3A_370] : memref<2x!tpu.dma_semaphore, #tpu.memory_space<semaphore_mem>> -> memref<1x!tpu.dma_semaphore, #tpu.memory_space<semaphore_mem>>
    %dma_wait3A_382 = tpu.memref_squeeze %dma_wait3A_381 : memref<1x!tpu.dma_semaphore, #tpu.memory_space<semaphore_mem>> -> memref<!tpu.dma_semaphore, #tpu.memory_space<semaphore_mem>>
    tpu.wait_indirect_dma semaphore(%dma_wait3A_382 : memref<!tpu.dma_semaphore, #tpu.memory_space<semaphore_mem>>) src(%dma_wait3A_374 : memref<128x128xf32, #tpu.memory_space<vmem>>) dst(%dma_wait3A_380 : memref<10512x128xf32, #tpu.memory_space<vmem_shared>>)
    %dma_start3A_383 = arith.constant 2 : i32
    %dma_start3A_384 = arith.constant 0 : i32
    %dma_start3A_385 = arith.constant 0 : i32
    %dma_start3A_386 = arith.constant 0 : i32
    %dma_start3A_387 = arith.constant 0 : i32
    %dma_start3A_388 = arith.constant 0 : i32
    %dma_start3A_389 = tpu.memref_slice %arg6[%dma_start3A_385, %dma_start3A_387, %dma_start3A_388] : memref<2x128x128xf32, #tpu.memory_space<vmem>> -> memref<1x128x128xf32, #tpu.memory_space<vmem>>
    %dma_start3A_390 = tpu.memref_squeeze %dma_start3A_389 : memref<1x128x128xf32, #tpu.memory_space<vmem>> -> memref<128x128xf32, #tpu.memory_space<vmem>>
    %dma_start3A_391 = arith.constant 0 : i32
    %dma_start3A_392 = tpu.memref_slice %arg5[%dma_start3A_383, %dma_start3A_384, %dma_start3A_391] : memref<4x2x128xi32, #tpu.memory_space<vmem>> -> memref<1x1x128xi32, #tpu.memory_space<vmem>>
    %dma_start3A_393 = tpu.memref_squeeze %dma_start3A_392 : memref<1x1x128xi32, #tpu.memory_space<vmem>> -> memref<128xi32, #tpu.memory_space<vmem>>
    %dma_start3A_394 = arith.constant 0 : i32
    %dma_start3A_395 = arith.constant 0 : i32
    %dma_start3A_396 = tpu.memref_slice %arg2[%dma_start3A_394, %dma_start3A_395] : memref<10000x128xf32, #tpu.memory_space<hbm>> -> memref<10000x128xf32, #tpu.memory_space<hbm>>
    %dma_start3A_397 = tpu.memref_slice %arg9[%dma_start3A_386] : memref<2x!tpu.dma_semaphore, #tpu.memory_space<semaphore_mem>> -> memref<1x!tpu.dma_semaphore, #tpu.memory_space<semaphore_mem>>
    %dma_start3A_398 = tpu.memref_squeeze %dma_start3A_397 : memref<1x!tpu.dma_semaphore, #tpu.memory_space<semaphore_mem>> -> memref<!tpu.dma_semaphore, #tpu.memory_space<semaphore_mem>>
    tpu.enqueue_indirect_dma source(%dma_start3A_396 : memref<10000x128xf32, #tpu.memory_space<hbm>>) target(%dma_start3A_390 : memref<128x128xf32, #tpu.memory_space<vmem>>) offsets(%dma_start3A_393 : memref<128xi32, #tpu.memory_space<vmem>>) semaphore(%dma_start3A_398 : memref<!tpu.dma_semaphore, #tpu.memory_space<semaphore_mem>>)
    %dma_wait3A_399 = arith.constant 2 : i32
    %dma_wait3A_400 = arith.constant 0 : i32
    %dma_wait3A_401 = arith.constant 0 : i32
    %dma_wait3A_402 = arith.constant 0 : i32
    %dma_wait3A_403 = arith.constant 0 : i32
    %dma_wait3A_404 = arith.constant 0 : i32
    %dma_wait3A_405 = tpu.memref_slice %arg6[%dma_wait3A_401, %dma_wait3A_403, %dma_wait3A_404] : memref<2x128x128xf32, #tpu.memory_space<vmem>> -> memref<1x128x128xf32, #tpu.memory_space<vmem>>
    %dma_wait3A_406 = tpu.memref_squeeze %dma_wait3A_405 : memref<1x128x128xf32, #tpu.memory_space<vmem>> -> memref<128x128xf32, #tpu.memory_space<vmem>>
    %dma_wait3A_407 = arith.constant 0 : i32
    %dma_wait3A_408 = tpu.memref_slice %arg5[%dma_wait3A_399, %dma_wait3A_400, %dma_wait3A_407] : memref<4x2x128xi32, #tpu.memory_space<vmem>> -> memref<1x1x128xi32, #tpu.memory_space<vmem>>
    %dma_wait3A_409 = tpu.memref_squeeze %dma_wait3A_408 : memref<1x1x128xi32, #tpu.memory_space<vmem>> -> memref<128xi32, #tpu.memory_space<vmem>>
    %dma_wait3A_410 = arith.constant 0 : i32
    %dma_wait3A_411 = arith.constant 0 : i32
    %dma_wait3A_412 = tpu.memref_slice %arg2[%dma_wait3A_410, %dma_wait3A_411] : memref<10000x128xf32, #tpu.memory_space<hbm>> -> memref<10000x128xf32, #tpu.memory_space<hbm>>
    %dma_wait3A_413 = tpu.memref_slice %arg9[%dma_wait3A_402] : memref<2x!tpu.dma_semaphore, #tpu.memory_space<semaphore_mem>> -> memref<1x!tpu.dma_semaphore, #tpu.memory_space<semaphore_mem>>
    %dma_wait3A_414 = tpu.memref_squeeze %dma_wait3A_413 : memref<1x!tpu.dma_semaphore, #tpu.memory_space<semaphore_mem>> -> memref<!tpu.dma_semaphore, #tpu.memory_space<semaphore_mem>>
    tpu.wait_indirect_dma semaphore(%dma_wait3A_414 : memref<!tpu.dma_semaphore, #tpu.memory_space<semaphore_mem>>) src(%dma_wait3A_412 : memref<10000x128xf32, #tpu.memory_space<hbm>>) dst(%dma_wait3A_406 : memref<128x128xf32, #tpu.memory_space<vmem>>)
    %dma_start3A_415 = arith.constant 0 : i32
    %dma_start3A_416 = arith.constant 2 : i32
    %dma_start3A_417 = arith.constant 1 : i32
    %dma_start3A_418 = arith.constant 0 : i32
    %dma_start3A_419 = arith.constant 0 : i32
    %dma_start3A_420 = arith.constant 0 : i32
    %dma_start3A_421 = tpu.memref_slice %arg6[%dma_start3A_415, %dma_start3A_419, %dma_start3A_420] : memref<2x128x128xf32, #tpu.memory_space<vmem>> -> memref<1x128x128xf32, #tpu.memory_space<vmem>>
    %dma_start3A_422 = tpu.memref_squeeze %dma_start3A_421 : memref<1x128x128xf32, #tpu.memory_space<vmem>> -> memref<128x128xf32, #tpu.memory_space<vmem>>
    %dma_start3A_423 = arith.constant 0 : i32
    %dma_start3A_424 = tpu.memref_slice %arg5[%dma_start3A_416, %dma_start3A_417, %dma_start3A_423] : memref<4x2x128xi32, #tpu.memory_space<vmem>> -> memref<1x1x128xi32, #tpu.memory_space<vmem>>
    %dma_start3A_425 = tpu.memref_squeeze %dma_start3A_424 : memref<1x1x128xi32, #tpu.memory_space<vmem>> -> memref<128xi32, #tpu.memory_space<vmem>>
    %dma_start3A_426 = arith.constant 0 : i32
    %dma_start3A_427 = arith.constant 0 : i32
    %dma_start3A_428 = tpu.memref_slice %arg8[%dma_start3A_426, %dma_start3A_427] : memref<10512x128xf32, #tpu.memory_space<vmem_shared>> -> memref<10512x128xf32, #tpu.memory_space<vmem_shared>>
    %dma_start3A_429 = tpu.memref_slice %arg10[%dma_start3A_418] : memref<2x!tpu.dma_semaphore, #tpu.memory_space<semaphore_mem>> -> memref<1x!tpu.dma_semaphore, #tpu.memory_space<semaphore_mem>>
    %dma_start3A_430 = tpu.memref_squeeze %dma_start3A_429 : memref<1x!tpu.dma_semaphore, #tpu.memory_space<semaphore_mem>> -> memref<!tpu.dma_semaphore, #tpu.memory_space<semaphore_mem>>
    tpu.enqueue_indirect_dma source(%dma_start3A_422 : memref<128x128xf32, #tpu.memory_space<vmem>>) target(%dma_start3A_428 : memref<10512x128xf32, #tpu.memory_space<vmem_shared>>) offsets(%dma_start3A_425 : memref<128xi32, #tpu.memory_space<vmem>>) semaphore(%dma_start3A_430 : memref<!tpu.dma_semaphore, #tpu.memory_space<semaphore_mem>>) {add = true}
    %dma_wait3A_431 = arith.constant 1 : i32
    %dma_wait3A_432 = arith.constant 1 : i32
    %dma_wait3A_433 = arith.constant 1 : i32
    %dma_wait3A_434 = arith.constant 1 : i32
    %dma_wait3A_435 = arith.constant 0 : i32
    %dma_wait3A_436 = arith.constant 0 : i32
    %dma_wait3A_437 = tpu.memref_slice %arg6[%dma_wait3A_431, %dma_wait3A_435, %dma_wait3A_436] : memref<2x128x128xf32, #tpu.memory_space<vmem>> -> memref<1x128x128xf32, #tpu.memory_space<vmem>>
    %dma_wait3A_438 = tpu.memref_squeeze %dma_wait3A_437 : memref<1x128x128xf32, #tpu.memory_space<vmem>> -> memref<128x128xf32, #tpu.memory_space<vmem>>
    %dma_wait3A_439 = arith.constant 0 : i32
    %dma_wait3A_440 = tpu.memref_slice %arg5[%dma_wait3A_432, %dma_wait3A_433, %dma_wait3A_439] : memref<4x2x128xi32, #tpu.memory_space<vmem>> -> memref<1x1x128xi32, #tpu.memory_space<vmem>>
    %dma_wait3A_441 = tpu.memref_squeeze %dma_wait3A_440 : memref<1x1x128xi32, #tpu.memory_space<vmem>> -> memref<128xi32, #tpu.memory_space<vmem>>
    %dma_wait3A_442 = arith.constant 0 : i32
    %dma_wait3A_443 = arith.constant 0 : i32
    %dma_wait3A_444 = tpu.memref_slice %arg8[%dma_wait3A_442, %dma_wait3A_443] : memref<10512x128xf32, #tpu.memory_space<vmem_shared>> -> memref<10512x128xf32, #tpu.memory_space<vmem_shared>>
    %dma_wait3A_445 = tpu.memref_slice %arg10[%dma_wait3A_434] : memref<2x!tpu.dma_semaphore, #tpu.memory_space<semaphore_mem>> -> memref<1x!tpu.dma_semaphore, #tpu.memory_space<semaphore_mem>>
    %dma_wait3A_446 = tpu.memref_squeeze %dma_wait3A_445 : memref<1x!tpu.dma_semaphore, #tpu.memory_space<semaphore_mem>> -> memref<!tpu.dma_semaphore, #tpu.memory_space<semaphore_mem>>
    tpu.wait_indirect_dma semaphore(%dma_wait3A_446 : memref<!tpu.dma_semaphore, #tpu.memory_space<semaphore_mem>>) src(%dma_wait3A_438 : memref<128x128xf32, #tpu.memory_space<vmem>>) dst(%dma_wait3A_444 : memref<10512x128xf32, #tpu.memory_space<vmem_shared>>)
    %dma_wait3A_447 = arith.constant 0 : i32
    %dma_wait3A_448 = arith.constant 2 : i32
    %dma_wait3A_449 = arith.constant 1 : i32
    %dma_wait3A_450 = arith.constant 0 : i32
    %dma_wait3A_451 = arith.constant 0 : i32
    %dma_wait3A_452 = arith.constant 0 : i32
    %dma_wait3A_453 = tpu.memref_slice %arg6[%dma_wait3A_447, %dma_wait3A_451, %dma_wait3A_452] : memref<2x128x128xf32, #tpu.memory_space<vmem>> -> memref<1x128x128xf32, #tpu.memory_space<vmem>>
    %dma_wait3A_454 = tpu.memref_squeeze %dma_wait3A_453 : memref<1x128x128xf32, #tpu.memory_space<vmem>> -> memref<128x128xf32, #tpu.memory_space<vmem>>
    %dma_wait3A_455 = arith.constant 0 : i32
    %dma_wait3A_456 = tpu.memref_slice %arg5[%dma_wait3A_448, %dma_wait3A_449, %dma_wait3A_455] : memref<4x2x128xi32, #tpu.memory_space<vmem>> -> memref<1x1x128xi32, #tpu.memory_space<vmem>>
    %dma_wait3A_457 = tpu.memref_squeeze %dma_wait3A_456 : memref<1x1x128xi32, #tpu.memory_space<vmem>> -> memref<128xi32, #tpu.memory_space<vmem>>
    %dma_wait3A_458 = arith.constant 0 : i32
    %dma_wait3A_459 = arith.constant 0 : i32
    %dma_wait3A_460 = tpu.memref_slice %arg8[%dma_wait3A_458, %dma_wait3A_459] : memref<10512x128xf32, #tpu.memory_space<vmem_shared>> -> memref<10512x128xf32, #tpu.memory_space<vmem_shared>>
    %dma_wait3A_461 = tpu.memref_slice %arg10[%dma_wait3A_450] : memref<2x!tpu.dma_semaphore, #tpu.memory_space<semaphore_mem>> -> memref<1x!tpu.dma_semaphore, #tpu.memory_space<semaphore_mem>>
    %dma_wait3A_462 = tpu.memref_squeeze %dma_wait3A_461 : memref<1x!tpu.dma_semaphore, #tpu.memory_space<semaphore_mem>> -> memref<!tpu.dma_semaphore, #tpu.memory_space<semaphore_mem>>
    tpu.wait_indirect_dma semaphore(%dma_wait3A_462 : memref<!tpu.dma_semaphore, #tpu.memory_space<semaphore_mem>>) src(%dma_wait3A_454 : memref<128x128xf32, #tpu.memory_space<vmem>>) dst(%dma_wait3A_460 : memref<10512x128xf32, #tpu.memory_space<vmem_shared>>)
    "tpu.trace_stop"() : () -> ()
    "tpu.trace_start"() <{level = 10 : i32, message = "end_barrier"}> : () -> ()
    %barrier3A_463 = arith.constant 0 : index
    tpu.barrier barrier_id(%barrier3A_463)
    "tpu.trace_stop"() : () -> ()
    "tpu.trace_start"() <{level = 10 : i32, message = "publish"}> : () -> ()
    "tpu.region"() ({
      %run_scoped3A = tpu.sem_alloc : memref<!tpu.dma_semaphore, #tpu.memory_space<semaphore_mem>>
      %dma_start3A_469 = arith.constant 0 : i32
      %dma_start3A_470 = tpu.memref_slice %arg4[%arg0, %mul3A_139, %dma_start3A_469] : memref<2x10000x128xf32, #tpu.memory_space<hbm>> -> memref<1x624x128xf32, #tpu.memory_space<hbm>>
      %dma_start3A_471 = tpu.memref_squeeze %dma_start3A_470 : memref<1x624x128xf32, #tpu.memory_space<hbm>> -> memref<624x128xf32, #tpu.memory_space<hbm>>
      %dma_start3A_472 = arith.constant 0 : i32
      %dma_start3A_473 = tpu.memref_slice %arg8[%mul3A_139, %dma_start3A_472] : memref<10512x128xf32, #tpu.memory_space<vmem_shared>> -> memref<624x128xf32, #tpu.memory_space<vmem_shared>>
      tpu.enqueue_dma source(%dma_start3A_473 : memref<624x128xf32, #tpu.memory_space<vmem_shared>>) target(%dma_start3A_471 : memref<624x128xf32, #tpu.memory_space<hbm>>) target_semaphore(%run_scoped3A : memref<!tpu.dma_semaphore, #tpu.memory_space<semaphore_mem>>)
      %dma_wait3A_474 = arith.constant 0 : i32
      %dma_wait3A_475 = tpu.memref_slice %arg4[%arg0, %mul3A_139, %dma_wait3A_474] : memref<2x10000x128xf32, #tpu.memory_space<hbm>> -> memref<1x624x128xf32, #tpu.memory_space<hbm>>
      %dma_wait3A_476 = tpu.memref_squeeze %dma_wait3A_475 : memref<1x624x128xf32, #tpu.memory_space<hbm>> -> memref<624x128xf32, #tpu.memory_space<hbm>>
      %dma_wait3A_477 = arith.constant 0 : i32
      %dma_wait3A_478 = tpu.memref_slice %arg8[%mul3A_139, %dma_wait3A_477] : memref<10512x128xf32, #tpu.memory_space<vmem_shared>> -> memref<624x128xf32, #tpu.memory_space<vmem_shared>>
      tpu.wait_dma2 semaphore(%run_scoped3A : memref<!tpu.dma_semaphore, #tpu.memory_space<semaphore_mem>>) src(%dma_wait3A_478 : memref<624x128xf32, #tpu.memory_space<vmem_shared>>) dst(%dma_wait3A_476 : memref<624x128xf32, #tpu.memory_space<hbm>>)
      tpu.yield
    }) : () -> ()
    %eq3A_464 = arith.constant 15 : i32
    %eq3A_465 = arith.cmpi eq, %arg1, %eq3A_464 : i32
    %convert_element_type3A_466 = arith.extui %eq3A_465 : i1 to i32
    %cond3A_467 = arith.constant 0 : i32
    %cond3A_468 = arith.cmpi ne, %convert_element_type3A_466, %cond3A_467 : i32
    scf.if %cond3A_468 {
      "tpu.region"() ({
        %run_scoped3A = tpu.sem_alloc : memref<!tpu.dma_semaphore, #tpu.memory_space<semaphore_mem>>
        %dma_start3A_469 = arith.constant 9984 : i32
        %dma_start3A_470 = arith.constant 0 : i32
        %dma_start3A_471 = tpu.memref_slice %arg4[%arg0, %dma_start3A_469, %dma_start3A_470] : memref<2x10000x128xf32, #tpu.memory_space<hbm>> -> memref<1x16x128xf32, #tpu.memory_space<hbm>>
        %dma_start3A_472 = tpu.memref_squeeze %dma_start3A_471 : memref<1x16x128xf32, #tpu.memory_space<hbm>> -> memref<16x128xf32, #tpu.memory_space<hbm>>
        %dma_start3A_473 = arith.constant 9984 : i32
        %dma_start3A_474 = arith.constant 0 : i32
        %dma_start3A_475 = tpu.memref_slice %arg8[%dma_start3A_473, %dma_start3A_474] : memref<10512x128xf32, #tpu.memory_space<vmem_shared>> -> memref<16x128xf32, #tpu.memory_space<vmem_shared>>
        tpu.enqueue_dma source(%dma_start3A_475 : memref<16x128xf32, #tpu.memory_space<vmem_shared>>) target(%dma_start3A_472 : memref<16x128xf32, #tpu.memory_space<hbm>>) target_semaphore(%run_scoped3A : memref<!tpu.dma_semaphore, #tpu.memory_space<semaphore_mem>>)
        %dma_wait3A_476 = arith.constant 9984 : i32
        %dma_wait3A_477 = arith.constant 0 : i32
        %dma_wait3A_478 = tpu.memref_slice %arg4[%arg0, %dma_wait3A_476, %dma_wait3A_477] : memref<2x10000x128xf32, #tpu.memory_space<hbm>> -> memref<1x16x128xf32, #tpu.memory_space<hbm>>
        %dma_wait3A_479 = tpu.memref_squeeze %dma_wait3A_478 : memref<1x16x128xf32, #tpu.memory_space<hbm>> -> memref<16x128xf32, #tpu.memory_space<hbm>>
        %dma_wait3A_480 = arith.constant 9984 : i32
        %dma_wait3A_481 = arith.constant 0 : i32
        %dma_wait3A_482 = tpu.memref_slice %arg8[%dma_wait3A_480, %dma_wait3A_481] : memref<10512x128xf32, #tpu.memory_space<vmem_shared>> -> memref<16x128xf32, #tpu.memory_space<vmem_shared>>
        tpu.wait_dma2 semaphore(%run_scoped3A : memref<!tpu.dma_semaphore, #tpu.memory_space<semaphore_mem>>) src(%dma_wait3A_482 : memref<16x128xf32, #tpu.memory_space<vmem_shared>>) dst(%dma_wait3A_479 : memref<16x128xf32, #tpu.memory_space<hbm>>)
        tpu.yield
      }) : () -> ()
    } else {
    }
    "tpu.trace_stop"() : () -> ()
    return
  }
}

#map = affine_map<(d0, d1) -> (0, 0)>
#map1 = affine_map<(d0, d1) -> (0, 0, 0)>
module attributes {stable_mosaic.version = 14 : i64} {
  func.func @seg_sum(%arg0: i32, %arg1: i32, %arg2: memref<10000x128xf32, #tpu.memory_space<hbm>>, %arg3: memref<2x323584xi32, #tpu.memory_space<hbm>>, %arg4: memref<2x10000x128xf32, #tpu.memory_space<hbm>>, %arg5: memref<4x2x128xi32, #tpu.memory_space<vmem>>, %arg6: memref<2x128x128xf32, #tpu.memory_space<vmem>>, %arg7: memref<52x128xf32, #tpu.memory_space<vmem>>, %arg8: memref<10512x128xf32, #tpu.memory_space<vmem_shared>>, %arg9: memref<2x!tpu.dma_semaphore, #tpu.memory_space<semaphore_mem>>, %arg10: memref<2x!tpu.dma_semaphore, #tpu.memory_space<semaphore_mem>>, %arg11: memref<4x!tpu.dma_semaphore, #tpu.memory_space<semaphore_mem>>) attributes {dimension_semantics = [#tpu.dimension_semantics<core_parallel>, #tpu.dimension_semantics<subcore_parallel>], iteration_bounds = array<i64: 2, 16>, scalar_prefetch = 0 : i64, scratch_operands = 7 : i64, tpu.core_type = #tpu.core_type<sc_vector_subcore>, window_params = [{transform_indices = #map}, {transform_indices = #map}, {transform_indices = #map1}]} {
    %eq3A = arith.constant 0 : i32
    %eq3A_0 = arith.cmpi eq, %arg0, %eq3A : i32
    %jit3A = arith.constant 79 : i32
    %jit3A_1 = arith.constant 79 : i32
    %select_n3A = arith.select %eq3A_0, %jit3A, %jit3A_1 : i32
    %eq3A_2 = arith.constant 0 : i32
    %eq3A_3 = arith.cmpi eq, %arg0, %eq3A_2 : i32
    %mul3A = arith.constant 79 : i32
    %mul3A_4 = arith.muli %arg1, %mul3A : i32
    %mul3A_5 = arith.constant 79 : i32
    %mul3A_6 = arith.muli %arg1, %mul3A_5 : i32
    %add3A = arith.constant 1264 : i32
    %add3A_7 = arith.addi %add3A, %mul3A_6 : i32
    %select_n3A_8 = arith.select %eq3A_3, %mul3A_4, %add3A_7 : i32
    %mul3A_9 = arith.constant 128 : i32
    %mul3A_10 = arith.muli %select_n3A_8, %mul3A_9 : i32
    "tpu.trace_start"() <{level = 10 : i32, message = "prologue"}> : () -> ()
    %add3A_11 = arith.constant 0 : i32
    %add3A_12 = arith.addi %mul3A_10, %add3A_11 : i32
    %dma_start3A = arith.constant 0 : i32
    %dma_start3A_13 = arith.constant 0 : i32
    %dma_start3A_14 = arith.constant 0 : i32
    %dma_start3A_15 = arith.constant 0 : i32
    %dma_start3A_16 = tpu.memref_slice %arg5[%dma_start3A, %dma_start3A_14, %dma_start3A_15] : memref<4x2x128xi32, #tpu.memory_space<vmem>> -> memref<1x2x128xi32, #tpu.memory_space<vmem>>
    %dma_start3A_17 = tpu.memref_squeeze %dma_start3A_16 : memref<1x2x128xi32, #tpu.memory_space<vmem>> -> memref<2x128xi32, #tpu.memory_space<vmem>>
    %dma_start3A_18 = arith.constant 0 : i32
    %dma_start3A_19 = tpu.memref_slice %arg3[%dma_start3A_18, %add3A_12] : memref<2x323584xi32, #tpu.memory_space<hbm>> -> memref<2x128xi32, #tpu.memory_space<hbm>>
    %dma_start3A_20 = tpu.memref_slice %arg11[%dma_start3A_13] : memref<4x!tpu.dma_semaphore, #tpu.memory_space<semaphore_mem>> -> memref<1x!tpu.dma_semaphore, #tpu.memory_space<semaphore_mem>>
    %dma_start3A_21 = tpu.memref_squeeze %dma_start3A_20 : memref<1x!tpu.dma_semaphore, #tpu.memory_space<semaphore_mem>> -> memref<!tpu.dma_semaphore, #tpu.memory_space<semaphore_mem>>
    %dma_start3A_22 = arith.constant 0 : i32
    %dma_start3A_23 = arith.constant 0 : i32
    %dma_start3A_24 = tpu.memref_slice %arg5[%dma_start3A, %dma_start3A_22, %dma_start3A_23] : memref<4x2x128xi32, #tpu.memory_space<vmem>> -> memref<1x2x128xi32, #tpu.memory_space<vmem>>
    %dma_start3A_25 = tpu.memref_squeeze %dma_start3A_24 : memref<1x2x128xi32, #tpu.memory_space<vmem>> -> memref<2x128xi32, #tpu.memory_space<vmem>>
    %dma_start3A_26 = arith.constant 0 : i32
    %dma_start3A_27 = tpu.memref_slice %arg3[%dma_start3A_26, %add3A_12] : memref<2x323584xi32, #tpu.memory_space<hbm>> -> memref<2x128xi32, #tpu.memory_space<hbm>>
    tpu.enqueue_dma source(%dma_start3A_27 : memref<2x128xi32, #tpu.memory_space<hbm>>) target(%dma_start3A_25 : memref<2x128xi32, #tpu.memory_space<vmem>>) target_semaphore(%dma_start3A_21 : memref<!tpu.dma_semaphore, #tpu.memory_space<semaphore_mem>>)
    %add3A_28 = arith.constant 128 : i32
    %add3A_29 = arith.addi %mul3A_10, %add3A_28 : i32
    %dma_start3A_30 = arith.constant 1 : i32
    %dma_start3A_31 = arith.constant 1 : i32
    %dma_start3A_32 = arith.constant 0 : i32
    %dma_start3A_33 = arith.constant 0 : i32
    %dma_start3A_34 = tpu.memref_slice %arg5[%dma_start3A_30, %dma_start3A_32, %dma_start3A_33] : memref<4x2x128xi32, #tpu.memory_space<vmem>> -> memref<1x2x128xi32, #tpu.memory_space<vmem>>
    %dma_start3A_35 = tpu.memref_squeeze %dma_start3A_34 : memref<1x2x128xi32, #tpu.memory_space<vmem>> -> memref<2x128xi32, #tpu.memory_space<vmem>>
    %dma_start3A_36 = arith.constant 0 : i32
    %dma_start3A_37 = tpu.memref_slice %arg3[%dma_start3A_36, %add3A_29] : memref<2x323584xi32, #tpu.memory_space<hbm>> -> memref<2x128xi32, #tpu.memory_space<hbm>>
    %dma_start3A_38 = tpu.memref_slice %arg11[%dma_start3A_31] : memref<4x!tpu.dma_semaphore, #tpu.memory_space<semaphore_mem>> -> memref<1x!tpu.dma_semaphore, #tpu.memory_space<semaphore_mem>>
    %dma_start3A_39 = tpu.memref_squeeze %dma_start3A_38 : memref<1x!tpu.dma_semaphore, #tpu.memory_space<semaphore_mem>> -> memref<!tpu.dma_semaphore, #tpu.memory_space<semaphore_mem>>
    %dma_start3A_40 = arith.constant 0 : i32
    %dma_start3A_41 = arith.constant 0 : i32
    %dma_start3A_42 = tpu.memref_slice %arg5[%dma_start3A_30, %dma_start3A_40, %dma_start3A_41] : memref<4x2x128xi32, #tpu.memory_space<vmem>> -> memref<1x2x128xi32, #tpu.memory_space<vmem>>
    %dma_start3A_43 = tpu.memref_squeeze %dma_start3A_42 : memref<1x2x128xi32, #tpu.memory_space<vmem>> -> memref<2x128xi32, #tpu.memory_space<vmem>>
    %dma_start3A_44 = arith.constant 0 : i32
    %dma_start3A_45 = tpu.memref_slice %arg3[%dma_start3A_44, %add3A_29] : memref<2x323584xi32, #tpu.memory_space<hbm>> -> memref<2x128xi32, #tpu.memory_space<hbm>>
    tpu.enqueue_dma source(%dma_start3A_45 : memref<2x128xi32, #tpu.memory_space<hbm>>) target(%dma_start3A_43 : memref<2x128xi32, #tpu.memory_space<vmem>>) target_semaphore(%dma_start3A_39 : memref<!tpu.dma_semaphore, #tpu.memory_space<semaphore_mem>>)
    %add3A_46 = arith.constant 256 : i32
    %add3A_47 = arith.addi %mul3A_10, %add3A_46 : i32
    %dma_start3A_48 = arith.constant 2 : i32
    %dma_start3A_49 = arith.constant 2 : i32
    %dma_start3A_50 = arith.constant 0 : i32
    %dma_start3A_51 = arith.constant 0 : i32
    %dma_start3A_52 = tpu.memref_slice %arg5[%dma_start3A_48, %dma_start3A_50, %dma_start3A_51] : memref<4x2x128xi32, #tpu.memory_space<vmem>> -> memref<1x2x128xi32, #tpu.memory_space<vmem>>
    %dma_start3A_53 = tpu.memref_squeeze %dma_start3A_52 : memref<1x2x128xi32, #tpu.memory_space<vmem>> -> memref<2x128xi32, #tpu.memory_space<vmem>>
    %dma_start3A_54 = arith.constant 0 : i32
    %dma_start3A_55 = tpu.memref_slice %arg3[%dma_start3A_54, %add3A_47] : memref<2x323584xi32, #tpu.memory_space<hbm>> -> memref<2x128xi32, #tpu.memory_space<hbm>>
    %dma_start3A_56 = tpu.memref_slice %arg11[%dma_start3A_49] : memref<4x!tpu.dma_semaphore, #tpu.memory_space<semaphore_mem>> -> memref<1x!tpu.dma_semaphore, #tpu.memory_space<semaphore_mem>>
    %dma_start3A_57 = tpu.memref_squeeze %dma_start3A_56 : memref<1x!tpu.dma_semaphore, #tpu.memory_space<semaphore_mem>> -> memref<!tpu.dma_semaphore, #tpu.memory_space<semaphore_mem>>
    %dma_start3A_58 = arith.constant 0 : i32
    %dma_start3A_59 = arith.constant 0 : i32
    %dma_start3A_60 = tpu.memref_slice %arg5[%dma_start3A_48, %dma_start3A_58, %dma_start3A_59] : memref<4x2x128xi32, #tpu.memory_space<vmem>> -> memref<1x2x128xi32, #tpu.memory_space<vmem>>
    %dma_start3A_61 = tpu.memref_squeeze %dma_start3A_60 : memref<1x2x128xi32, #tpu.memory_space<vmem>> -> memref<2x128xi32, #tpu.memory_space<vmem>>
    %dma_start3A_62 = arith.constant 0 : i32
    %dma_start3A_63 = tpu.memref_slice %arg3[%dma_start3A_62, %add3A_47] : memref<2x323584xi32, #tpu.memory_space<hbm>> -> memref<2x128xi32, #tpu.memory_space<hbm>>
    tpu.enqueue_dma source(%dma_start3A_63 : memref<2x128xi32, #tpu.memory_space<hbm>>) target(%dma_start3A_61 : memref<2x128xi32, #tpu.memory_space<vmem>>) target_semaphore(%dma_start3A_57 : memref<!tpu.dma_semaphore, #tpu.memory_space<semaphore_mem>>)
    %add3A_64 = arith.constant 0 : i32
    %add3A_65 = arith.addi %mul3A_10, %add3A_64 : i32
    %dma_wait3A = arith.constant 0 : i32
    %dma_wait3A_66 = arith.constant 0 : i32
    %dma_wait3A_67 = arith.constant 0 : i32
    %dma_wait3A_68 = arith.constant 0 : i32
    %dma_wait3A_69 = tpu.memref_slice %arg5[%dma_wait3A, %dma_wait3A_67, %dma_wait3A_68] : memref<4x2x128xi32, #tpu.memory_space<vmem>> -> memref<1x2x128xi32, #tpu.memory_space<vmem>>
    %dma_wait3A_70 = tpu.memref_squeeze %dma_wait3A_69 : memref<1x2x128xi32, #tpu.memory_space<vmem>> -> memref<2x128xi32, #tpu.memory_space<vmem>>
    %dma_wait3A_71 = arith.constant 0 : i32
    %dma_wait3A_72 = tpu.memref_slice %arg3[%dma_wait3A_71, %add3A_65] : memref<2x323584xi32, #tpu.memory_space<hbm>> -> memref<2x128xi32, #tpu.memory_space<hbm>>
    %dma_wait3A_73 = tpu.memref_slice %arg11[%dma_wait3A_66] : memref<4x!tpu.dma_semaphore, #tpu.memory_space<semaphore_mem>> -> memref<1x!tpu.dma_semaphore, #tpu.memory_space<semaphore_mem>>
    %dma_wait3A_74 = tpu.memref_squeeze %dma_wait3A_73 : memref<1x!tpu.dma_semaphore, #tpu.memory_space<semaphore_mem>> -> memref<!tpu.dma_semaphore, #tpu.memory_space<semaphore_mem>>
    %dma_wait3A_75 = arith.constant 0 : i32
    %dma_wait3A_76 = arith.constant 0 : i32
    %dma_wait3A_77 = tpu.memref_slice %arg5[%dma_wait3A, %dma_wait3A_75, %dma_wait3A_76] : memref<4x2x128xi32, #tpu.memory_space<vmem>> -> memref<1x2x128xi32, #tpu.memory_space<vmem>>
    %dma_wait3A_78 = tpu.memref_squeeze %dma_wait3A_77 : memref<1x2x128xi32, #tpu.memory_space<vmem>> -> memref<2x128xi32, #tpu.memory_space<vmem>>
    %dma_wait3A_79 = arith.constant 0 : i32
    %dma_wait3A_80 = tpu.memref_slice %arg3[%dma_wait3A_79, %add3A_65] : memref<2x323584xi32, #tpu.memory_space<hbm>> -> memref<2x128xi32, #tpu.memory_space<hbm>>
    tpu.wait_dma2 semaphore(%dma_wait3A_74 : memref<!tpu.dma_semaphore, #tpu.memory_space<semaphore_mem>>) src(%dma_wait3A_80 : memref<2x128xi32, #tpu.memory_space<hbm>>) dst(%dma_wait3A_78 : memref<2x128xi32, #tpu.memory_space<vmem>>)
    %dma_start3A_81 = arith.constant 0 : i32
    %dma_start3A_82 = arith.constant 0 : i32
    %dma_start3A_83 = arith.constant 0 : i32
    %dma_start3A_84 = arith.constant 0 : i32
    %dma_start3A_85 = arith.constant 0 : i32
    %dma_start3A_86 = arith.constant 0 : i32
    %dma_start3A_87 = tpu.memref_slice %arg6[%dma_start3A_83, %dma_start3A_85, %dma_start3A_86] : memref<2x128x128xf32, #tpu.memory_space<vmem>> -> memref<1x128x128xf32, #tpu.memory_space<vmem>>
    %dma_start3A_88 = tpu.memref_squeeze %dma_start3A_87 : memref<1x128x128xf32, #tpu.memory_space<vmem>> -> memref<128x128xf32, #tpu.memory_space<vmem>>
    %dma_start3A_89 = arith.constant 0 : i32
    %dma_start3A_90 = tpu.memref_slice %arg5[%dma_start3A_81, %dma_start3A_82, %dma_start3A_89] : memref<4x2x128xi32, #tpu.memory_space<vmem>> -> memref<1x1x128xi32, #tpu.memory_space<vmem>>
    %dma_start3A_91 = tpu.memref_squeeze %dma_start3A_90 : memref<1x1x128xi32, #tpu.memory_space<vmem>> -> memref<128xi32, #tpu.memory_space<vmem>>
    %dma_start3A_92 = arith.constant 0 : i32
    %dma_start3A_93 = arith.constant 0 : i32
    %dma_start3A_94 = tpu.memref_slice %arg2[%dma_start3A_92, %dma_start3A_93] : memref<10000x128xf32, #tpu.memory_space<hbm>> -> memref<10000x128xf32, #tpu.memory_space<hbm>>
    %dma_start3A_95 = tpu.memref_slice %arg9[%dma_start3A_84] : memref<2x!tpu.dma_semaphore, #tpu.memory_space<semaphore_mem>> -> memref<1x!tpu.dma_semaphore, #tpu.memory_space<semaphore_mem>>
    %dma_start3A_96 = tpu.memref_squeeze %dma_start3A_95 : memref<1x!tpu.dma_semaphore, #tpu.memory_space<semaphore_mem>> -> memref<!tpu.dma_semaphore, #tpu.memory_space<semaphore_mem>>
    tpu.enqueue_indirect_dma source(%dma_start3A_94 : memref<10000x128xf32, #tpu.memory_space<hbm>>) target(%dma_start3A_88 : memref<128x128xf32, #tpu.memory_space<vmem>>) offsets(%dma_start3A_91 : memref<128xi32, #tpu.memory_space<vmem>>) semaphore(%dma_start3A_96 : memref<!tpu.dma_semaphore, #tpu.memory_space<semaphore_mem>>)
    %add3A_97 = arith.constant 128 : i32
    %add3A_98 = arith.addi %mul3A_10, %add3A_97 : i32
    %dma_wait3A_99 = arith.constant 1 : i32
    %dma_wait3A_100 = arith.constant 1 : i32
    %dma_wait3A_101 = arith.constant 0 : i32
    %dma_wait3A_102 = arith.constant 0 : i32
    %dma_wait3A_103 = tpu.memref_slice %arg5[%dma_wait3A_99, %dma_wait3A_101, %dma_wait3A_102] : memref<4x2x128xi32, #tpu.memory_space<vmem>> -> memref<1x2x128xi32, #tpu.memory_space<vmem>>
    %dma_wait3A_104 = tpu.memref_squeeze %dma_wait3A_103 : memref<1x2x128xi32, #tpu.memory_space<vmem>> -> memref<2x128xi32, #tpu.memory_space<vmem>>
    %dma_wait3A_105 = arith.constant 0 : i32
    %dma_wait3A_106 = tpu.memref_slice %arg3[%dma_wait3A_105, %add3A_98] : memref<2x323584xi32, #tpu.memory_space<hbm>> -> memref<2x128xi32, #tpu.memory_space<hbm>>
    %dma_wait3A_107 = tpu.memref_slice %arg11[%dma_wait3A_100] : memref<4x!tpu.dma_semaphore, #tpu.memory_space<semaphore_mem>> -> memref<1x!tpu.dma_semaphore, #tpu.memory_space<semaphore_mem>>
    %dma_wait3A_108 = tpu.memref_squeeze %dma_wait3A_107 : memref<1x!tpu.dma_semaphore, #tpu.memory_space<semaphore_mem>> -> memref<!tpu.dma_semaphore, #tpu.memory_space<semaphore_mem>>
    %dma_wait3A_109 = arith.constant 0 : i32
    %dma_wait3A_110 = arith.constant 0 : i32
    %dma_wait3A_111 = tpu.memref_slice %arg5[%dma_wait3A_99, %dma_wait3A_109, %dma_wait3A_110] : memref<4x2x128xi32, #tpu.memory_space<vmem>> -> memref<1x2x128xi32, #tpu.memory_space<vmem>>
    %dma_wait3A_112 = tpu.memref_squeeze %dma_wait3A_111 : memref<1x2x128xi32, #tpu.memory_space<vmem>> -> memref<2x128xi32, #tpu.memory_space<vmem>>
    %dma_wait3A_113 = arith.constant 0 : i32
    %dma_wait3A_114 = tpu.memref_slice %arg3[%dma_wait3A_113, %add3A_98] : memref<2x323584xi32, #tpu.memory_space<hbm>> -> memref<2x128xi32, #tpu.memory_space<hbm>>
    tpu.wait_dma2 semaphore(%dma_wait3A_108 : memref<!tpu.dma_semaphore, #tpu.memory_space<semaphore_mem>>) src(%dma_wait3A_114 : memref<2x128xi32, #tpu.memory_space<hbm>>) dst(%dma_wait3A_112 : memref<2x128xi32, #tpu.memory_space<vmem>>)
    %dma_start3A_115 = arith.constant 1 : i32
    %dma_start3A_116 = arith.constant 0 : i32
    %dma_start3A_117 = arith.constant 1 : i32
    %dma_start3A_118 = arith.constant 1 : i32
    %dma_start3A_119 = arith.constant 0 : i32
    %dma_start3A_120 = arith.constant 0 : i32
    %dma_start3A_121 = tpu.memref_slice %arg6[%dma_start3A_117, %dma_start3A_119, %dma_start3A_120] : memref<2x128x128xf32, #tpu.memory_space<vmem>> -> memref<1x128x128xf32, #tpu.memory_space<vmem>>
    %dma_start3A_122 = tpu.memref_squeeze %dma_start3A_121 : memref<1x128x128xf32, #tpu.memory_space<vmem>> -> memref<128x128xf32, #tpu.memory_space<vmem>>
    %dma_start3A_123 = arith.constant 0 : i32
    %dma_start3A_124 = tpu.memref_slice %arg5[%dma_start3A_115, %dma_start3A_116, %dma_start3A_123] : memref<4x2x128xi32, #tpu.memory_space<vmem>> -> memref<1x1x128xi32, #tpu.memory_space<vmem>>
    %dma_start3A_125 = tpu.memref_squeeze %dma_start3A_124 : memref<1x1x128xi32, #tpu.memory_space<vmem>> -> memref<128xi32, #tpu.memory_space<vmem>>
    %dma_start3A_126 = arith.constant 0 : i32
    %dma_start3A_127 = arith.constant 0 : i32
    %dma_start3A_128 = tpu.memref_slice %arg2[%dma_start3A_126, %dma_start3A_127] : memref<10000x128xf32, #tpu.memory_space<hbm>> -> memref<10000x128xf32, #tpu.memory_space<hbm>>
    %dma_start3A_129 = tpu.memref_slice %arg9[%dma_start3A_118] : memref<2x!tpu.dma_semaphore, #tpu.memory_space<semaphore_mem>> -> memref<1x!tpu.dma_semaphore, #tpu.memory_space<semaphore_mem>>
    %dma_start3A_130 = tpu.memref_squeeze %dma_start3A_129 : memref<1x!tpu.dma_semaphore, #tpu.memory_space<semaphore_mem>> -> memref<!tpu.dma_semaphore, #tpu.memory_space<semaphore_mem>>
    tpu.enqueue_indirect_dma source(%dma_start3A_128 : memref<10000x128xf32, #tpu.memory_space<hbm>>) target(%dma_start3A_122 : memref<128x128xf32, #tpu.memory_space<vmem>>) offsets(%dma_start3A_125 : memref<128xi32, #tpu.memory_space<vmem>>) semaphore(%dma_start3A_130 : memref<!tpu.dma_semaphore, #tpu.memory_space<semaphore_mem>>)
    %broadcast_in_dim3A = arith.constant 0.000000e+00 : f32
    "tpu.trace_stop"() : () -> ()
    "tpu.trace_start"() <{level = 10 : i32, message = "zero_phase"}> : () -> ()
    %broadcast_in_dim3A_131 = vector.broadcast %broadcast_in_dim3A : f32 to vector<16xf32>
    %scan3A = arith.constant 0 : i32
    %scan3A_132 = arith.constant 0 : i32
    %scan3A_133 = arith.constant 52 : i32
    %scan3A_134 = arith.addi %scan3A_132, %scan3A_133 : i32
    %scan3A_135 = arith.constant 1 : i32
    %scan3A_136 = scf.for %scan3A_469 = %scan3A_132 to %scan3A_134 step %scan3A_135 iter_args(%scan3A_470 = %scan3A) -> (i32)  : i32 {
      %swap3A = arith.index_cast %scan3A_469 : i32 to index
      %swap3A_471 = arith.constant 0 : index
      %swap3A_472 = tpu.vector_load %arg7[%swap3A, %swap3A_471] {strides = array<i32>} : memref<52x128xf32, #tpu.memory_space<vmem>>, vector<1x16xf32>,
      %swap3A_473 = vector.shape_cast %swap3A_472 : vector<1x16xf32> to vector<16xf32>
      %swap3A_474 = vector.shape_cast %broadcast_in_dim3A_131 : vector<16xf32> to vector<1x16xf32>
      tpu.vector_store %arg7[%swap3A, %swap3A_471], %swap3A_474 {strides = array<i32>} : memref<52x128xf32, #tpu.memory_space<vmem>>, vector<1x16xf32>,
      %swap3A_475 = arith.index_cast %scan3A_469 : i32 to index
      %swap3A_476 = arith.constant 16 : index
      %swap3A_477 = tpu.vector_load %arg7[%swap3A_475, %swap3A_476] {strides = array<i32>} : memref<52x128xf32, #tpu.memory_space<vmem>>, vector<1x16xf32>,
      %swap3A_478 = vector.shape_cast %swap3A_477 : vector<1x16xf32> to vector<16xf32>
      %swap3A_479 = vector.shape_cast %broadcast_in_dim3A_131 : vector<16xf32> to vector<1x16xf32>
      tpu.vector_store %arg7[%swap3A_475, %swap3A_476], %swap3A_479 {strides = array<i32>} : memref<52x128xf32, #tpu.memory_space<vmem>>, vector<1x16xf32>,
      %swap3A_480 = arith.index_cast %scan3A_469 : i32 to index
      %swap3A_481 = arith.constant 32 : index
      %swap3A_482 = tpu.vector_load %arg7[%swap3A_480, %swap3A_481] {strides = array<i32>} : memref<52x128xf32, #tpu.memory_space<vmem>>, vector<1x16xf32>,
      %swap3A_483 = vector.shape_cast %swap3A_482 : vector<1x16xf32> to vector<16xf32>
      %swap3A_484 = vector.shape_cast %broadcast_in_dim3A_131 : vector<16xf32> to vector<1x16xf32>
      tpu.vector_store %arg7[%swap3A_480, %swap3A_481], %swap3A_484 {strides = array<i32>} : memref<52x128xf32, #tpu.memory_space<vmem>>, vector<1x16xf32>,
      %swap3A_485 = arith.index_cast %scan3A_469 : i32 to index
      %swap3A_486 = arith.constant 48 : index
      %swap3A_487 = tpu.vector_load %arg7[%swap3A_485, %swap3A_486] {strides = array<i32>} : memref<52x128xf32, #tpu.memory_space<vmem>>, vector<1x16xf32>,
      %swap3A_488 = vector.shape_cast %swap3A_487 : vector<1x16xf32> to vector<16xf32>
      %swap3A_489 = vector.shape_cast %broadcast_in_dim3A_131 : vector<16xf32> to vector<1x16xf32>
      tpu.vector_store %arg7[%swap3A_485, %swap3A_486], %swap3A_489 {strides = array<i32>} : memref<52x128xf32, #tpu.memory_space<vmem>>, vector<1x16xf32>,
      %swap3A_490 = arith.index_cast %scan3A_469 : i32 to index
      %swap3A_491 = arith.constant 64 : index
      %swap3A_492 = tpu.vector_load %arg7[%swap3A_490, %swap3A_491] {strides = array<i32>} : memref<52x128xf32, #tpu.memory_space<vmem>>, vector<1x16xf32>,
      %swap3A_493 = vector.shape_cast %swap3A_492 : vector<1x16xf32> to vector<16xf32>
      %swap3A_494 = vector.shape_cast %broadcast_in_dim3A_131 : vector<16xf32> to vector<1x16xf32>
      tpu.vector_store %arg7[%swap3A_490, %swap3A_491], %swap3A_494 {strides = array<i32>} : memref<52x128xf32, #tpu.memory_space<vmem>>, vector<1x16xf32>,
      %swap3A_495 = arith.index_cast %scan3A_469 : i32 to index
      %swap3A_496 = arith.constant 80 : index
      %swap3A_497 = tpu.vector_load %arg7[%swap3A_495, %swap3A_496] {strides = array<i32>} : memref<52x128xf32, #tpu.memory_space<vmem>>, vector<1x16xf32>,
      %swap3A_498 = vector.shape_cast %swap3A_497 : vector<1x16xf32> to vector<16xf32>
      %swap3A_499 = vector.shape_cast %broadcast_in_dim3A_131 : vector<16xf32> to vector<1x16xf32>
      tpu.vector_store %arg7[%swap3A_495, %swap3A_496], %swap3A_499 {strides = array<i32>} : memref<52x128xf32, #tpu.memory_space<vmem>>, vector<1x16xf32>,
      %swap3A_500 = arith.index_cast %scan3A_469 : i32 to index
      %swap3A_501 = arith.constant 96 : index
      %swap3A_502 = tpu.vector_load %arg7[%swap3A_500, %swap3A_501] {strides = array<i32>} : memref<52x128xf32, #tpu.memory_space<vmem>>, vector<1x16xf32>,
      %swap3A_503 = vector.shape_cast %swap3A_502 : vector<1x16xf32> to vector<16xf32>
      %swap3A_504 = vector.shape_cast %broadcast_in_dim3A_131 : vector<16xf32> to vector<1x16xf32>
      tpu.vector_store %arg7[%swap3A_500, %swap3A_501], %swap3A_504 {strides = array<i32>} : memref<52x128xf32, #tpu.memory_space<vmem>>, vector<1x16xf32>,
      %swap3A_505 = arith.index_cast %scan3A_469 : i32 to index
      %swap3A_506 = arith.constant 112 : index
      %swap3A_507 = tpu.vector_load %arg7[%swap3A_505, %swap3A_506] {strides = array<i32>} : memref<52x128xf32, #tpu.memory_space<vmem>>, vector<1x16xf32>,
      %swap3A_508 = vector.shape_cast %swap3A_507 : vector<1x16xf32> to vector<16xf32>
      %swap3A_509 = vector.shape_cast %broadcast_in_dim3A_131 : vector<16xf32> to vector<1x16xf32>
      tpu.vector_store %arg7[%swap3A_505, %swap3A_506], %swap3A_509 {strides = array<i32>} : memref<52x128xf32, #tpu.memory_space<vmem>>, vector<1x16xf32>,
      %scan3A_510 = arith.constant 0 : i32
      scf.yield %scan3A_510 : i32
    }
    %scan3A_137 = arith.constant 52 : i32
    %mul3A_138 = arith.constant 624 : i32
    %mul3A_139 = arith.muli %arg1, %mul3A_138 : i32
    %add3A_140 = arith.constant 0 : i32
    %add3A_141 = arith.addi %mul3A_139, %add3A_140 : i32
    "tpu.region"() ({
      %run_scoped3A = tpu.sem_alloc : memref<!tpu.dma_semaphore, #tpu.memory_space<semaphore_mem>>
      %dma_start3A_469 = arith.constant 0 : i32
      %dma_start3A_470 = tpu.memref_slice %arg8[%add3A_141, %dma_start3A_469] : memref<10512x128xf32, #tpu.memory_space<vmem_shared>> -> memref<52x128xf32, #tpu.memory_space<vmem_shared>>
      %dma_start3A_471 = arith.constant 0 : i32
      %dma_start3A_472 = tpu.memref_slice %arg8[%add3A_141, %dma_start3A_471] : memref<10512x128xf32, #tpu.memory_space<vmem_shared>> -> memref<52x128xf32, #tpu.memory_space<vmem_shared>>
      tpu.enqueue_dma source(%arg7 : memref<52x128xf32, #tpu.memory_space<vmem>>) target(%dma_start3A_472 : memref<52x128xf32, #tpu.memory_space<vmem_shared>>) target_semaphore(%run_scoped3A : memref<!tpu.dma_semaphore, #tpu.memory_space<semaphore_mem>>)
      %dma_wait3A_473 = arith.constant 0 : i32
      %dma_wait3A_474 = tpu.memref_slice %arg8[%add3A_141, %dma_wait3A_473] : memref<10512x128xf32, #tpu.memory_space<vmem_shared>> -> memref<52x128xf32, #tpu.memory_space<vmem_shared>>
      %dma_wait3A_475 = arith.constant 0 : i32
      %dma_wait3A_476 = tpu.memref_slice %arg8[%add3A_141, %dma_wait3A_475] : memref<10512x128xf32, #tpu.memory_space<vmem_shared>> -> memref<52x128xf32, #tpu.memory_space<vmem_shared>>
      tpu.wait_dma2 semaphore(%run_scoped3A : memref<!tpu.dma_semaphore, #tpu.memory_space<semaphore_mem>>) src(%arg7 : memref<52x128xf32, #tpu.memory_space<vmem>>) dst(%dma_wait3A_476 : memref<52x128xf32, #tpu.memory_space<vmem_shared>>)
      tpu.yield
    }) : () -> ()
    %add3A_142 = arith.constant 52 : i32
    %add3A_143 = arith.addi %mul3A_139, %add3A_142 : i32
    "tpu.region"() ({
      %run_scoped3A = tpu.sem_alloc : memref<!tpu.dma_semaphore, #tpu.memory_space<semaphore_mem>>
      %dma_start3A_469 = arith.constant 0 : i32
      %dma_start3A_470 = tpu.memref_slice %arg8[%add3A_143, %dma_start3A_469] : memref<10512x128xf32, #tpu.memory_space<vmem_shared>> -> memref<52x128xf32, #tpu.memory_space<vmem_shared>>
      %dma_start3A_471 = arith.constant 0 : i32
      %dma_start3A_472 = tpu.memref_slice %arg8[%add3A_143, %dma_start3A_471] : memref<10512x128xf32, #tpu.memory_space<vmem_shared>> -> memref<52x128xf32, #tpu.memory_space<vmem_shared>>
      tpu.enqueue_dma source(%arg7 : memref<52x128xf32, #tpu.memory_space<vmem>>) target(%dma_start3A_472 : memref<52x128xf32, #tpu.memory_space<vmem_shared>>) target_semaphore(%run_scoped3A : memref<!tpu.dma_semaphore, #tpu.memory_space<semaphore_mem>>)
      %dma_wait3A_473 = arith.constant 0 : i32
      %dma_wait3A_474 = tpu.memref_slice %arg8[%add3A_143, %dma_wait3A_473] : memref<10512x128xf32, #tpu.memory_space<vmem_shared>> -> memref<52x128xf32, #tpu.memory_space<vmem_shared>>
      %dma_wait3A_475 = arith.constant 0 : i32
      %dma_wait3A_476 = tpu.memref_slice %arg8[%add3A_143, %dma_wait3A_475] : memref<10512x128xf32, #tpu.memory_space<vmem_shared>> -> memref<52x128xf32, #tpu.memory_space<vmem_shared>>
      tpu.wait_dma2 semaphore(%run_scoped3A : memref<!tpu.dma_semaphore, #tpu.memory_space<semaphore_mem>>) src(%arg7 : memref<52x128xf32, #tpu.memory_space<vmem>>) dst(%dma_wait3A_476 : memref<52x128xf32, #tpu.memory_space<vmem_shared>>)
      tpu.yield
    }) : () -> ()
    %add3A_144 = arith.constant 104 : i32
    %add3A_145 = arith.addi %mul3A_139, %add3A_144 : i32
    "tpu.region"() ({
      %run_scoped3A = tpu.sem_alloc : memref<!tpu.dma_semaphore, #tpu.memory_space<semaphore_mem>>
      %dma_start3A_469 = arith.constant 0 : i32
      %dma_start3A_470 = tpu.memref_slice %arg8[%add3A_145, %dma_start3A_469] : memref<10512x128xf32, #tpu.memory_space<vmem_shared>> -> memref<52x128xf32, #tpu.memory_space<vmem_shared>>
      %dma_start3A_471 = arith.constant 0 : i32
      %dma_start3A_472 = tpu.memref_slice %arg8[%add3A_145, %dma_start3A_471] : memref<10512x128xf32, #tpu.memory_space<vmem_shared>> -> memref<52x128xf32, #tpu.memory_space<vmem_shared>>
      tpu.enqueue_dma source(%arg7 : memref<52x128xf32, #tpu.memory_space<vmem>>) target(%dma_start3A_472 : memref<52x128xf32, #tpu.memory_space<vmem_shared>>) target_semaphore(%run_scoped3A : memref<!tpu.dma_semaphore, #tpu.memory_space<semaphore_mem>>)
      %dma_wait3A_473 = arith.constant 0 : i32
      %dma_wait3A_474 = tpu.memref_slice %arg8[%add3A_145, %dma_wait3A_473] : memref<10512x128xf32, #tpu.memory_space<vmem_shared>> -> memref<52x128xf32, #tpu.memory_space<vmem_shared>>
      %dma_wait3A_475 = arith.constant 0 : i32
      %dma_wait3A_476 = tpu.memref_slice %arg8[%add3A_145, %dma_wait3A_475] : memref<10512x128xf32, #tpu.memory_space<vmem_shared>> -> memref<52x128xf32, #tpu.memory_space<vmem_shared>>
      tpu.wait_dma2 semaphore(%run_scoped3A : memref<!tpu.dma_semaphore, #tpu.memory_space<semaphore_mem>>) src(%arg7 : memref<52x128xf32, #tpu.memory_space<vmem>>) dst(%dma_wait3A_476 : memref<52x128xf32, #tpu.memory_space<vmem_shared>>)
      tpu.yield
    }) : () -> ()
    %add3A_146 = arith.constant 156 : i32
    %add3A_147 = arith.addi %mul3A_139, %add3A_146 : i32
    "tpu.region"() ({
      %run_scoped3A = tpu.sem_alloc : memref<!tpu.dma_semaphore, #tpu.memory_space<semaphore_mem>>
      %dma_start3A_469 = arith.constant 0 : i32
      %dma_start3A_470 = tpu.memref_slice %arg8[%add3A_147, %dma_start3A_469] : memref<10512x128xf32, #tpu.memory_space<vmem_shared>> -> memref<52x128xf32, #tpu.memory_space<vmem_shared>>
      %dma_start3A_471 = arith.constant 0 : i32
      %dma_start3A_472 = tpu.memref_slice %arg8[%add3A_147, %dma_start3A_471] : memref<10512x128xf32, #tpu.memory_space<vmem_shared>> -> memref<52x128xf32, #tpu.memory_space<vmem_shared>>
      tpu.enqueue_dma source(%arg7 : memref<52x128xf32, #tpu.memory_space<vmem>>) target(%dma_start3A_472 : memref<52x128xf32, #tpu.memory_space<vmem_shared>>) target_semaphore(%run_scoped3A : memref<!tpu.dma_semaphore, #tpu.memory_space<semaphore_mem>>)
      %dma_wait3A_473 = arith.constant 0 : i32
      %dma_wait3A_474 = tpu.memref_slice %arg8[%add3A_147, %dma_wait3A_473] : memref<10512x128xf32, #tpu.memory_space<vmem_shared>> -> memref<52x128xf32, #tpu.memory_space<vmem_shared>>
      %dma_wait3A_475 = arith.constant 0 : i32
      %dma_wait3A_476 = tpu.memref_slice %arg8[%add3A_147, %dma_wait3A_475] : memref<10512x128xf32, #tpu.memory_space<vmem_shared>> -> memref<52x128xf32, #tpu.memory_space<vmem_shared>>
      tpu.wait_dma2 semaphore(%run_scoped3A : memref<!tpu.dma_semaphore, #tpu.memory_space<semaphore_mem>>) src(%arg7 : memref<52x128xf32, #tpu.memory_space<vmem>>) dst(%dma_wait3A_476 : memref<52x128xf32, #tpu.memory_space<vmem_shared>>)
      tpu.yield
    }) : () -> ()
    %add3A_148 = arith.constant 208 : i32
    %add3A_149 = arith.addi %mul3A_139, %add3A_148 : i32
    "tpu.region"() ({
      %run_scoped3A = tpu.sem_alloc : memref<!tpu.dma_semaphore, #tpu.memory_space<semaphore_mem>>
      %dma_start3A_469 = arith.constant 0 : i32
      %dma_start3A_470 = tpu.memref_slice %arg8[%add3A_149, %dma_start3A_469] : memref<10512x128xf32, #tpu.memory_space<vmem_shared>> -> memref<52x128xf32, #tpu.memory_space<vmem_shared>>
      %dma_start3A_471 = arith.constant 0 : i32
      %dma_start3A_472 = tpu.memref_slice %arg8[%add3A_149, %dma_start3A_471] : memref<10512x128xf32, #tpu.memory_space<vmem_shared>> -> memref<52x128xf32, #tpu.memory_space<vmem_shared>>
      tpu.enqueue_dma source(%arg7 : memref<52x128xf32, #tpu.memory_space<vmem>>) target(%dma_start3A_472 : memref<52x128xf32, #tpu.memory_space<vmem_shared>>) target_semaphore(%run_scoped3A : memref<!tpu.dma_semaphore, #tpu.memory_space<semaphore_mem>>)
      %dma_wait3A_473 = arith.constant 0 : i32
      %dma_wait3A_474 = tpu.memref_slice %arg8[%add3A_149, %dma_wait3A_473] : memref<10512x128xf32, #tpu.memory_space<vmem_shared>> -> memref<52x128xf32, #tpu.memory_space<vmem_shared>>
      %dma_wait3A_475 = arith.constant 0 : i32
      %dma_wait3A_476 = tpu.memref_slice %arg8[%add3A_149, %dma_wait3A_475] : memref<10512x128xf32, #tpu.memory_space<vmem_shared>> -> memref<52x128xf32, #tpu.memory_space<vmem_shared>>
      tpu.wait_dma2 semaphore(%run_scoped3A : memref<!tpu.dma_semaphore, #tpu.memory_space<semaphore_mem>>) src(%arg7 : memref<52x128xf32, #tpu.memory_space<vmem>>) dst(%dma_wait3A_476 : memref<52x128xf32, #tpu.memory_space<vmem_shared>>)
      tpu.yield
    }) : () -> ()
    %add3A_150 = arith.constant 260 : i32
    %add3A_151 = arith.addi %mul3A_139, %add3A_150 : i32
    "tpu.region"() ({
      %run_scoped3A = tpu.sem_alloc : memref<!tpu.dma_semaphore, #tpu.memory_space<semaphore_mem>>
      %dma_start3A_469 = arith.constant 0 : i32
      %dma_start3A_470 = tpu.memref_slice %arg8[%add3A_151, %dma_start3A_469] : memref<10512x128xf32, #tpu.memory_space<vmem_shared>> -> memref<52x128xf32, #tpu.memory_space<vmem_shared>>
      %dma_start3A_471 = arith.constant 0 : i32
      %dma_start3A_472 = tpu.memref_slice %arg8[%add3A_151, %dma_start3A_471] : memref<10512x128xf32, #tpu.memory_space<vmem_shared>> -> memref<52x128xf32, #tpu.memory_space<vmem_shared>>
      tpu.enqueue_dma source(%arg7 : memref<52x128xf32, #tpu.memory_space<vmem>>) target(%dma_start3A_472 : memref<52x128xf32, #tpu.memory_space<vmem_shared>>) target_semaphore(%run_scoped3A : memref<!tpu.dma_semaphore, #tpu.memory_space<semaphore_mem>>)
      %dma_wait3A_473 = arith.constant 0 : i32
      %dma_wait3A_474 = tpu.memref_slice %arg8[%add3A_151, %dma_wait3A_473] : memref<10512x128xf32, #tpu.memory_space<vmem_shared>> -> memref<52x128xf32, #tpu.memory_space<vmem_shared>>
      %dma_wait3A_475 = arith.constant 0 : i32
      %dma_wait3A_476 = tpu.memref_slice %arg8[%add3A_151, %dma_wait3A_475] : memref<10512x128xf32, #tpu.memory_space<vmem_shared>> -> memref<52x128xf32, #tpu.memory_space<vmem_shared>>
      tpu.wait_dma2 semaphore(%run_scoped3A : memref<!tpu.dma_semaphore, #tpu.memory_space<semaphore_mem>>) src(%arg7 : memref<52x128xf32, #tpu.memory_space<vmem>>) dst(%dma_wait3A_476 : memref<52x128xf32, #tpu.memory_space<vmem_shared>>)
      tpu.yield
    }) : () -> ()
    %add3A_152 = arith.constant 312 : i32
    %add3A_153 = arith.addi %mul3A_139, %add3A_152 : i32
    "tpu.region"() ({
      %run_scoped3A = tpu.sem_alloc : memref<!tpu.dma_semaphore, #tpu.memory_space<semaphore_mem>>
      %dma_start3A_469 = arith.constant 0 : i32
      %dma_start3A_470 = tpu.memref_slice %arg8[%add3A_153, %dma_start3A_469] : memref<10512x128xf32, #tpu.memory_space<vmem_shared>> -> memref<52x128xf32, #tpu.memory_space<vmem_shared>>
      %dma_start3A_471 = arith.constant 0 : i32
      %dma_start3A_472 = tpu.memref_slice %arg8[%add3A_153, %dma_start3A_471] : memref<10512x128xf32, #tpu.memory_space<vmem_shared>> -> memref<52x128xf32, #tpu.memory_space<vmem_shared>>
      tpu.enqueue_dma source(%arg7 : memref<52x128xf32, #tpu.memory_space<vmem>>) target(%dma_start3A_472 : memref<52x128xf32, #tpu.memory_space<vmem_shared>>) target_semaphore(%run_scoped3A : memref<!tpu.dma_semaphore, #tpu.memory_space<semaphore_mem>>)
      %dma_wait3A_473 = arith.constant 0 : i32
      %dma_wait3A_474 = tpu.memref_slice %arg8[%add3A_153, %dma_wait3A_473] : memref<10512x128xf32, #tpu.memory_space<vmem_shared>> -> memref<52x128xf32, #tpu.memory_space<vmem_shared>>
      %dma_wait3A_475 = arith.constant 0 : i32
      %dma_wait3A_476 = tpu.memref_slice %arg8[%add3A_153, %dma_wait3A_475] : memref<10512x128xf32, #tpu.memory_space<vmem_shared>> -> memref<52x128xf32, #tpu.memory_space<vmem_shared>>
      tpu.wait_dma2 semaphore(%run_scoped3A : memref<!tpu.dma_semaphore, #tpu.memory_space<semaphore_mem>>) src(%arg7 : memref<52x128xf32, #tpu.memory_space<vmem>>) dst(%dma_wait3A_476 : memref<52x128xf32, #tpu.memory_space<vmem_shared>>)
      tpu.yield
    }) : () -> ()
    %add3A_154 = arith.constant 364 : i32
    %add3A_155 = arith.addi %mul3A_139, %add3A_154 : i32
    "tpu.region"() ({
      %run_scoped3A = tpu.sem_alloc : memref<!tpu.dma_semaphore, #tpu.memory_space<semaphore_mem>>
      %dma_start3A_469 = arith.constant 0 : i32
      %dma_start3A_470 = tpu.memref_slice %arg8[%add3A_155, %dma_start3A_469] : memref<10512x128xf32, #tpu.memory_space<vmem_shared>> -> memref<52x128xf32, #tpu.memory_space<vmem_shared>>
      %dma_start3A_471 = arith.constant 0 : i32
      %dma_start3A_472 = tpu.memref_slice %arg8[%add3A_155, %dma_start3A_471] : memref<10512x128xf32, #tpu.memory_space<vmem_shared>> -> memref<52x128xf32, #tpu.memory_space<vmem_shared>>
      tpu.enqueue_dma source(%arg7 : memref<52x128xf32, #tpu.memory_space<vmem>>) target(%dma_start3A_472 : memref<52x128xf32, #tpu.memory_space<vmem_shared>>) target_semaphore(%run_scoped3A : memref<!tpu.dma_semaphore, #tpu.memory_space<semaphore_mem>>)
      %dma_wait3A_473 = arith.constant 0 : i32
      %dma_wait3A_474 = tpu.memref_slice %arg8[%add3A_155, %dma_wait3A_473] : memref<10512x128xf32, #tpu.memory_space<vmem_shared>> -> memref<52x128xf32, #tpu.memory_space<vmem_shared>>
      %dma_wait3A_475 = arith.constant 0 : i32
      %dma_wait3A_476 = tpu.memref_slice %arg8[%add3A_155, %dma_wait3A_475] : memref<10512x128xf32, #tpu.memory_space<vmem_shared>> -> memref<52x128xf32, #tpu.memory_space<vmem_shared>>
      tpu.wait_dma2 semaphore(%run_scoped3A : memref<!tpu.dma_semaphore, #tpu.memory_space<semaphore_mem>>) src(%arg7 : memref<52x128xf32, #tpu.memory_space<vmem>>) dst(%dma_wait3A_476 : memref<52x128xf32, #tpu.memory_space<vmem_shared>>)
      tpu.yield
    }) : () -> ()
    %add3A_156 = arith.constant 416 : i32
    %add3A_157 = arith.addi %mul3A_139, %add3A_156 : i32
    "tpu.region"() ({
      %run_scoped3A = tpu.sem_alloc : memref<!tpu.dma_semaphore, #tpu.memory_space<semaphore_mem>>
      %dma_start3A_469 = arith.constant 0 : i32
      %dma_start3A_470 = tpu.memref_slice %arg8[%add3A_157, %dma_start3A_469] : memref<10512x128xf32, #tpu.memory_space<vmem_shared>> -> memref<52x128xf32, #tpu.memory_space<vmem_shared>>
      %dma_start3A_471 = arith.constant 0 : i32
      %dma_start3A_472 = tpu.memref_slice %arg8[%add3A_157, %dma_start3A_471] : memref<10512x128xf32, #tpu.memory_space<vmem_shared>> -> memref<52x128xf32, #tpu.memory_space<vmem_shared>>
      tpu.enqueue_dma source(%arg7 : memref<52x128xf32, #tpu.memory_space<vmem>>) target(%dma_start3A_472 : memref<52x128xf32, #tpu.memory_space<vmem_shared>>) target_semaphore(%run_scoped3A : memref<!tpu.dma_semaphore, #tpu.memory_space<semaphore_mem>>)
      %dma_wait3A_473 = arith.constant 0 : i32
      %dma_wait3A_474 = tpu.memref_slice %arg8[%add3A_157, %dma_wait3A_473] : memref<10512x128xf32, #tpu.memory_space<vmem_shared>> -> memref<52x128xf32, #tpu.memory_space<vmem_shared>>
      %dma_wait3A_475 = arith.constant 0 : i32
      %dma_wait3A_476 = tpu.memref_slice %arg8[%add3A_157, %dma_wait3A_475] : memref<10512x128xf32, #tpu.memory_space<vmem_shared>> -> memref<52x128xf32, #tpu.memory_space<vmem_shared>>
      tpu.wait_dma2 semaphore(%run_scoped3A : memref<!tpu.dma_semaphore, #tpu.memory_space<semaphore_mem>>) src(%arg7 : memref<52x128xf32, #tpu.memory_space<vmem>>) dst(%dma_wait3A_476 : memref<52x128xf32, #tpu.memory_space<vmem_shared>>)
      tpu.yield
    }) : () -> ()
    %add3A_158 = arith.constant 468 : i32
    %add3A_159 = arith.addi %mul3A_139, %add3A_158 : i32
    "tpu.region"() ({
      %run_scoped3A = tpu.sem_alloc : memref<!tpu.dma_semaphore, #tpu.memory_space<semaphore_mem>>
      %dma_start3A_469 = arith.constant 0 : i32
      %dma_start3A_470 = tpu.memref_slice %arg8[%add3A_159, %dma_start3A_469] : memref<10512x128xf32, #tpu.memory_space<vmem_shared>> -> memref<52x128xf32, #tpu.memory_space<vmem_shared>>
      %dma_start3A_471 = arith.constant 0 : i32
      %dma_start3A_472 = tpu.memref_slice %arg8[%add3A_159, %dma_start3A_471] : memref<10512x128xf32, #tpu.memory_space<vmem_shared>> -> memref<52x128xf32, #tpu.memory_space<vmem_shared>>
      tpu.enqueue_dma source(%arg7 : memref<52x128xf32, #tpu.memory_space<vmem>>) target(%dma_start3A_472 : memref<52x128xf32, #tpu.memory_space<vmem_shared>>) target_semaphore(%run_scoped3A : memref<!tpu.dma_semaphore, #tpu.memory_space<semaphore_mem>>)
      %dma_wait3A_473 = arith.constant 0 : i32
      %dma_wait3A_474 = tpu.memref_slice %arg8[%add3A_159, %dma_wait3A_473] : memref<10512x128xf32, #tpu.memory_space<vmem_shared>> -> memref<52x128xf32, #tpu.memory_space<vmem_shared>>
      %dma_wait3A_475 = arith.constant 0 : i32
      %dma_wait3A_476 = tpu.memref_slice %arg8[%add3A_159, %dma_wait3A_475] : memref<10512x128xf32, #tpu.memory_space<vmem_shared>> -> memref<52x128xf32, #tpu.memory_space<vmem_shared>>
      tpu.wait_dma2 semaphore(%run_scoped3A : memref<!tpu.dma_semaphore, #tpu.memory_space<semaphore_mem>>) src(%arg7 : memref<52x128xf32, #tpu.memory_space<vmem>>) dst(%dma_wait3A_476 : memref<52x128xf32, #tpu.memory_space<vmem_shared>>)
      tpu.yield
    }) : () -> ()
    %add3A_160 = arith.constant 520 : i32
    %add3A_161 = arith.addi %mul3A_139, %add3A_160 : i32
    "tpu.region"() ({
      %run_scoped3A = tpu.sem_alloc : memref<!tpu.dma_semaphore, #tpu.memory_space<semaphore_mem>>
      %dma_start3A_469 = arith.constant 0 : i32
      %dma_start3A_470 = tpu.memref_slice %arg8[%add3A_161, %dma_start3A_469] : memref<10512x128xf32, #tpu.memory_space<vmem_shared>> -> memref<52x128xf32, #tpu.memory_space<vmem_shared>>
      %dma_start3A_471 = arith.constant 0 : i32
      %dma_start3A_472 = tpu.memref_slice %arg8[%add3A_161, %dma_start3A_471] : memref<10512x128xf32, #tpu.memory_space<vmem_shared>> -> memref<52x128xf32, #tpu.memory_space<vmem_shared>>
      tpu.enqueue_dma source(%arg7 : memref<52x128xf32, #tpu.memory_space<vmem>>) target(%dma_start3A_472 : memref<52x128xf32, #tpu.memory_space<vmem_shared>>) target_semaphore(%run_scoped3A : memref<!tpu.dma_semaphore, #tpu.memory_space<semaphore_mem>>)
      %dma_wait3A_473 = arith.constant 0 : i32
      %dma_wait3A_474 = tpu.memref_slice %arg8[%add3A_161, %dma_wait3A_473] : memref<10512x128xf32, #tpu.memory_space<vmem_shared>> -> memref<52x128xf32, #tpu.memory_space<vmem_shared>>
      %dma_wait3A_475 = arith.constant 0 : i32
      %dma_wait3A_476 = tpu.memref_slice %arg8[%add3A_161, %dma_wait3A_475] : memref<10512x128xf32, #tpu.memory_space<vmem_shared>> -> memref<52x128xf32, #tpu.memory_space<vmem_shared>>
      tpu.wait_dma2 semaphore(%run_scoped3A : memref<!tpu.dma_semaphore, #tpu.memory_space<semaphore_mem>>) src(%arg7 : memref<52x128xf32, #tpu.memory_space<vmem>>) dst(%dma_wait3A_476 : memref<52x128xf32, #tpu.memory_space<vmem_shared>>)
      tpu.yield
    }) : () -> ()
    %add3A_162 = arith.constant 572 : i32
    %add3A_163 = arith.addi %mul3A_139, %add3A_162 : i32
    "tpu.region"() ({
      %run_scoped3A = tpu.sem_alloc : memref<!tpu.dma_semaphore, #tpu.memory_space<semaphore_mem>>
      %dma_start3A_469 = arith.constant 0 : i32
      %dma_start3A_470 = tpu.memref_slice %arg8[%add3A_163, %dma_start3A_469] : memref<10512x128xf32, #tpu.memory_space<vmem_shared>> -> memref<52x128xf32, #tpu.memory_space<vmem_shared>>
      %dma_start3A_471 = arith.constant 0 : i32
      %dma_start3A_472 = tpu.memref_slice %arg8[%add3A_163, %dma_start3A_471] : memref<10512x128xf32, #tpu.memory_space<vmem_shared>> -> memref<52x128xf32, #tpu.memory_space<vmem_shared>>
      tpu.enqueue_dma source(%arg7 : memref<52x128xf32, #tpu.memory_space<vmem>>) target(%dma_start3A_472 : memref<52x128xf32, #tpu.memory_space<vmem_shared>>) target_semaphore(%run_scoped3A : memref<!tpu.dma_semaphore, #tpu.memory_space<semaphore_mem>>)
      %dma_wait3A_473 = arith.constant 0 : i32
      %dma_wait3A_474 = tpu.memref_slice %arg8[%add3A_163, %dma_wait3A_473] : memref<10512x128xf32, #tpu.memory_space<vmem_shared>> -> memref<52x128xf32, #tpu.memory_space<vmem_shared>>
      %dma_wait3A_475 = arith.constant 0 : i32
      %dma_wait3A_476 = tpu.memref_slice %arg8[%add3A_163, %dma_wait3A_475] : memref<10512x128xf32, #tpu.memory_space<vmem_shared>> -> memref<52x128xf32, #tpu.memory_space<vmem_shared>>
      tpu.wait_dma2 semaphore(%run_scoped3A : memref<!tpu.dma_semaphore, #tpu.memory_space<semaphore_mem>>) src(%arg7 : memref<52x128xf32, #tpu.memory_space<vmem>>) dst(%dma_wait3A_476 : memref<52x128xf32, #tpu.memory_space<vmem_shared>>)
      tpu.yield
    }) : () -> ()
    %eq3A_164 = arith.constant 15 : i32
    %eq3A_165 = arith.cmpi eq, %arg1, %eq3A_164 : i32
    %convert_element_type3A = arith.extui %eq3A_165 : i1 to i32
    %cond3A = arith.constant 0 : i32
    %cond3A_166 = arith.cmpi ne, %convert_element_type3A, %cond3A : i32
    scf.if %cond3A_166 {
      "tpu.region"() ({
        %run_scoped3A = tpu.sem_alloc : memref<!tpu.dma_semaphore, #tpu.memory_space<semaphore_mem>>
        %dma_start3A_469 = arith.constant 0 : i32
        %dma_start3A_470 = arith.constant 0 : i32
        %dma_start3A_471 = tpu.memref_slice %arg7[%dma_start3A_469, %dma_start3A_470] : memref<52x128xf32, #tpu.memory_space<vmem>> -> memref<16x128xf32, #tpu.memory_space<vmem>>
        %dma_start3A_472 = arith.constant 9984 : i32
        %dma_start3A_473 = arith.constant 0 : i32
        %dma_start3A_474 = tpu.memref_slice %arg8[%dma_start3A_472, %dma_start3A_473] : memref<10512x128xf32, #tpu.memory_space<vmem_shared>> -> memref<16x128xf32, #tpu.memory_space<vmem_shared>>
        %dma_start3A_475 = arith.constant 9984 : i32
        %dma_start3A_476 = arith.constant 0 : i32
        %dma_start3A_477 = tpu.memref_slice %arg8[%dma_start3A_475, %dma_start3A_476] : memref<10512x128xf32, #tpu.memory_space<vmem_shared>> -> memref<16x128xf32, #tpu.memory_space<vmem_shared>>
        %dma_start3A_478 = arith.constant 0 : i32
        %dma_start3A_479 = arith.constant 0 : i32
        %dma_start3A_480 = tpu.memref_slice %arg7[%dma_start3A_478, %dma_start3A_479] : memref<52x128xf32, #tpu.memory_space<vmem>> -> memref<16x128xf32, #tpu.memory_space<vmem>>
        tpu.enqueue_dma source(%dma_start3A_480 : memref<16x128xf32, #tpu.memory_space<vmem>>) target(%dma_start3A_477 : memref<16x128xf32, #tpu.memory_space<vmem_shared>>) target_semaphore(%run_scoped3A : memref<!tpu.dma_semaphore, #tpu.memory_space<semaphore_mem>>)
        %dma_wait3A_481 = arith.constant 0 : i32
        %dma_wait3A_482 = arith.constant 0 : i32
        %dma_wait3A_483 = tpu.memref_slice %arg7[%dma_wait3A_481, %dma_wait3A_482] : memref<52x128xf32, #tpu.memory_space<vmem>> -> memref<16x128xf32, #tpu.memory_space<vmem>>
        %dma_wait3A_484 = arith.constant 9984 : i32
        %dma_wait3A_485 = arith.constant 0 : i32
        %dma_wait3A_486 = tpu.memref_slice %arg8[%dma_wait3A_484, %dma_wait3A_485] : memref<10512x128xf32, #tpu.memory_space<vmem_shared>> -> memref<16x128xf32, #tpu.memory_space<vmem_shared>>
        %dma_wait3A_487 = arith.constant 9984 : i32
        %dma_wait3A_488 = arith.constant 0 : i32
        %dma_wait3A_489 = tpu.memref_slice %arg8[%dma_wait3A_487, %dma_wait3A_488] : memref<10512x128xf32, #tpu.memory_space<vmem_shared>> -> memref<16x128xf32, #tpu.memory_space<vmem_shared>>
        %dma_wait3A_490 = arith.constant 0 : i32
        %dma_wait3A_491 = arith.constant 0 : i32
        %dma_wait3A_492 = tpu.memref_slice %arg7[%dma_wait3A_490, %dma_wait3A_491] : memref<52x128xf32, #tpu.memory_space<vmem>> -> memref<16x128xf32, #tpu.memory_space<vmem>>
        tpu.wait_dma2 semaphore(%run_scoped3A : memref<!tpu.dma_semaphore, #tpu.memory_space<semaphore_mem>>) src(%dma_wait3A_492 : memref<16x128xf32, #tpu.memory_space<vmem>>) dst(%dma_wait3A_489 : memref<16x128xf32, #tpu.memory_space<vmem_shared>>)
        tpu.yield
      }) : () -> ()
    } else {
    }
    %barrier3A = arith.constant 0 : index
    tpu.barrier barrier_id(%barrier3A)
    %dma_wait3A_167 = arith.constant 0 : i32
    %dma_wait3A_168 = arith.constant 0 : i32
    %dma_wait3A_169 = arith.constant 0 : i32
    %dma_wait3A_170 = arith.constant 0 : i32
    "tpu.trace_stop"() : () -> ()
    "tpu.trace_start"() <{level = 10 : i32, message = "warmup"}> : () -> ()
    %dma_wait3A_171 = arith.constant 0 : i32
    %dma_wait3A_172 = arith.constant 0 : i32
    %dma_wait3A_173 = tpu.memref_slice %arg6[%dma_wait3A_169, %dma_wait3A_171, %dma_wait3A_172] : memref<2x128x128xf32, #tpu.memory_space<vmem>> -> memref<1x128x128xf32, #tpu.memory_space<vmem>>
    %dma_wait3A_174 = tpu.memref_squeeze %dma_wait3A_173 : memref<1x128x128xf32, #tpu.memory_space<vmem>> -> memref<128x128xf32, #tpu.memory_space<vmem>>
    %dma_wait3A_175 = arith.constant 0 : i32
    %dma_wait3A_176 = tpu.memref_slice %arg5[%dma_wait3A_167, %dma_wait3A_168, %dma_wait3A_175] : memref<4x2x128xi32, #tpu.memory_space<vmem>> -> memref<1x1x128xi32, #tpu.memory_space<vmem>>
    %dma_wait3A_177 = tpu.memref_squeeze %dma_wait3A_176 : memref<1x1x128xi32, #tpu.memory_space<vmem>> -> memref<128xi32, #tpu.memory_space<vmem>>
    %dma_wait3A_178 = arith.constant 0 : i32
    %dma_wait3A_179 = arith.constant 0 : i32
    %dma_wait3A_180 = tpu.memref_slice %arg2[%dma_wait3A_178, %dma_wait3A_179] : memref<10000x128xf32, #tpu.memory_space<hbm>> -> memref<10000x128xf32, #tpu.memory_space<hbm>>
    %dma_wait3A_181 = tpu.memref_slice %arg9[%dma_wait3A_170] : memref<2x!tpu.dma_semaphore, #tpu.memory_space<semaphore_mem>> -> memref<1x!tpu.dma_semaphore, #tpu.memory_space<semaphore_mem>>
    %dma_wait3A_182 = tpu.memref_squeeze %dma_wait3A_181 : memref<1x!tpu.dma_semaphore, #tpu.memory_space<semaphore_mem>> -> memref<!tpu.dma_semaphore, #tpu.memory_space<semaphore_mem>>
    tpu.wait_indirect_dma semaphore(%dma_wait3A_182 : memref<!tpu.dma_semaphore, #tpu.memory_space<semaphore_mem>>) src(%dma_wait3A_180 : memref<10000x128xf32, #tpu.memory_space<hbm>>) dst(%dma_wait3A_174 : memref<128x128xf32, #tpu.memory_space<vmem>>)
    %dma_start3A_183 = arith.constant 0 : i32
    %dma_start3A_184 = arith.constant 0 : i32
    %dma_start3A_185 = arith.constant 1 : i32
    %dma_start3A_186 = arith.constant 0 : i32
    %dma_start3A_187 = arith.constant 0 : i32
    %dma_start3A_188 = arith.constant 0 : i32
    %dma_start3A_189 = tpu.memref_slice %arg6[%dma_start3A_183, %dma_start3A_187, %dma_start3A_188] : memref<2x128x128xf32, #tpu.memory_space<vmem>> -> memref<1x128x128xf32, #tpu.memory_space<vmem>>
    %dma_start3A_190 = tpu.memref_squeeze %dma_start3A_189 : memref<1x128x128xf32, #tpu.memory_space<vmem>> -> memref<128x128xf32, #tpu.memory_space<vmem>>
    %dma_start3A_191 = arith.constant 0 : i32
    %dma_start3A_192 = tpu.memref_slice %arg5[%dma_start3A_184, %dma_start3A_185, %dma_start3A_191] : memref<4x2x128xi32, #tpu.memory_space<vmem>> -> memref<1x1x128xi32, #tpu.memory_space<vmem>>
    %dma_start3A_193 = tpu.memref_squeeze %dma_start3A_192 : memref<1x1x128xi32, #tpu.memory_space<vmem>> -> memref<128xi32, #tpu.memory_space<vmem>>
    %dma_start3A_194 = arith.constant 0 : i32
    %dma_start3A_195 = arith.constant 0 : i32
    %dma_start3A_196 = tpu.memref_slice %arg8[%dma_start3A_194, %dma_start3A_195] : memref<10512x128xf32, #tpu.memory_space<vmem_shared>> -> memref<10512x128xf32, #tpu.memory_space<vmem_shared>>
    %dma_start3A_197 = tpu.memref_slice %arg10[%dma_start3A_186] : memref<2x!tpu.dma_semaphore, #tpu.memory_space<semaphore_mem>> -> memref<1x!tpu.dma_semaphore, #tpu.memory_space<semaphore_mem>>
    %dma_start3A_198 = tpu.memref_squeeze %dma_start3A_197 : memref<1x!tpu.dma_semaphore, #tpu.memory_space<semaphore_mem>> -> memref<!tpu.dma_semaphore, #tpu.memory_space<semaphore_mem>>
    tpu.enqueue_indirect_dma source(%dma_start3A_190 : memref<128x128xf32, #tpu.memory_space<vmem>>) target(%dma_start3A_196 : memref<10512x128xf32, #tpu.memory_space<vmem_shared>>) offsets(%dma_start3A_193 : memref<128xi32, #tpu.memory_space<vmem>>) semaphore(%dma_start3A_198 : memref<!tpu.dma_semaphore, #tpu.memory_space<semaphore_mem>>) {add = true}
    %add3A_199 = arith.constant 384 : i32
    %add3A_200 = arith.addi %mul3A_10, %add3A_199 : i32
    %dma_start3A_201 = arith.constant 3 : i32
    %dma_start3A_202 = arith.constant 3 : i32
    %dma_start3A_203 = arith.constant 0 : i32
    %dma_start3A_204 = arith.constant 0 : i32
    %dma_start3A_205 = tpu.memref_slice %arg5[%dma_start3A_201, %dma_start3A_203, %dma_start3A_204] : memref<4x2x128xi32, #tpu.memory_space<vmem>> -> memref<1x2x128xi32, #tpu.memory_space<vmem>>
    %dma_start3A_206 = tpu.memref_squeeze %dma_start3A_205 : memref<1x2x128xi32, #tpu.memory_space<vmem>> -> memref<2x128xi32, #tpu.memory_space<vmem>>
    %dma_start3A_207 = arith.constant 0 : i32
    %dma_start3A_208 = tpu.memref_slice %arg3[%dma_start3A_207, %add3A_200] : memref<2x323584xi32, #tpu.memory_space<hbm>> -> memref<2x128xi32, #tpu.memory_space<hbm>>
    %dma_start3A_209 = tpu.memref_slice %arg11[%dma_start3A_202] : memref<4x!tpu.dma_semaphore, #tpu.memory_space<semaphore_mem>> -> memref<1x!tpu.dma_semaphore, #tpu.memory_space<semaphore_mem>>
    %dma_start3A_210 = tpu.memref_squeeze %dma_start3A_209 : memref<1x!tpu.dma_semaphore, #tpu.memory_space<semaphore_mem>> -> memref<!tpu.dma_semaphore, #tpu.memory_space<semaphore_mem>>
    %dma_start3A_211 = arith.constant 0 : i32
    %dma_start3A_212 = arith.constant 0 : i32
    %dma_start3A_213 = tpu.memref_slice %arg5[%dma_start3A_201, %dma_start3A_211, %dma_start3A_212] : memref<4x2x128xi32, #tpu.memory_space<vmem>> -> memref<1x2x128xi32, #tpu.memory_space<vmem>>
    %dma_start3A_214 = tpu.memref_squeeze %dma_start3A_213 : memref<1x2x128xi32, #tpu.memory_space<vmem>> -> memref<2x128xi32, #tpu.memory_space<vmem>>
    %dma_start3A_215 = arith.constant 0 : i32
    %dma_start3A_216 = tpu.memref_slice %arg3[%dma_start3A_215, %add3A_200] : memref<2x323584xi32, #tpu.memory_space<hbm>> -> memref<2x128xi32, #tpu.memory_space<hbm>>
    tpu.enqueue_dma source(%dma_start3A_216 : memref<2x128xi32, #tpu.memory_space<hbm>>) target(%dma_start3A_214 : memref<2x128xi32, #tpu.memory_space<vmem>>) target_semaphore(%dma_start3A_210 : memref<!tpu.dma_semaphore, #tpu.memory_space<semaphore_mem>>)
    "tpu.trace_stop"() : () -> ()
    "tpu.trace_start"() <{level = 10 : i32, message = "main_loop"}> : () -> ()
    %sub3A = arith.constant 3 : i32
    %sub3A_217 = arith.subi %select_n3A, %sub3A : i32
    %while3A = arith.constant 1 : i32
    %while3A_218 = arith.constant 0 : i32
    %while3A_219 = arith.subi %sub3A_217, %while3A : i32
    %while3A_220 = arith.addi %while3A, %while3A_219 : i32
    %while3A_221 = arith.constant 1 : i32
    %while3A_222 = arith.divsi %while3A_219, %while3A_221 : i32
    %while3A_223 = arith.muli %while3A_222, %while3A_221 : i32
    %while3A_224 = arith.addi %while3A, %while3A_223 : i32
    %while3A_225 = arith.constant 1 : i32
    %while3A_226 = scf.for %while3A_469 = %while3A to %while3A_224 step %while3A_225 iter_args(%while3A_470 = %while3A_218) -> (i32)  : i32 {
      %rem3A = arith.constant 4 : i32
      %rem3A_471 = arith.remsi %while3A_469, %rem3A : i32
      %rem3A_472 = arith.constant 2 : i32
      %rem3A_473 = arith.remsi %while3A_469, %rem3A_472 : i32
      %add3A_474 = arith.constant 1 : i32
      %add3A_475 = arith.addi %while3A_469, %add3A_474 : i32
      %rem3A_476 = arith.constant 4 : i32
      %rem3A_477 = arith.remsi %add3A_475, %rem3A_476 : i32
      %add3A_478 = arith.constant 1 : i32
      %add3A_479 = arith.addi %while3A_469, %add3A_478 : i32
      %rem3A_480 = arith.constant 2 : i32
      %rem3A_481 = arith.remsi %add3A_479, %rem3A_480 : i32
      %dma_wait3A_482 = arith.constant 0 : i32
      %dma_wait3A_483 = arith.constant 0 : i32
      %dma_wait3A_484 = arith.constant 0 : i32
      %dma_wait3A_485 = tpu.memref_slice %arg6[%rem3A_473, %dma_wait3A_483, %dma_wait3A_484] : memref<2x128x128xf32, #tpu.memory_space<vmem>> -> memref<1x128x128xf32, #tpu.memory_space<vmem>>
      %dma_wait3A_486 = tpu.memref_squeeze %dma_wait3A_485 : memref<1x128x128xf32, #tpu.memory_space<vmem>> -> memref<128x128xf32, #tpu.memory_space<vmem>>
      %dma_wait3A_487 = arith.constant 0 : i32
      %dma_wait3A_488 = tpu.memref_slice %arg5[%rem3A_471, %dma_wait3A_482, %dma_wait3A_487] : memref<4x2x128xi32, #tpu.memory_space<vmem>> -> memref<1x1x128xi32, #tpu.memory_space<vmem>>
      %dma_wait3A_489 = tpu.memref_squeeze %dma_wait3A_488 : memref<1x1x128xi32, #tpu.memory_space<vmem>> -> memref<128xi32, #tpu.memory_space<vmem>>
      %dma_wait3A_490 = arith.constant 0 : i32
      %dma_wait3A_491 = arith.constant 0 : i32
      %dma_wait3A_492 = tpu.memref_slice %arg2[%dma_wait3A_490, %dma_wait3A_491] : memref<10000x128xf32, #tpu.memory_space<hbm>> -> memref<10000x128xf32, #tpu.memory_space<hbm>>
      %dma_wait3A_493 = tpu.memref_slice %arg9[%rem3A_473] : memref<2x!tpu.dma_semaphore, #tpu.memory_space<semaphore_mem>> -> memref<1x!tpu.dma_semaphore, #tpu.memory_space<semaphore_mem>>
      %dma_wait3A_494 = tpu.memref_squeeze %dma_wait3A_493 : memref<1x!tpu.dma_semaphore, #tpu.memory_space<semaphore_mem>> -> memref<!tpu.dma_semaphore, #tpu.memory_space<semaphore_mem>>
      tpu.wait_indirect_dma semaphore(%dma_wait3A_494 : memref<!tpu.dma_semaphore, #tpu.memory_space<semaphore_mem>>) src(%dma_wait3A_492 : memref<10000x128xf32, #tpu.memory_space<hbm>>) dst(%dma_wait3A_486 : memref<128x128xf32, #tpu.memory_space<vmem>>)
      %dma_start3A_495 = arith.constant 1 : i32
      %dma_start3A_496 = arith.constant 0 : i32
      %dma_start3A_497 = arith.constant 0 : i32
      %dma_start3A_498 = tpu.memref_slice %arg6[%rem3A_473, %dma_start3A_496, %dma_start3A_497] : memref<2x128x128xf32, #tpu.memory_space<vmem>> -> memref<1x128x128xf32, #tpu.memory_space<vmem>>
      %dma_start3A_499 = tpu.memref_squeeze %dma_start3A_498 : memref<1x128x128xf32, #tpu.memory_space<vmem>> -> memref<128x128xf32, #tpu.memory_space<vmem>>
      %dma_start3A_500 = arith.constant 0 : i32
      %dma_start3A_501 = tpu.memref_slice %arg5[%rem3A_471, %dma_start3A_495, %dma_start3A_500] : memref<4x2x128xi32, #tpu.memory_space<vmem>> -> memref<1x1x128xi32, #tpu.memory_space<vmem>>
      %dma_start3A_502 = tpu.memref_squeeze %dma_start3A_501 : memref<1x1x128xi32, #tpu.memory_space<vmem>> -> memref<128xi32, #tpu.memory_space<vmem>>
      %dma_start3A_503 = arith.constant 0 : i32
      %dma_start3A_504 = arith.constant 0 : i32
      %dma_start3A_505 = tpu.memref_slice %arg8[%dma_start3A_503, %dma_start3A_504] : memref<10512x128xf32, #tpu.memory_space<vmem_shared>> -> memref<10512x128xf32, #tpu.memory_space<vmem_shared>>
      %dma_start3A_506 = tpu.memref_slice %arg10[%rem3A_473] : memref<2x!tpu.dma_semaphore, #tpu.memory_space<semaphore_mem>> -> memref<1x!tpu.dma_semaphore, #tpu.memory_space<semaphore_mem>>
      %dma_start3A_507 = tpu.memref_squeeze %dma_start3A_506 : memref<1x!tpu.dma_semaphore, #tpu.memory_space<semaphore_mem>> -> memref<!tpu.dma_semaphore, #tpu.memory_space<semaphore_mem>>
      tpu.enqueue_indirect_dma source(%dma_start3A_499 : memref<128x128xf32, #tpu.memory_space<vmem>>) target(%dma_start3A_505 : memref<10512x128xf32, #tpu.memory_space<vmem_shared>>) offsets(%dma_start3A_502 : memref<128xi32, #tpu.memory_space<vmem>>) semaphore(%dma_start3A_507 : memref<!tpu.dma_semaphore, #tpu.memory_space<semaphore_mem>>) {add = true}
      %add3A_508 = arith.constant 1 : i32
      %add3A_509 = arith.addi %while3A_469, %add3A_508 : i32
      %mul3A_510 = arith.constant 128 : i32
      %mul3A_511 = arith.muli %add3A_509, %mul3A_510 : i32
      %add3A_512 = arith.addi %mul3A_10, %mul3A_511 : i32
      %dma_wait3A_513 = arith.constant 0 : i32
      %dma_wait3A_514 = arith.constant 0 : i32
      %dma_wait3A_515 = tpu.memref_slice %arg5[%rem3A_477, %dma_wait3A_513, %dma_wait3A_514] : memref<4x2x128xi32, #tpu.memory_space<vmem>> -> memref<1x2x128xi32, #tpu.memory_space<vmem>>
      %dma_wait3A_516 = tpu.memref_squeeze %dma_wait3A_515 : memref<1x2x128xi32, #tpu.memory_space<vmem>> -> memref<2x128xi32, #tpu.memory_space<vmem>>
      %dma_wait3A_517 = arith.constant 0 : i32
      %dma_wait3A_518 = tpu.memref_slice %arg3[%dma_wait3A_517, %add3A_512] : memref<2x323584xi32, #tpu.memory_space<hbm>> -> memref<2x128xi32, #tpu.memory_space<hbm>>
      %dma_wait3A_519 = tpu.memref_slice %arg11[%rem3A_477] : memref<4x!tpu.dma_semaphore, #tpu.memory_space<semaphore_mem>> -> memref<1x!tpu.dma_semaphore, #tpu.memory_space<semaphore_mem>>
      %dma_wait3A_520 = tpu.memref_squeeze %dma_wait3A_519 : memref<1x!tpu.dma_semaphore, #tpu.memory_space<semaphore_mem>> -> memref<!tpu.dma_semaphore, #tpu.memory_space<semaphore_mem>>
      %dma_wait3A_521 = arith.constant 0 : i32
      %dma_wait3A_522 = arith.constant 0 : i32
      %dma_wait3A_523 = tpu.memref_slice %arg5[%rem3A_477, %dma_wait3A_521, %dma_wait3A_522] : memref<4x2x128xi32, #tpu.memory_space<vmem>> -> memref<1x2x128xi32, #tpu.memory_space<vmem>>
      %dma_wait3A_524 = tpu.memref_squeeze %dma_wait3A_523 : memref<1x2x128xi32, #tpu.memory_space<vmem>> -> memref<2x128xi32, #tpu.memory_space<vmem>>
      %dma_wait3A_525 = arith.constant 0 : i32
      %dma_wait3A_526 = tpu.memref_slice %arg3[%dma_wait3A_525, %add3A_512] : memref<2x323584xi32, #tpu.memory_space<hbm>> -> memref<2x128xi32, #tpu.memory_space<hbm>>
      tpu.wait_dma2 semaphore(%dma_wait3A_520 : memref<!tpu.dma_semaphore, #tpu.memory_space<semaphore_mem>>) src(%dma_wait3A_526 : memref<2x128xi32, #tpu.memory_space<hbm>>) dst(%dma_wait3A_524 : memref<2x128xi32, #tpu.memory_space<vmem>>)
      %sub3A_527 = arith.constant 1 : i32
      %sub3A_528 = arith.subi %while3A_469, %sub3A_527 : i32
      %rem3A_529 = arith.constant 4 : i32
      %rem3A_530 = arith.remsi %sub3A_528, %rem3A_529 : i32
      %dma_wait3A_531 = arith.constant 1 : i32
      %dma_wait3A_532 = arith.constant 0 : i32
      %dma_wait3A_533 = arith.constant 0 : i32
      %dma_wait3A_534 = tpu.memref_slice %arg6[%rem3A_481, %dma_wait3A_532, %dma_wait3A_533] : memref<2x128x128xf32, #tpu.memory_space<vmem>> -> memref<1x128x128xf32, #tpu.memory_space<vmem>>
      %dma_wait3A_535 = tpu.memref_squeeze %dma_wait3A_534 : memref<1x128x128xf32, #tpu.memory_space<vmem>> -> memref<128x128xf32, #tpu.memory_space<vmem>>
      %dma_wait3A_536 = arith.constant 0 : i32
      %dma_wait3A_537 = tpu.memref_slice %arg5[%rem3A_530, %dma_wait3A_531, %dma_wait3A_536] : memref<4x2x128xi32, #tpu.memory_space<vmem>> -> memref<1x1x128xi32, #tpu.memory_space<vmem>>
      %dma_wait3A_538 = tpu.memref_squeeze %dma_wait3A_537 : memref<1x1x128xi32, #tpu.memory_space<vmem>> -> memref<128xi32, #tpu.memory_space<vmem>>
      %dma_wait3A_539 = arith.constant 0 : i32
      %dma_wait3A_540 = arith.constant 0 : i32
      %dma_wait3A_541 = tpu.memref_slice %arg8[%dma_wait3A_539, %dma_wait3A_540] : memref<10512x128xf32, #tpu.memory_space<vmem_shared>> -> memref<10512x128xf32, #tpu.memory_space<vmem_shared>>
      %dma_wait3A_542 = tpu.memref_slice %arg10[%rem3A_481] : memref<2x!tpu.dma_semaphore, #tpu.memory_space<semaphore_mem>> -> memref<1x!tpu.dma_semaphore, #tpu.memory_space<semaphore_mem>>
      %dma_wait3A_543 = tpu.memref_squeeze %dma_wait3A_542 : memref<1x!tpu.dma_semaphore, #tpu.memory_space<semaphore_mem>> -> memref<!tpu.dma_semaphore, #tpu.memory_space<semaphore_mem>>
      tpu.wait_indirect_dma semaphore(%dma_wait3A_543 : memref<!tpu.dma_semaphore, #tpu.memory_space<semaphore_mem>>) src(%dma_wait3A_535 : memref<128x128xf32, #tpu.memory_space<vmem>>) dst(%dma_wait3A_541 : memref<10512x128xf32, #tpu.memory_space<vmem_shared>>)
      %dma_start3A_544 = arith.constant 0 : i32
      %dma_start3A_545 = arith.constant 0 : i32
      %dma_start3A_546 = arith.constant 0 : i32
      %dma_start3A_547 = tpu.memref_slice %arg6[%rem3A_481, %dma_start3A_545, %dma_start3A_546] : memref<2x128x128xf32, #tpu.memory_space<vmem>> -> memref<1x128x128xf32, #tpu.memory_space<vmem>>
      %dma_start3A_548 = tpu.memref_squeeze %dma_start3A_547 : memref<1x128x128xf32, #tpu.memory_space<vmem>> -> memref<128x128xf32, #tpu.memory_space<vmem>>
      %dma_start3A_549 = arith.constant 0 : i32
      %dma_start3A_550 = tpu.memref_slice %arg5[%rem3A_477, %dma_start3A_544, %dma_start3A_549] : memref<4x2x128xi32, #tpu.memory_space<vmem>> -> memref<1x1x128xi32, #tpu.memory_space<vmem>>
      %dma_start3A_551 = tpu.memref_squeeze %dma_start3A_550 : memref<1x1x128xi32, #tpu.memory_space<vmem>> -> memref<128xi32, #tpu.memory_space<vmem>>
      %dma_start3A_552 = arith.constant 0 : i32
      %dma_start3A_553 = arith.constant 0 : i32
      %dma_start3A_554 = tpu.memref_slice %arg2[%dma_start3A_552, %dma_start3A_553] : memref<10000x128xf32, #tpu.memory_space<hbm>> -> memref<10000x128xf32, #tpu.memory_space<hbm>>
      %dma_start3A_555 = tpu.memref_slice %arg9[%rem3A_481] : memref<2x!tpu.dma_semaphore, #tpu.memory_space<semaphore_mem>> -> memref<1x!tpu.dma_semaphore, #tpu.memory_space<semaphore_mem>>
      %dma_start3A_556 = tpu.memref_squeeze %dma_start3A_555 : memref<1x!tpu.dma_semaphore, #tpu.memory_space<semaphore_mem>> -> memref<!tpu.dma_semaphore, #tpu.memory_space<semaphore_mem>>
      tpu.enqueue_indirect_dma source(%dma_start3A_554 : memref<10000x128xf32, #tpu.memory_space<hbm>>) target(%dma_start3A_548 : memref<128x128xf32, #tpu.memory_space<vmem>>) offsets(%dma_start3A_551 : memref<128xi32, #tpu.memory_space<vmem>>) semaphore(%dma_start3A_556 : memref<!tpu.dma_semaphore, #tpu.memory_space<semaphore_mem>>)
      %add3A_557 = arith.constant 3 : i32
      %add3A_558 = arith.addi %while3A_469, %add3A_557 : i32
      %add3A_559 = arith.constant 3 : i32
      %add3A_560 = arith.addi %while3A_469, %add3A_559 : i32
      %rem3A_561 = arith.constant 4 : i32
      %rem3A_562 = arith.remsi %add3A_560, %rem3A_561 : i32
      %mul3A_563 = arith.constant 128 : i32
      %mul3A_564 = arith.muli %add3A_558, %mul3A_563 : i32
      %add3A_565 = arith.addi %mul3A_10, %mul3A_564 : i32
      %dma_start3A_566 = arith.constant 0 : i32
      %dma_start3A_567 = arith.constant 0 : i32
      %dma_start3A_568 = tpu.memref_slice %arg5[%rem3A_562, %dma_start3A_566, %dma_start3A_567] : memref<4x2x128xi32, #tpu.memory_space<vmem>> -> memref<1x2x128xi32, #tpu.memory_space<vmem>>
      %dma_start3A_569 = tpu.memref_squeeze %dma_start3A_568 : memref<1x2x128xi32, #tpu.memory_space<vmem>> -> memref<2x128xi32, #tpu.memory_space<vmem>>
      %dma_start3A_570 = arith.constant 0 : i32
      %dma_start3A_571 = tpu.memref_slice %arg3[%dma_start3A_570, %add3A_565] : memref<2x323584xi32, #tpu.memory_space<hbm>> -> memref<2x128xi32, #tpu.memory_space<hbm>>
      %dma_start3A_572 = tpu.memref_slice %arg11[%rem3A_562] : memref<4x!tpu.dma_semaphore, #tpu.memory_space<semaphore_mem>> -> memref<1x!tpu.dma_semaphore, #tpu.memory_space<semaphore_mem>>
      %dma_start3A_573 = tpu.memref_squeeze %dma_start3A_572 : memref<1x!tpu.dma_semaphore, #tpu.memory_space<semaphore_mem>> -> memref<!tpu.dma_semaphore, #tpu.memory_space<semaphore_mem>>
      %dma_start3A_574 = arith.constant 0 : i32
      %dma_start3A_575 = arith.constant 0 : i32
      %dma_start3A_576 = tpu.memref_slice %arg5[%rem3A_562, %dma_start3A_574, %dma_start3A_575] : memref<4x2x128xi32, #tpu.memory_space<vmem>> -> memref<1x2x128xi32, #tpu.memory_space<vmem>>
      %dma_start3A_577 = tpu.memref_squeeze %dma_start3A_576 : memref<1x2x128xi32, #tpu.memory_space<vmem>> -> memref<2x128xi32, #tpu.memory_space<vmem>>
      %dma_start3A_578 = arith.constant 0 : i32
      %dma_start3A_579 = tpu.memref_slice %arg3[%dma_start3A_578, %add3A_565] : memref<2x323584xi32, #tpu.memory_space<hbm>> -> memref<2x128xi32, #tpu.memory_space<hbm>>
      tpu.enqueue_dma source(%dma_start3A_579 : memref<2x128xi32, #tpu.memory_space<hbm>>) target(%dma_start3A_577 : memref<2x128xi32, #tpu.memory_space<vmem>>) target_semaphore(%dma_start3A_573 : memref<!tpu.dma_semaphore, #tpu.memory_space<semaphore_mem>>)
      %while3A_580 = arith.constant 0 : i32
      scf.yield %while3A_580 : i32
    }
    %while3A_227 = arith.constant 1 : i32
    %while3A_228 = scf.for %while3A_469 = %while3A_224 to %while3A_220 step %while3A_227 iter_args(%while3A_470 = %while3A_226) -> (i32)  : i32 {
      %rem3A = arith.constant 4 : i32
      %rem3A_471 = arith.remsi %while3A_469, %rem3A : i32
      %rem3A_472 = arith.constant 2 : i32
      %rem3A_473 = arith.remsi %while3A_469, %rem3A_472 : i32
      %add3A_474 = arith.constant 1 : i32
      %add3A_475 = arith.addi %while3A_469, %add3A_474 : i32
      %rem3A_476 = arith.constant 4 : i32
      %rem3A_477 = arith.remsi %add3A_475, %rem3A_476 : i32
      %add3A_478 = arith.constant 1 : i32
      %add3A_479 = arith.addi %while3A_469, %add3A_478 : i32
      %rem3A_480 = arith.constant 2 : i32
      %rem3A_481 = arith.remsi %add3A_479, %rem3A_480 : i32
      %dma_wait3A_482 = arith.constant 0 : i32
      %dma_wait3A_483 = arith.constant 0 : i32
      %dma_wait3A_484 = arith.constant 0 : i32
      %dma_wait3A_485 = tpu.memref_slice %arg6[%rem3A_473, %dma_wait3A_483, %dma_wait3A_484] : memref<2x128x128xf32, #tpu.memory_space<vmem>> -> memref<1x128x128xf32, #tpu.memory_space<vmem>>
      %dma_wait3A_486 = tpu.memref_squeeze %dma_wait3A_485 : memref<1x128x128xf32, #tpu.memory_space<vmem>> -> memref<128x128xf32, #tpu.memory_space<vmem>>
      %dma_wait3A_487 = arith.constant 0 : i32
      %dma_wait3A_488 = tpu.memref_slice %arg5[%rem3A_471, %dma_wait3A_482, %dma_wait3A_487] : memref<4x2x128xi32, #tpu.memory_space<vmem>> -> memref<1x1x128xi32, #tpu.memory_space<vmem>>
      %dma_wait3A_489 = tpu.memref_squeeze %dma_wait3A_488 : memref<1x1x128xi32, #tpu.memory_space<vmem>> -> memref<128xi32, #tpu.memory_space<vmem>>
      %dma_wait3A_490 = arith.constant 0 : i32
      %dma_wait3A_491 = arith.constant 0 : i32
      %dma_wait3A_492 = tpu.memref_slice %arg2[%dma_wait3A_490, %dma_wait3A_491] : memref<10000x128xf32, #tpu.memory_space<hbm>> -> memref<10000x128xf32, #tpu.memory_space<hbm>>
      %dma_wait3A_493 = tpu.memref_slice %arg9[%rem3A_473] : memref<2x!tpu.dma_semaphore, #tpu.memory_space<semaphore_mem>> -> memref<1x!tpu.dma_semaphore, #tpu.memory_space<semaphore_mem>>
      %dma_wait3A_494 = tpu.memref_squeeze %dma_wait3A_493 : memref<1x!tpu.dma_semaphore, #tpu.memory_space<semaphore_mem>> -> memref<!tpu.dma_semaphore, #tpu.memory_space<semaphore_mem>>
      tpu.wait_indirect_dma semaphore(%dma_wait3A_494 : memref<!tpu.dma_semaphore, #tpu.memory_space<semaphore_mem>>) src(%dma_wait3A_492 : memref<10000x128xf32, #tpu.memory_space<hbm>>) dst(%dma_wait3A_486 : memref<128x128xf32, #tpu.memory_space<vmem>>)
      %dma_start3A_495 = arith.constant 1 : i32
      %dma_start3A_496 = arith.constant 0 : i32
      %dma_start3A_497 = arith.constant 0 : i32
      %dma_start3A_498 = tpu.memref_slice %arg6[%rem3A_473, %dma_start3A_496, %dma_start3A_497] : memref<2x128x128xf32, #tpu.memory_space<vmem>> -> memref<1x128x128xf32, #tpu.memory_space<vmem>>
      %dma_start3A_499 = tpu.memref_squeeze %dma_start3A_498 : memref<1x128x128xf32, #tpu.memory_space<vmem>> -> memref<128x128xf32, #tpu.memory_space<vmem>>
      %dma_start3A_500 = arith.constant 0 : i32
      %dma_start3A_501 = tpu.memref_slice %arg5[%rem3A_471, %dma_start3A_495, %dma_start3A_500] : memref<4x2x128xi32, #tpu.memory_space<vmem>> -> memref<1x1x128xi32, #tpu.memory_space<vmem>>
      %dma_start3A_502 = tpu.memref_squeeze %dma_start3A_501 : memref<1x1x128xi32, #tpu.memory_space<vmem>> -> memref<128xi32, #tpu.memory_space<vmem>>
      %dma_start3A_503 = arith.constant 0 : i32
      %dma_start3A_504 = arith.constant 0 : i32
      %dma_start3A_505 = tpu.memref_slice %arg8[%dma_start3A_503, %dma_start3A_504] : memref<10512x128xf32, #tpu.memory_space<vmem_shared>> -> memref<10512x128xf32, #tpu.memory_space<vmem_shared>>
      %dma_start3A_506 = tpu.memref_slice %arg10[%rem3A_473] : memref<2x!tpu.dma_semaphore, #tpu.memory_space<semaphore_mem>> -> memref<1x!tpu.dma_semaphore, #tpu.memory_space<semaphore_mem>>
      %dma_start3A_507 = tpu.memref_squeeze %dma_start3A_506 : memref<1x!tpu.dma_semaphore, #tpu.memory_space<semaphore_mem>> -> memref<!tpu.dma_semaphore, #tpu.memory_space<semaphore_mem>>
      tpu.enqueue_indirect_dma source(%dma_start3A_499 : memref<128x128xf32, #tpu.memory_space<vmem>>) target(%dma_start3A_505 : memref<10512x128xf32, #tpu.memory_space<vmem_shared>>) offsets(%dma_start3A_502 : memref<128xi32, #tpu.memory_space<vmem>>) semaphore(%dma_start3A_507 : memref<!tpu.dma_semaphore, #tpu.memory_space<semaphore_mem>>) {add = true}
      %add3A_508 = arith.constant 1 : i32
      %add3A_509 = arith.addi %while3A_469, %add3A_508 : i32
      %mul3A_510 = arith.constant 128 : i32
      %mul3A_511 = arith.muli %add3A_509, %mul3A_510 : i32
      %add3A_512 = arith.addi %mul3A_10, %mul3A_511 : i32
      %dma_wait3A_513 = arith.constant 0 : i32
      %dma_wait3A_514 = arith.constant 0 : i32
      %dma_wait3A_515 = tpu.memref_slice %arg5[%rem3A_477, %dma_wait3A_513, %dma_wait3A_514] : memref<4x2x128xi32, #tpu.memory_space<vmem>> -> memref<1x2x128xi32, #tpu.memory_space<vmem>>
      %dma_wait3A_516 = tpu.memref_squeeze %dma_wait3A_515 : memref<1x2x128xi32, #tpu.memory_space<vmem>> -> memref<2x128xi32, #tpu.memory_space<vmem>>
      %dma_wait3A_517 = arith.constant 0 : i32
      %dma_wait3A_518 = tpu.memref_slice %arg3[%dma_wait3A_517, %add3A_512] : memref<2x323584xi32, #tpu.memory_space<hbm>> -> memref<2x128xi32, #tpu.memory_space<hbm>>
      %dma_wait3A_519 = tpu.memref_slice %arg11[%rem3A_477] : memref<4x!tpu.dma_semaphore, #tpu.memory_space<semaphore_mem>> -> memref<1x!tpu.dma_semaphore, #tpu.memory_space<semaphore_mem>>
      %dma_wait3A_520 = tpu.memref_squeeze %dma_wait3A_519 : memref<1x!tpu.dma_semaphore, #tpu.memory_space<semaphore_mem>> -> memref<!tpu.dma_semaphore, #tpu.memory_space<semaphore_mem>>
      %dma_wait3A_521 = arith.constant 0 : i32
      %dma_wait3A_522 = arith.constant 0 : i32
      %dma_wait3A_523 = tpu.memref_slice %arg5[%rem3A_477, %dma_wait3A_521, %dma_wait3A_522] : memref<4x2x128xi32, #tpu.memory_space<vmem>> -> memref<1x2x128xi32, #tpu.memory_space<vmem>>
      %dma_wait3A_524 = tpu.memref_squeeze %dma_wait3A_523 : memref<1x2x128xi32, #tpu.memory_space<vmem>> -> memref<2x128xi32, #tpu.memory_space<vmem>>
      %dma_wait3A_525 = arith.constant 0 : i32
      %dma_wait3A_526 = tpu.memref_slice %arg3[%dma_wait3A_525, %add3A_512] : memref<2x323584xi32, #tpu.memory_space<hbm>> -> memref<2x128xi32, #tpu.memory_space<hbm>>
      tpu.wait_dma2 semaphore(%dma_wait3A_520 : memref<!tpu.dma_semaphore, #tpu.memory_space<semaphore_mem>>) src(%dma_wait3A_526 : memref<2x128xi32, #tpu.memory_space<hbm>>) dst(%dma_wait3A_524 : memref<2x128xi32, #tpu.memory_space<vmem>>)
      %sub3A_527 = arith.constant 1 : i32
      %sub3A_528 = arith.subi %while3A_469, %sub3A_527 : i32
      %rem3A_529 = arith.constant 4 : i32
      %rem3A_530 = arith.remsi %sub3A_528, %rem3A_529 : i32
      %dma_wait3A_531 = arith.constant 1 : i32
      %dma_wait3A_532 = arith.constant 0 : i32
      %dma_wait3A_533 = arith.constant 0 : i32
      %dma_wait3A_534 = tpu.memref_slice %arg6[%rem3A_481, %dma_wait3A_532, %dma_wait3A_533] : memref<2x128x128xf32, #tpu.memory_space<vmem>> -> memref<1x128x128xf32, #tpu.memory_space<vmem>>
      %dma_wait3A_535 = tpu.memref_squeeze %dma_wait3A_534 : memref<1x128x128xf32, #tpu.memory_space<vmem>> -> memref<128x128xf32, #tpu.memory_space<vmem>>
      %dma_wait3A_536 = arith.constant 0 : i32
      %dma_wait3A_537 = tpu.memref_slice %arg5[%rem3A_530, %dma_wait3A_531, %dma_wait3A_536] : memref<4x2x128xi32, #tpu.memory_space<vmem>> -> memref<1x1x128xi32, #tpu.memory_space<vmem>>
      %dma_wait3A_538 = tpu.memref_squeeze %dma_wait3A_537 : memref<1x1x128xi32, #tpu.memory_space<vmem>> -> memref<128xi32, #tpu.memory_space<vmem>>
      %dma_wait3A_539 = arith.constant 0 : i32
      %dma_wait3A_540 = arith.constant 0 : i32
      %dma_wait3A_541 = tpu.memref_slice %arg8[%dma_wait3A_539, %dma_wait3A_540] : memref<10512x128xf32, #tpu.memory_space<vmem_shared>> -> memref<10512x128xf32, #tpu.memory_space<vmem_shared>>
      %dma_wait3A_542 = tpu.memref_slice %arg10[%rem3A_481] : memref<2x!tpu.dma_semaphore, #tpu.memory_space<semaphore_mem>> -> memref<1x!tpu.dma_semaphore, #tpu.memory_space<semaphore_mem>>
      %dma_wait3A_543 = tpu.memref_squeeze %dma_wait3A_542 : memref<1x!tpu.dma_semaphore, #tpu.memory_space<semaphore_mem>> -> memref<!tpu.dma_semaphore, #tpu.memory_space<semaphore_mem>>
      tpu.wait_indirect_dma semaphore(%dma_wait3A_543 : memref<!tpu.dma_semaphore, #tpu.memory_space<semaphore_mem>>) src(%dma_wait3A_535 : memref<128x128xf32, #tpu.memory_space<vmem>>) dst(%dma_wait3A_541 : memref<10512x128xf32, #tpu.memory_space<vmem_shared>>)
      %dma_start3A_544 = arith.constant 0 : i32
      %dma_start3A_545 = arith.constant 0 : i32
      %dma_start3A_546 = arith.constant 0 : i32
      %dma_start3A_547 = tpu.memref_slice %arg6[%rem3A_481, %dma_start3A_545, %dma_start3A_546] : memref<2x128x128xf32, #tpu.memory_space<vmem>> -> memref<1x128x128xf32, #tpu.memory_space<vmem>>
      %dma_start3A_548 = tpu.memref_squeeze %dma_start3A_547 : memref<1x128x128xf32, #tpu.memory_space<vmem>> -> memref<128x128xf32, #tpu.memory_space<vmem>>
      %dma_start3A_549 = arith.constant 0 : i32
      %dma_start3A_550 = tpu.memref_slice %arg5[%rem3A_477, %dma_start3A_544, %dma_start3A_549] : memref<4x2x128xi32, #tpu.memory_space<vmem>> -> memref<1x1x128xi32, #tpu.memory_space<vmem>>
      %dma_start3A_551 = tpu.memref_squeeze %dma_start3A_550 : memref<1x1x128xi32, #tpu.memory_space<vmem>> -> memref<128xi32, #tpu.memory_space<vmem>>
      %dma_start3A_552 = arith.constant 0 : i32
      %dma_start3A_553 = arith.constant 0 : i32
      %dma_start3A_554 = tpu.memref_slice %arg2[%dma_start3A_552, %dma_start3A_553] : memref<10000x128xf32, #tpu.memory_space<hbm>> -> memref<10000x128xf32, #tpu.memory_space<hbm>>
      %dma_start3A_555 = tpu.memref_slice %arg9[%rem3A_481] : memref<2x!tpu.dma_semaphore, #tpu.memory_space<semaphore_mem>> -> memref<1x!tpu.dma_semaphore, #tpu.memory_space<semaphore_mem>>
      %dma_start3A_556 = tpu.memref_squeeze %dma_start3A_555 : memref<1x!tpu.dma_semaphore, #tpu.memory_space<semaphore_mem>> -> memref<!tpu.dma_semaphore, #tpu.memory_space<semaphore_mem>>
      tpu.enqueue_indirect_dma source(%dma_start3A_554 : memref<10000x128xf32, #tpu.memory_space<hbm>>) target(%dma_start3A_548 : memref<128x128xf32, #tpu.memory_space<vmem>>) offsets(%dma_start3A_551 : memref<128xi32, #tpu.memory_space<vmem>>) semaphore(%dma_start3A_556 : memref<!tpu.dma_semaphore, #tpu.memory_space<semaphore_mem>>)
      %add3A_557 = arith.constant 3 : i32
      %add3A_558 = arith.addi %while3A_469, %add3A_557 : i32
      %add3A_559 = arith.constant 3 : i32
      %add3A_560 = arith.addi %while3A_469, %add3A_559 : i32
      %rem3A_561 = arith.constant 4 : i32
      %rem3A_562 = arith.remsi %add3A_560, %rem3A_561 : i32
      %mul3A_563 = arith.constant 128 : i32
      %mul3A_564 = arith.muli %add3A_558, %mul3A_563 : i32
      %add3A_565 = arith.addi %mul3A_10, %mul3A_564 : i32
      %dma_start3A_566 = arith.constant 0 : i32
      %dma_start3A_567 = arith.constant 0 : i32
      %dma_start3A_568 = tpu.memref_slice %arg5[%rem3A_562, %dma_start3A_566, %dma_start3A_567] : memref<4x2x128xi32, #tpu.memory_space<vmem>> -> memref<1x2x128xi32, #tpu.memory_space<vmem>>
      %dma_start3A_569 = tpu.memref_squeeze %dma_start3A_568 : memref<1x2x128xi32, #tpu.memory_space<vmem>> -> memref<2x128xi32, #tpu.memory_space<vmem>>
      %dma_start3A_570 = arith.constant 0 : i32
      %dma_start3A_571 = tpu.memref_slice %arg3[%dma_start3A_570, %add3A_565] : memref<2x323584xi32, #tpu.memory_space<hbm>> -> memref<2x128xi32, #tpu.memory_space<hbm>>
      %dma_start3A_572 = tpu.memref_slice %arg11[%rem3A_562] : memref<4x!tpu.dma_semaphore, #tpu.memory_space<semaphore_mem>> -> memref<1x!tpu.dma_semaphore, #tpu.memory_space<semaphore_mem>>
      %dma_start3A_573 = tpu.memref_squeeze %dma_start3A_572 : memref<1x!tpu.dma_semaphore, #tpu.memory_space<semaphore_mem>> -> memref<!tpu.dma_semaphore, #tpu.memory_space<semaphore_mem>>
      %dma_start3A_574 = arith.constant 0 : i32
      %dma_start3A_575 = arith.constant 0 : i32
      %dma_start3A_576 = tpu.memref_slice %arg5[%rem3A_562, %dma_start3A_574, %dma_start3A_575] : memref<4x2x128xi32, #tpu.memory_space<vmem>> -> memref<1x2x128xi32, #tpu.memory_space<vmem>>
      %dma_start3A_577 = tpu.memref_squeeze %dma_start3A_576 : memref<1x2x128xi32, #tpu.memory_space<vmem>> -> memref<2x128xi32, #tpu.memory_space<vmem>>
      %dma_start3A_578 = arith.constant 0 : i32
      %dma_start3A_579 = tpu.memref_slice %arg3[%dma_start3A_578, %add3A_565] : memref<2x323584xi32, #tpu.memory_space<hbm>> -> memref<2x128xi32, #tpu.memory_space<hbm>>
      tpu.enqueue_dma source(%dma_start3A_579 : memref<2x128xi32, #tpu.memory_space<hbm>>) target(%dma_start3A_577 : memref<2x128xi32, #tpu.memory_space<vmem>>) target_semaphore(%dma_start3A_573 : memref<!tpu.dma_semaphore, #tpu.memory_space<semaphore_mem>>)
      %while3A_580 = arith.constant 0 : i32
      scf.yield %while3A_580 : i32
    }
    %dma_wait3A_229 = arith.constant 0 : i32
    %dma_wait3A_230 = arith.constant 0 : i32
    %dma_wait3A_231 = arith.constant 0 : i32
    %dma_wait3A_232 = arith.constant 0 : i32
    "tpu.trace_stop"() : () -> ()
    "tpu.trace_start"() <{level = 10 : i32, message = "tail_scope"}> : () -> ()
    %dma_wait3A_233 = arith.constant 0 : i32
    %dma_wait3A_234 = arith.constant 0 : i32
    %dma_wait3A_235 = tpu.memref_slice %arg6[%dma_wait3A_231, %dma_wait3A_233, %dma_wait3A_234] : memref<2x128x128xf32, #tpu.memory_space<vmem>> -> memref<1x128x128xf32, #tpu.memory_space<vmem>>
    %dma_wait3A_236 = tpu.memref_squeeze %dma_wait3A_235 : memref<1x128x128xf32, #tpu.memory_space<vmem>> -> memref<128x128xf32, #tpu.memory_space<vmem>>
    %dma_wait3A_237 = arith.constant 0 : i32
    %dma_wait3A_238 = tpu.memref_slice %arg5[%dma_wait3A_229, %dma_wait3A_230, %dma_wait3A_237] : memref<4x2x128xi32, #tpu.memory_space<vmem>> -> memref<1x1x128xi32, #tpu.memory_space<vmem>>
    %dma_wait3A_239 = tpu.memref_squeeze %dma_wait3A_238 : memref<1x1x128xi32, #tpu.memory_space<vmem>> -> memref<128xi32, #tpu.memory_space<vmem>>
    %dma_wait3A_240 = arith.constant 0 : i32
    %dma_wait3A_241 = arith.constant 0 : i32
    %dma_wait3A_242 = tpu.memref_slice %arg2[%dma_wait3A_240, %dma_wait3A_241] : memref<10000x128xf32, #tpu.memory_space<hbm>> -> memref<10000x128xf32, #tpu.memory_space<hbm>>
    %dma_wait3A_243 = tpu.memref_slice %arg9[%dma_wait3A_232] : memref<2x!tpu.dma_semaphore, #tpu.memory_space<semaphore_mem>> -> memref<1x!tpu.dma_semaphore, #tpu.memory_space<semaphore_mem>>
    %dma_wait3A_244 = tpu.memref_squeeze %dma_wait3A_243 : memref<1x!tpu.dma_semaphore, #tpu.memory_space<semaphore_mem>> -> memref<!tpu.dma_semaphore, #tpu.memory_space<semaphore_mem>>
    tpu.wait_indirect_dma semaphore(%dma_wait3A_244 : memref<!tpu.dma_semaphore, #tpu.memory_space<semaphore_mem>>) src(%dma_wait3A_242 : memref<10000x128xf32, #tpu.memory_space<hbm>>) dst(%dma_wait3A_236 : memref<128x128xf32, #tpu.memory_space<vmem>>)
    %dma_start3A_245 = arith.constant 0 : i32
    %dma_start3A_246 = arith.constant 0 : i32
    %dma_start3A_247 = arith.constant 1 : i32
    %dma_start3A_248 = arith.constant 0 : i32
    %dma_start3A_249 = arith.constant 0 : i32
    %dma_start3A_250 = arith.constant 0 : i32
    %dma_start3A_251 = tpu.memref_slice %arg6[%dma_start3A_245, %dma_start3A_249, %dma_start3A_250] : memref<2x128x128xf32, #tpu.memory_space<vmem>> -> memref<1x128x128xf32, #tpu.memory_space<vmem>>
    %dma_start3A_252 = tpu.memref_squeeze %dma_start3A_251 : memref<1x128x128xf32, #tpu.memory_space<vmem>> -> memref<128x128xf32, #tpu.memory_space<vmem>>
    %dma_start3A_253 = arith.constant 0 : i32
    %dma_start3A_254 = tpu.memref_slice %arg5[%dma_start3A_246, %dma_start3A_247, %dma_start3A_253] : memref<4x2x128xi32, #tpu.memory_space<vmem>> -> memref<1x1x128xi32, #tpu.memory_space<vmem>>
    %dma_start3A_255 = tpu.memref_squeeze %dma_start3A_254 : memref<1x1x128xi32, #tpu.memory_space<vmem>> -> memref<128xi32, #tpu.memory_space<vmem>>
    %dma_start3A_256 = arith.constant 0 : i32
    %dma_start3A_257 = arith.constant 0 : i32
    %dma_start3A_258 = tpu.memref_slice %arg8[%dma_start3A_256, %dma_start3A_257] : memref<10512x128xf32, #tpu.memory_space<vmem_shared>> -> memref<10512x128xf32, #tpu.memory_space<vmem_shared>>
    %dma_start3A_259 = tpu.memref_slice %arg10[%dma_start3A_248] : memref<2x!tpu.dma_semaphore, #tpu.memory_space<semaphore_mem>> -> memref<1x!tpu.dma_semaphore, #tpu.memory_space<semaphore_mem>>
    %dma_start3A_260 = tpu.memref_squeeze %dma_start3A_259 : memref<1x!tpu.dma_semaphore, #tpu.memory_space<semaphore_mem>> -> memref<!tpu.dma_semaphore, #tpu.memory_space<semaphore_mem>>
    tpu.enqueue_indirect_dma source(%dma_start3A_252 : memref<128x128xf32, #tpu.memory_space<vmem>>) target(%dma_start3A_258 : memref<10512x128xf32, #tpu.memory_space<vmem_shared>>) offsets(%dma_start3A_255 : memref<128xi32, #tpu.memory_space<vmem>>) semaphore(%dma_start3A_260 : memref<!tpu.dma_semaphore, #tpu.memory_space<semaphore_mem>>) {add = true}
    %sub3A_261 = arith.constant 2 : i32
    %sub3A_262 = arith.subi %select_n3A, %sub3A_261 : i32
    %mul3A_263 = arith.constant 128 : i32
    %mul3A_264 = arith.muli %sub3A_262, %mul3A_263 : i32
    %add3A_265 = arith.addi %mul3A_10, %mul3A_264 : i32
    %dma_wait3A_266 = arith.constant 1 : i32
    %dma_wait3A_267 = arith.constant 1 : i32
    %dma_wait3A_268 = arith.constant 0 : i32
    %dma_wait3A_269 = arith.constant 0 : i32
    %dma_wait3A_270 = tpu.memref_slice %arg5[%dma_wait3A_266, %dma_wait3A_268, %dma_wait3A_269] : memref<4x2x128xi32, #tpu.memory_space<vmem>> -> memref<1x2x128xi32, #tpu.memory_space<vmem>>
    %dma_wait3A_271 = tpu.memref_squeeze %dma_wait3A_270 : memref<1x2x128xi32, #tpu.memory_space<vmem>> -> memref<2x128xi32, #tpu.memory_space<vmem>>
    %dma_wait3A_272 = arith.constant 0 : i32
    %dma_wait3A_273 = tpu.memref_slice %arg3[%dma_wait3A_272, %add3A_265] : memref<2x323584xi32, #tpu.memory_space<hbm>> -> memref<2x128xi32, #tpu.memory_space<hbm>>
    %dma_wait3A_274 = tpu.memref_slice %arg11[%dma_wait3A_267] : memref<4x!tpu.dma_semaphore, #tpu.memory_space<semaphore_mem>> -> memref<1x!tpu.dma_semaphore, #tpu.memory_space<semaphore_mem>>
    %dma_wait3A_275 = tpu.memref_squeeze %dma_wait3A_274 : memref<1x!tpu.dma_semaphore, #tpu.memory_space<semaphore_mem>> -> memref<!tpu.dma_semaphore, #tpu.memory_space<semaphore_mem>>
    %dma_wait3A_276 = arith.constant 0 : i32
    %dma_wait3A_277 = arith.constant 0 : i32
    %dma_wait3A_278 = tpu.memref_slice %arg5[%dma_wait3A_266, %dma_wait3A_276, %dma_wait3A_277] : memref<4x2x128xi32, #tpu.memory_space<vmem>> -> memref<1x2x128xi32, #tpu.memory_space<vmem>>
    %dma_wait3A_279 = tpu.memref_squeeze %dma_wait3A_278 : memref<1x2x128xi32, #tpu.memory_space<vmem>> -> memref<2x128xi32, #tpu.memory_space<vmem>>
    %dma_wait3A_280 = arith.constant 0 : i32
    %dma_wait3A_281 = tpu.memref_slice %arg3[%dma_wait3A_280, %add3A_265] : memref<2x323584xi32, #tpu.memory_space<hbm>> -> memref<2x128xi32, #tpu.memory_space<hbm>>
    tpu.wait_dma2 semaphore(%dma_wait3A_275 : memref<!tpu.dma_semaphore, #tpu.memory_space<semaphore_mem>>) src(%dma_wait3A_281 : memref<2x128xi32, #tpu.memory_space<hbm>>) dst(%dma_wait3A_279 : memref<2x128xi32, #tpu.memory_space<vmem>>)
    %dma_wait3A_282 = arith.constant 1 : i32
    %dma_wait3A_283 = arith.constant 3 : i32
    %dma_wait3A_284 = arith.constant 1 : i32
    %dma_wait3A_285 = arith.constant 1 : i32
    %dma_wait3A_286 = arith.constant 0 : i32
    %dma_wait3A_287 = arith.constant 0 : i32
    %dma_wait3A_288 = tpu.memref_slice %arg6[%dma_wait3A_282, %dma_wait3A_286, %dma_wait3A_287] : memref<2x128x128xf32, #tpu.memory_space<vmem>> -> memref<1x128x128xf32, #tpu.memory_space<vmem>>
    %dma_wait3A_289 = tpu.memref_squeeze %dma_wait3A_288 : memref<1x128x128xf32, #tpu.memory_space<vmem>> -> memref<128x128xf32, #tpu.memory_space<vmem>>
    %dma_wait3A_290 = arith.constant 0 : i32
    %dma_wait3A_291 = tpu.memref_slice %arg5[%dma_wait3A_283, %dma_wait3A_284, %dma_wait3A_290] : memref<4x2x128xi32, #tpu.memory_space<vmem>> -> memref<1x1x128xi32, #tpu.memory_space<vmem>>
    %dma_wait3A_292 = tpu.memref_squeeze %dma_wait3A_291 : memref<1x1x128xi32, #tpu.memory_space<vmem>> -> memref<128xi32, #tpu.memory_space<vmem>>
    %dma_wait3A_293 = arith.constant 0 : i32
    %dma_wait3A_294 = arith.constant 0 : i32
    %dma_wait3A_295 = tpu.memref_slice %arg8[%dma_wait3A_293, %dma_wait3A_294] : memref<10512x128xf32, #tpu.memory_space<vmem_shared>> -> memref<10512x128xf32, #tpu.memory_space<vmem_shared>>
    %dma_wait3A_296 = tpu.memref_slice %arg10[%dma_wait3A_285] : memref<2x!tpu.dma_semaphore, #tpu.memory_space<semaphore_mem>> -> memref<1x!tpu.dma_semaphore, #tpu.memory_space<semaphore_mem>>
    %dma_wait3A_297 = tpu.memref_squeeze %dma_wait3A_296 : memref<1x!tpu.dma_semaphore, #tpu.memory_space<semaphore_mem>> -> memref<!tpu.dma_semaphore, #tpu.memory_space<semaphore_mem>>
    tpu.wait_indirect_dma semaphore(%dma_wait3A_297 : memref<!tpu.dma_semaphore, #tpu.memory_space<semaphore_mem>>) src(%dma_wait3A_289 : memref<128x128xf32, #tpu.memory_space<vmem>>) dst(%dma_wait3A_295 : memref<10512x128xf32, #tpu.memory_space<vmem_shared>>)
    %dma_start3A_298 = arith.constant 1 : i32
    %dma_start3A_299 = arith.constant 0 : i32
    %dma_start3A_300 = arith.constant 1 : i32
    %dma_start3A_301 = arith.constant 1 : i32
    %dma_start3A_302 = arith.constant 0 : i32
    %dma_start3A_303 = arith.constant 0 : i32
    %dma_start3A_304 = tpu.memref_slice %arg6[%dma_start3A_300, %dma_start3A_302, %dma_start3A_303] : memref<2x128x128xf32, #tpu.memory_space<vmem>> -> memref<1x128x128xf32, #tpu.memory_space<vmem>>
    %dma_start3A_305 = tpu.memref_squeeze %dma_start3A_304 : memref<1x128x128xf32, #tpu.memory_space<vmem>> -> memref<128x128xf32, #tpu.memory_space<vmem>>
    %dma_start3A_306 = arith.constant 0 : i32
    %dma_start3A_307 = tpu.memref_slice %arg5[%dma_start3A_298, %dma_start3A_299, %dma_start3A_306] : memref<4x2x128xi32, #tpu.memory_space<vmem>> -> memref<1x1x128xi32, #tpu.memory_space<vmem>>
    %dma_start3A_308 = tpu.memref_squeeze %dma_start3A_307 : memref<1x1x128xi32, #tpu.memory_space<vmem>> -> memref<128xi32, #tpu.memory_space<vmem>>
    %dma_start3A_309 = arith.constant 0 : i32
    %dma_start3A_310 = arith.constant 0 : i32
    %dma_start3A_311 = tpu.memref_slice %arg2[%dma_start3A_309, %dma_start3A_310] : memref<10000x128xf32, #tpu.memory_space<hbm>> -> memref<10000x128xf32, #tpu.memory_space<hbm>>
    %dma_start3A_312 = tpu.memref_slice %arg9[%dma_start3A_301] : memref<2x!tpu.dma_semaphore, #tpu.memory_space<semaphore_mem>> -> memref<1x!tpu.dma_semaphore, #tpu.memory_space<semaphore_mem>>
    %dma_start3A_313 = tpu.memref_squeeze %dma_start3A_312 : memref<1x!tpu.dma_semaphore, #tpu.memory_space<semaphore_mem>> -> memref<!tpu.dma_semaphore, #tpu.memory_space<semaphore_mem>>
    tpu.enqueue_indirect_dma source(%dma_start3A_311 : memref<10000x128xf32, #tpu.memory_space<hbm>>) target(%dma_start3A_305 : memref<128x128xf32, #tpu.memory_space<vmem>>) offsets(%dma_start3A_308 : memref<128xi32, #tpu.memory_space<vmem>>) semaphore(%dma_start3A_313 : memref<!tpu.dma_semaphore, #tpu.memory_space<semaphore_mem>>)
    %dma_wait3A_314 = arith.constant 1 : i32
    %dma_wait3A_315 = arith.constant 0 : i32
    %dma_wait3A_316 = arith.constant 1 : i32
    %dma_wait3A_317 = arith.constant 1 : i32
    %dma_wait3A_318 = arith.constant 0 : i32
    %dma_wait3A_319 = arith.constant 0 : i32
    %dma_wait3A_320 = tpu.memref_slice %arg6[%dma_wait3A_316, %dma_wait3A_318, %dma_wait3A_319] : memref<2x128x128xf32, #tpu.memory_space<vmem>> -> memref<1x128x128xf32, #tpu.memory_space<vmem>>
    %dma_wait3A_321 = tpu.memref_squeeze %dma_wait3A_320 : memref<1x128x128xf32, #tpu.memory_space<vmem>> -> memref<128x128xf32, #tpu.memory_space<vmem>>
    %dma_wait3A_322 = arith.constant 0 : i32
    %dma_wait3A_323 = tpu.memref_slice %arg5[%dma_wait3A_314, %dma_wait3A_315, %dma_wait3A_322] : memref<4x2x128xi32, #tpu.memory_space<vmem>> -> memref<1x1x128xi32, #tpu.memory_space<vmem>>
    %dma_wait3A_324 = tpu.memref_squeeze %dma_wait3A_323 : memref<1x1x128xi32, #tpu.memory_space<vmem>> -> memref<128xi32, #tpu.memory_space<vmem>>
    %dma_wait3A_325 = arith.constant 0 : i32
    %dma_wait3A_326 = arith.constant 0 : i32
    %dma_wait3A_327 = tpu.memref_slice %arg2[%dma_wait3A_325, %dma_wait3A_326] : memref<10000x128xf32, #tpu.memory_space<hbm>> -> memref<10000x128xf32, #tpu.memory_space<hbm>>
    %dma_wait3A_328 = tpu.memref_slice %arg9[%dma_wait3A_317] : memref<2x!tpu.dma_semaphore, #tpu.memory_space<semaphore_mem>> -> memref<1x!tpu.dma_semaphore, #tpu.memory_space<semaphore_mem>>
    %dma_wait3A_329 = tpu.memref_squeeze %dma_wait3A_328 : memref<1x!tpu.dma_semaphore, #tpu.memory_space<semaphore_mem>> -> memref<!tpu.dma_semaphore, #tpu.memory_space<semaphore_mem>>
    tpu.wait_indirect_dma semaphore(%dma_wait3A_329 : memref<!tpu.dma_semaphore, #tpu.memory_space<semaphore_mem>>) src(%dma_wait3A_327 : memref<10000x128xf32, #tpu.memory_space<hbm>>) dst(%dma_wait3A_321 : memref<128x128xf32, #tpu.memory_space<vmem>>)
    %dma_start3A_330 = arith.constant 1 : i32
    %dma_start3A_331 = arith.constant 1 : i32
    %dma_start3A_332 = arith.constant 1 : i32
    %dma_start3A_333 = arith.constant 1 : i32
    %dma_start3A_334 = arith.constant 0 : i32
    %dma_start3A_335 = arith.constant 0 : i32
    %dma_start3A_336 = tpu.memref_slice %arg6[%dma_start3A_330, %dma_start3A_334, %dma_start3A_335] : memref<2x128x128xf32, #tpu.memory_space<vmem>> -> memref<1x128x128xf32, #tpu.memory_space<vmem>>
    %dma_start3A_337 = tpu.memref_squeeze %dma_start3A_336 : memref<1x128x128xf32, #tpu.memory_space<vmem>> -> memref<128x128xf32, #tpu.memory_space<vmem>>
    %dma_start3A_338 = arith.constant 0 : i32
    %dma_start3A_339 = tpu.memref_slice %arg5[%dma_start3A_331, %dma_start3A_332, %dma_start3A_338] : memref<4x2x128xi32, #tpu.memory_space<vmem>> -> memref<1x1x128xi32, #tpu.memory_space<vmem>>
    %dma_start3A_340 = tpu.memref_squeeze %dma_start3A_339 : memref<1x1x128xi32, #tpu.memory_space<vmem>> -> memref<128xi32, #tpu.memory_space<vmem>>
    %dma_start3A_341 = arith.constant 0 : i32
    %dma_start3A_342 = arith.constant 0 : i32
    %dma_start3A_343 = tpu.memref_slice %arg8[%dma_start3A_341, %dma_start3A_342] : memref<10512x128xf32, #tpu.memory_space<vmem_shared>> -> memref<10512x128xf32, #tpu.memory_space<vmem_shared>>
    %dma_start3A_344 = tpu.memref_slice %arg10[%dma_start3A_333] : memref<2x!tpu.dma_semaphore, #tpu.memory_space<semaphore_mem>> -> memref<1x!tpu.dma_semaphore, #tpu.memory_space<semaphore_mem>>
    %dma_start3A_345 = tpu.memref_squeeze %dma_start3A_344 : memref<1x!tpu.dma_semaphore, #tpu.memory_space<semaphore_mem>> -> memref<!tpu.dma_semaphore, #tpu.memory_space<semaphore_mem>>
    tpu.enqueue_indirect_dma source(%dma_start3A_337 : memref<128x128xf32, #tpu.memory_space<vmem>>) target(%dma_start3A_343 : memref<10512x128xf32, #tpu.memory_space<vmem_shared>>) offsets(%dma_start3A_340 : memref<128xi32, #tpu.memory_space<vmem>>) semaphore(%dma_start3A_345 : memref<!tpu.dma_semaphore, #tpu.memory_space<semaphore_mem>>) {add = true}
    %sub3A_346 = arith.constant 1 : i32
    %sub3A_347 = arith.subi %select_n3A, %sub3A_346 : i32
    %mul3A_348 = arith.constant 128 : i32
    %mul3A_349 = arith.muli %sub3A_347, %mul3A_348 : i32
    %add3A_350 = arith.addi %mul3A_10, %mul3A_349 : i32
    %dma_wait3A_351 = arith.constant 2 : i32
    %dma_wait3A_352 = arith.constant 2 : i32
    %dma_wait3A_353 = arith.constant 0 : i32
    %dma_wait3A_354 = arith.constant 0 : i32
    %dma_wait3A_355 = tpu.memref_slice %arg5[%dma_wait3A_351, %dma_wait3A_353, %dma_wait3A_354] : memref<4x2x128xi32, #tpu.memory_space<vmem>> -> memref<1x2x128xi32, #tpu.memory_space<vmem>>
    %dma_wait3A_356 = tpu.memref_squeeze %dma_wait3A_355 : memref<1x2x128xi32, #tpu.memory_space<vmem>> -> memref<2x128xi32, #tpu.memory_space<vmem>>
    %dma_wait3A_357 = arith.constant 0 : i32
    %dma_wait3A_358 = tpu.memref_slice %arg3[%dma_wait3A_357, %add3A_350] : memref<2x323584xi32, #tpu.memory_space<hbm>> -> memref<2x128xi32, #tpu.memory_space<hbm>>
    %dma_wait3A_359 = tpu.memref_slice %arg11[%dma_wait3A_352] : memref<4x!tpu.dma_semaphore, #tpu.memory_space<semaphore_mem>> -> memref<1x!tpu.dma_semaphore, #tpu.memory_space<semaphore_mem>>
    %dma_wait3A_360 = tpu.memref_squeeze %dma_wait3A_359 : memref<1x!tpu.dma_semaphore, #tpu.memory_space<semaphore_mem>> -> memref<!tpu.dma_semaphore, #tpu.memory_space<semaphore_mem>>
    %dma_wait3A_361 = arith.constant 0 : i32
    %dma_wait3A_362 = arith.constant 0 : i32
    %dma_wait3A_363 = tpu.memref_slice %arg5[%dma_wait3A_351, %dma_wait3A_361, %dma_wait3A_362] : memref<4x2x128xi32, #tpu.memory_space<vmem>> -> memref<1x2x128xi32, #tpu.memory_space<vmem>>
    %dma_wait3A_364 = tpu.memref_squeeze %dma_wait3A_363 : memref<1x2x128xi32, #tpu.memory_space<vmem>> -> memref<2x128xi32, #tpu.memory_space<vmem>>
    %dma_wait3A_365 = arith.constant 0 : i32
    %dma_wait3A_366 = tpu.memref_slice %arg3[%dma_wait3A_365, %add3A_350] : memref<2x323584xi32, #tpu.memory_space<hbm>> -> memref<2x128xi32, #tpu.memory_space<hbm>>
    tpu.wait_dma2 semaphore(%dma_wait3A_360 : memref<!tpu.dma_semaphore, #tpu.memory_space<semaphore_mem>>) src(%dma_wait3A_366 : memref<2x128xi32, #tpu.memory_space<hbm>>) dst(%dma_wait3A_364 : memref<2x128xi32, #tpu.memory_space<vmem>>)
    %dma_wait3A_367 = arith.constant 0 : i32
    %dma_wait3A_368 = arith.constant 0 : i32
    %dma_wait3A_369 = arith.constant 1 : i32
    %dma_wait3A_370 = arith.constant 0 : i32
    %dma_wait3A_371 = arith.constant 0 : i32
    %dma_wait3A_372 = arith.constant 0 : i32
    %dma_wait3A_373 = tpu.memref_slice %arg6[%dma_wait3A_367, %dma_wait3A_371, %dma_wait3A_372] : memref<2x128x128xf32, #tpu.memory_space<vmem>> -> memref<1x128x128xf32, #tpu.memory_space<vmem>>
    %dma_wait3A_374 = tpu.memref_squeeze %dma_wait3A_373 : memref<1x128x128xf32, #tpu.memory_space<vmem>> -> memref<128x128xf32, #tpu.memory_space<vmem>>
    %dma_wait3A_375 = arith.constant 0 : i32
    %dma_wait3A_376 = tpu.memref_slice %arg5[%dma_wait3A_368, %dma_wait3A_369, %dma_wait3A_375] : memref<4x2x128xi32, #tpu.memory_space<vmem>> -> memref<1x1x128xi32, #tpu.memory_space<vmem>>
    %dma_wait3A_377 = tpu.memref_squeeze %dma_wait3A_376 : memref<1x1x128xi32, #tpu.memory_space<vmem>> -> memref<128xi32, #tpu.memory_space<vmem>>
    %dma_wait3A_378 = arith.constant 0 : i32
    %dma_wait3A_379 = arith.constant 0 : i32
    %dma_wait3A_380 = tpu.memref_slice %arg8[%dma_wait3A_378, %dma_wait3A_379] : memref<10512x128xf32, #tpu.memory_space<vmem_shared>> -> memref<10512x128xf32, #tpu.memory_space<vmem_shared>>
    %dma_wait3A_381 = tpu.memref_slice %arg10[%dma_wait3A_370] : memref<2x!tpu.dma_semaphore, #tpu.memory_space<semaphore_mem>> -> memref<1x!tpu.dma_semaphore, #tpu.memory_space<semaphore_mem>>
    %dma_wait3A_382 = tpu.memref_squeeze %dma_wait3A_381 : memref<1x!tpu.dma_semaphore, #tpu.memory_space<semaphore_mem>> -> memref<!tpu.dma_semaphore, #tpu.memory_space<semaphore_mem>>
    tpu.wait_indirect_dma semaphore(%dma_wait3A_382 : memref<!tpu.dma_semaphore, #tpu.memory_space<semaphore_mem>>) src(%dma_wait3A_374 : memref<128x128xf32, #tpu.memory_space<vmem>>) dst(%dma_wait3A_380 : memref<10512x128xf32, #tpu.memory_space<vmem_shared>>)
    %dma_start3A_383 = arith.constant 2 : i32
    %dma_start3A_384 = arith.constant 0 : i32
    %dma_start3A_385 = arith.constant 0 : i32
    %dma_start3A_386 = arith.constant 0 : i32
    %dma_start3A_387 = arith.constant 0 : i32
    %dma_start3A_388 = arith.constant 0 : i32
    %dma_start3A_389 = tpu.memref_slice %arg6[%dma_start3A_385, %dma_start3A_387, %dma_start3A_388] : memref<2x128x128xf32, #tpu.memory_space<vmem>> -> memref<1x128x128xf32, #tpu.memory_space<vmem>>
    %dma_start3A_390 = tpu.memref_squeeze %dma_start3A_389 : memref<1x128x128xf32, #tpu.memory_space<vmem>> -> memref<128x128xf32, #tpu.memory_space<vmem>>
    %dma_start3A_391 = arith.constant 0 : i32
    %dma_start3A_392 = tpu.memref_slice %arg5[%dma_start3A_383, %dma_start3A_384, %dma_start3A_391] : memref<4x2x128xi32, #tpu.memory_space<vmem>> -> memref<1x1x128xi32, #tpu.memory_space<vmem>>
    %dma_start3A_393 = tpu.memref_squeeze %dma_start3A_392 : memref<1x1x128xi32, #tpu.memory_space<vmem>> -> memref<128xi32, #tpu.memory_space<vmem>>
    %dma_start3A_394 = arith.constant 0 : i32
    %dma_start3A_395 = arith.constant 0 : i32
    %dma_start3A_396 = tpu.memref_slice %arg2[%dma_start3A_394, %dma_start3A_395] : memref<10000x128xf32, #tpu.memory_space<hbm>> -> memref<10000x128xf32, #tpu.memory_space<hbm>>
    %dma_start3A_397 = tpu.memref_slice %arg9[%dma_start3A_386] : memref<2x!tpu.dma_semaphore, #tpu.memory_space<semaphore_mem>> -> memref<1x!tpu.dma_semaphore, #tpu.memory_space<semaphore_mem>>
    %dma_start3A_398 = tpu.memref_squeeze %dma_start3A_397 : memref<1x!tpu.dma_semaphore, #tpu.memory_space<semaphore_mem>> -> memref<!tpu.dma_semaphore, #tpu.memory_space<semaphore_mem>>
    tpu.enqueue_indirect_dma source(%dma_start3A_396 : memref<10000x128xf32, #tpu.memory_space<hbm>>) target(%dma_start3A_390 : memref<128x128xf32, #tpu.memory_space<vmem>>) offsets(%dma_start3A_393 : memref<128xi32, #tpu.memory_space<vmem>>) semaphore(%dma_start3A_398 : memref<!tpu.dma_semaphore, #tpu.memory_space<semaphore_mem>>)
    %dma_wait3A_399 = arith.constant 2 : i32
    %dma_wait3A_400 = arith.constant 0 : i32
    %dma_wait3A_401 = arith.constant 0 : i32
    %dma_wait3A_402 = arith.constant 0 : i32
    %dma_wait3A_403 = arith.constant 0 : i32
    %dma_wait3A_404 = arith.constant 0 : i32
    %dma_wait3A_405 = tpu.memref_slice %arg6[%dma_wait3A_401, %dma_wait3A_403, %dma_wait3A_404] : memref<2x128x128xf32, #tpu.memory_space<vmem>> -> memref<1x128x128xf32, #tpu.memory_space<vmem>>
    %dma_wait3A_406 = tpu.memref_squeeze %dma_wait3A_405 : memref<1x128x128xf32, #tpu.memory_space<vmem>> -> memref<128x128xf32, #tpu.memory_space<vmem>>
    %dma_wait3A_407 = arith.constant 0 : i32
    %dma_wait3A_408 = tpu.memref_slice %arg5[%dma_wait3A_399, %dma_wait3A_400, %dma_wait3A_407] : memref<4x2x128xi32, #tpu.memory_space<vmem>> -> memref<1x1x128xi32, #tpu.memory_space<vmem>>
    %dma_wait3A_409 = tpu.memref_squeeze %dma_wait3A_408 : memref<1x1x128xi32, #tpu.memory_space<vmem>> -> memref<128xi32, #tpu.memory_space<vmem>>
    %dma_wait3A_410 = arith.constant 0 : i32
    %dma_wait3A_411 = arith.constant 0 : i32
    %dma_wait3A_412 = tpu.memref_slice %arg2[%dma_wait3A_410, %dma_wait3A_411] : memref<10000x128xf32, #tpu.memory_space<hbm>> -> memref<10000x128xf32, #tpu.memory_space<hbm>>
    %dma_wait3A_413 = tpu.memref_slice %arg9[%dma_wait3A_402] : memref<2x!tpu.dma_semaphore, #tpu.memory_space<semaphore_mem>> -> memref<1x!tpu.dma_semaphore, #tpu.memory_space<semaphore_mem>>
    %dma_wait3A_414 = tpu.memref_squeeze %dma_wait3A_413 : memref<1x!tpu.dma_semaphore, #tpu.memory_space<semaphore_mem>> -> memref<!tpu.dma_semaphore, #tpu.memory_space<semaphore_mem>>
    tpu.wait_indirect_dma semaphore(%dma_wait3A_414 : memref<!tpu.dma_semaphore, #tpu.memory_space<semaphore_mem>>) src(%dma_wait3A_412 : memref<10000x128xf32, #tpu.memory_space<hbm>>) dst(%dma_wait3A_406 : memref<128x128xf32, #tpu.memory_space<vmem>>)
    %dma_start3A_415 = arith.constant 0 : i32
    %dma_start3A_416 = arith.constant 2 : i32
    %dma_start3A_417 = arith.constant 1 : i32
    %dma_start3A_418 = arith.constant 0 : i32
    %dma_start3A_419 = arith.constant 0 : i32
    %dma_start3A_420 = arith.constant 0 : i32
    %dma_start3A_421 = tpu.memref_slice %arg6[%dma_start3A_415, %dma_start3A_419, %dma_start3A_420] : memref<2x128x128xf32, #tpu.memory_space<vmem>> -> memref<1x128x128xf32, #tpu.memory_space<vmem>>
    %dma_start3A_422 = tpu.memref_squeeze %dma_start3A_421 : memref<1x128x128xf32, #tpu.memory_space<vmem>> -> memref<128x128xf32, #tpu.memory_space<vmem>>
    %dma_start3A_423 = arith.constant 0 : i32
    %dma_start3A_424 = tpu.memref_slice %arg5[%dma_start3A_416, %dma_start3A_417, %dma_start3A_423] : memref<4x2x128xi32, #tpu.memory_space<vmem>> -> memref<1x1x128xi32, #tpu.memory_space<vmem>>
    %dma_start3A_425 = tpu.memref_squeeze %dma_start3A_424 : memref<1x1x128xi32, #tpu.memory_space<vmem>> -> memref<128xi32, #tpu.memory_space<vmem>>
    %dma_start3A_426 = arith.constant 0 : i32
    %dma_start3A_427 = arith.constant 0 : i32
    %dma_start3A_428 = tpu.memref_slice %arg8[%dma_start3A_426, %dma_start3A_427] : memref<10512x128xf32, #tpu.memory_space<vmem_shared>> -> memref<10512x128xf32, #tpu.memory_space<vmem_shared>>
    %dma_start3A_429 = tpu.memref_slice %arg10[%dma_start3A_418] : memref<2x!tpu.dma_semaphore, #tpu.memory_space<semaphore_mem>> -> memref<1x!tpu.dma_semaphore, #tpu.memory_space<semaphore_mem>>
    %dma_start3A_430 = tpu.memref_squeeze %dma_start3A_429 : memref<1x!tpu.dma_semaphore, #tpu.memory_space<semaphore_mem>> -> memref<!tpu.dma_semaphore, #tpu.memory_space<semaphore_mem>>
    tpu.enqueue_indirect_dma source(%dma_start3A_422 : memref<128x128xf32, #tpu.memory_space<vmem>>) target(%dma_start3A_428 : memref<10512x128xf32, #tpu.memory_space<vmem_shared>>) offsets(%dma_start3A_425 : memref<128xi32, #tpu.memory_space<vmem>>) semaphore(%dma_start3A_430 : memref<!tpu.dma_semaphore, #tpu.memory_space<semaphore_mem>>) {add = true}
    %dma_wait3A_431 = arith.constant 1 : i32
    %dma_wait3A_432 = arith.constant 1 : i32
    %dma_wait3A_433 = arith.constant 1 : i32
    %dma_wait3A_434 = arith.constant 1 : i32
    %dma_wait3A_435 = arith.constant 0 : i32
    %dma_wait3A_436 = arith.constant 0 : i32
    %dma_wait3A_437 = tpu.memref_slice %arg6[%dma_wait3A_431, %dma_wait3A_435, %dma_wait3A_436] : memref<2x128x128xf32, #tpu.memory_space<vmem>> -> memref<1x128x128xf32, #tpu.memory_space<vmem>>
    %dma_wait3A_438 = tpu.memref_squeeze %dma_wait3A_437 : memref<1x128x128xf32, #tpu.memory_space<vmem>> -> memref<128x128xf32, #tpu.memory_space<vmem>>
    %dma_wait3A_439 = arith.constant 0 : i32
    %dma_wait3A_440 = tpu.memref_slice %arg5[%dma_wait3A_432, %dma_wait3A_433, %dma_wait3A_439] : memref<4x2x128xi32, #tpu.memory_space<vmem>> -> memref<1x1x128xi32, #tpu.memory_space<vmem>>
    %dma_wait3A_441 = tpu.memref_squeeze %dma_wait3A_440 : memref<1x1x128xi32, #tpu.memory_space<vmem>> -> memref<128xi32, #tpu.memory_space<vmem>>
    %dma_wait3A_442 = arith.constant 0 : i32
    %dma_wait3A_443 = arith.constant 0 : i32
    %dma_wait3A_444 = tpu.memref_slice %arg8[%dma_wait3A_442, %dma_wait3A_443] : memref<10512x128xf32, #tpu.memory_space<vmem_shared>> -> memref<10512x128xf32, #tpu.memory_space<vmem_shared>>
    %dma_wait3A_445 = tpu.memref_slice %arg10[%dma_wait3A_434] : memref<2x!tpu.dma_semaphore, #tpu.memory_space<semaphore_mem>> -> memref<1x!tpu.dma_semaphore, #tpu.memory_space<semaphore_mem>>
    %dma_wait3A_446 = tpu.memref_squeeze %dma_wait3A_445 : memref<1x!tpu.dma_semaphore, #tpu.memory_space<semaphore_mem>> -> memref<!tpu.dma_semaphore, #tpu.memory_space<semaphore_mem>>
    tpu.wait_indirect_dma semaphore(%dma_wait3A_446 : memref<!tpu.dma_semaphore, #tpu.memory_space<semaphore_mem>>) src(%dma_wait3A_438 : memref<128x128xf32, #tpu.memory_space<vmem>>) dst(%dma_wait3A_444 : memref<10512x128xf32, #tpu.memory_space<vmem_shared>>)
    %dma_wait3A_447 = arith.constant 0 : i32
    %dma_wait3A_448 = arith.constant 2 : i32
    %dma_wait3A_449 = arith.constant 1 : i32
    %dma_wait3A_450 = arith.constant 0 : i32
    %dma_wait3A_451 = arith.constant 0 : i32
    %dma_wait3A_452 = arith.constant 0 : i32
    %dma_wait3A_453 = tpu.memref_slice %arg6[%dma_wait3A_447, %dma_wait3A_451, %dma_wait3A_452] : memref<2x128x128xf32, #tpu.memory_space<vmem>> -> memref<1x128x128xf32, #tpu.memory_space<vmem>>
    %dma_wait3A_454 = tpu.memref_squeeze %dma_wait3A_453 : memref<1x128x128xf32, #tpu.memory_space<vmem>> -> memref<128x128xf32, #tpu.memory_space<vmem>>
    %dma_wait3A_455 = arith.constant 0 : i32
    %dma_wait3A_456 = tpu.memref_slice %arg5[%dma_wait3A_448, %dma_wait3A_449, %dma_wait3A_455] : memref<4x2x128xi32, #tpu.memory_space<vmem>> -> memref<1x1x128xi32, #tpu.memory_space<vmem>>
    %dma_wait3A_457 = tpu.memref_squeeze %dma_wait3A_456 : memref<1x1x128xi32, #tpu.memory_space<vmem>> -> memref<128xi32, #tpu.memory_space<vmem>>
    %dma_wait3A_458 = arith.constant 0 : i32
    %dma_wait3A_459 = arith.constant 0 : i32
    %dma_wait3A_460 = tpu.memref_slice %arg8[%dma_wait3A_458, %dma_wait3A_459] : memref<10512x128xf32, #tpu.memory_space<vmem_shared>> -> memref<10512x128xf32, #tpu.memory_space<vmem_shared>>
    %dma_wait3A_461 = tpu.memref_slice %arg10[%dma_wait3A_450] : memref<2x!tpu.dma_semaphore, #tpu.memory_space<semaphore_mem>> -> memref<1x!tpu.dma_semaphore, #tpu.memory_space<semaphore_mem>>
    %dma_wait3A_462 = tpu.memref_squeeze %dma_wait3A_461 : memref<1x!tpu.dma_semaphore, #tpu.memory_space<semaphore_mem>> -> memref<!tpu.dma_semaphore, #tpu.memory_space<semaphore_mem>>
    tpu.wait_indirect_dma semaphore(%dma_wait3A_462 : memref<!tpu.dma_semaphore, #tpu.memory_space<semaphore_mem>>) src(%dma_wait3A_454 : memref<128x128xf32, #tpu.memory_space<vmem>>) dst(%dma_wait3A_460 : memref<10512x128xf32, #tpu.memory_space<vmem_shared>>)
    "tpu.trace_stop"() : () -> ()
    "tpu.trace_start"() <{level = 10 : i32, message = "end_barrier"}> : () -> ()
    %barrier3A_463 = arith.constant 0 : index
    tpu.barrier barrier_id(%barrier3A_463)
    "tpu.trace_stop"() : () -> ()
    "tpu.trace_start"() <{level = 10 : i32, message = "publish"}> : () -> ()
    "tpu.region"() ({
      %run_scoped3A = tpu.sem_alloc : memref<!tpu.dma_semaphore, #tpu.memory_space<semaphore_mem>>
      %dma_start3A_469 = arith.constant 0 : i32
      %dma_start3A_470 = tpu.memref_slice %arg4[%arg0, %mul3A_139, %dma_start3A_469] : memref<2x10000x128xf32, #tpu.memory_space<hbm>> -> memref<1x624x128xf32, #tpu.memory_space<hbm>>
      %dma_start3A_471 = tpu.memref_squeeze %dma_start3A_470 : memref<1x624x128xf32, #tpu.memory_space<hbm>> -> memref<624x128xf32, #tpu.memory_space<hbm>>
      %dma_start3A_472 = arith.constant 0 : i32
      %dma_start3A_473 = tpu.memref_slice %arg8[%mul3A_139, %dma_start3A_472] : memref<10512x128xf32, #tpu.memory_space<vmem_shared>> -> memref<624x128xf32, #tpu.memory_space<vmem_shared>>
      tpu.enqueue_dma source(%dma_start3A_473 : memref<624x128xf32, #tpu.memory_space<vmem_shared>>) target(%dma_start3A_471 : memref<624x128xf32, #tpu.memory_space<hbm>>) target_semaphore(%run_scoped3A : memref<!tpu.dma_semaphore, #tpu.memory_space<semaphore_mem>>)
      %dma_wait3A_474 = arith.constant 0 : i32
      %dma_wait3A_475 = tpu.memref_slice %arg4[%arg0, %mul3A_139, %dma_wait3A_474] : memref<2x10000x128xf32, #tpu.memory_space<hbm>> -> memref<1x624x128xf32, #tpu.memory_space<hbm>>
      %dma_wait3A_476 = tpu.memref_squeeze %dma_wait3A_475 : memref<1x624x128xf32, #tpu.memory_space<hbm>> -> memref<624x128xf32, #tpu.memory_space<hbm>>
      %dma_wait3A_477 = arith.constant 0 : i32
      %dma_wait3A_478 = tpu.memref_slice %arg8[%mul3A_139, %dma_wait3A_477] : memref<10512x128xf32, #tpu.memory_space<vmem_shared>> -> memref<624x128xf32, #tpu.memory_space<vmem_shared>>
      tpu.wait_dma2 semaphore(%run_scoped3A : memref<!tpu.dma_semaphore, #tpu.memory_space<semaphore_mem>>) src(%dma_wait3A_478 : memref<624x128xf32, #tpu.memory_space<vmem_shared>>) dst(%dma_wait3A_476 : memref<624x128xf32, #tpu.memory_space<hbm>>)
      tpu.yield
    }) : () -> ()
    %eq3A_464 = arith.constant 15 : i32
    %eq3A_465 = arith.cmpi eq, %arg1, %eq3A_464 : i32
    %convert_element_type3A_466 = arith.extui %eq3A_465 : i1 to i32
    %cond3A_467 = arith.constant 0 : i32
    %cond3A_468 = arith.cmpi ne, %convert_element_type3A_466, %cond3A_467 : i32
    scf.if %cond3A_468 {
      "tpu.region"() ({
        %run_scoped3A = tpu.sem_alloc : memref<!tpu.dma_semaphore, #tpu.memory_space<semaphore_mem>>
        %dma_start3A_469 = arith.constant 9984 : i32
        %dma_start3A_470 = arith.constant 0 : i32
        %dma_start3A_471 = tpu.memref_slice %arg4[%arg0, %dma_start3A_469, %dma_start3A_470] : memref<2x10000x128xf32, #tpu.memory_space<hbm>> -> memref<1x16x128xf32, #tpu.memory_space<hbm>>
        %dma_start3A_472 = tpu.memref_squeeze %dma_start3A_471 : memref<1x16x128xf32, #tpu.memory_space<hbm>> -> memref<16x128xf32, #tpu.memory_space<hbm>>
        %dma_start3A_473 = arith.constant 9984 : i32
        %dma_start3A_474 = arith.constant 0 : i32
        %dma_start3A_475 = tpu.memref_slice %arg8[%dma_start3A_473, %dma_start3A_474] : memref<10512x128xf32, #tpu.memory_space<vmem_shared>> -> memref<16x128xf32, #tpu.memory_space<vmem_shared>>
        tpu.enqueue_dma source(%dma_start3A_475 : memref<16x128xf32, #tpu.memory_space<vmem_shared>>) target(%dma_start3A_472 : memref<16x128xf32, #tpu.memory_space<hbm>>) target_semaphore(%run_scoped3A : memref<!tpu.dma_semaphore, #tpu.memory_space<semaphore_mem>>)
        %dma_wait3A_476 = arith.constant 9984 : i32
        %dma_wait3A_477 = arith.constant 0 : i32
        %dma_wait3A_478 = tpu.memref_slice %arg4[%arg0, %dma_wait3A_476, %dma_wait3A_477] : memref<2x10000x128xf32, #tpu.memory_space<hbm>> -> memref<1x16x128xf32, #tpu.memory_space<hbm>>
        %dma_wait3A_479 = tpu.memref_squeeze %dma_wait3A_478 : memref<1x16x128xf32, #tpu.memory_space<hbm>> -> memref<16x128xf32, #tpu.memory_space<hbm>>
        %dma_wait3A_480 = arith.constant 9984 : i32
        %dma_wait3A_481 = arith.constant 0 : i32
        %dma_wait3A_482 = tpu.memref_slice %arg8[%dma_wait3A_480, %dma_wait3A_481] : memref<10512x128xf32, #tpu.memory_space<vmem_shared>> -> memref<16x128xf32, #tpu.memory_space<vmem_shared>>
        tpu.wait_dma2 semaphore(%run_scoped3A : memref<!tpu.dma_semaphore, #tpu.memory_space<semaphore_mem>>) src(%dma_wait3A_482 : memref<16x128xf32, #tpu.memory_space<vmem_shared>>) dst(%dma_wait3A_479 : memref<16x128xf32, #tpu.memory_space<hbm>>)
        tpu.yield
      }) : () -> ()
    } else {
    }
    "tpu.trace_stop"() : () -> ()
    return
  }
}

module attributes {stable_mosaic.version = 14 : i64} {
  func.func @_final_body(%arg0: i32, %arg1: memref<2000x128xf32, #tpu.memory_space<vmem>>, %arg2: memref<2x2000x128xf32, #tpu.memory_space<vmem>>, %arg3: memref<128x128xf32, #tpu.memory_space<vmem>>, %arg4: memref<128x128xf32, #tpu.memory_space<vmem>>, %arg5: memref<1x128xf32, #tpu.memory_space<vmem>>, %arg6: memref<1x128xf32, #tpu.memory_space<vmem>>, %arg7: memref<1x1xf32, #tpu.memory_space<vmem>>, %arg8: memref<1x1xf32, #tpu.memory_space<vmem>>) attributes {dimension_semantics = [#tpu.dimension_semantics<arbitrary>], iteration_bounds = array<i64: 5>, scalar_prefetch = 0 : i64, scratch_operands = 0 : i64, tpu.core_type = #tpu.core_type<tc>, window_params = [{transform_indices = @transform_0, window_bounds = array<i64: 2000, 128>}, {transform_indices = @transform_1, window_bounds = array<i64: 2, 2000, 128>}, {pipeline_mode = #tpu.pipeline_mode<synchronous>, transform_indices = @transform_2, window_bounds = array<i64: 128, 128>}, {pipeline_mode = #tpu.pipeline_mode<synchronous>, transform_indices = @transform_3, window_bounds = array<i64: 128, 128>}, {pipeline_mode = #tpu.pipeline_mode<synchronous>, transform_indices = @transform_4, window_bounds = array<i64: 1, 128>}, {pipeline_mode = #tpu.pipeline_mode<synchronous>, transform_indices = @transform_5, window_bounds = array<i64: 1, 128>}, {pipeline_mode = #tpu.pipeline_mode<synchronous>, transform_indices = @transform_6, window_bounds = array<i64: 1, 1>}, {pipeline_mode = #tpu.pipeline_mode<synchronous>, transform_indices = @transform_7, window_bounds = array<i64: 1, 1>}]} {
    %get3A = arith.constant 0 : index
    %get3A_0 = arith.constant 0 : index
    %get3A_1 = arith.constant 0 : index
    %get3A_2 = vector.load %arg2[%get3A, %get3A_0, %get3A_1] : memref<2x2000x128xf32, #tpu.memory_space<vmem>>, vector<1x2000x128xf32>
    %get3A_3 = vector.shape_cast %get3A_2 : vector<1x2000x128xf32> to vector<2000x128xf32>
    %get3A_4 = arith.constant 1 : index
    %get3A_5 = arith.constant 0 : index
    %get3A_6 = arith.constant 0 : index
    %get3A_7 = vector.load %arg2[%get3A_4, %get3A_5, %get3A_6] : memref<2x2000x128xf32, #tpu.memory_space<vmem>>, vector<1x2000x128xf32>
    %get3A_8 = vector.shape_cast %get3A_7 : vector<1x2000x128xf32> to vector<2000x128xf32>
    %add3A = arith.addf %get3A_3, %get3A_8 : vector<2000x128xf32>
    %get3A_9 = arith.constant 0 : index
    %get3A_10 = arith.constant 0 : index
    %get3A_11 = vector.load %arg1[%get3A_9, %get3A_10] : memref<2000x128xf32, #tpu.memory_space<vmem>>, vector<2000x128xf32>
    %get3A_12 = arith.constant 0 : index
    %get3A_13 = arith.constant 0 : index
    %get3A_14 = vector.load %arg3[%get3A_12, %get3A_13] : memref<128x128xf32, #tpu.memory_space<vmem>>, vector<128x128xf32>
    %dot_general3A = arith.constant dense<0.000000e+00> : vector<2000x128xf32>
    %dot_general3A_15 = tpu.matmul %get3A_11, %get3A_14, %dot_general3A {dimension_numbers = #tpu.dot_dimension_numbers<[1], [1], [0], [0], [0, 0, 1, 0], [], []>, transpose_lhs_hint = false} : vector<2000x128xf32>, vector<128x128xf32>, vector<2000x128xf32> -> vector<2000x128xf32>
    %get3A_16 = arith.constant 0 : index
    %get3A_17 = arith.constant 0 : index
    %get3A_18 = vector.load %arg4[%get3A_16, %get3A_17] : memref<128x128xf32, #tpu.memory_space<vmem>>, vector<128x128xf32>
    %dot_general3A_19 = arith.constant dense<0.000000e+00> : vector<2000x128xf32>
    %dot_general3A_20 = tpu.matmul %add3A, %get3A_18, %dot_general3A_19 {dimension_numbers = #tpu.dot_dimension_numbers<[1], [1], [0], [0], [0, 0, 1, 0], [], []>, transpose_lhs_hint = false} : vector<2000x128xf32>, vector<128x128xf32>, vector<2000x128xf32> -> vector<2000x128xf32>
    %add3A_21 = arith.addf %dot_general3A_15, %dot_general3A_20 : vector<2000x128xf32>
    %get3A_22 = arith.constant 0 : index
    %get3A_23 = arith.constant 0 : index
    %get3A_24 = vector.load %arg5[%get3A_22, %get3A_23] : memref<1x128xf32, #tpu.memory_space<vmem>>, vector<1x128xf32>
    %add3A_25 = vector.broadcast %get3A_24 : vector<1x128xf32> to vector<2000x128xf32>
    %add3A_26 = arith.addf %add3A_21, %add3A_25 : vector<2000x128xf32>
    %max3A = arith.constant 0.000000e+00 : f32
    %max3A_27 = vector.broadcast %max3A : f32 to vector<2000x128xf32>
    %max3A_28 = arith.maximumf %add3A_26, %max3A_27 : vector<2000x128xf32>
    %reduce_sum3A = arith.constant dense<0.000000e+00> : vector<128xf32>
    %reduce_sum3A_29 = vector.multi_reduction <add>, %max3A_28, %reduce_sum3A [0] : vector<2000x128xf32> to vector<128xf32>
    %broadcast_in_dim3A = vector.shape_cast %reduce_sum3A_29 : vector<128xf32> to vector<1x128xf32>
    %get3A_30 = arith.constant 0 : index
    %get3A_31 = arith.constant 0 : index
    %get3A_32 = vector.load %arg6[%get3A_30, %get3A_31] : memref<1x128xf32, #tpu.memory_space<vmem>>, vector<1x128xf32>
    %dot_general3A_33 = arith.constant dense<0.000000e+00> : vector<1x1xf32>
    %dot_general3A_34 = tpu.matmul %broadcast_in_dim3A, %get3A_32, %dot_general3A_33 {dimension_numbers = #tpu.dot_dimension_numbers<[1], [1], [0], [0], [0, 0, 1, 0], [], []>, transpose_lhs_hint = false} : vector<1x128xf32>, vector<1x128xf32>, vector<1x1xf32> -> vector<1x1xf32>
    %eq3A = arith.constant 0 : i32
    %eq3A_35 = arith.cmpi eq, %arg0, %eq3A : i32
    %convert_element_type3A = arith.extui %eq3A_35 : i1 to i32
    %cond3A = arith.constant 0 : i32
    %cond3A_36 = arith.cmpi ne, %convert_element_type3A, %cond3A : i32
    scf.if %cond3A_36 {
      %get3A_41 = arith.constant 0 : index
      %get3A_42 = arith.constant 0 : index
      %get3A_43 = vector.load %arg7[%get3A_41, %get3A_42] : memref<1x1xf32, #tpu.memory_space<vmem>>, vector<1x1xf32>
      %add3A_44 = arith.addf %dot_general3A_34, %get3A_43 : vector<1x1xf32>
      %swap3A = arith.constant 0 : index
      %swap3A_45 = arith.constant 0 : index
      %swap3A_46 = vector.load %arg8[%swap3A, %swap3A_45] : memref<1x1xf32, #tpu.memory_space<vmem>>, vector<1x1xf32>
      tpu.vector_store %arg8[%swap3A, %swap3A_45], %add3A_44 {strides = array<i32>} : memref<1x1xf32, #tpu.memory_space<vmem>>, vector<1x1xf32>,
    } else {
    }
    %gt3A = arith.constant 0 : i32
    %gt3A_37 = arith.cmpi sgt, %arg0, %gt3A : i32
    %convert_element_type3A_38 = arith.extui %gt3A_37 : i1 to i32
    %cond3A_39 = arith.constant 0 : i32
    %cond3A_40 = arith.cmpi ne, %convert_element_type3A_38, %cond3A_39 : i32
    scf.if %cond3A_40 {
      %get3A_41 = arith.constant 0 : index
      %get3A_42 = arith.constant 0 : index
      %get3A_43 = vector.load %arg8[%get3A_41, %get3A_42] : memref<1x1xf32, #tpu.memory_space<vmem>>, vector<1x1xf32>
      %add3A_44 = arith.addf %get3A_43, %dot_general3A_34 : vector<1x1xf32>
      %swap3A = arith.constant 0 : index
      %swap3A_45 = arith.constant 0 : index
      %swap3A_46 = vector.load %arg8[%swap3A, %swap3A_45] : memref<1x1xf32, #tpu.memory_space<vmem>>, vector<1x1xf32>
      tpu.vector_store %arg8[%swap3A, %swap3A_45], %add3A_44 {strides = array<i32>} : memref<1x1xf32, #tpu.memory_space<vmem>>, vector<1x1xf32>,
    } else {
    }
    return
  }
  func.func @transform_0(%arg0: i32) -> (i32, i32) {
    %c0_i32 = arith.constant 0 : i32
    %c0_i32_0 = arith.constant 0 : i32
    return %arg0, %c0_i32 : i32, i32
  }
  func.func @transform_1(%arg0: i32) -> (i32, i32, i32) {
    %c0_i32 = arith.constant 0 : i32
    %c0_i32_0 = arith.constant 0 : i32
    %c0_i32_1 = arith.constant 0 : i32
    return %c0_i32, %arg0, %c0_i32_0 : i32, i32, i32
  }
  func.func @transform_2(%arg0: i32) -> (i32, i32) {
    %c0_i32 = arith.constant 0 : i32
    %c0_i32_0 = arith.constant 0 : i32
    %c0_i32_1 = arith.constant 0 : i32
    return %c0_i32, %c0_i32_0 : i32, i32
  }
  func.func @transform_3(%arg0: i32) -> (i32, i32) {
    %c0_i32 = arith.constant 0 : i32
    %c0_i32_0 = arith.constant 0 : i32
    %c0_i32_1 = arith.constant 0 : i32
    return %c0_i32, %c0_i32_0 : i32, i32
  }
  func.func @transform_4(%arg0: i32) -> (i32, i32) {
    %c0_i32 = arith.constant 0 : i32
    %c0_i32_0 = arith.constant 0 : i32
    %c0_i32_1 = arith.constant 0 : i32
    return %c0_i32, %c0_i32_0 : i32, i32
  }
  func.func @transform_5(%arg0: i32) -> (i32, i32) {
    %c0_i32 = arith.constant 0 : i32
    %c0_i32_0 = arith.constant 0 : i32
    %c0_i32_1 = arith.constant 0 : i32
    return %c0_i32, %c0_i32_0 : i32, i32
  }
  func.func @transform_6(%arg0: i32) -> (i32, i32) {
    %c0_i32 = arith.constant 0 : i32
    %c0_i32_0 = arith.constant 0 : i32
    %c0_i32_1 = arith.constant 0 : i32
    return %c0_i32, %c0_i32_0 : i32, i32
  }
  func.func @transform_7(%arg0: i32) -> (i32, i32) {
    %c0_i32 = arith.constant 0 : i32
    %c0_i32_0 = arith.constant 0 : i32
    %c0_i32_1 = arith.constant 0 : i32
    return %c0_i32, %c0_i32_0 : i32, i32
  }
}

module attributes {stable_mosaic.version = 14 : i64} {
  func.func @_update_body(%arg0: i32, %arg1: memref<2000x128xf32, #tpu.memory_space<vmem>>, %arg2: memref<2x2000x128xf32, #tpu.memory_space<vmem>>, %arg3: memref<128x128xf32, #tpu.memory_space<vmem>>, %arg4: memref<128x128xf32, #tpu.memory_space<vmem>>, %arg5: memref<1x128xf32, #tpu.memory_space<vmem>>, %arg6: memref<2000x128xf32, #tpu.memory_space<vmem>>) attributes {dimension_semantics = [#tpu.dimension_semantics<arbitrary>], iteration_bounds = array<i64: 5>, scalar_prefetch = 0 : i64, scratch_operands = 0 : i64, tpu.core_type = #tpu.core_type<tc>, window_params = [{transform_indices = @transform_0, window_bounds = array<i64: 2000, 128>}, {transform_indices = @transform_1, window_bounds = array<i64: 2, 2000, 128>}, {pipeline_mode = #tpu.pipeline_mode<synchronous>, transform_indices = @transform_2, window_bounds = array<i64: 128, 128>}, {pipeline_mode = #tpu.pipeline_mode<synchronous>, transform_indices = @transform_3, window_bounds = array<i64: 128, 128>}, {pipeline_mode = #tpu.pipeline_mode<synchronous>, transform_indices = @transform_4, window_bounds = array<i64: 1, 128>}, {transform_indices = @transform_5, window_bounds = array<i64: 2000, 128>}]} {
    %get3A = arith.constant 0 : index
    %get3A_0 = arith.constant 0 : index
    %get3A_1 = arith.constant 0 : index
    %get3A_2 = vector.load %arg2[%get3A, %get3A_0, %get3A_1] : memref<2x2000x128xf32, #tpu.memory_space<vmem>>, vector<1x2000x128xf32>
    %get3A_3 = vector.shape_cast %get3A_2 : vector<1x2000x128xf32> to vector<2000x128xf32>
    %get3A_4 = arith.constant 1 : index
    %get3A_5 = arith.constant 0 : index
    %get3A_6 = arith.constant 0 : index
    %get3A_7 = vector.load %arg2[%get3A_4, %get3A_5, %get3A_6] : memref<2x2000x128xf32, #tpu.memory_space<vmem>>, vector<1x2000x128xf32>
    %get3A_8 = vector.shape_cast %get3A_7 : vector<1x2000x128xf32> to vector<2000x128xf32>
    %add3A = arith.addf %get3A_3, %get3A_8 : vector<2000x128xf32>
    %get3A_9 = arith.constant 0 : index
    %get3A_10 = arith.constant 0 : index
    %get3A_11 = vector.load %arg1[%get3A_9, %get3A_10] : memref<2000x128xf32, #tpu.memory_space<vmem>>, vector<2000x128xf32>
    %get3A_12 = arith.constant 0 : index
    %get3A_13 = arith.constant 0 : index
    %get3A_14 = vector.load %arg3[%get3A_12, %get3A_13] : memref<128x128xf32, #tpu.memory_space<vmem>>, vector<128x128xf32>
    %dot_general3A = arith.constant dense<0.000000e+00> : vector<2000x128xf32>
    %dot_general3A_15 = tpu.matmul %get3A_11, %get3A_14, %dot_general3A {dimension_numbers = #tpu.dot_dimension_numbers<[1], [1], [0], [0], [0, 0, 1, 0], [], []>, transpose_lhs_hint = false} : vector<2000x128xf32>, vector<128x128xf32>, vector<2000x128xf32> -> vector<2000x128xf32>
    %get3A_16 = arith.constant 0 : index
    %get3A_17 = arith.constant 0 : index
    %get3A_18 = vector.load %arg4[%get3A_16, %get3A_17] : memref<128x128xf32, #tpu.memory_space<vmem>>, vector<128x128xf32>
    %dot_general3A_19 = arith.constant dense<0.000000e+00> : vector<2000x128xf32>
    %dot_general3A_20 = tpu.matmul %add3A, %get3A_18, %dot_general3A_19 {dimension_numbers = #tpu.dot_dimension_numbers<[1], [1], [0], [0], [0, 0, 1, 0], [], []>, transpose_lhs_hint = false} : vector<2000x128xf32>, vector<128x128xf32>, vector<2000x128xf32> -> vector<2000x128xf32>
    %add3A_21 = arith.addf %dot_general3A_15, %dot_general3A_20 : vector<2000x128xf32>
    %get3A_22 = arith.constant 0 : index
    %get3A_23 = arith.constant 0 : index
    %get3A_24 = vector.load %arg5[%get3A_22, %get3A_23] : memref<1x128xf32, #tpu.memory_space<vmem>>, vector<1x128xf32>
    %add3A_25 = vector.broadcast %get3A_24 : vector<1x128xf32> to vector<2000x128xf32>
    %add3A_26 = arith.addf %add3A_21, %add3A_25 : vector<2000x128xf32>
    %max3A = arith.constant 0.000000e+00 : f32
    %max3A_27 = vector.broadcast %max3A : f32 to vector<2000x128xf32>
    %max3A_28 = arith.maximumf %add3A_26, %max3A_27 : vector<2000x128xf32>
    %swap3A = arith.constant 0 : index
    %swap3A_29 = arith.constant 0 : index
    %swap3A_30 = vector.load %arg6[%swap3A, %swap3A_29] : memref<2000x128xf32, #tpu.memory_space<vmem>>, vector<2000x128xf32>
    tpu.vector_store %arg6[%swap3A, %swap3A_29], %max3A_28 {strides = array<i32>} : memref<2000x128xf32, #tpu.memory_space<vmem>>, vector<2000x128xf32>,
    return
  }
  func.func @transform_0(%arg0: i32) -> (i32, i32) {
    %c0_i32 = arith.constant 0 : i32
    %c0_i32_0 = arith.constant 0 : i32
    return %arg0, %c0_i32 : i32, i32
  }
  func.func @transform_1(%arg0: i32) -> (i32, i32, i32) {
    %c0_i32 = arith.constant 0 : i32
    %c0_i32_0 = arith.constant 0 : i32
    %c0_i32_1 = arith.constant 0 : i32
    return %c0_i32, %arg0, %c0_i32_0 : i32, i32, i32
  }
  func.func @transform_2(%arg0: i32) -> (i32, i32) {
    %c0_i32 = arith.constant 0 : i32
    %c0_i32_0 = arith.constant 0 : i32
    %c0_i32_1 = arith.constant 0 : i32
    return %c0_i32, %c0_i32_0 : i32, i32
  }
  func.func @transform_3(%arg0: i32) -> (i32, i32) {
    %c0_i32 = arith.constant 0 : i32
    %c0_i32_0 = arith.constant 0 : i32
    %c0_i32_1 = arith.constant 0 : i32
    return %c0_i32, %c0_i32_0 : i32, i32
  }
  func.func @transform_4(%arg0: i32) -> (i32, i32) {
    %c0_i32 = arith.constant 0 : i32
    %c0_i32_0 = arith.constant 0 : i32
    %c0_i32_1 = arith.constant 0 : i32
    return %c0_i32, %c0_i32_0 : i32, i32
  }
  func.func @transform_5(%arg0: i32) -> (i32, i32) {
    %c0_i32 = arith.constant 0 : i32
    %c0_i32_0 = arith.constant 0 : i32
    return %arg0, %c0_i32 : i32, i32
  }
}

</mosaic_0001>

<sc_bundles>
// kernel: kernel.11.cloned.1.call-start
scs
__scs_entry_jumppad:
0x0: {  	(pc) =	sbr.rel $0x88, $3  }
0x1: {  	(tag) =	ssettag $0x0;
	lr =	simm.s32 $0x1  }
0x2: {  	[smem:$0x3F9B] =	sst lr;
	_ =	strace $0xD0000000  }
0x3: {  	_ = 	snop  }
0x4: {  	_ = 	snop  }
0x5: {  	_ = 	snop  }
0x6: {  	_ = 	snop  }
0x7: {  	_ = 	snop  }
__scs_overlays_trampoline_lowered:
0x8: {  	[smem:$0x3FAA] =	sst s0  }
0x9: {  	[smem:$0x3FAB] =	sst s1  }
0xa: {  	[smem:$0x3FAC] =	sst s2  }
0xb: {  	[smem:$0x3FAD] =	sst s3  }
0xc: {  	[smem:$0x3FAE] =	sst s4  }
0xd: {  	[smem:$0x3FAF] =	sst s5  }
0xe: {  	[smem:$0x3FB0] =	sst s6  }
0xf: {  	[smem:$0x3FB1] =	sst s7  }
0x10: {  	[smem:$0x3FB2] =	sst s8  }
0x11: {  	[smem:$0x3FB3] =	sst s9;
	s0 =	simm.s32 @!p0 $0x0  }
0x12: {  	s1 =	sld [smem:$0x3F99];
	s0 =	simm.s32 @p0 $0x1  }
0x13: {  	[smem:$0x3FB4] =	sst s0;
	s0 =	simm.s32 @!p1 $0x0  }
0x14: {  	s2 =	sld [smem:$0x3F98];
	s0 =	simm.s32 @p1 $0x1  }
0x15: {  	[smem:$0x3FB5] =	sst s0;
	s0 =	simm.s32 @!p2 $0x0  }
0x16: {  	s3 =	sld [smem:$0x3FDB];
	s0 =	simm.s32 @p2 $0x1  }
0x17: {  	s4 =	simm.s32 $0x1BF5;
	[smem:$0x3FB7] =	sst s0  }
0x18: {  	s0 =	sld [smem:$0x3F9A];
	_ =	swait.ge [sflag:s4], $0x0  }
0x19: {  	s7 =	sld [smem:$0x3F9B]  }
0x1a: {  	s8 =	sadd.s32 $0xFFFFE003, lr  }
0x1b: {  	s9 =	sadd.s32 $0xFFFFFEF7, lr;
	s5 =	simm.s32 $0xFFFFFFFF;
	p2 =	slt.u32 s8, $0xFFFFF086  }
0x1c: {  	p1 =	slt.u32 s9, $0xF7A;
	s5 =	simm.s32 @!p2 $0x0  }
0x1d: {  	s5 =	simm.s32 @p1 $0x1;
	p0 =	seq.s32 s7, s2  }
0x1e: {  	s7 =	smul.u32 @!p0 $0xF7A, s2;
	p2 =	seq.s32 @!p0 s5, $0x0  }
0x1f: {  	s9 =	smul.u32 $0xF7A, s1;
	s8 =	simm.s32 @!p0 $0x1BF5;
	p2 =	por !p2, p0  }
0x20: {  	[sflag:s8] =	ssyncset.s32 @!p0 $0xFFFFF086;
	s6 =	sadd.s32 @!p0 s3, s7;
	s7 =	simm.s32 @!p0 $0x108  }
0x21: {  	s3 =	sadd.s32 s3, s9;
	s6 =	sadd.s32 @!p0 $0x88, s6;
	s7 =	simm.s32 @p2 $0x1082  }
0x22: {  	[simem:s7], [sflag:s8] =	dma.local @!p0 [hbm:s6], $0xF7A  }
0x23: {  	s9 =	sor.u32 $0xD0000000, s2;
	s6 =	simm.s32 $0x108;
	_ =	swait.ge @!p0 [sflag:s8], $0x0  }
0x24: {  	s3 =	sadd.s32 $0x88, s3;
	s6 =	simm.s32 @!p1 $0x1082;
	[sflag:s4] =	ssyncset.s32 $0xFFFFF086  }
0x25: {  	[simem:s6], [sflag:s4] =	dma.local [hbm:s3], $0xF7A  }
0x26: {  	[smem:$0x3F9B] =	sst s1;
	(tag) =	ssettag s2;
	_ =	strace s9  }
0x27: {  	s1 =	sld [smem:$0x3FAB]  }
0x28: {  	s2 =	sld [smem:$0x3FAC]  }
0x29: {  	s4 =	sld [smem:$0x3FAE]  }
0x2a: {  	p0 =	seq.s32 s5, $0x0;
	s5 =	sld [smem:$0x3FAF]  }
0x2b: {  	s6 =	sld [smem:$0x3FB0]  }
0x2c: {  	s7 =	sld [smem:$0x3FB1]  }
0x2d: {  	s3 =	simm.s32 $0x108;
	s8 =	sld [smem:$0x3FB2]  }
0x2e: {  	s3 =	simm.s32 @!p0 $0x1082;
	s9 =	sld [smem:$0x3FB3]  }
0x2f: {  	lr =	sadd.s32 s0, s3;
	s0 =	sld [smem:$0x3FAA]  }
0x30: {  	s3 =	sld [smem:$0x3FAD]  }
0x31: {  	[smem:$0x3FB6] =	sst s10  }
0x32: {  	s10 =	sld [smem:$0x3FB4];
	_ =	sdelay $0x3  }
0x33: {  	p0 =	seq.s32 s10, $0x1;
	s10 =	sld [smem:$0x3FB6];
	_ =	sdelay $0x3  }
0x34: {  	[smem:$0x3FB6] =	sst s10  }
0x35: {  	s10 =	sld [smem:$0x3FB5];
	_ =	sdelay $0x3  }
0x36: {  	p1 =	seq.s32 s10, $0x1;
	s10 =	sld [smem:$0x3FB6];
	_ =	sdelay $0x3  }
0x37: {  	[smem:$0x3FB6] =	sst s10  }
0x38: {  	s10 =	sld [smem:$0x3FB7]  }
0x39: {  	_ = 	snop;
	(pc) =	sbr.ind lr, $3  }
0x3a: {  	_ = 	snop  }
0x3b: {  	_ = 	snop  }
0x3c: {  	p2 =	seq.s32 s10, $0x1;
	s10 =	sld [smem:$0x3FB6]  }
0x3d: {  	_ =	shalt  }
0x3e: {  	_ =	shalt  }
0x3f: {  	_ =	shalt  }
0x40: {  	_ =	shalt  }
0x41: {  	_ =	shalt  }
0x42: {  	_ =	shalt  }
0x43: {  	_ =	shalt  }
0x44: {  	_ =	shalt  }
0x45: {  	_ =	shalt  }
0x46: {  	_ =	shalt  }
0x47: {  	_ =	shalt  }
0x48: {  	_ =	shalt  }
0x49: {  	_ =	shalt  }
0x4a: {  	_ =	shalt  }
0x4b: {  	_ =	shalt  }
0x4c: {  	_ =	shalt  }
0x4d: {  	_ =	shalt  }
0x4e: {  	_ =	shalt  }
0x4f: {  	_ =	shalt  }
0x50: {  	_ =	shalt  }
0x51: {  	_ =	shalt  }
0x52: {  	_ =	shalt  }
0x53: {  	_ =	shalt  }
0x54: {  	_ =	shalt  }
0x55: {  	_ =	shalt  }
0x56: {  	_ =	shalt  }
0x57: {  	_ =	shalt  }
0x58: {  	_ =	shalt  }
0x59: {  	_ =	shalt  }
0x5a: {  	_ =	shalt  }
0x5b: {  	_ =	shalt  }
0x5c: {  	_ =	shalt  }
0x5d: {  	_ =	shalt  }
0x5e: {  	_ =	shalt  }
0x5f: {  	_ =	shalt  }
0x60: {  	_ =	shalt  }
0x61: {  	_ =	shalt  }
0x62: {  	_ =	shalt  }
0x63: {  	_ =	shalt  }
0x64: {  	_ =	shalt  }
0x65: {  	_ =	shalt  }
0x66: {  	_ =	shalt  }
0x67: {  	_ =	shalt  }
0x68: {  	_ =	shalt  }
0x69: {  	_ =	shalt  }
0x6a: {  	_ =	shalt  }
0x6b: {  	_ =	shalt  }
0x6c: {  	_ =	shalt  }
0x6d: {  	_ =	shalt  }
0x6e: {  	_ =	shalt  }
0x6f: {  	_ =	shalt  }
0x70: {  	_ =	shalt  }
0x71: {  	_ =	shalt  }
0x72: {  	_ =	shalt  }
0x73: {  	_ =	shalt  }
0x74: {  	_ =	shalt  }
0x75: {  	_ =	shalt  }
0x76: {  	_ =	shalt  }
0x77: {  	_ =	shalt  }
0x78: {  	_ =	shalt  }
0x79: {  	_ =	shalt  }
0x7a: {  	_ =	shalt  }
0x7b: {  	_ =	shalt  }
0x7c: {  	_ =	shalt  }
0x7d: {  	_ =	shalt  }
0x7e: {  	_ =	shalt  }
0x7f: {  	_ =	shalt  }
0x80: {  	_ =	shalt  }
0x81: {  	_ =	shalt  }
0x82: {  	_ =	shalt  }
0x83: {  	_ =	shalt  }
0x84: {  	_ =	shalt  }
0x85: {  	_ =	shalt  }
0x86: {  	_ =	shalt  }
0x87: {  	_ =	shalt  }
.Lfunc_end0:
.L_simem_size_0:
called_computation.1_lowered:
.L_overlay_start_0:
0x88: {  	s2 =	sld [smem:$0x3FD9]  }
0x89: {  	s3 =	sld [smem:$0x3FFE];
	_ =	sdelay $0x1  }
0x8a: {  	s1 =	srdreg.scid  }
0x8b: {  	s0 =	sand.u32 $0x1, s1  }
0x8c: {  	s16 =	sshll.u32 s0, $0xA;
	s2 =	sadd.s32 s3, s2  }
0x8d: {  	s2 =	sadd.s32 s2, s16  }
0x8e: {  	[smem:$0x3FC2] =	sst s2  }
0x8f: {  	_ = 	snop  }
0x90: {  	(tm) =	ssettm $0x1  }
0x91: {  	s17 =	sld [smem:$0x3FFB];
	_ =	sdelay $0x3  }
0x92: {  	_ =	strace s17  }
0x93: {  	s2 =	sld [smem:$0x3FFC];
	_ =	sdelay $0x3  }
0x94: {  	_ =	strace s2  }
0x95: {  	s2 =	sld [smem:$0x3FFD];
	_ =	sdelay $0x3  }
0x96: {  	_ =	strace s2  }
0x97: {  	_ =	strace $0x8FFFFFFF  }
0x98: {  	s18 =	sld [smem:$0x3FDB];
	_ =	sdelay $0x1  }
0x99: {  	s19 =	simm.s32 $_scs_section_size  }
0x9a: {  	s4 =	simm.s32 $_size__tile_overlayer_lowered;
	s5 =	simm.s32 $_tile_overlayer_lowered  }
0x9b: {  	s22 =	simm.s32 $0x1BFF;
	s21 =	sshll.u32 s5, $0x1;
	s2 =	sadd.s32 s19, s18  }
0x9c: {  	s6 =	simm.s32 $0x0;
	s20 =	sshll.u32 s4, $0x1;
	s4 =	sadd.s32 s21, s2  }
0x9d: {  	[timem:s6], [sflag:s22] =	dma.local [hbm:s4], s20  }
0x9e: {  	_ =	swait.ge [sflag:s22], s20  }
0x9f: {  	s3 =	ssub.s32 $0x0, s20;
	[sflag:s22] =	ssyncset.done $0x0  }
0xa0: {  	[sflag:s22] =	ssyncadd.s32 s3;
	_ =	sdelay $0x1  }
0xa1: {  	s23 =	simm.s32 $0x1B8B  }
0xa2: {  	_ =	swait.ge [sflag:s23], $0x1  }
0xa3: {  	[sflag:s23] =	ssyncset.done $0x0  }
0xa4: {  	s25 =	simm.s32 $0x1B8E;
	s24 =	sld [smem:$0x3FFE];
	[sflag:s23] =	ssyncadd.s32 $0xFFFFFFFF  }
0xa5: {  	s26 =	simm.s32 $execute0_lowered;
	[smem:$0x3FD2] =	sst s25  }
0xa6: {  	s4 =	sshll.u32 s26, $0x1;
	_ =	strace $0x80000050;
	[dreg:$0x1] =	wrdreg $0xFFFFFFFF  }
0xa7: {  	s28 =	simm.s32 $_size_execute0_lowered;
	s2 =	sadd.s32 s2, s4;
	[dreg:$0x0] =	wrdreg $0x0  }
0xa8: {  	s4 =	sshll.u32 s28, $0x1;
	[dreg:$0x2] =	wrdreg s2  }
0xa9: {  	[dreg:$0x3] =	wrdreg s4  }
0xaa: {  	[dreg:$0x4] =	wrdreg $0xC0  }
0xab: {  	_ =	task [dreg:s6], $0x5FFFF  }
0xac: {  	[dreg:$0x1] =	wrdreg $0xFFFFFFFF  }
0xad: {  	[dreg:$0x0] =	wrdreg $0x60  }
0xae: {  	[dreg:$0x2] =	wrdreg s24  }
0xaf: {  	[dreg:$0x3] =	wrdreg $0xA0000  }
0xb0: {  	[dreg:$0x4] =	wrdreg $0x9  }
0xb1: {  	_ =	task.clear_ibuf [dreg:s6], $0x5FFFF;
	_ =	strace $0x90000050  }
0xb2: {  	s29 =	simm.s32 $0x9;
	_ =	strace $0x80000059  }
0xb3: {  	_ =	swait.ge [sflag:s29], $0x1  }
0xb4: {  	[sflag:s29] =	ssyncadd.s32 $0xFFFFFFFF  }
0xb5: {  	_ =	strace $0x90000059  }
0xb6: {  	_ =	sfence  }
0xb7: {  	s30 =	sld [smem:$0x0];
	_ =	sdelay $0x2  }
0xb8: {  	s31 =	sshll.u32 s1, $0xD;
	s1 =	sshrl.u32 s1, $0x2  }
0xb9: {  	s3 =	sand.u32 $0x4000, s31;
	s1 =	sadd.s32 s1, s30  }
0xba: {  	s0 =	sor.u32 s3, s0;
	s1 =	sshll.u32 s1, $0x11  }
0xbb: {  	s0 =	sor.u32 s1, s0  }
0xbc: {  	s0 =	sadd.s32 $0x8F2B, s0  }
0xbd: {  	[sflag:s0] =	ssyncadd.remote.s32 $0x1  }
0xbe: {  	_ =	sfence.sel $0xFFFF  }
0xbf: {  	[dreg:$0x0] =	wrdreg $0xFFFFFFFF;
	(pc) =	sbr.abs _section_cstart, $3  }
0xc0: {  	[dreg:$0x1] =	wrdreg $0xFFFFFFFF  }
0xc1: {  	_ =	task.clear_ibuf [dreg:s6], $0x2FFFF;
	_ =	strace $0x9FFFFFFF  }
0xc2: {  	(tm) =	ssettm $0x7FFFFFFF  }
0xc3: {  	_ =	shalt  }
tec
execute0_lowered:
.L_overlay_start_1:
0x0: {  	(tag) =	ssettag $0x1  }
0x1: {  	s0 =	rddreg [dreg:$0x0]  }
0x2: {  	s2 =	rddreg [dreg:$0x1]  }
0x3: {  	s9 =	stileid.u32;
	s1 =	srdreg.scid  }
0x4: {  	s3 =	simm.s32 $0x0;
	s30 =	simm.s32 $0x80;
	s5 =	smul.u32 $0x2780, s9  }
0x5: {  	s31 =	simm.s32 $0x400;
	s1 =	sand.u32 $0x1, s1;
	s7 =	smul.u32 $0x4E000, s9  }
0x6: {  	p0 =	seq.s32 s1, $0x0;
	s12 =	ssub.s32 $0x2, s1;
	s6 =	sadd.s32 $0x27800, s5  }
0x7: {  	s8 =	sshrl.u32 s12, $0x1;
	s7 =	sshrl.u32 s7, $0x2;
	s6 =	smov.u32 @p0 s5  }
0x8: {  	s5 =	sshrl.u32 s6, $0x2;
	s6 =	ssub.s32 s12, s8;
	s8 =	sadd.s32 s7, s2  }
0x9: {  	[smem:$0x7FF] =	sst s3;
	s4 =	sadd.s32 $0x16600, s0;
	s7 =	sadd.s32 $0x1A00, s8  }
0xa: {  	_ =	strace $0x80000051;
	s16 =	sadd.s32 $0x3400, s8;
	[dreg:$0x6] =	wrdreg s7  }
0xb: {  	s22 =	smul.u32 $0x13800, s9;
	s17 =	sadd.s32 $0x4E00, s8;
	[dreg:$0x7] =	wrdreg s16  }
0xc: {  	s1 =	smul.u32 $0x138800, s1;
	s18 =	sadd.s32 $0x6800, s8;
	[dreg:$0x8] =	wrdreg s17  }
0xd: {  	p0 =	sne.s32 s9, $0xF;
	s19 =	sadd.s32 $0x8200, s8;
	[dreg:$0x9] =	wrdreg s18  }
0xe: {  	s9 =	simm.s32 $0x4;
	s20 =	sadd.s32 $0x9C00, s8;
	[dreg:$0xa] =	wrdreg s19  }
0xf: {  	s12 =	simm.s32 $0x3;
	s21 =	sadd.s32 $0xB600, s8;
	[dreg:$0xb] =	wrdreg s20  }
0x10: {  	s5 =	sadd.s32 s5, s0;
	s10 =	sadd.s32 $0xD000, s8;
	[dreg:$0xc] =	wrdreg s21  }
0x11: {  	s0 =	sadd.s32 $0x3D800, s0;
	s23 =	sadd.s32 $0xEA00, s8;
	[dreg:$0xd] =	wrdreg s10  }
0x12: {  	s24 =	sadd.s32 $0x10400, s8;
	s25 =	sadd.s32 $0x11E00, s8;
	[dreg:$0xe] =	wrdreg s23  }
0x13: {  	s29 =	smax.u32 s6, $0x1;
	s6 =	simm.s32 $0x9;
	[dreg:$0xf] =	wrdreg s24  }
0x14: {  	s13 =	sadd.s32 $0x2A00, s5;
	s14 =	sadd.s32 $0x2A20, s5;
	[dreg:$0x10] =	wrdreg s25  }
0x15: {  	s15 =	sadd.s32 $0x2A40, s5;
	s7 =	sadd.s32 s22, s1;
	[dreg:$0x14] =	wrdreg s29  }
0x16: {  	s1 =	sshrl.u32 s1, $0x3;
	s20 =	sadd.s32 $0x138000, s2;
	[dreg:$0x3] =	wrdreg s13  }
0x17: {  	s26 =	sadd.s32 $0x2A60, s5;
	s19 =	sadd.s32 $0x2A80, s5;
	[dreg:$0x4] =	wrdreg s14  }
0x18: {  	s16 =	simm.s32 $0x4400;
	s5 =	simm.s32 $0x8400;
	[dreg:$0x5] =	wrdreg s15  }
0x19: {  	s7 =	sshrl.u32 s7, $0x3;
	s1 =	sadd.s32 s0, s1;
	[dreg:$0x12] =	wrdreg s26  }
0x1a: {  	s14 =	simm.s32 $0x100;
	s15 =	simm.s32 $0x200;
	s0 =	sadd.s32 s0, s7  }
0x1b: {  	s13 =	simm.s32 $0x0;
	s28 =	sadd.s32 $0x27000, s1;
	[dreg:$0x11] =	wrdreg s0  }
0x1c: {  	v0 =	vimm.f32 $0.0e+00;
	s1 =	simm.s32 $0x6;
	s7 =	simm.s32 $0x1;
	[dreg:$0x13] =	wrdreg s28  }
.LBB2_1:
0x1d: {  	_ =	strace $0x80000052  }
0x1e: {  	s0 =	rddreg [dreg:$0x3]  }
0x1f: {  	[tilespmem:s3], [sflag:$0x5] =	stream.linear.gather [hbm4b:s0+s3], $0x100, $0x200038;
	[tilespmem:$0x1E880] =	vst v63  }
0x20: {  	s26 =	rddreg [dreg:$0x4]  }
0x21: {  	[tilespmem:s14], [sflag:$0x6] =	stream.linear.gather [hbm4b:s26+s3], $0x100, $0x200038;
	[tilespmem:$0x1E880] =	vst v63  }
0x22: {  	s29 =	simm.s32 $0x5;
	s28 =	rddreg [dreg:$0x5]  }
0x23: {  	[tilespmem:s15], [sflag:$0x7] =	stream.linear.gather [hbm4b:s28+s3], $0x100, $0x200038;
	[tilespmem:$0x1E880] =	vst v63  }
0x24: {  	_ =	swait.ge [sflag:s29], $0x100  }
0x25: {  	[sflag:s29] =	ssyncset.done $0x0  }
0x26: {  	[sflag:s29] =	ssyncadd.s32 $0xFFFFFF00  }
0x27: {  	[tilespmem:s31], [sflag:$0x1] =	stream.indirect.gather [hbm4b:s4+s30], $0x80, s3, s30, $0x2000b8;
	[tilespmem:$0x1E880] =	vst v63  }
0x28: {  	_ =	swait.ge [sflag:s1], $0x100  }
0x29: {  	[sflag:s1] =	ssyncset.done $0x0  }
0x2a: {  	[sflag:s1] =	ssyncadd.s32 $0xFFFFFF00  }
0x2b: {  	[tilespmem:s16], [sflag:$0x2] =	stream.indirect.gather [hbm4b:s4+s30], $0x80, s14, s30, $0x2000b8;
	[tilespmem:$0x1E880] =	vst v63  }
0x2c: {  	_ =	strace $0x90000052  }
0x2d: {  	s15 =	simm.s32 $0x200;
	s14 =	simm.s32 $0x0;
	_ =	strace $0x80000053  }
.LBB2_2:
0x2e: {  	p1 =	sne.s32 s15, $0x6600;
	[tilespmem:s14+$0x8470] =	vst v0  }
0x2f: {  	[tilespmem:s14+$0x8400] =	vst v0  }
0x30: {  	[tilespmem:s14+$0x8410] =	vst v0  }
.Ltmp0:
0x31: {  	[tilespmem:s14+$0x8420] =	vst v0;
	(pc) =	sbr.rel @p1 .LBB2_2-.Ltmp0, $4  }
0x32: {  	[tilespmem:s14+$0x8430] =	vst v0  }
0x33: {  	[tilespmem:s14+$0x8440] =	vst v0  }
0x34: {  	[tilespmem:s14+$0x8450] =	vst v0  }
0x35: {  	[tilespmem:s14+$0x8460] =	vst v0;
	s14 =	sshra.s32 s15, $0x2;
	s15 =	sadd.s32 $0x200, s15  }
0x36: {  	[tilespmem:s14+$0x8470] =	vst v0  }
0x37: {  	[tilespmem:s14+$0x8400] =	vst v0  }
0x38: {  	[tilespmem:s14+$0x8410] =	vst v0  }
0x39: {  	[tilespmem:s14+$0x8420] =	vst v0  }
0x3a: {  	[tilespmem:s14+$0x8430] =	vst v0  }
0x3b: {  	[tilespmem:s14+$0x8440] =	vst v0  }
0x3c: {  	[tilespmem:s14+$0x8450] =	vst v0  }
0x3d: {  	[tilespmem:s14+$0x8460] =	vst v0  }
0x3e: {  	[spmem:s8] =	stream.linear.scatter [tilespmem:s5], [sflag:$0x9], $0x1A00, $0x200038;
	[tilespmem:$0x1E880] =	vst v63  }
0x3f: {  	_ =	swait.ge [sflag:s6], $0x1A00  }
0x40: {  	[sflag:s6] =	ssyncset.done $0x0  }
0x41: {  	s0 =	rddreg [dreg:$0x6];
	[sflag:s6] =	ssyncadd.s32 $0xFFFFE600  }
0x42: {  	[spmem:s0] =	stream.linear.scatter [tilespmem:s5], [sflag:$0x9], $0x1A00, $0x200038;
	[tilespmem:$0x1E880] =	vst v63  }
0x43: {  	_ =	swait.ge [sflag:s6], $0x1A00  }
0x44: {  	[sflag:s6] =	ssyncset.done $0x0  }
0x45: {  	s11 =	rddreg [dreg:$0x7];
	[sflag:s6] =	ssyncadd.s32 $0xFFFFE600  }
0x46: {  	[spmem:s11] =	stream.linear.scatter [tilespmem:s5], [sflag:$0x9], $0x1A00, $0x200038;
	[tilespmem:$0x1E880] =	vst v63  }
0x47: {  	_ =	swait.ge [sflag:s6], $0x1A00  }
0x48: {  	[sflag:s6] =	ssyncset.done $0x0  }
0x49: {  	s14 =	rddreg [dreg:$0x8];
	[sflag:s6] =	ssyncadd.s32 $0xFFFFE600  }
0x4a: {  	[spmem:s14] =	stream.linear.scatter [tilespmem:s5], [sflag:$0x9], $0x1A00, $0x200038;
	[tilespmem:$0x1E880] =	vst v63  }
0x4b: {  	_ =	swait.ge [sflag:s6], $0x1A00  }
0x4c: {  	[sflag:s6] =	ssyncset.done $0x0  }
0x4d: {  	s15 =	rddreg [dreg:$0x9];
	[sflag:s6] =	ssyncadd.s32 $0xFFFFE600  }
0x4e: {  	[spmem:s15] =	stream.linear.scatter [tilespmem:s5], [sflag:$0x9], $0x1A00, $0x200038;
	[tilespmem:$0x1E880] =	vst v63  }
0x4f: {  	_ =	swait.ge [sflag:s6], $0x1A00  }
0x50: {  	[sflag:s6] =	ssyncset.done $0x0  }
0x51: {  	s16 =	rddreg [dreg:$0xa];
	[sflag:s6] =	ssyncadd.s32 $0xFFFFE600  }
0x52: {  	[spmem:s16] =	stream.linear.scatter [tilespmem:s5], [sflag:$0x9], $0x1A00, $0x200038;
	[tilespmem:$0x1E880] =	vst v63  }
0x53: {  	_ =	swait.ge [sflag:s6], $0x1A00  }
0x54: {  	[sflag:s6] =	ssyncset.done $0x0  }
0x55: {  	s17 =	rddreg [dreg:$0xb];
	[sflag:s6] =	ssyncadd.s32 $0xFFFFE600  }
0x56: {  	[spmem:s17] =	stream.linear.scatter [tilespmem:s5], [sflag:$0x9], $0x1A00, $0x200038;
	[tilespmem:$0x1E880] =	vst v63  }
0x57: {  	_ =	swait.ge [sflag:s6], $0x1A00  }
0x58: {  	[sflag:s6] =	ssyncset.done $0x0  }
0x59: {  	s18 =	rddreg [dreg:$0xc];
	[sflag:s6] =	ssyncadd.s32 $0xFFFFE600  }
0x5a: {  	[spmem:s18] =	stream.linear.scatter [tilespmem:s5], [sflag:$0x9], $0x1A00, $0x200038;
	[tilespmem:$0x1E880] =	vst v63  }
0x5b: {  	_ =	swait.ge [sflag:s6], $0x1A00  }
0x5c: {  	[sflag:s6] =	ssyncset.done $0x0  }
0x5d: {  	s21 =	rddreg [dreg:$0xd];
	[sflag:s6] =	ssyncadd.s32 $0xFFFFE600  }
0x5e: {  	[spmem:s21] =	stream.linear.scatter [tilespmem:s5], [sflag:$0x9], $0x1A00, $0x200038;
	[tilespmem:$0x1E880] =	vst v63  }
0x5f: {  	_ =	swait.ge [sflag:s6], $0x1A00  }
0x60: {  	[sflag:s6] =	ssyncset.done $0x0  }
0x61: {  	s22 =	rddreg [dreg:$0xe];
	[sflag:s6] =	ssyncadd.s32 $0xFFFFE600  }
0x62: {  	[spmem:s22] =	stream.linear.scatter [tilespmem:s5], [sflag:$0x9], $0x1A00, $0x200038;
	[tilespmem:$0x1E880] =	vst v63  }
0x63: {  	_ =	swait.ge [sflag:s6], $0x1A00  }
0x64: {  	[sflag:s6] =	ssyncset.done $0x0  }
0x65: {  	s23 =	rddreg [dreg:$0xf];
	[sflag:s6] =	ssyncadd.s32 $0xFFFFE600  }
0x66: {  	[spmem:s23] =	stream.linear.scatter [tilespmem:s5], [sflag:$0x9], $0x1A00, $0x200038;
	[tilespmem:$0x1E880] =	vst v63  }
0x67: {  	_ =	swait.ge [sflag:s6], $0x1A00  }
0x68: {  	[sflag:s6] =	ssyncset.done $0x0  }
0x69: {  	s24 =	rddreg [dreg:$0x10];
	[sflag:s6] =	ssyncadd.s32 $0xFFFFE600  }
0x6a: {  	[spmem:s24] =	stream.linear.scatter [tilespmem:s5], [sflag:$0x9], $0x1A00, $0x200038;
	[tilespmem:$0x1E880] =	vst v63  }
0x6b: {  	_ =	swait.ge [sflag:s6], $0x1A00  }
0x6c: {  	[sflag:s6] =	ssyncset.done $0x0  }
0x6d: {  	s14 =	simm.s32 @!p0 $0x8400;
	[sflag:s6] =	ssyncadd.s32 $0xFFFFE600  }
0x6e: {  	[spmem:s20] =	stream.linear.scatter @!p0 [tilespmem:s14], [sflag:$0x9], $0x800, $0x200038;
	[tilespmem:$0x1E880] =	vst v63  }
0x6f: {  	s14 =	simm.s32 @!p0 $0x9  }
0x70: {  	_ =	swait.ge @!p0 [sflag:s14], $0x800  }
0x71: {  	[sflag:s14] =	ssyncset.done @!p0 $0x0  }
0x72: {  	[sflag:s14] =	ssyncadd.s32 @!p0 $0xFFFFF800  }
0x73: {  	[bflag:$0x0] =	sbarrier.arrive $0xFFFF  }
0x74: {  	s10 =	simm.s32 $0x300;
	s16 =	simm.s32 $0x3;
	_ =	strace $0x90000053  }
0x75: {  	s15 =	simm.s32 $0x400;
	s16 =	sand.u32 $0x1, s16;
	_ =	strace $0x80000054  }
0x76: {  	s17 =	simm.s32 $0x6;
	s21 =	sshll.u32 s16, $0xE;
	_ =	swait.ge [sflag:s7], $0x4000  }
0x77: {  	s18 =	simm.s32 $0x2;
	s29 =	sor.u32 $0x400, s21;
	[sflag:s7] =	ssyncset.done $0x0  }
0x78: {  	s22 =	sadd.s32 $0x1, s16;
	s23 =	sand.u32 $0x1, s18;
	[sflag:s7] =	ssyncadd.s32 $0xFFFFC000  }
0x79: {  	[spmem:s2] =	stream.indirect.scatter.add.f32 [tilespmem:s15], [sflag:$0x3], $0x80, s30, s30, $0x2000b8;
	[tilespmem:$0x1E880] =	vst v63  }
0x7a: {  	s16 =	sadd.s32 $0x3, s16;
	s26 =	sshll.u32 s23, $0xE;
	s25 =	rddreg [dreg:$0x12]  }
0x7b: {  	[tilespmem:s10], [sflag:$0x8] =	stream.linear.gather [hbm4b:s25+s3], $0x100, $0x200038;
	[tilespmem:$0x1E880] =	vst v63  }
0x7c: {  	s21 =	sadd.s32 $0x1, s23;
	s24 =	simm.s32 $0x4;
	_ =	strace $0x90000054  }
0x7d: {  	s24 =	sand.u32 $0x3, s24;
	s15 =	sand.u32 $0xC00, s15;
	_ =	strace $0x80000055  }
0x7e: {  	s14 =	simm.s32 $0x5;
	s15 =	sshrl.u32 s15, $0x2;
	_ =	swait.ge [sflag:s22], $0x4000  }
0x7f: {  	s25 =	sand.u32 $0x3, s18;
	s15 =	sor.u32 $0x80, s15;
	[sflag:s22] =	ssyncset.done $0x0  }
0x80: {  	s18 =	sor.u32 $0x400, s26;
	s28 =	sadd.s32 $0x5, s25;
	[sflag:s22] =	ssyncadd.s32 $0xFFFFC000  }
0x81: {  	[spmem:s2] =	stream.indirect.scatter.add.f32 [tilespmem:s29], [sflag:s16], $0x80, s15, s30, $0x2000b8;
	[tilespmem:$0x1E880] =	vst v63  }
0x82: {  	s22 =	sadd.s32 $0x3, s23;
	s23 =	sshll.u32 s25, $0x8;
	_ =	swait.ge [sflag:s28], $0x100  }
0x83: {  	s25 =	smov.u32 s19;
	s16 =	simm.s32 $0x800;
	[sflag:s28] =	ssyncset.done $0x0  }
0x84: {  	s15 =	sadd.s32 $0x20, s19;
	[sflag:s28] =	ssyncadd.s32 $0xFFFFFF00;
	s28 =	sadd.s32 $0x5, s24  }
.LBB2_4:
0x85: {  	s26 =	sadd.s32 $0xFFFFFFFF, s14;
	_ =	swait.ge [sflag:s22], $0x4000;
	s29 =	smov.u32 s14  }
0x86: {  	s14 =	smov.u32 s17;
	s0 =	sadd.s32 $0x1, s17;
	s10 =	sand.u32 $0xC00, s16  }
0x87: {  	p1 =	sne.s32 s17, $0x4E;
	s26 =	sand.u32 $0x1, s26;
	[sflag:s22] =	ssyncset.done $0x0  }
0x88: {  	s11 =	sshll.u32 s26, $0xE;
	[sflag:s22] =	ssyncadd.s32 $0xFFFFC000;
	s22 =	sshll.u32 s24, $0x8  }
0x89: {  	[tilespmem:s18], [sflag:s21] =	stream.indirect.gather [hbm4b:s4+s30], $0x80, s23, s30, $0x2000b8;
	[tilespmem:$0x1E880] =	vst v63  }
0x8a: {  	s10 =	sshrl.u32 s10, $0x2;
	s18 =	sadd.s32 $0xFFFFFFFE, s29;
	s21 =	sadd.s32 $0x1, s26  }
0x8b: {  	[tilespmem:s22], [sflag:s28] =	stream.linear.gather [hbm4b:s25+s3], $0x100, $0x200038;
	[tilespmem:$0x1E880] =	vst v63  }
0x8c: {  	s23 =	sadd.s32 $0x3, s26;
	s22 =	sand.u32 $0x1, s18;
	_ =	swait.ge [sflag:s21], $0x4000  }
0x8d: {  	s24 =	sand.u32 $0x3, s18;
	s18 =	sshll.u32 s22, $0xE;
	[sflag:s21] =	ssyncset.done $0x0  }
0x8e: {  	s10 =	sor.u32 $0x80, s10;
	s26 =	sadd.s32 $0x5, s24;
	s18 =	sor.u32 $0x400, s18  }
0x8f: {  	s16 =	sadd.s32 $0x400, s16;
	s25 =	smov.u32 s15;
	[sflag:s21] =	ssyncadd.s32 $0xFFFFC000  }
.Ltmp1:
0x90: {  	s11 =	sor.u32 $0x400, s11;
	s21 =	sadd.s32 $0x1, s22;
	(pc) =	sbr.rel @p1 .LBB2_4-.Ltmp1, $4  }
0x91: {  	[spmem:s2] =	stream.indirect.scatter.add.f32 [tilespmem:s11], [sflag:s23], $0x80, s10, s30, $0x2000b8;
	[tilespmem:$0x1E880] =	vst v63  }
0x92: {  	s17 =	smov.u32 s0;
	s22 =	sadd.s32 $0x3, s22;
	_ =	swait.ge [sflag:s26], $0x100  }
0x93: {  	s23 =	sshll.u32 s24, $0x8;
	s24 =	sand.u32 $0x3, s29;
	[sflag:s26] =	ssyncset.done $0x0  }
0x94: {  	s15 =	sadd.s32 $0x20, s15;
	s28 =	sadd.s32 $0x5, s24;
	[sflag:s26] =	ssyncadd.s32 $0xFFFFFF00  }
0x95: {  	_ =	swait.ge [sflag:s22], $0x4000  }
0x96: {  	[sflag:s22] =	ssyncset.done $0x0  }
0x97: {  	[sflag:s22] =	ssyncadd.s32 $0xFFFFC000  }
0x98: {  	[tilespmem:s18], [sflag:s21] =	stream.indirect.gather [hbm4b:s4+s30], $0x80, s23, s30, $0x2000b8;
	[tilespmem:$0x1E880] =	vst v63  }
0x99: {  	s0 =	sshll.u32 s24, $0x8;
	s11 =	sand.u32 $0xC00, s16;
	s23 =	sadd.s32 $0xFFFFFFFF, s14  }
0x9a: {  	[tilespmem:s0], [sflag:s28] =	stream.linear.gather [hbm4b:s25+s3], $0x100, $0x200038;
	[tilespmem:$0x1E880] =	vst v63  }
0x9b: {  	s11 =	sshrl.u32 s11, $0x2;
	s0 =	sand.u32 $0x1, s23  }
0x9c: {  	s11 =	sor.u32 $0x80, s11;
	s10 =	sadd.s32 $0x1, s0  }
0x9d: {  	s25 =	sadd.s32 $0xFFFFFFFE, s14;
	s24 =	sshll.u32 s0, $0xE;
	_ =	swait.ge [sflag:s10], $0x4000  }
0x9e: {  	s0 =	sadd.s32 $0x3, s0;
	s26 =	sand.u32 $0x3, s25;
	[sflag:s10] =	ssyncset.done $0x0  }
0x9f: {  	s28 =	sadd.s32 $0x5, s26;
	[sflag:s10] =	ssyncadd.s32 $0xFFFFC000;
	s10 =	sor.u32 $0x400, s24  }
0xa0: {  	[spmem:s2] =	stream.indirect.scatter.add.f32 [tilespmem:s10], [sflag:s0], $0x80, s11, s30, $0x2000b8;
	[tilespmem:$0x1E880] =	vst v63  }
0xa1: {  	_ =	swait.ge [sflag:s28], $0x100  }
0xa2: {  	s0 =	sand.u32 $0x1, s25;
	[sflag:s28] =	ssyncset.done $0x0  }
0xa3: {  	s29 =	sadd.s32 $0x3, s0;
	[sflag:s28] =	ssyncadd.s32 $0xFFFFFF00  }
0xa4: {  	s17 =	sand.u32 $0x3, s14;
	_ =	swait.ge [sflag:s29], $0x4000  }
0xa5: {  	s10 =	sshll.u32 s26, $0x8;
	s16 =	sshll.u32 s0, $0xE;
	[sflag:s29] =	ssyncset.done $0x0  }
0xa6: {  	s0 =	sadd.s32 $0x1, s0;
	s11 =	sor.u32 $0x400, s16;
	[sflag:s29] =	ssyncadd.s32 $0xFFFFC000  }
0xa7: {  	[tilespmem:s11], [sflag:s0] =	stream.indirect.gather [hbm4b:s4+s30], $0x80, s10, s30, $0x2000b8;
	[tilespmem:$0x1E880] =	vst v63  }
0xa8: {  	s18 =	sadd.s32 $0x5, s17;
	s0 =	sshll.u32 s17, $0x8  }
0xa9: {  	[tilespmem:s0], [sflag:s18] =	stream.linear.gather [hbm4b:s15+s3], $0x100, $0x200038;
	[tilespmem:$0x1E880] =	vst v63  }
0xaa: {  	_ =	strace $0x90000055  }
0xab: {  	_ =	strace $0x80000056  }
0xac: {  	_ =	swait.ge [sflag:s7], $0x4000  }
0xad: {  	[sflag:s7] =	ssyncset.done $0x0  }
0xae: {  	[sflag:s7] =	ssyncadd.s32 $0xFFFFC000  }
0xaf: {  	[spmem:s2] =	stream.indirect.scatter.add.f32 [tilespmem:s31], [sflag:$0x3], $0x80, s30, s30, $0x2000b8;
	[tilespmem:$0x1E880] =	vst v63  }
0xb0: {  	_ =	swait.ge [sflag:s1], $0x100  }
0xb1: {  	[sflag:s1] =	ssyncset.done $0x0  }
0xb2: {  	[sflag:s1] =	ssyncadd.s32 $0xFFFFFF00  }
0xb3: {  	_ =	swait.ge [sflag:s9], $0x4000  }
0xb4: {  	s21 =	simm.s32 $0x2;
	[sflag:s9] =	ssyncset.done $0x0  }
0xb5: {  	s14 =	simm.s32 $0x100;
	s16 =	simm.s32 $0x4400;
	[sflag:s9] =	ssyncadd.s32 $0xFFFFC000  }
0xb6: {  	[tilespmem:s16], [sflag:$0x2] =	stream.indirect.gather [hbm4b:s4+s30], $0x80, s14, s30, $0x2000b8;
	[tilespmem:$0x1E880] =	vst v63  }
0xb7: {  	_ =	swait.ge [sflag:s21], $0x4000  }
0xb8: {  	[sflag:s21] =	ssyncset.done $0x0  }
0xb9: {  	s22 =	simm.s32 $0x180;
	s23 =	simm.s32 $0x7;
	[sflag:s21] =	ssyncadd.s32 $0xFFFFC000  }
0xba: {  	[spmem:s2] =	stream.indirect.scatter.add.f32 [tilespmem:s16], [sflag:$0x4], $0x80, s22, s30, $0x2000b8;
	[tilespmem:$0x1E880] =	vst v63  }
0xbb: {  	_ =	swait.ge [sflag:s23], $0x100  }
0xbc: {  	[sflag:s23] =	ssyncset.done $0x0  }
0xbd: {  	[sflag:s23] =	ssyncadd.s32 $0xFFFFFF00  }
0xbe: {  	_ =	swait.ge [sflag:s12], $0x4000  }
0xbf: {  	[sflag:s12] =	ssyncset.done $0x0  }
0xc0: {  	s15 =	simm.s32 $0x200;
	[sflag:s12] =	ssyncadd.s32 $0xFFFFC000  }
0xc1: {  	[tilespmem:s31], [sflag:$0x1] =	stream.indirect.gather [hbm4b:s4+s30], $0x80, s15, s30, $0x2000b8;
	[tilespmem:$0x1E880] =	vst v63  }
0xc2: {  	_ =	swait.ge [sflag:s7], $0x4000  }
0xc3: {  	[sflag:s7] =	ssyncset.done $0x0  }
0xc4: {  	s24 =	simm.s32 $0x280;
	[sflag:s7] =	ssyncadd.s32 $0xFFFFC000  }
0xc5: {  	[spmem:s2] =	stream.indirect.scatter.add.f32 [tilespmem:s31], [sflag:$0x3], $0x80, s24, s30, $0x2000b8;
	[tilespmem:$0x1E880] =	vst v63  }
0xc6: {  	_ =	swait.ge [sflag:s9], $0x4000  }
0xc7: {  	[sflag:s9] =	ssyncset.done $0x0  }
0xc8: {  	[sflag:s9] =	ssyncadd.s32 $0xFFFFC000  }
0xc9: {  	_ =	swait.ge [sflag:s12], $0x4000  }
0xca: {  	[sflag:s12] =	ssyncset.done $0x0  }
0xcb: {  	[sflag:s12] =	ssyncadd.s32 $0xFFFFC000  }
0xcc: {  	_ =	strace $0x90000056  }
0xcd: {  	_ =	strace $0x80000057  }
0xce: {  	[bflag:$0x0] =	sbarrier.arrive $0xFFFF  }
0xcf: {  	s25 =	stileid.u32;
	_ =	strace $0x90000057  }
0xd0: {  	s0 =	sshll.u32 s25, $0x6;
	_ =	strace $0x80000058  }
0xd1: {  	s26 =	sshrl.u32 s8, $0x3;
	s0 =	sor.u32 $0x1C09, s0;
	s28 =	rddreg [dreg:$0x11]  }
0xd2: {  	[hbm:s28], [sflag:s0] =	dma.local [spmem:s26], $0x2700  }
0xd3: {  	_ =	swait.ge [sflag:s6], $0x2700  }
0xd4: {  	[sflag:s6] =	ssyncset.done $0x0  }
0xd5: {  	s10 =	sshrl.u32 @!p0 s20, $0x3;
	s11 =	rddreg [dreg:$0x13];
	[sflag:s6] =	ssyncadd.s32 $0xFFFFD900  }
0xd6: {  	[hbm:s11], [sflag:s0] =	dma.local @!p0 [spmem:s10], $0x100  }
0xd7: {  	s0 =	simm.s32 @!p0 $0x9  }
0xd8: {  	_ =	swait.ge @!p0 [sflag:s0], $0x100  }
0xd9: {  	s13 =	sadd.s32 $0x1, s13;
	s29 =	rddreg [dreg:$0x14]  }
0xda: {  	p1 =	sne.s32 s13, s29  }
.Ltmp2:
0xdb: {  	_ = 	snop;
	(pc) =	sbr.rel @p1 .LBB2_1-.Ltmp2, $4  }
0xdc: {  	_ = 	snop  }
0xdd: {  	[sflag:s0] =	ssyncset.done @!p0 $0x0  }
0xde: {  	[sflag:s0] =	ssyncadd.s32 @!p0 $0xFFFFFF00  }
0xdf: {  	_ =	strace $0x90000058  }
0xe0: {  	_ =	sfence.sel $0x180000  }
0xe1: {  	[bflag:$0x0] =	sbarrier.arrive $0xFFFF  }
0xe2: {  	_ =	strace $0x90000051  }
0xe3: {  	s0 =	stileid.u32;
	[bflag:$0x2] =	sbarrier.arrive $0xFFFF  }
0xe4: {  	p0 =	sne.s32 s0, $0x0;
	s0 =	rddreg [dreg:$0x2]  }
0xe5: {  	s0 =	sadd.s32 @!p0 $0x100000, s0  }
0xe6: {  	[sflag:s0] =	ssyncadd.tile.s32 @!p0 $0x1;
	_ =	shalt  }
.Lfunc_end2:
_tile_overlayer_lowered:
.L_overlay_start_2:
0xe7: {  	(tag) =	ssettag $0x2  }
0xe8: {  	s0 =	rddreg [dreg:$0x0];
	s2 =	stileid.u32  }
0xe9: {  	s1 =	rddreg [dreg:$0x1];
	p0 =	sne.s32 s2, $0x0  }
0xea: {  	s3 =	rddreg [dreg:$0x2];
	[bflag:$0x3] =	sbarrier.arrive $0xFFFF;
	s2 =	simm.s32 @!p0 $0x1C09  }
0xeb: {  	[timem:s3], [sflag:s2] =	dma.local @!p0 [hbm:s0], s1  }
0xec: {  	s0 =	simm.s32 @!p0 $0x9  }
0xed: {  	_ =	swait.ge @!p0 [sflag:s0], s1  }
0xee: {  	s1 =	ssub.s32 @!p0 $0x0, s1;
	[sflag:s0] =	ssyncset.done @!p0 $0x0  }
0xef: {  	[sflag:s0] =	ssyncadd.s32 @!p0 s1  }
0xf0: {  	[bflag:$0x3] =	sbarrier.arrive $0xFFFF  }
0xf1: {  	_ =	shalt  }

// kernel: kernel.14.cloned.1.call-start
scs
__scs_entry_jumppad:
0x0: {  	(pc) =	sbr.rel $0x88, $3  }
0x1: {  	(tag) =	ssettag $0x0;
	lr =	simm.s32 $0x1  }
0x2: {  	[smem:$0x3F9B] =	sst lr;
	_ =	strace $0xD0000000  }
0x3: {  	_ = 	snop  }
0x4: {  	_ = 	snop  }
0x5: {  	_ = 	snop  }
0x6: {  	_ = 	snop  }
0x7: {  	_ = 	snop  }
__scs_overlays_trampoline_lowered:
0x8: {  	[smem:$0x3FAA] =	sst s0  }
0x9: {  	[smem:$0x3FAB] =	sst s1  }
0xa: {  	[smem:$0x3FAC] =	sst s2  }
0xb: {  	[smem:$0x3FAD] =	sst s3  }
0xc: {  	[smem:$0x3FAE] =	sst s4  }
0xd: {  	[smem:$0x3FAF] =	sst s5  }
0xe: {  	[smem:$0x3FB0] =	sst s6  }
0xf: {  	[smem:$0x3FB1] =	sst s7  }
0x10: {  	[smem:$0x3FB2] =	sst s8  }
0x11: {  	[smem:$0x3FB3] =	sst s9;
	s0 =	simm.s32 @!p0 $0x0  }
0x12: {  	s1 =	sld [smem:$0x3F99];
	s0 =	simm.s32 @p0 $0x1  }
0x13: {  	[smem:$0x3FB4] =	sst s0;
	s0 =	simm.s32 @!p1 $0x0  }
0x14: {  	s2 =	sld [smem:$0x3F98];
	s0 =	simm.s32 @p1 $0x1  }
0x15: {  	[smem:$0x3FB5] =	sst s0;
	s0 =	simm.s32 @!p2 $0x0  }
0x16: {  	s3 =	sld [smem:$0x3FDB];
	s0 =	simm.s32 @p2 $0x1  }
0x17: {  	s4 =	simm.s32 $0x1BF5;
	[smem:$0x3FB7] =	sst s0  }
0x18: {  	s0 =	sld [smem:$0x3F9A];
	_ =	swait.ge [sflag:s4], $0x0  }
0x19: {  	s7 =	sld [smem:$0x3F9B]  }
0x1a: {  	s8 =	sadd.s32 $0xFFFFE003, lr  }
0x1b: {  	s9 =	sadd.s32 $0xFFFFFEF7, lr;
	s5 =	simm.s32 $0xFFFFFFFF;
	p2 =	slt.u32 s8, $0xFFFFF086  }
0x1c: {  	p1 =	slt.u32 s9, $0xF7A;
	s5 =	simm.s32 @!p2 $0x0  }
0x1d: {  	s5 =	simm.s32 @p1 $0x1;
	p0 =	seq.s32 s7, s2  }
0x1e: {  	s7 =	smul.u32 @!p0 $0xF7A, s2;
	p2 =	seq.s32 @!p0 s5, $0x0  }
0x1f: {  	s9 =	smul.u32 $0xF7A, s1;
	s8 =	simm.s32 @!p0 $0x1BF5;
	p2 =	por !p2, p0  }
0x20: {  	[sflag:s8] =	ssyncset.s32 @!p0 $0xFFFFF086;
	s6 =	sadd.s32 @!p0 s3, s7;
	s7 =	simm.s32 @!p0 $0x108  }
0x21: {  	s3 =	sadd.s32 s3, s9;
	s6 =	sadd.s32 @!p0 $0x88, s6;
	s7 =	simm.s32 @p2 $0x1082  }
0x22: {  	[simem:s7], [sflag:s8] =	dma.local @!p0 [hbm:s6], $0xF7A  }
0x23: {  	s9 =	sor.u32 $0xD0000000, s2;
	s6 =	simm.s32 $0x108;
	_ =	swait.ge @!p0 [sflag:s8], $0x0  }
0x24: {  	s3 =	sadd.s32 $0x88, s3;
	s6 =	simm.s32 @!p1 $0x1082;
	[sflag:s4] =	ssyncset.s32 $0xFFFFF086  }
0x25: {  	[simem:s6], [sflag:s4] =	dma.local [hbm:s3], $0xF7A  }
0x26: {  	[smem:$0x3F9B] =	sst s1;
	(tag) =	ssettag s2;
	_ =	strace s9  }
0x27: {  	s1 =	sld [smem:$0x3FAB]  }
0x28: {  	s2 =	sld [smem:$0x3FAC]  }
0x29: {  	s4 =	sld [smem:$0x3FAE]  }
0x2a: {  	p0 =	seq.s32 s5, $0x0;
	s5 =	sld [smem:$0x3FAF]  }
0x2b: {  	s6 =	sld [smem:$0x3FB0]  }
0x2c: {  	s7 =	sld [smem:$0x3FB1]  }
0x2d: {  	s3 =	simm.s32 $0x108;
	s8 =	sld [smem:$0x3FB2]  }
0x2e: {  	s3 =	simm.s32 @!p0 $0x1082;
	s9 =	sld [smem:$0x3FB3]  }
0x2f: {  	lr =	sadd.s32 s0, s3;
	s0 =	sld [smem:$0x3FAA]  }
0x30: {  	s3 =	sld [smem:$0x3FAD]  }
0x31: {  	[smem:$0x3FB6] =	sst s10  }
0x32: {  	s10 =	sld [smem:$0x3FB4];
	_ =	sdelay $0x3  }
0x33: {  	p0 =	seq.s32 s10, $0x1;
	s10 =	sld [smem:$0x3FB6];
	_ =	sdelay $0x3  }
0x34: {  	[smem:$0x3FB6] =	sst s10  }
0x35: {  	s10 =	sld [smem:$0x3FB5];
	_ =	sdelay $0x3  }
0x36: {  	p1 =	seq.s32 s10, $0x1;
	s10 =	sld [smem:$0x3FB6];
	_ =	sdelay $0x3  }
0x37: {  	[smem:$0x3FB6] =	sst s10  }
0x38: {  	s10 =	sld [smem:$0x3FB7]  }
0x39: {  	_ = 	snop;
	(pc) =	sbr.ind lr, $3  }
0x3a: {  	_ = 	snop  }
0x3b: {  	_ = 	snop  }
0x3c: {  	p2 =	seq.s32 s10, $0x1;
	s10 =	sld [smem:$0x3FB6]  }
0x3d: {  	_ =	shalt  }
0x3e: {  	_ =	shalt  }
0x3f: {  	_ =	shalt  }
0x40: {  	_ =	shalt  }
0x41: {  	_ =	shalt  }
0x42: {  	_ =	shalt  }
0x43: {  	_ =	shalt  }
0x44: {  	_ =	shalt  }
0x45: {  	_ =	shalt  }
0x46: {  	_ =	shalt  }
0x47: {  	_ =	shalt  }
0x48: {  	_ =	shalt  }
0x49: {  	_ =	shalt  }
0x4a: {  	_ =	shalt  }
0x4b: {  	_ =	shalt  }
0x4c: {  	_ =	shalt  }
0x4d: {  	_ =	shalt  }
0x4e: {  	_ =	shalt  }
0x4f: {  	_ =	shalt  }
0x50: {  	_ =	shalt  }
0x51: {  	_ =	shalt  }
0x52: {  	_ =	shalt  }
0x53: {  	_ =	shalt  }
0x54: {  	_ =	shalt  }
0x55: {  	_ =	shalt  }
0x56: {  	_ =	shalt  }
0x57: {  	_ =	shalt  }
0x58: {  	_ =	shalt  }
0x59: {  	_ =	shalt  }
0x5a: {  	_ =	shalt  }
0x5b: {  	_ =	shalt  }
0x5c: {  	_ =	shalt  }
0x5d: {  	_ =	shalt  }
0x5e: {  	_ =	shalt  }
0x5f: {  	_ =	shalt  }
0x60: {  	_ =	shalt  }
0x61: {  	_ =	shalt  }
0x62: {  	_ =	shalt  }
0x63: {  	_ =	shalt  }
0x64: {  	_ =	shalt  }
0x65: {  	_ =	shalt  }
0x66: {  	_ =	shalt  }
0x67: {  	_ =	shalt  }
0x68: {  	_ =	shalt  }
0x69: {  	_ =	shalt  }
0x6a: {  	_ =	shalt  }
0x6b: {  	_ =	shalt  }
0x6c: {  	_ =	shalt  }
0x6d: {  	_ =	shalt  }
0x6e: {  	_ =	shalt  }
0x6f: {  	_ =	shalt  }
0x70: {  	_ =	shalt  }
0x71: {  	_ =	shalt  }
0x72: {  	_ =	shalt  }
0x73: {  	_ =	shalt  }
0x74: {  	_ =	shalt  }
0x75: {  	_ =	shalt  }
0x76: {  	_ =	shalt  }
0x77: {  	_ =	shalt  }
0x78: {  	_ =	shalt  }
0x79: {  	_ =	shalt  }
0x7a: {  	_ =	shalt  }
0x7b: {  	_ =	shalt  }
0x7c: {  	_ =	shalt  }
0x7d: {  	_ =	shalt  }
0x7e: {  	_ =	shalt  }
0x7f: {  	_ =	shalt  }
0x80: {  	_ =	shalt  }
0x81: {  	_ =	shalt  }
0x82: {  	_ =	shalt  }
0x83: {  	_ =	shalt  }
0x84: {  	_ =	shalt  }
0x85: {  	_ =	shalt  }
0x86: {  	_ =	shalt  }
0x87: {  	_ =	shalt  }
.Lfunc_end0:
.L_simem_size_0:
called_computation.2_lowered:
.L_overlay_start_0:
0x88: {  	s2 =	sld [smem:$0x3FD9]  }
0x89: {  	s3 =	sld [smem:$0x3FFE];
	_ =	sdelay $0x1  }
0x8a: {  	s1 =	srdreg.scid  }
0x8b: {  	s0 =	sand.u32 $0x1, s1  }
0x8c: {  	s16 =	sshll.u32 s0, $0xA;
	s2 =	sadd.s32 s3, s2  }
0x8d: {  	s2 =	sadd.s32 s2, s16  }
0x8e: {  	[smem:$0x3FC2] =	sst s2  }
0x8f: {  	_ = 	snop  }
0x90: {  	(tm) =	ssettm $0x1  }
0x91: {  	s17 =	sld [smem:$0x3FFB];
	_ =	sdelay $0x3  }
0x92: {  	_ =	strace s17  }
0x93: {  	s2 =	sld [smem:$0x3FFC];
	_ =	sdelay $0x3  }
0x94: {  	_ =	strace s2  }
0x95: {  	s2 =	sld [smem:$0x3FFD];
	_ =	sdelay $0x3  }
0x96: {  	_ =	strace s2  }
0x97: {  	_ =	strace $0x8FFFFFFF  }
0x98: {  	s18 =	sld [smem:$0x3FDB];
	_ =	sdelay $0x1  }
0x99: {  	s19 =	simm.s32 $_scs_section_size  }
0x9a: {  	s4 =	simm.s32 $_size__tile_overlayer_lowered;
	s5 =	simm.s32 $_tile_overlayer_lowered  }
0x9b: {  	s22 =	simm.s32 $0x1BFF;
	s21 =	sshll.u32 s5, $0x1;
	s2 =	sadd.s32 s19, s18  }
0x9c: {  	s6 =	simm.s32 $0x0;
	s20 =	sshll.u32 s4, $0x1;
	s4 =	sadd.s32 s21, s2  }
0x9d: {  	[timem:s6], [sflag:s22] =	dma.local [hbm:s4], s20  }
0x9e: {  	_ =	swait.ge [sflag:s22], s20  }
0x9f: {  	s3 =	ssub.s32 $0x0, s20;
	[sflag:s22] =	ssyncset.done $0x0  }
0xa0: {  	[sflag:s22] =	ssyncadd.s32 s3;
	_ =	sdelay $0x1  }
0xa1: {  	s23 =	simm.s32 $0x1B8B  }
0xa2: {  	_ =	swait.ge [sflag:s23], $0x1  }
0xa3: {  	[sflag:s23] =	ssyncset.done $0x0  }
0xa4: {  	s25 =	simm.s32 $0x1B8E;
	s24 =	sld [smem:$0x3FFE];
	[sflag:s23] =	ssyncadd.s32 $0xFFFFFFFF  }
0xa5: {  	s26 =	simm.s32 $execute0_lowered;
	[smem:$0x3FD2] =	sst s25  }
0xa6: {  	s4 =	sshll.u32 s26, $0x1;
	_ =	strace $0x8000005A;
	[dreg:$0x1] =	wrdreg $0xFFFFFFFF  }
0xa7: {  	s28 =	simm.s32 $_size_execute0_lowered;
	s2 =	sadd.s32 s2, s4;
	[dreg:$0x0] =	wrdreg $0x0  }
0xa8: {  	s4 =	sshll.u32 s28, $0x1;
	[dreg:$0x2] =	wrdreg s2  }
0xa9: {  	[dreg:$0x3] =	wrdreg s4  }
0xaa: {  	[dreg:$0x4] =	wrdreg $0xC0  }
0xab: {  	_ =	task [dreg:s6], $0x5FFFF  }
0xac: {  	[dreg:$0x1] =	wrdreg $0xFFFFFFFF  }
0xad: {  	[dreg:$0x0] =	wrdreg $0x60  }
0xae: {  	[dreg:$0x2] =	wrdreg s24  }
0xaf: {  	[dreg:$0x3] =	wrdreg $0xA0000  }
0xb0: {  	[dreg:$0x4] =	wrdreg $0x9  }
0xb1: {  	_ =	task.clear_ibuf [dreg:s6], $0x5FFFF;
	_ =	strace $0x9000005A  }
0xb2: {  	s29 =	simm.s32 $0x9;
	_ =	strace $0x80000063  }
0xb3: {  	_ =	swait.ge [sflag:s29], $0x1  }
0xb4: {  	[sflag:s29] =	ssyncadd.s32 $0xFFFFFFFF  }
0xb5: {  	_ =	strace $0x90000063  }
0xb6: {  	_ =	sfence  }
0xb7: {  	s30 =	sld [smem:$0x0];
	_ =	sdelay $0x2  }
0xb8: {  	s31 =	sshll.u32 s1, $0xD;
	s1 =	sshrl.u32 s1, $0x2  }
0xb9: {  	s3 =	sand.u32 $0x4000, s31;
	s1 =	sadd.s32 s1, s30  }
0xba: {  	s0 =	sor.u32 s3, s0;
	s1 =	sshll.u32 s1, $0x11  }
0xbb: {  	s0 =	sor.u32 s1, s0  }
0xbc: {  	s0 =	sadd.s32 $0x8F2B, s0  }
0xbd: {  	[sflag:s0] =	ssyncadd.remote.s32 $0x1  }
0xbe: {  	_ =	sfence.sel $0xFFFF  }
0xbf: {  	[dreg:$0x0] =	wrdreg $0xFFFFFFFF;
	(pc) =	sbr.abs _section_cstart, $3  }
0xc0: {  	[dreg:$0x1] =	wrdreg $0xFFFFFFFF  }
0xc1: {  	_ =	task.clear_ibuf [dreg:s6], $0x2FFFF;
	_ =	strace $0x9FFFFFFF  }
0xc2: {  	(tm) =	ssettm $0x7FFFFFFF  }
0xc3: {  	_ =	shalt  }
tec
execute0_lowered:
.L_overlay_start_1:
0x0: {  	(tag) =	ssettag $0x1  }
0x1: {  	s0 =	rddreg [dreg:$0x0]  }
0x2: {  	s2 =	rddreg [dreg:$0x1]  }
0x3: {  	s9 =	stileid.u32;
	s1 =	srdreg.scid  }
0x4: {  	s3 =	simm.s32 $0x0;
	s30 =	simm.s32 $0x80;
	s5 =	smul.u32 $0x2780, s9  }
0x5: {  	s31 =	simm.s32 $0x400;
	s1 =	sand.u32 $0x1, s1;
	s7 =	smul.u32 $0x4E000, s9  }
0x6: {  	p0 =	seq.s32 s1, $0x0;
	s12 =	ssub.s32 $0x2, s1;
	s6 =	sadd.s32 $0x27800, s5  }
0x7: {  	s8 =	sshrl.u32 s12, $0x1;
	s7 =	sshrl.u32 s7, $0x2;
	s6 =	smov.u32 @p0 s5  }
0x8: {  	s5 =	sshrl.u32 s6, $0x2;
	s6 =	ssub.s32 s12, s8;
	s8 =	sadd.s32 s7, s2  }
0x9: {  	[smem:$0x7FF] =	sst s3;
	s4 =	sadd.s32 $0x16600, s0;
	s7 =	sadd.s32 $0x1A00, s8  }
0xa: {  	_ =	strace $0x8000005B;
	s16 =	sadd.s32 $0x3400, s8;
	[dreg:$0x6] =	wrdreg s7  }
0xb: {  	s22 =	smul.u32 $0x13800, s9;
	s17 =	sadd.s32 $0x4E00, s8;
	[dreg:$0x7] =	wrdreg s16  }
0xc: {  	s1 =	smul.u32 $0x138800, s1;
	s18 =	sadd.s32 $0x6800, s8;
	[dreg:$0x8] =	wrdreg s17  }
0xd: {  	p0 =	sne.s32 s9, $0xF;
	s19 =	sadd.s32 $0x8200, s8;
	[dreg:$0x9] =	wrdreg s18  }
0xe: {  	s9 =	simm.s32 $0x4;
	s20 =	sadd.s32 $0x9C00, s8;
	[dreg:$0xa] =	wrdreg s19  }
0xf: {  	s12 =	simm.s32 $0x3;
	s21 =	sadd.s32 $0xB600, s8;
	[dreg:$0xb] =	wrdreg s20  }
0x10: {  	s5 =	sadd.s32 s5, s0;
	s10 =	sadd.s32 $0xD000, s8;
	[dreg:$0xc] =	wrdreg s21  }
0x11: {  	s0 =	sadd.s32 $0x3D800, s0;
	s23 =	sadd.s32 $0xEA00, s8;
	[dreg:$0xd] =	wrdreg s10  }
0x12: {  	s24 =	sadd.s32 $0x10400, s8;
	s25 =	sadd.s32 $0x11E00, s8;
	[dreg:$0xe] =	wrdreg s23  }
0x13: {  	s29 =	smax.u32 s6, $0x1;
	s6 =	simm.s32 $0x9;
	[dreg:$0xf] =	wrdreg s24  }
0x14: {  	s13 =	sadd.s32 $0x2A00, s5;
	s14 =	sadd.s32 $0x2A20, s5;
	[dreg:$0x10] =	wrdreg s25  }
0x15: {  	s15 =	sadd.s32 $0x2A40, s5;
	s7 =	sadd.s32 s22, s1;
	[dreg:$0x14] =	wrdreg s29  }
0x16: {  	s1 =	sshrl.u32 s1, $0x3;
	s20 =	sadd.s32 $0x138000, s2;
	[dreg:$0x3] =	wrdreg s13  }
0x17: {  	s26 =	sadd.s32 $0x2A60, s5;
	s19 =	sadd.s32 $0x2A80, s5;
	[dreg:$0x4] =	wrdreg s14  }
0x18: {  	s16 =	simm.s32 $0x4400;
	s5 =	simm.s32 $0x8400;
	[dreg:$0x5] =	wrdreg s15  }
0x19: {  	s7 =	sshrl.u32 s7, $0x3;
	s1 =	sadd.s32 s0, s1;
	[dreg:$0x12] =	wrdreg s26  }
0x1a: {  	s14 =	simm.s32 $0x100;
	s15 =	simm.s32 $0x200;
	s0 =	sadd.s32 s0, s7  }
0x1b: {  	s13 =	simm.s32 $0x0;
	s28 =	sadd.s32 $0x27000, s1;
	[dreg:$0x11] =	wrdreg s0  }
0x1c: {  	v0 =	vimm.f32 $0.0e+00;
	s1 =	simm.s32 $0x6;
	s7 =	simm.s32 $0x1;
	[dreg:$0x13] =	wrdreg s28  }
.LBB2_1:
0x1d: {  	_ =	strace $0x8000005C  }
0x1e: {  	s0 =	rddreg [dreg:$0x3]  }
0x1f: {  	[tilespmem:s3], [sflag:$0x5] =	stream.linear.gather [hbm4b:s0+s3], $0x100, $0x200038;
	[tilespmem:$0x1E880] =	vst v63  }
0x20: {  	s26 =	rddreg [dreg:$0x4]  }
0x21: {  	[tilespmem:s14], [sflag:$0x6] =	stream.linear.gather [hbm4b:s26+s3], $0x100, $0x200038;
	[tilespmem:$0x1E880] =	vst v63  }
0x22: {  	s29 =	simm.s32 $0x5;
	s28 =	rddreg [dreg:$0x5]  }
0x23: {  	[tilespmem:s15], [sflag:$0x7] =	stream.linear.gather [hbm4b:s28+s3], $0x100, $0x200038;
	[tilespmem:$0x1E880] =	vst v63  }
0x24: {  	_ =	swait.ge [sflag:s29], $0x100  }
0x25: {  	[sflag:s29] =	ssyncset.done $0x0  }
0x26: {  	[sflag:s29] =	ssyncadd.s32 $0xFFFFFF00  }
0x27: {  	[tilespmem:s31], [sflag:$0x1] =	stream.indirect.gather [hbm4b:s4+s30], $0x80, s3, s30, $0x2000b8;
	[tilespmem:$0x1E880] =	vst v63  }
0x28: {  	_ =	swait.ge [sflag:s1], $0x100  }
0x29: {  	[sflag:s1] =	ssyncset.done $0x0  }
0x2a: {  	[sflag:s1] =	ssyncadd.s32 $0xFFFFFF00  }
0x2b: {  	[tilespmem:s16], [sflag:$0x2] =	stream.indirect.gather [hbm4b:s4+s30], $0x80, s14, s30, $0x2000b8;
	[tilespmem:$0x1E880] =	vst v63  }
0x2c: {  	_ =	strace $0x9000005C  }
0x2d: {  	s15 =	simm.s32 $0x200;
	s14 =	simm.s32 $0x0;
	_ =	strace $0x8000005D  }
.LBB2_2:
0x2e: {  	p1 =	sne.s32 s15, $0x6600;
	[tilespmem:s14+$0x8470] =	vst v0  }
0x2f: {  	[tilespmem:s14+$0x8400] =	vst v0  }
0x30: {  	[tilespmem:s14+$0x8410] =	vst v0  }
.Ltmp0:
0x31: {  	[tilespmem:s14+$0x8420] =	vst v0;
	(pc) =	sbr.rel @p1 .LBB2_2-.Ltmp0, $4  }
0x32: {  	[tilespmem:s14+$0x8430] =	vst v0  }
0x33: {  	[tilespmem:s14+$0x8440] =	vst v0  }
0x34: {  	[tilespmem:s14+$0x8450] =	vst v0  }
0x35: {  	[tilespmem:s14+$0x8460] =	vst v0;
	s14 =	sshra.s32 s15, $0x2;
	s15 =	sadd.s32 $0x200, s15  }
0x36: {  	[tilespmem:s14+$0x8470] =	vst v0  }
0x37: {  	[tilespmem:s14+$0x8400] =	vst v0  }
0x38: {  	[tilespmem:s14+$0x8410] =	vst v0  }
0x39: {  	[tilespmem:s14+$0x8420] =	vst v0  }
0x3a: {  	[tilespmem:s14+$0x8430] =	vst v0  }
0x3b: {  	[tilespmem:s14+$0x8440] =	vst v0  }
0x3c: {  	[tilespmem:s14+$0x8450] =	vst v0  }
0x3d: {  	[tilespmem:s14+$0x8460] =	vst v0  }
0x3e: {  	[spmem:s8] =	stream.linear.scatter [tilespmem:s5], [sflag:$0x9], $0x1A00, $0x200038;
	[tilespmem:$0x1E880] =	vst v63  }
0x3f: {  	_ =	swait.ge [sflag:s6], $0x1A00  }
0x40: {  	[sflag:s6] =	ssyncset.done $0x0  }
0x41: {  	s0 =	rddreg [dreg:$0x6];
	[sflag:s6] =	ssyncadd.s32 $0xFFFFE600  }
0x42: {  	[spmem:s0] =	stream.linear.scatter [tilespmem:s5], [sflag:$0x9], $0x1A00, $0x200038;
	[tilespmem:$0x1E880] =	vst v63  }
0x43: {  	_ =	swait.ge [sflag:s6], $0x1A00  }
0x44: {  	[sflag:s6] =	ssyncset.done $0x0  }
0x45: {  	s11 =	rddreg [dreg:$0x7];
	[sflag:s6] =	ssyncadd.s32 $0xFFFFE600  }
0x46: {  	[spmem:s11] =	stream.linear.scatter [tilespmem:s5], [sflag:$0x9], $0x1A00, $0x200038;
	[tilespmem:$0x1E880] =	vst v63  }
0x47: {  	_ =	swait.ge [sflag:s6], $0x1A00  }
0x48: {  	[sflag:s6] =	ssyncset.done $0x0  }
0x49: {  	s14 =	rddreg [dreg:$0x8];
	[sflag:s6] =	ssyncadd.s32 $0xFFFFE600  }
0x4a: {  	[spmem:s14] =	stream.linear.scatter [tilespmem:s5], [sflag:$0x9], $0x1A00, $0x200038;
	[tilespmem:$0x1E880] =	vst v63  }
0x4b: {  	_ =	swait.ge [sflag:s6], $0x1A00  }
0x4c: {  	[sflag:s6] =	ssyncset.done $0x0  }
0x4d: {  	s15 =	rddreg [dreg:$0x9];
	[sflag:s6] =	ssyncadd.s32 $0xFFFFE600  }
0x4e: {  	[spmem:s15] =	stream.linear.scatter [tilespmem:s5], [sflag:$0x9], $0x1A00, $0x200038;
	[tilespmem:$0x1E880] =	vst v63  }
0x4f: {  	_ =	swait.ge [sflag:s6], $0x1A00  }
0x50: {  	[sflag:s6] =	ssyncset.done $0x0  }
0x51: {  	s16 =	rddreg [dreg:$0xa];
	[sflag:s6] =	ssyncadd.s32 $0xFFFFE600  }
0x52: {  	[spmem:s16] =	stream.linear.scatter [tilespmem:s5], [sflag:$0x9], $0x1A00, $0x200038;
	[tilespmem:$0x1E880] =	vst v63  }
0x53: {  	_ =	swait.ge [sflag:s6], $0x1A00  }
0x54: {  	[sflag:s6] =	ssyncset.done $0x0  }
0x55: {  	s17 =	rddreg [dreg:$0xb];
	[sflag:s6] =	ssyncadd.s32 $0xFFFFE600  }
0x56: {  	[spmem:s17] =	stream.linear.scatter [tilespmem:s5], [sflag:$0x9], $0x1A00, $0x200038;
	[tilespmem:$0x1E880] =	vst v63  }
0x57: {  	_ =	swait.ge [sflag:s6], $0x1A00  }
0x58: {  	[sflag:s6] =	ssyncset.done $0x0  }
0x59: {  	s18 =	rddreg [dreg:$0xc];
	[sflag:s6] =	ssyncadd.s32 $0xFFFFE600  }
0x5a: {  	[spmem:s18] =	stream.linear.scatter [tilespmem:s5], [sflag:$0x9], $0x1A00, $0x200038;
	[tilespmem:$0x1E880] =	vst v63  }
0x5b: {  	_ =	swait.ge [sflag:s6], $0x1A00  }
0x5c: {  	[sflag:s6] =	ssyncset.done $0x0  }
0x5d: {  	s21 =	rddreg [dreg:$0xd];
	[sflag:s6] =	ssyncadd.s32 $0xFFFFE600  }
0x5e: {  	[spmem:s21] =	stream.linear.scatter [tilespmem:s5], [sflag:$0x9], $0x1A00, $0x200038;
	[tilespmem:$0x1E880] =	vst v63  }
0x5f: {  	_ =	swait.ge [sflag:s6], $0x1A00  }
0x60: {  	[sflag:s6] =	ssyncset.done $0x0  }
0x61: {  	s22 =	rddreg [dreg:$0xe];
	[sflag:s6] =	ssyncadd.s32 $0xFFFFE600  }
0x62: {  	[spmem:s22] =	stream.linear.scatter [tilespmem:s5], [sflag:$0x9], $0x1A00, $0x200038;
	[tilespmem:$0x1E880] =	vst v63  }
0x63: {  	_ =	swait.ge [sflag:s6], $0x1A00  }
0x64: {  	[sflag:s6] =	ssyncset.done $0x0  }
0x65: {  	s23 =	rddreg [dreg:$0xf];
	[sflag:s6] =	ssyncadd.s32 $0xFFFFE600  }
0x66: {  	[spmem:s23] =	stream.linear.scatter [tilespmem:s5], [sflag:$0x9], $0x1A00, $0x200038;
	[tilespmem:$0x1E880] =	vst v63  }
0x67: {  	_ =	swait.ge [sflag:s6], $0x1A00  }
0x68: {  	[sflag:s6] =	ssyncset.done $0x0  }
0x69: {  	s24 =	rddreg [dreg:$0x10];
	[sflag:s6] =	ssyncadd.s32 $0xFFFFE600  }
0x6a: {  	[spmem:s24] =	stream.linear.scatter [tilespmem:s5], [sflag:$0x9], $0x1A00, $0x200038;
	[tilespmem:$0x1E880] =	vst v63  }
0x6b: {  	_ =	swait.ge [sflag:s6], $0x1A00  }
0x6c: {  	[sflag:s6] =	ssyncset.done $0x0  }
0x6d: {  	s14 =	simm.s32 @!p0 $0x8400;
	[sflag:s6] =	ssyncadd.s32 $0xFFFFE600  }
0x6e: {  	[spmem:s20] =	stream.linear.scatter @!p0 [tilespmem:s14], [sflag:$0x9], $0x800, $0x200038;
	[tilespmem:$0x1E880] =	vst v63  }
0x6f: {  	s14 =	simm.s32 @!p0 $0x9  }
0x70: {  	_ =	swait.ge @!p0 [sflag:s14], $0x800  }
0x71: {  	[sflag:s14] =	ssyncset.done @!p0 $0x0  }
0x72: {  	[sflag:s14] =	ssyncadd.s32 @!p0 $0xFFFFF800  }
0x73: {  	[bflag:$0x0] =	sbarrier.arrive $0xFFFF  }
0x74: {  	s10 =	simm.s32 $0x300;
	s16 =	simm.s32 $0x3;
	_ =	strace $0x9000005D  }
0x75: {  	s15 =	simm.s32 $0x400;
	s16 =	sand.u32 $0x1, s16;
	_ =	strace $0x8000005E  }
0x76: {  	s17 =	simm.s32 $0x6;
	s21 =	sshll.u32 s16, $0xE;
	_ =	swait.ge [sflag:s7], $0x4000  }
0x77: {  	s18 =	simm.s32 $0x2;
	s29 =	sor.u32 $0x400, s21;
	[sflag:s7] =	ssyncset.done $0x0  }
0x78: {  	s22 =	sadd.s32 $0x1, s16;
	s23 =	sand.u32 $0x1, s18;
	[sflag:s7] =	ssyncadd.s32 $0xFFFFC000  }
0x79: {  	[spmem:s2] =	stream.indirect.scatter.add.f32 [tilespmem:s15], [sflag:$0x3], $0x80, s30, s30, $0x2000b8;
	[tilespmem:$0x1E880] =	vst v63  }
0x7a: {  	s16 =	sadd.s32 $0x3, s16;
	s26 =	sshll.u32 s23, $0xE;
	s25 =	rddreg [dreg:$0x12]  }
0x7b: {  	[tilespmem:s10], [sflag:$0x8] =	stream.linear.gather [hbm4b:s25+s3], $0x100, $0x200038;
	[tilespmem:$0x1E880] =	vst v63  }
0x7c: {  	s21 =	sadd.s32 $0x1, s23;
	s24 =	simm.s32 $0x4;
	_ =	strace $0x9000005E  }
0x7d: {  	s24 =	sand.u32 $0x3, s24;
	s15 =	sand.u32 $0xC00, s15;
	_ =	strace $0x8000005F  }
0x7e: {  	s14 =	simm.s32 $0x5;
	s15 =	sshrl.u32 s15, $0x2;
	_ =	swait.ge [sflag:s22], $0x4000  }
0x7f: {  	s25 =	sand.u32 $0x3, s18;
	s15 =	sor.u32 $0x80, s15;
	[sflag:s22] =	ssyncset.done $0x0  }
0x80: {  	s18 =	sor.u32 $0x400, s26;
	s28 =	sadd.s32 $0x5, s25;
	[sflag:s22] =	ssyncadd.s32 $0xFFFFC000  }
0x81: {  	[spmem:s2] =	stream.indirect.scatter.add.f32 [tilespmem:s29], [sflag:s16], $0x80, s15, s30, $0x2000b8;
	[tilespmem:$0x1E880] =	vst v63  }
0x82: {  	s22 =	sadd.s32 $0x3, s23;
	s23 =	sshll.u32 s25, $0x8;
	_ =	swait.ge [sflag:s28], $0x100  }
0x83: {  	s25 =	smov.u32 s19;
	s16 =	simm.s32 $0x800;
	[sflag:s28] =	ssyncset.done $0x0  }
0x84: {  	s15 =	sadd.s32 $0x20, s19;
	[sflag:s28] =	ssyncadd.s32 $0xFFFFFF00;
	s28 =	sadd.s32 $0x5, s24  }
.LBB2_4:
0x85: {  	s26 =	sadd.s32 $0xFFFFFFFF, s14;
	_ =	swait.ge [sflag:s22], $0x4000;
	s29 =	smov.u32 s14  }
0x86: {  	s14 =	smov.u32 s17;
	s0 =	sadd.s32 $0x1, s17;
	s10 =	sand.u32 $0xC00, s16  }
0x87: {  	p1 =	sne.s32 s17, $0x4E;
	s26 =	sand.u32 $0x1, s26;
	[sflag:s22] =	ssyncset.done $0x0  }
0x88: {  	s11 =	sshll.u32 s26, $0xE;
	[sflag:s22] =	ssyncadd.s32 $0xFFFFC000;
	s22 =	sshll.u32 s24, $0x8  }
0x89: {  	[tilespmem:s18], [sflag:s21] =	stream.indirect.gather [hbm4b:s4+s30], $0x80, s23, s30, $0x2000b8;
	[tilespmem:$0x1E880] =	vst v63  }
0x8a: {  	s10 =	sshrl.u32 s10, $0x2;
	s18 =	sadd.s32 $0xFFFFFFFE, s29;
	s21 =	sadd.s32 $0x1, s26  }
0x8b: {  	[tilespmem:s22], [sflag:s28] =	stream.linear.gather [hbm4b:s25+s3], $0x100, $0x200038;
	[tilespmem:$0x1E880] =	vst v63  }
0x8c: {  	s23 =	sadd.s32 $0x3, s26;
	s22 =	sand.u32 $0x1, s18;
	_ =	swait.ge [sflag:s21], $0x4000  }
0x8d: {  	s24 =	sand.u32 $0x3, s18;
	s18 =	sshll.u32 s22, $0xE;
	[sflag:s21] =	ssyncset.done $0x0  }
0x8e: {  	s10 =	sor.u32 $0x80, s10;
	s26 =	sadd.s32 $0x5, s24;
	s18 =	sor.u32 $0x400, s18  }
0x8f: {  	s16 =	sadd.s32 $0x400, s16;
	s25 =	smov.u32 s15;
	[sflag:s21] =	ssyncadd.s32 $0xFFFFC000  }
.Ltmp1:
0x90: {  	s11 =	sor.u32 $0x400, s11;
	s21 =	sadd.s32 $0x1, s22;
	(pc) =	sbr.rel @p1 .LBB2_4-.Ltmp1, $4  }
0x91: {  	[spmem:s2] =	stream.indirect.scatter.add.f32 [tilespmem:s11], [sflag:s23], $0x80, s10, s30, $0x2000b8;
	[tilespmem:$0x1E880] =	vst v63  }
0x92: {  	s17 =	smov.u32 s0;
	s22 =	sadd.s32 $0x3, s22;
	_ =	swait.ge [sflag:s26], $0x100  }
0x93: {  	s23 =	sshll.u32 s24, $0x8;
	s24 =	sand.u32 $0x3, s29;
	[sflag:s26] =	ssyncset.done $0x0  }
0x94: {  	s15 =	sadd.s32 $0x20, s15;
	s28 =	sadd.s32 $0x5, s24;
	[sflag:s26] =	ssyncadd.s32 $0xFFFFFF00  }
0x95: {  	_ =	swait.ge [sflag:s22], $0x4000  }
0x96: {  	[sflag:s22] =	ssyncset.done $0x0  }
0x97: {  	[sflag:s22] =	ssyncadd.s32 $0xFFFFC000  }
0x98: {  	[tilespmem:s18], [sflag:s21] =	stream.indirect.gather [hbm4b:s4+s30], $0x80, s23, s30, $0x2000b8;
	[tilespmem:$0x1E880] =	vst v63  }
0x99: {  	s0 =	sshll.u32 s24, $0x8;
	s11 =	sand.u32 $0xC00, s16;
	s23 =	sadd.s32 $0xFFFFFFFF, s14  }
0x9a: {  	[tilespmem:s0], [sflag:s28] =	stream.linear.gather [hbm4b:s25+s3], $0x100, $0x200038;
	[tilespmem:$0x1E880] =	vst v63  }
0x9b: {  	s11 =	sshrl.u32 s11, $0x2;
	s0 =	sand.u32 $0x1, s23  }
0x9c: {  	s11 =	sor.u32 $0x80, s11;
	s10 =	sadd.s32 $0x1, s0  }
0x9d: {  	s25 =	sadd.s32 $0xFFFFFFFE, s14;
	s24 =	sshll.u32 s0, $0xE;
	_ =	swait.ge [sflag:s10], $0x4000  }
0x9e: {  	s0 =	sadd.s32 $0x3, s0;
	s26 =	sand.u32 $0x3, s25;
	[sflag:s10] =	ssyncset.done $0x0  }
0x9f: {  	s28 =	sadd.s32 $0x5, s26;
	[sflag:s10] =	ssyncadd.s32 $0xFFFFC000;
	s10 =	sor.u32 $0x400, s24  }
0xa0: {  	[spmem:s2] =	stream.indirect.scatter.add.f32 [tilespmem:s10], [sflag:s0], $0x80, s11, s30, $0x2000b8;
	[tilespmem:$0x1E880] =	vst v63  }
0xa1: {  	_ =	swait.ge [sflag:s28], $0x100  }
0xa2: {  	s0 =	sand.u32 $0x1, s25;
	[sflag:s28] =	ssyncset.done $0x0  }
0xa3: {  	s29 =	sadd.s32 $0x3, s0;
	[sflag:s28] =	ssyncadd.s32 $0xFFFFFF00  }
0xa4: {  	s17 =	sand.u32 $0x3, s14;
	_ =	swait.ge [sflag:s29], $0x4000  }
0xa5: {  	s10 =	sshll.u32 s26, $0x8;
	s16 =	sshll.u32 s0, $0xE;
	[sflag:s29] =	ssyncset.done $0x0  }
0xa6: {  	s0 =	sadd.s32 $0x1, s0;
	s11 =	sor.u32 $0x400, s16;
	[sflag:s29] =	ssyncadd.s32 $0xFFFFC000  }
0xa7: {  	[tilespmem:s11], [sflag:s0] =	stream.indirect.gather [hbm4b:s4+s30], $0x80, s10, s30, $0x2000b8;
	[tilespmem:$0x1E880] =	vst v63  }
0xa8: {  	s18 =	sadd.s32 $0x5, s17;
	s0 =	sshll.u32 s17, $0x8  }
0xa9: {  	[tilespmem:s0], [sflag:s18] =	stream.linear.gather [hbm4b:s15+s3], $0x100, $0x200038;
	[tilespmem:$0x1E880] =	vst v63  }
0xaa: {  	_ =	strace $0x9000005F  }
0xab: {  	_ =	strace $0x80000060  }
0xac: {  	_ =	swait.ge [sflag:s7], $0x4000  }
0xad: {  	[sflag:s7] =	ssyncset.done $0x0  }
0xae: {  	[sflag:s7] =	ssyncadd.s32 $0xFFFFC000  }
0xaf: {  	[spmem:s2] =	stream.indirect.scatter.add.f32 [tilespmem:s31], [sflag:$0x3], $0x80, s30, s30, $0x2000b8;
	[tilespmem:$0x1E880] =	vst v63  }
0xb0: {  	_ =	swait.ge [sflag:s1], $0x100  }
0xb1: {  	[sflag:s1] =	ssyncset.done $0x0  }
0xb2: {  	[sflag:s1] =	ssyncadd.s32 $0xFFFFFF00  }
0xb3: {  	_ =	swait.ge [sflag:s9], $0x4000  }
0xb4: {  	s21 =	simm.s32 $0x2;
	[sflag:s9] =	ssyncset.done $0x0  }
0xb5: {  	s14 =	simm.s32 $0x100;
	s16 =	simm.s32 $0x4400;
	[sflag:s9] =	ssyncadd.s32 $0xFFFFC000  }
0xb6: {  	[tilespmem:s16], [sflag:$0x2] =	stream.indirect.gather [hbm4b:s4+s30], $0x80, s14, s30, $0x2000b8;
	[tilespmem:$0x1E880] =	vst v63  }
0xb7: {  	_ =	swait.ge [sflag:s21], $0x4000  }
0xb8: {  	[sflag:s21] =	ssyncset.done $0x0  }
0xb9: {  	s22 =	simm.s32 $0x180;
	s23 =	simm.s32 $0x7;
	[sflag:s21] =	ssyncadd.s32 $0xFFFFC000  }
0xba: {  	[spmem:s2] =	stream.indirect.scatter.add.f32 [tilespmem:s16], [sflag:$0x4], $0x80, s22, s30, $0x2000b8;
	[tilespmem:$0x1E880] =	vst v63  }
0xbb: {  	_ =	swait.ge [sflag:s23], $0x100  }
0xbc: {  	[sflag:s23] =	ssyncset.done $0x0  }
0xbd: {  	[sflag:s23] =	ssyncadd.s32 $0xFFFFFF00  }
0xbe: {  	_ =	swait.ge [sflag:s12], $0x4000  }
0xbf: {  	[sflag:s12] =	ssyncset.done $0x0  }
0xc0: {  	s15 =	simm.s32 $0x200;
	[sflag:s12] =	ssyncadd.s32 $0xFFFFC000  }
0xc1: {  	[tilespmem:s31], [sflag:$0x1] =	stream.indirect.gather [hbm4b:s4+s30], $0x80, s15, s30, $0x2000b8;
	[tilespmem:$0x1E880] =	vst v63  }
0xc2: {  	_ =	swait.ge [sflag:s7], $0x4000  }
0xc3: {  	[sflag:s7] =	ssyncset.done $0x0  }
0xc4: {  	s24 =	simm.s32 $0x280;
	[sflag:s7] =	ssyncadd.s32 $0xFFFFC000  }
0xc5: {  	[spmem:s2] =	stream.indirect.scatter.add.f32 [tilespmem:s31], [sflag:$0x3], $0x80, s24, s30, $0x2000b8;
	[tilespmem:$0x1E880] =	vst v63  }
0xc6: {  	_ =	swait.ge [sflag:s9], $0x4000  }
0xc7: {  	[sflag:s9] =	ssyncset.done $0x0  }
0xc8: {  	[sflag:s9] =	ssyncadd.s32 $0xFFFFC000  }
0xc9: {  	_ =	swait.ge [sflag:s12], $0x4000  }
0xca: {  	[sflag:s12] =	ssyncset.done $0x0  }
0xcb: {  	[sflag:s12] =	ssyncadd.s32 $0xFFFFC000  }
0xcc: {  	_ =	strace $0x90000060  }
0xcd: {  	_ =	strace $0x80000061  }
0xce: {  	[bflag:$0x0] =	sbarrier.arrive $0xFFFF  }
0xcf: {  	s25 =	stileid.u32;
	_ =	strace $0x90000061  }
0xd0: {  	s0 =	sshll.u32 s25, $0x6;
	_ =	strace $0x80000062  }
0xd1: {  	s26 =	sshrl.u32 s8, $0x3;
	s0 =	sor.u32 $0x1C09, s0;
	s28 =	rddreg [dreg:$0x11]  }
0xd2: {  	[hbm:s28], [sflag:s0] =	dma.local [spmem:s26], $0x2700  }
0xd3: {  	_ =	swait.ge [sflag:s6], $0x2700  }
0xd4: {  	[sflag:s6] =	ssyncset.done $0x0  }
0xd5: {  	s10 =	sshrl.u32 @!p0 s20, $0x3;
	s11 =	rddreg [dreg:$0x13];
	[sflag:s6] =	ssyncadd.s32 $0xFFFFD900  }
0xd6: {  	[hbm:s11], [sflag:s0] =	dma.local @!p0 [spmem:s10], $0x100  }
0xd7: {  	s0 =	simm.s32 @!p0 $0x9  }
0xd8: {  	_ =	swait.ge @!p0 [sflag:s0], $0x100  }
0xd9: {  	s13 =	sadd.s32 $0x1, s13;
	s29 =	rddreg [dreg:$0x14]  }
0xda: {  	p1 =	sne.s32 s13, s29  }
.Ltmp2:
0xdb: {  	_ = 	snop;
	(pc) =	sbr.rel @p1 .LBB2_1-.Ltmp2, $4  }
0xdc: {  	_ = 	snop  }
0xdd: {  	[sflag:s0] =	ssyncset.done @!p0 $0x0  }
0xde: {  	[sflag:s0] =	ssyncadd.s32 @!p0 $0xFFFFFF00  }
0xdf: {  	_ =	strace $0x90000062  }
0xe0: {  	_ =	sfence.sel $0x180000  }
0xe1: {  	[bflag:$0x0] =	sbarrier.arrive $0xFFFF  }
0xe2: {  	_ =	strace $0x9000005B  }
0xe3: {  	s0 =	stileid.u32;
	[bflag:$0x2] =	sbarrier.arrive $0xFFFF  }
0xe4: {  	p0 =	sne.s32 s0, $0x0;
	s0 =	rddreg [dreg:$0x2]  }
0xe5: {  	s0 =	sadd.s32 @!p0 $0x100000, s0  }
0xe6: {  	[sflag:s0] =	ssyncadd.tile.s32 @!p0 $0x1;
	_ =	shalt  }
.Lfunc_end2:
_tile_overlayer_lowered:
.L_overlay_start_2:
0xe7: {  	(tag) =	ssettag $0x2  }
0xe8: {  	s0 =	rddreg [dreg:$0x0];
	s2 =	stileid.u32  }
0xe9: {  	s1 =	rddreg [dreg:$0x1];
	p0 =	sne.s32 s2, $0x0  }
0xea: {  	s3 =	rddreg [dreg:$0x2];
	[bflag:$0x3] =	sbarrier.arrive $0xFFFF;
	s2 =	simm.s32 @!p0 $0x1C09  }
0xeb: {  	[timem:s3], [sflag:s2] =	dma.local @!p0 [hbm:s0], s1  }
0xec: {  	s0 =	simm.s32 @!p0 $0x9  }
0xed: {  	_ =	swait.ge @!p0 [sflag:s0], s1  }
0xee: {  	s1 =	ssub.s32 @!p0 $0x0, s1;
	[sflag:s0] =	ssyncset.done @!p0 $0x0  }
0xef: {  	[sflag:s0] =	ssyncadd.s32 @!p0 s1  }
0xf0: {  	[bflag:$0x3] =	sbarrier.arrive $0xFFFF  }
0xf1: {  	_ =	shalt  }

// kernel: kernel.8.cloned.1.call-start
scs
__scs_entry_jumppad:
0x0: {  	(pc) =	sbr.rel $0x88, $3  }
0x1: {  	(tag) =	ssettag $0x0;
	lr =	simm.s32 $0x1  }
0x2: {  	[smem:$0x3F9B] =	sst lr;
	_ =	strace $0xD0000000  }
0x3: {  	_ = 	snop  }
0x4: {  	_ = 	snop  }
0x5: {  	_ = 	snop  }
0x6: {  	_ = 	snop  }
0x7: {  	_ = 	snop  }
__scs_overlays_trampoline_lowered:
0x8: {  	[smem:$0x3FAA] =	sst s0  }
0x9: {  	[smem:$0x3FAB] =	sst s1  }
0xa: {  	[smem:$0x3FAC] =	sst s2  }
0xb: {  	[smem:$0x3FAD] =	sst s3  }
0xc: {  	[smem:$0x3FAE] =	sst s4  }
0xd: {  	[smem:$0x3FAF] =	sst s5  }
0xe: {  	[smem:$0x3FB0] =	sst s6  }
0xf: {  	[smem:$0x3FB1] =	sst s7  }
0x10: {  	[smem:$0x3FB2] =	sst s8  }
0x11: {  	[smem:$0x3FB3] =	sst s9;
	s0 =	simm.s32 @!p0 $0x0  }
0x12: {  	s1 =	sld [smem:$0x3F99];
	s0 =	simm.s32 @p0 $0x1  }
0x13: {  	[smem:$0x3FB4] =	sst s0;
	s0 =	simm.s32 @!p1 $0x0  }
0x14: {  	s2 =	sld [smem:$0x3F98];
	s0 =	simm.s32 @p1 $0x1  }
0x15: {  	[smem:$0x3FB5] =	sst s0;
	s0 =	simm.s32 @!p2 $0x0  }
0x16: {  	s3 =	sld [smem:$0x3FDB];
	s0 =	simm.s32 @p2 $0x1  }
0x17: {  	s4 =	simm.s32 $0x1BF5;
	[smem:$0x3FB7] =	sst s0  }
0x18: {  	s0 =	sld [smem:$0x3F9A];
	_ =	swait.ge [sflag:s4], $0x0  }
0x19: {  	s7 =	sld [smem:$0x3F9B]  }
0x1a: {  	s8 =	sadd.s32 $0xFFFFE003, lr  }
0x1b: {  	s9 =	sadd.s32 $0xFFFFFEF7, lr;
	s5 =	simm.s32 $0xFFFFFFFF;
	p2 =	slt.u32 s8, $0xFFFFF086  }
0x1c: {  	p1 =	slt.u32 s9, $0xF7A;
	s5 =	simm.s32 @!p2 $0x0  }
0x1d: {  	s5 =	simm.s32 @p1 $0x1;
	p0 =	seq.s32 s7, s2  }
0x1e: {  	s7 =	smul.u32 @!p0 $0xF7A, s2;
	p2 =	seq.s32 @!p0 s5, $0x0  }
0x1f: {  	s9 =	smul.u32 $0xF7A, s1;
	s8 =	simm.s32 @!p0 $0x1BF5;
	p2 =	por !p2, p0  }
0x20: {  	[sflag:s8] =	ssyncset.s32 @!p0 $0xFFFFF086;
	s6 =	sadd.s32 @!p0 s3, s7;
	s7 =	simm.s32 @!p0 $0x108  }
0x21: {  	s3 =	sadd.s32 s3, s9;
	s6 =	sadd.s32 @!p0 $0x88, s6;
	s7 =	simm.s32 @p2 $0x1082  }
0x22: {  	[simem:s7], [sflag:s8] =	dma.local @!p0 [hbm:s6], $0xF7A  }
0x23: {  	s9 =	sor.u32 $0xD0000000, s2;
	s6 =	simm.s32 $0x108;
	_ =	swait.ge @!p0 [sflag:s8], $0x0  }
0x24: {  	s3 =	sadd.s32 $0x88, s3;
	s6 =	simm.s32 @!p1 $0x1082;
	[sflag:s4] =	ssyncset.s32 $0xFFFFF086  }
0x25: {  	[simem:s6], [sflag:s4] =	dma.local [hbm:s3], $0xF7A  }
0x26: {  	[smem:$0x3F9B] =	sst s1;
	(tag) =	ssettag s2;
	_ =	strace s9  }
0x27: {  	s1 =	sld [smem:$0x3FAB]  }
0x28: {  	s2 =	sld [smem:$0x3FAC]  }
0x29: {  	s4 =	sld [smem:$0x3FAE]  }
0x2a: {  	p0 =	seq.s32 s5, $0x0;
	s5 =	sld [smem:$0x3FAF]  }
0x2b: {  	s6 =	sld [smem:$0x3FB0]  }
0x2c: {  	s7 =	sld [smem:$0x3FB1]  }
0x2d: {  	s3 =	simm.s32 $0x108;
	s8 =	sld [smem:$0x3FB2]  }
0x2e: {  	s3 =	simm.s32 @!p0 $0x1082;
	s9 =	sld [smem:$0x3FB3]  }
0x2f: {  	lr =	sadd.s32 s0, s3;
	s0 =	sld [smem:$0x3FAA]  }
0x30: {  	s3 =	sld [smem:$0x3FAD]  }
0x31: {  	[smem:$0x3FB6] =	sst s10  }
0x32: {  	s10 =	sld [smem:$0x3FB4];
	_ =	sdelay $0x3  }
0x33: {  	p0 =	seq.s32 s10, $0x1;
	s10 =	sld [smem:$0x3FB6];
	_ =	sdelay $0x3  }
0x34: {  	[smem:$0x3FB6] =	sst s10  }
0x35: {  	s10 =	sld [smem:$0x3FB5];
	_ =	sdelay $0x3  }
0x36: {  	p1 =	seq.s32 s10, $0x1;
	s10 =	sld [smem:$0x3FB6];
	_ =	sdelay $0x3  }
0x37: {  	[smem:$0x3FB6] =	sst s10  }
0x38: {  	s10 =	sld [smem:$0x3FB7]  }
0x39: {  	_ = 	snop;
	(pc) =	sbr.ind lr, $3  }
0x3a: {  	_ = 	snop  }
0x3b: {  	_ = 	snop  }
0x3c: {  	p2 =	seq.s32 s10, $0x1;
	s10 =	sld [smem:$0x3FB6]  }
0x3d: {  	_ =	shalt  }
0x3e: {  	_ =	shalt  }
0x3f: {  	_ =	shalt  }
0x40: {  	_ =	shalt  }
0x41: {  	_ =	shalt  }
0x42: {  	_ =	shalt  }
0x43: {  	_ =	shalt  }
0x44: {  	_ =	shalt  }
0x45: {  	_ =	shalt  }
0x46: {  	_ =	shalt  }
0x47: {  	_ =	shalt  }
0x48: {  	_ =	shalt  }
0x49: {  	_ =	shalt  }
0x4a: {  	_ =	shalt  }
0x4b: {  	_ =	shalt  }
0x4c: {  	_ =	shalt  }
0x4d: {  	_ =	shalt  }
0x4e: {  	_ =	shalt  }
0x4f: {  	_ =	shalt  }
0x50: {  	_ =	shalt  }
0x51: {  	_ =	shalt  }
0x52: {  	_ =	shalt  }
0x53: {  	_ =	shalt  }
0x54: {  	_ =	shalt  }
0x55: {  	_ =	shalt  }
0x56: {  	_ =	shalt  }
0x57: {  	_ =	shalt  }
0x58: {  	_ =	shalt  }
0x59: {  	_ =	shalt  }
0x5a: {  	_ =	shalt  }
0x5b: {  	_ =	shalt  }
0x5c: {  	_ =	shalt  }
0x5d: {  	_ =	shalt  }
0x5e: {  	_ =	shalt  }
0x5f: {  	_ =	shalt  }
0x60: {  	_ =	shalt  }
0x61: {  	_ =	shalt  }
0x62: {  	_ =	shalt  }
0x63: {  	_ =	shalt  }
0x64: {  	_ =	shalt  }
0x65: {  	_ =	shalt  }
0x66: {  	_ =	shalt  }
0x67: {  	_ =	shalt  }
0x68: {  	_ =	shalt  }
0x69: {  	_ =	shalt  }
0x6a: {  	_ =	shalt  }
0x6b: {  	_ =	shalt  }
0x6c: {  	_ =	shalt  }
0x6d: {  	_ =	shalt  }
0x6e: {  	_ =	shalt  }
0x6f: {  	_ =	shalt  }
0x70: {  	_ =	shalt  }
0x71: {  	_ =	shalt  }
0x72: {  	_ =	shalt  }
0x73: {  	_ =	shalt  }
0x74: {  	_ =	shalt  }
0x75: {  	_ =	shalt  }
0x76: {  	_ =	shalt  }
0x77: {  	_ =	shalt  }
0x78: {  	_ =	shalt  }
0x79: {  	_ =	shalt  }
0x7a: {  	_ =	shalt  }
0x7b: {  	_ =	shalt  }
0x7c: {  	_ =	shalt  }
0x7d: {  	_ =	shalt  }
0x7e: {  	_ =	shalt  }
0x7f: {  	_ =	shalt  }
0x80: {  	_ =	shalt  }
0x81: {  	_ =	shalt  }
0x82: {  	_ =	shalt  }
0x83: {  	_ =	shalt  }
0x84: {  	_ =	shalt  }
0x85: {  	_ =	shalt  }
0x86: {  	_ =	shalt  }
0x87: {  	_ =	shalt  }
.Lfunc_end0:
.L_simem_size_0:
called_computation_lowered:
.L_overlay_start_0:
0x88: {  	s2 =	sld [smem:$0x3FD9]  }
0x89: {  	s3 =	sld [smem:$0x3FFE];
	_ =	sdelay $0x1  }
0x8a: {  	s1 =	srdreg.scid  }
0x8b: {  	s0 =	sand.u32 $0x1, s1  }
0x8c: {  	s17 =	sshll.u32 s0, $0xA;
	s2 =	sadd.s32 s3, s2  }
0x8d: {  	s2 =	sadd.s32 s2, s17  }
0x8e: {  	[smem:$0x3FC2] =	sst s2  }
0x8f: {  	_ = 	snop  }
0x90: {  	s2 =	sld [smem:$0x3FC9];
	(tm) =	ssettm $0x1  }
0x91: {  	s18 =	sld [smem:$0x3FFB];
	_ =	sdelay $0x3  }
0x92: {  	_ =	strace s18  }
0x93: {  	s3 =	sld [smem:$0x3FFC];
	_ =	sdelay $0x3  }
0x94: {  	_ =	strace s3  }
0x95: {  	s3 =	sld [smem:$0x3FFD];
	_ =	sdelay $0x3  }
0x96: {  	_ =	strace s3  }
0x97: {  	_ =	strace $0x8FFFFFFF  }
0x98: {  	s19 =	sld [smem:$0x3FDB];
	_ =	sdelay $0x1  }
0x99: {  	s4 =	simm.s32 $_scs_section_size  }
0x9a: {  	s5 =	simm.s32 $_size__tile_overlayer_lowered;
	s6 =	simm.s32 $_tile_overlayer_lowered  }
0x9b: {  	s22 =	simm.s32 $0x1BFF;
	s21 =	sshll.u32 s6, $0x1;
	s3 =	sadd.s32 s4, s19  }
0x9c: {  	s7 =	simm.s32 $0x0;
	s20 =	sshll.u32 s5, $0x1;
	s5 =	sadd.s32 s21, s3  }
0x9d: {  	[timem:s7], [sflag:s22] =	dma.local [hbm:s5], s20  }
0x9e: {  	_ =	swait.ge [sflag:s22], s20  }
0x9f: {  	s4 =	ssub.s32 $0x0, s20;
	[sflag:s22] =	ssyncset.done $0x0  }
0xa0: {  	[sflag:s22] =	ssyncadd.s32 s4;
	_ =	sdelay $0x1  }
0xa1: {  	s23 =	simm.s32 $0x1B8B  }
0xa2: {  	_ =	swait.ge [sflag:s23], $0x1  }
0xa3: {  	[sflag:s23] =	ssyncset.done $0x0  }
0xa4: {  	s25 =	simm.s32 $0x1B8E;
	s24 =	sld [smem:$0x3FFE];
	[sflag:s23] =	ssyncadd.s32 $0xFFFFFFFF  }
0xa5: {  	s26 =	simm.s32 $execute0_lowered;
	[smem:$0x3FD2] =	sst s25  }
0xa6: {  	s5 =	sshll.u32 s26, $0x1;
	_ =	strace $0x80000046;
	[dreg:$0x1] =	wrdreg $0xFFFFFFFF  }
0xa7: {  	s28 =	simm.s32 $_size_execute0_lowered;
	s3 =	sadd.s32 s3, s5;
	[dreg:$0x0] =	wrdreg $0x0  }
0xa8: {  	s5 =	sshll.u32 s28, $0x1;
	[dreg:$0x2] =	wrdreg s3  }
0xa9: {  	[dreg:$0x3] =	wrdreg s5  }
0xaa: {  	[dreg:$0x4] =	wrdreg $0xC0  }
0xab: {  	_ =	task [dreg:s7], $0x5FFFF  }
0xac: {  	[dreg:$0x1] =	wrdreg $0xFFFFFFFF  }
0xad: {  	[dreg:$0x0] =	wrdreg $0x60  }
0xae: {  	[dreg:$0x2] =	wrdreg s2  }
0xaf: {  	[dreg:$0x3] =	wrdreg s24  }
0xb0: {  	[dreg:$0x4] =	wrdreg $0xA0000  }
0xb1: {  	[dreg:$0x5] =	wrdreg $0x9  }
0xb2: {  	_ =	task.clear_ibuf [dreg:s7], $0x6FFFF;
	_ =	strace $0x90000046  }
0xb3: {  	s29 =	simm.s32 $0x9;
	_ =	strace $0x8000004F  }
0xb4: {  	_ =	swait.ge [sflag:s29], $0x1  }
0xb5: {  	[sflag:s29] =	ssyncadd.s32 $0xFFFFFFFF  }
0xb6: {  	_ =	strace $0x9000004F  }
0xb7: {  	_ =	sfence  }
0xb8: {  	s30 =	sld [smem:$0x0];
	_ =	sdelay $0x2  }
0xb9: {  	s31 =	sshll.u32 s1, $0xD;
	s1 =	sshrl.u32 s1, $0x2  }
0xba: {  	s3 =	sand.u32 $0x4000, s31;
	s1 =	sadd.s32 s1, s30  }
0xbb: {  	s0 =	sor.u32 s3, s0;
	s1 =	sshll.u32 s1, $0x11  }
0xbc: {  	s0 =	sor.u32 s1, s0  }
0xbd: {  	s0 =	sadd.s32 $0x8F2B, s0  }
0xbe: {  	[sflag:s0] =	ssyncadd.remote.s32 $0x1  }
0xbf: {  	_ =	sfence.sel $0xFFFF  }
0xc0: {  	[dreg:$0x0] =	wrdreg $0xFFFFFFFF;
	(pc) =	sbr.abs _section_cstart, $3  }
0xc1: {  	[dreg:$0x1] =	wrdreg $0xFFFFFFFF  }
0xc2: {  	_ =	task.clear_ibuf [dreg:s7], $0x2FFFF;
	_ =	strace $0x9FFFFFFF  }
0xc3: {  	(tm) =	ssettm $0x7FFFFFFF  }
tec
execute0_lowered:
.L_overlay_start_1:
0x0: {  	(tag) =	ssettag $0x1  }
0x1: {  	s2 =	rddreg [dreg:$0x0]  }
0x2: {  	s0 =	rddreg [dreg:$0x1]  }
0x3: {  	s3 =	rddreg [dreg:$0x2];
	s9 =	stileid.u32  }
0x4: {  	s1 =	srdreg.scid;
	s4 =	simm.s32 $0x0;
	s5 =	smul.u32 $0x2780, s9  }
0x5: {  	s30 =	simm.s32 $0x80;
	s1 =	sand.u32 $0x1, s1;
	s7 =	smul.u32 $0x4E000, s9  }
0x6: {  	p0 =	seq.s32 s1, $0x0;
	s12 =	ssub.s32 $0x2, s1;
	s6 =	sadd.s32 $0x27800, s5  }
0x7: {  	s8 =	sshrl.u32 s12, $0x1;
	s7 =	sshrl.u32 s7, $0x2;
	s6 =	smov.u32 @p0 s5  }
0x8: {  	s5 =	sshrl.u32 s6, $0x2;
	s6 =	ssub.s32 s12, s8;
	s8 =	sadd.s32 s7, s3  }
0x9: {  	s31 =	simm.s32 $0x400;
	[smem:$0x7FF] =	sst s4;
	s7 =	sadd.s32 $0x1A00, s8  }
0xa: {  	_ =	strace $0x80000047;
	s16 =	sadd.s32 $0x3400, s8;
	[dreg:$0x7] =	wrdreg s7  }
0xb: {  	s22 =	smul.u32 $0x13800, s9;
	s17 =	sadd.s32 $0x4E00, s8;
	[dreg:$0x8] =	wrdreg s16  }
0xc: {  	s1 =	smul.u32 $0x138800, s1;
	s18 =	sadd.s32 $0x6800, s8;
	[dreg:$0x9] =	wrdreg s17  }
0xd: {  	p0 =	sne.s32 s9, $0xF;
	s19 =	sadd.s32 $0x8200, s8;
	[dreg:$0xa] =	wrdreg s18  }
0xe: {  	s9 =	simm.s32 $0x4;
	s20 =	sadd.s32 $0x9C00, s8;
	[dreg:$0xb] =	wrdreg s19  }
0xf: {  	s12 =	simm.s32 $0x3;
	s21 =	sadd.s32 $0xB600, s8;
	[dreg:$0xc] =	wrdreg s20  }
0x10: {  	s5 =	sadd.s32 s5, s0;
	s10 =	sadd.s32 $0xD000, s8;
	[dreg:$0xd] =	wrdreg s21  }
0x11: {  	s0 =	sadd.s32 $0x16600, s0;
	s23 =	sadd.s32 $0xEA00, s8;
	[dreg:$0xe] =	wrdreg s10  }
0x12: {  	s24 =	sadd.s32 $0x10400, s8;
	s25 =	sadd.s32 $0x11E00, s8;
	[dreg:$0xf] =	wrdreg s23  }
0x13: {  	s29 =	smax.u32 s6, $0x1;
	s6 =	simm.s32 $0x9;
	[dreg:$0x10] =	wrdreg s24  }
0x14: {  	s13 =	sadd.s32 $0x2A00, s5;
	s14 =	sadd.s32 $0x2A20, s5;
	[dreg:$0x11] =	wrdreg s25  }
0x15: {  	s15 =	sadd.s32 $0x2A40, s5;
	s7 =	sadd.s32 s22, s1;
	[dreg:$0x15] =	wrdreg s29  }
0x16: {  	s1 =	sshrl.u32 s1, $0x3;
	s20 =	sadd.s32 $0x138000, s3;
	[dreg:$0x4] =	wrdreg s13  }
0x17: {  	s26 =	sadd.s32 $0x2A60, s5;
	s19 =	sadd.s32 $0x2A80, s5;
	[dreg:$0x5] =	wrdreg s14  }
0x18: {  	s16 =	simm.s32 $0x4400;
	s5 =	simm.s32 $0x8400;
	[dreg:$0x6] =	wrdreg s15  }
0x19: {  	s7 =	sshrl.u32 s7, $0x3;
	s1 =	sadd.s32 s0, s1;
	[dreg:$0x13] =	wrdreg s26  }
0x1a: {  	s14 =	simm.s32 $0x100;
	s15 =	simm.s32 $0x200;
	s0 =	sadd.s32 s0, s7  }
0x1b: {  	s13 =	simm.s32 $0x0;
	s28 =	sadd.s32 $0x27000, s1;
	[dreg:$0x12] =	wrdreg s0  }
0x1c: {  	v0 =	vimm.f32 $0.0e+00;
	s1 =	simm.s32 $0x6;
	s7 =	simm.s32 $0x1;
	[dreg:$0x14] =	wrdreg s28  }
.LBB2_1:
0x1d: {  	_ =	strace $0x80000048  }
0x1e: {  	s0 =	rddreg [dreg:$0x4]  }
0x1f: {  	[tilespmem:s4], [sflag:$0x5] =	stream.linear.gather [hbm4b:s0+s4], $0x100, $0x200038;
	[tilespmem:$0x1E880] =	vst v63  }
0x20: {  	s26 =	rddreg [dreg:$0x5]  }
0x21: {  	[tilespmem:s14], [sflag:$0x6] =	stream.linear.gather [hbm4b:s26+s4], $0x100, $0x200038;
	[tilespmem:$0x1E880] =	vst v63  }
0x22: {  	s29 =	simm.s32 $0x5;
	s28 =	rddreg [dreg:$0x6]  }
0x23: {  	[tilespmem:s15], [sflag:$0x7] =	stream.linear.gather [hbm4b:s28+s4], $0x100, $0x200038;
	[tilespmem:$0x1E880] =	vst v63  }
0x24: {  	_ =	swait.ge [sflag:s29], $0x100  }
0x25: {  	[sflag:s29] =	ssyncset.done $0x0  }
0x26: {  	[sflag:s29] =	ssyncadd.s32 $0xFFFFFF00  }
0x27: {  	[tilespmem:s31], [sflag:$0x1] =	stream.indirect.gather [hbm4b:s2+s30], $0x80, s4, s30, $0x2000b8;
	[tilespmem:$0x1E880] =	vst v63  }
0x28: {  	_ =	swait.ge [sflag:s1], $0x100  }
0x29: {  	[sflag:s1] =	ssyncset.done $0x0  }
0x2a: {  	[sflag:s1] =	ssyncadd.s32 $0xFFFFFF00  }
0x2b: {  	[tilespmem:s16], [sflag:$0x2] =	stream.indirect.gather [hbm4b:s2+s30], $0x80, s14, s30, $0x2000b8;
	[tilespmem:$0x1E880] =	vst v63  }
0x2c: {  	_ =	strace $0x90000048  }
0x2d: {  	s15 =	simm.s32 $0x200;
	s14 =	simm.s32 $0x0;
	_ =	strace $0x80000049  }
.LBB2_2:
0x2e: {  	p1 =	sne.s32 s15, $0x6600;
	[tilespmem:s14+$0x8470] =	vst v0  }
0x2f: {  	[tilespmem:s14+$0x8400] =	vst v0  }
0x30: {  	[tilespmem:s14+$0x8410] =	vst v0  }
.Ltmp0:
0x31: {  	[tilespmem:s14+$0x8420] =	vst v0;
	(pc) =	sbr.rel @p1 .LBB2_2-.Ltmp0, $4  }
0x32: {  	[tilespmem:s14+$0x8430] =	vst v0  }
0x33: {  	[tilespmem:s14+$0x8440] =	vst v0  }
0x34: {  	[tilespmem:s14+$0x8450] =	vst v0  }
0x35: {  	[tilespmem:s14+$0x8460] =	vst v0;
	s14 =	sshra.s32 s15, $0x2;
	s15 =	sadd.s32 $0x200, s15  }
0x36: {  	[tilespmem:s14+$0x8470] =	vst v0  }
0x37: {  	[tilespmem:s14+$0x8400] =	vst v0  }
0x38: {  	[tilespmem:s14+$0x8410] =	vst v0  }
0x39: {  	[tilespmem:s14+$0x8420] =	vst v0  }
0x3a: {  	[tilespmem:s14+$0x8430] =	vst v0  }
0x3b: {  	[tilespmem:s14+$0x8440] =	vst v0  }
0x3c: {  	[tilespmem:s14+$0x8450] =	vst v0  }
0x3d: {  	[tilespmem:s14+$0x8460] =	vst v0  }
0x3e: {  	[spmem:s8] =	stream.linear.scatter [tilespmem:s5], [sflag:$0x9], $0x1A00, $0x200038;
	[tilespmem:$0x1E880] =	vst v63  }
0x3f: {  	_ =	swait.ge [sflag:s6], $0x1A00  }
0x40: {  	[sflag:s6] =	ssyncset.done $0x0  }
0x41: {  	s0 =	rddreg [dreg:$0x7];
	[sflag:s6] =	ssyncadd.s32 $0xFFFFE600  }
0x42: {  	[spmem:s0] =	stream.linear.scatter [tilespmem:s5], [sflag:$0x9], $0x1A00, $0x200038;
	[tilespmem:$0x1E880] =	vst v63  }
0x43: {  	_ =	swait.ge [sflag:s6], $0x1A00  }
0x44: {  	[sflag:s6] =	ssyncset.done $0x0  }
0x45: {  	s11 =	rddreg [dreg:$0x8];
	[sflag:s6] =	ssyncadd.s32 $0xFFFFE600  }
0x46: {  	[spmem:s11] =	stream.linear.scatter [tilespmem:s5], [sflag:$0x9], $0x1A00, $0x200038;
	[tilespmem:$0x1E880] =	vst v63  }
0x47: {  	_ =	swait.ge [sflag:s6], $0x1A00  }
0x48: {  	[sflag:s6] =	ssyncset.done $0x0  }
0x49: {  	s14 =	rddreg [dreg:$0x9];
	[sflag:s6] =	ssyncadd.s32 $0xFFFFE600  }
0x4a: {  	[spmem:s14] =	stream.linear.scatter [tilespmem:s5], [sflag:$0x9], $0x1A00, $0x200038;
	[tilespmem:$0x1E880] =	vst v63  }
0x4b: {  	_ =	swait.ge [sflag:s6], $0x1A00  }
0x4c: {  	[sflag:s6] =	ssyncset.done $0x0  }
0x4d: {  	s15 =	rddreg [dreg:$0xa];
	[sflag:s6] =	ssyncadd.s32 $0xFFFFE600  }
0x4e: {  	[spmem:s15] =	stream.linear.scatter [tilespmem:s5], [sflag:$0x9], $0x1A00, $0x200038;
	[tilespmem:$0x1E880] =	vst v63  }
0x4f: {  	_ =	swait.ge [sflag:s6], $0x1A00  }
0x50: {  	[sflag:s6] =	ssyncset.done $0x0  }
0x51: {  	s16 =	rddreg [dreg:$0xb];
	[sflag:s6] =	ssyncadd.s32 $0xFFFFE600  }
0x52: {  	[spmem:s16] =	stream.linear.scatter [tilespmem:s5], [sflag:$0x9], $0x1A00, $0x200038;
	[tilespmem:$0x1E880] =	vst v63  }
0x53: {  	_ =	swait.ge [sflag:s6], $0x1A00  }
0x54: {  	[sflag:s6] =	ssyncset.done $0x0  }
0x55: {  	s17 =	rddreg [dreg:$0xc];
	[sflag:s6] =	ssyncadd.s32 $0xFFFFE600  }
0x56: {  	[spmem:s17] =	stream.linear.scatter [tilespmem:s5], [sflag:$0x9], $0x1A00, $0x200038;
	[tilespmem:$0x1E880] =	vst v63  }
0x57: {  	_ =	swait.ge [sflag:s6], $0x1A00  }
0x58: {  	[sflag:s6] =	ssyncset.done $0x0  }
0x59: {  	s18 =	rddreg [dreg:$0xd];
	[sflag:s6] =	ssyncadd.s32 $0xFFFFE600  }
0x5a: {  	[spmem:s18] =	stream.linear.scatter [tilespmem:s5], [sflag:$0x9], $0x1A00, $0x200038;
	[tilespmem:$0x1E880] =	vst v63  }
0x5b: {  	_ =	swait.ge [sflag:s6], $0x1A00  }
0x5c: {  	[sflag:s6] =	ssyncset.done $0x0  }
0x5d: {  	s21 =	rddreg [dreg:$0xe];
	[sflag:s6] =	ssyncadd.s32 $0xFFFFE600  }
0x5e: {  	[spmem:s21] =	stream.linear.scatter [tilespmem:s5], [sflag:$0x9], $0x1A00, $0x200038;
	[tilespmem:$0x1E880] =	vst v63  }
0x5f: {  	_ =	swait.ge [sflag:s6], $0x1A00  }
0x60: {  	[sflag:s6] =	ssyncset.done $0x0  }
0x61: {  	s22 =	rddreg [dreg:$0xf];
	[sflag:s6] =	ssyncadd.s32 $0xFFFFE600  }
0x62: {  	[spmem:s22] =	stream.linear.scatter [tilespmem:s5], [sflag:$0x9], $0x1A00, $0x200038;
	[tilespmem:$0x1E880] =	vst v63  }
0x63: {  	_ =	swait.ge [sflag:s6], $0x1A00  }
0x64: {  	[sflag:s6] =	ssyncset.done $0x0  }
0x65: {  	s23 =	rddreg [dreg:$0x10];
	[sflag:s6] =	ssyncadd.s32 $0xFFFFE600  }
0x66: {  	[spmem:s23] =	stream.linear.scatter [tilespmem:s5], [sflag:$0x9], $0x1A00, $0x200038;
	[tilespmem:$0x1E880] =	vst v63  }
0x67: {  	_ =	swait.ge [sflag:s6], $0x1A00  }
0x68: {  	[sflag:s6] =	ssyncset.done $0x0  }
0x69: {  	s24 =	rddreg [dreg:$0x11];
	[sflag:s6] =	ssyncadd.s32 $0xFFFFE600  }
0x6a: {  	[spmem:s24] =	stream.linear.scatter [tilespmem:s5], [sflag:$0x9], $0x1A00, $0x200038;
	[tilespmem:$0x1E880] =	vst v63  }
0x6b: {  	_ =	swait.ge [sflag:s6], $0x1A00  }
0x6c: {  	[sflag:s6] =	ssyncset.done $0x0  }
0x6d: {  	s14 =	simm.s32 @!p0 $0x8400;
	[sflag:s6] =	ssyncadd.s32 $0xFFFFE600  }
0x6e: {  	[spmem:s20] =	stream.linear.scatter @!p0 [tilespmem:s14], [sflag:$0x9], $0x800, $0x200038;
	[tilespmem:$0x1E880] =	vst v63  }
0x6f: {  	s14 =	simm.s32 @!p0 $0x9  }
0x70: {  	_ =	swait.ge @!p0 [sflag:s14], $0x800  }
0x71: {  	[sflag:s14] =	ssyncset.done @!p0 $0x0  }
0x72: {  	[sflag:s14] =	ssyncadd.s32 @!p0 $0xFFFFF800  }
0x73: {  	[bflag:$0x0] =	sbarrier.arrive $0xFFFF  }
0x74: {  	s10 =	simm.s32 $0x300;
	s16 =	simm.s32 $0x3;
	_ =	strace $0x90000049  }
0x75: {  	s15 =	simm.s32 $0x400;
	s16 =	sand.u32 $0x1, s16;
	_ =	strace $0x8000004A  }
0x76: {  	s17 =	simm.s32 $0x6;
	s21 =	sshll.u32 s16, $0xE;
	_ =	swait.ge [sflag:s7], $0x4000  }
0x77: {  	s18 =	simm.s32 $0x2;
	s29 =	sor.u32 $0x400, s21;
	[sflag:s7] =	ssyncset.done $0x0  }
0x78: {  	s22 =	sadd.s32 $0x1, s16;
	s23 =	sand.u32 $0x1, s18;
	[sflag:s7] =	ssyncadd.s32 $0xFFFFC000  }
0x79: {  	[spmem:s3] =	stream.indirect.scatter.add.f32 [tilespmem:s15], [sflag:$0x3], $0x80, s30, s30, $0x2000b8;
	[tilespmem:$0x1E880] =	vst v63  }
0x7a: {  	s16 =	sadd.s32 $0x3, s16;
	s26 =	sshll.u32 s23, $0xE;
	s25 =	rddreg [dreg:$0x13]  }
0x7b: {  	[tilespmem:s10], [sflag:$0x8] =	stream.linear.gather [hbm4b:s25+s4], $0x100, $0x200038;
	[tilespmem:$0x1E880] =	vst v63  }
0x7c: {  	s21 =	sadd.s32 $0x1, s23;
	s24 =	simm.s32 $0x4;
	_ =	strace $0x9000004A  }
0x7d: {  	s24 =	sand.u32 $0x3, s24;
	s15 =	sand.u32 $0xC00, s15;
	_ =	strace $0x8000004B  }
0x7e: {  	s14 =	simm.s32 $0x5;
	s15 =	sshrl.u32 s15, $0x2;
	_ =	swait.ge [sflag:s22], $0x4000  }
0x7f: {  	s25 =	sand.u32 $0x3, s18;
	s15 =	sor.u32 $0x80, s15;
	[sflag:s22] =	ssyncset.done $0x0  }
0x80: {  	s18 =	sor.u32 $0x400, s26;
	s28 =	sadd.s32 $0x5, s25;
	[sflag:s22] =	ssyncadd.s32 $0xFFFFC000  }
0x81: {  	[spmem:s3] =	stream.indirect.scatter.add.f32 [tilespmem:s29], [sflag:s16], $0x80, s15, s30, $0x2000b8;
	[tilespmem:$0x1E880] =	vst v63  }
0x82: {  	s22 =	sadd.s32 $0x3, s23;
	s23 =	sshll.u32 s25, $0x8;
	_ =	swait.ge [sflag:s28], $0x100  }
0x83: {  	s25 =	smov.u32 s19;
	s16 =	simm.s32 $0x800;
	[sflag:s28] =	ssyncset.done $0x0  }
0x84: {  	s15 =	sadd.s32 $0x20, s19;
	[sflag:s28] =	ssyncadd.s32 $0xFFFFFF00;
	s28 =	sadd.s32 $0x5, s24  }
.LBB2_4:
0x85: {  	s26 =	sadd.s32 $0xFFFFFFFF, s14;
	_ =	swait.ge [sflag:s22], $0x4000;
	s29 =	smov.u32 s14  }
0x86: {  	s14 =	smov.u32 s17;
	s0 =	sadd.s32 $0x1, s17;
	s10 =	sand.u32 $0xC00, s16  }
0x87: {  	p1 =	sne.s32 s17, $0x4E;
	s26 =	sand.u32 $0x1, s26;
	[sflag:s22] =	ssyncset.done $0x0  }
0x88: {  	s11 =	sshll.u32 s26, $0xE;
	[sflag:s22] =	ssyncadd.s32 $0xFFFFC000;
	s22 =	sshll.u32 s24, $0x8  }
0x89: {  	[tilespmem:s18], [sflag:s21] =	stream.indirect.gather [hbm4b:s2+s30], $0x80, s23, s30, $0x2000b8;
	[tilespmem:$0x1E880] =	vst v63  }
0x8a: {  	s10 =	sshrl.u32 s10, $0x2;
	s18 =	sadd.s32 $0xFFFFFFFE, s29;
	s21 =	sadd.s32 $0x1, s26  }
0x8b: {  	[tilespmem:s22], [sflag:s28] =	stream.linear.gather [hbm4b:s25+s4], $0x100, $0x200038;
	[tilespmem:$0x1E880] =	vst v63  }
0x8c: {  	s23 =	sadd.s32 $0x3, s26;
	s22 =	sand.u32 $0x1, s18;
	_ =	swait.ge [sflag:s21], $0x4000  }
0x8d: {  	s24 =	sand.u32 $0x3, s18;
	s18 =	sshll.u32 s22, $0xE;
	[sflag:s21] =	ssyncset.done $0x0  }
0x8e: {  	s10 =	sor.u32 $0x80, s10;
	s26 =	sadd.s32 $0x5, s24;
	s18 =	sor.u32 $0x400, s18  }
0x8f: {  	s16 =	sadd.s32 $0x400, s16;
	s25 =	smov.u32 s15;
	[sflag:s21] =	ssyncadd.s32 $0xFFFFC000  }
.Ltmp1:
0x90: {  	s11 =	sor.u32 $0x400, s11;
	s21 =	sadd.s32 $0x1, s22;
	(pc) =	sbr.rel @p1 .LBB2_4-.Ltmp1, $4  }
0x91: {  	[spmem:s3] =	stream.indirect.scatter.add.f32 [tilespmem:s11], [sflag:s23], $0x80, s10, s30, $0x2000b8;
	[tilespmem:$0x1E880] =	vst v63  }
0x92: {  	s17 =	smov.u32 s0;
	s22 =	sadd.s32 $0x3, s22;
	_ =	swait.ge [sflag:s26], $0x100  }
0x93: {  	s23 =	sshll.u32 s24, $0x8;
	s24 =	sand.u32 $0x3, s29;
	[sflag:s26] =	ssyncset.done $0x0  }
0x94: {  	s15 =	sadd.s32 $0x20, s15;
	s28 =	sadd.s32 $0x5, s24;
	[sflag:s26] =	ssyncadd.s32 $0xFFFFFF00  }
0x95: {  	_ =	swait.ge [sflag:s22], $0x4000  }
0x96: {  	[sflag:s22] =	ssyncset.done $0x0  }
0x97: {  	[sflag:s22] =	ssyncadd.s32 $0xFFFFC000  }
0x98: {  	[tilespmem:s18], [sflag:s21] =	stream.indirect.gather [hbm4b:s2+s30], $0x80, s23, s30, $0x2000b8;
	[tilespmem:$0x1E880] =	vst v63  }
0x99: {  	s0 =	sshll.u32 s24, $0x8;
	s11 =	sand.u32 $0xC00, s16;
	s23 =	sadd.s32 $0xFFFFFFFF, s14  }
0x9a: {  	[tilespmem:s0], [sflag:s28] =	stream.linear.gather [hbm4b:s25+s4], $0x100, $0x200038;
	[tilespmem:$0x1E880] =	vst v63  }
0x9b: {  	s11 =	sshrl.u32 s11, $0x2;
	s0 =	sand.u32 $0x1, s23  }
0x9c: {  	s11 =	sor.u32 $0x80, s11;
	s10 =	sadd.s32 $0x1, s0  }
0x9d: {  	s25 =	sadd.s32 $0xFFFFFFFE, s14;
	s24 =	sshll.u32 s0, $0xE;
	_ =	swait.ge [sflag:s10], $0x4000  }
0x9e: {  	s0 =	sadd.s32 $0x3, s0;
	s26 =	sand.u32 $0x3, s25;
	[sflag:s10] =	ssyncset.done $0x0  }
0x9f: {  	s28 =	sadd.s32 $0x5, s26;
	[sflag:s10] =	ssyncadd.s32 $0xFFFFC000;
	s10 =	sor.u32 $0x400, s24  }
0xa0: {  	[spmem:s3] =	stream.indirect.scatter.add.f32 [tilespmem:s10], [sflag:s0], $0x80, s11, s30, $0x2000b8;
	[tilespmem:$0x1E880] =	vst v63  }
0xa1: {  	_ =	swait.ge [sflag:s28], $0x100  }
0xa2: {  	s0 =	sand.u32 $0x1, s25;
	[sflag:s28] =	ssyncset.done $0x0  }
0xa3: {  	s29 =	sadd.s32 $0x3, s0;
	[sflag:s28] =	ssyncadd.s32 $0xFFFFFF00  }
0xa4: {  	s17 =	sand.u32 $0x3, s14;
	_ =	swait.ge [sflag:s29], $0x4000  }
0xa5: {  	s10 =	sshll.u32 s26, $0x8;
	s16 =	sshll.u32 s0, $0xE;
	[sflag:s29] =	ssyncset.done $0x0  }
0xa6: {  	s0 =	sadd.s32 $0x1, s0;
	s11 =	sor.u32 $0x400, s16;
	[sflag:s29] =	ssyncadd.s32 $0xFFFFC000  }
0xa7: {  	[tilespmem:s11], [sflag:s0] =	stream.indirect.gather [hbm4b:s2+s30], $0x80, s10, s30, $0x2000b8;
	[tilespmem:$0x1E880] =	vst v63  }
0xa8: {  	s18 =	sadd.s32 $0x5, s17;
	s0 =	sshll.u32 s17, $0x8  }
0xa9: {  	[tilespmem:s0], [sflag:s18] =	stream.linear.gather [hbm4b:s15+s4], $0x100, $0x200038;
	[tilespmem:$0x1E880] =	vst v63  }
0xaa: {  	_ =	strace $0x9000004B  }
0xab: {  	_ =	strace $0x8000004C  }
0xac: {  	_ =	swait.ge [sflag:s7], $0x4000  }
0xad: {  	[sflag:s7] =	ssyncset.done $0x0  }
0xae: {  	[sflag:s7] =	ssyncadd.s32 $0xFFFFC000  }
0xaf: {  	[spmem:s3] =	stream.indirect.scatter.add.f32 [tilespmem:s31], [sflag:$0x3], $0x80, s30, s30, $0x2000b8;
	[tilespmem:$0x1E880] =	vst v63  }
0xb0: {  	_ =	swait.ge [sflag:s1], $0x100  }
0xb1: {  	[sflag:s1] =	ssyncset.done $0x0  }
0xb2: {  	[sflag:s1] =	ssyncadd.s32 $0xFFFFFF00  }
0xb3: {  	_ =	swait.ge [sflag:s9], $0x4000  }
0xb4: {  	s21 =	simm.s32 $0x2;
	[sflag:s9] =	ssyncset.done $0x0  }
0xb5: {  	s14 =	simm.s32 $0x100;
	s16 =	simm.s32 $0x4400;
	[sflag:s9] =	ssyncadd.s32 $0xFFFFC000  }
0xb6: {  	[tilespmem:s16], [sflag:$0x2] =	stream.indirect.gather [hbm4b:s2+s30], $0x80, s14, s30, $0x2000b8;
	[tilespmem:$0x1E880] =	vst v63  }
0xb7: {  	_ =	swait.ge [sflag:s21], $0x4000  }
0xb8: {  	[sflag:s21] =	ssyncset.done $0x0  }
0xb9: {  	s22 =	simm.s32 $0x180;
	s23 =	simm.s32 $0x7;
	[sflag:s21] =	ssyncadd.s32 $0xFFFFC000  }
0xba: {  	[spmem:s3] =	stream.indirect.scatter.add.f32 [tilespmem:s16], [sflag:$0x4], $0x80, s22, s30, $0x2000b8;
	[tilespmem:$0x1E880] =	vst v63  }
0xbb: {  	_ =	swait.ge [sflag:s23], $0x100  }
0xbc: {  	[sflag:s23] =	ssyncset.done $0x0  }
0xbd: {  	[sflag:s23] =	ssyncadd.s32 $0xFFFFFF00  }
0xbe: {  	_ =	swait.ge [sflag:s12], $0x4000  }
0xbf: {  	[sflag:s12] =	ssyncset.done $0x0  }
0xc0: {  	s15 =	simm.s32 $0x200;
	[sflag:s12] =	ssyncadd.s32 $0xFFFFC000  }
0xc1: {  	[tilespmem:s31], [sflag:$0x1] =	stream.indirect.gather [hbm4b:s2+s30], $0x80, s15, s30, $0x2000b8;
	[tilespmem:$0x1E880] =	vst v63  }
0xc2: {  	_ =	swait.ge [sflag:s7], $0x4000  }
0xc3: {  	[sflag:s7] =	ssyncset.done $0x0  }
0xc4: {  	s24 =	simm.s32 $0x280;
	[sflag:s7] =	ssyncadd.s32 $0xFFFFC000  }
0xc5: {  	[spmem:s3] =	stream.indirect.scatter.add.f32 [tilespmem:s31], [sflag:$0x3], $0x80, s24, s30, $0x2000b8;
	[tilespmem:$0x1E880] =	vst v63  }
0xc6: {  	_ =	swait.ge [sflag:s9], $0x4000  }
0xc7: {  	[sflag:s9] =	ssyncset.done $0x0  }
0xc8: {  	[sflag:s9] =	ssyncadd.s32 $0xFFFFC000  }
0xc9: {  	_ =	swait.ge [sflag:s12], $0x4000  }
0xca: {  	[sflag:s12] =	ssyncset.done $0x0  }
0xcb: {  	[sflag:s12] =	ssyncadd.s32 $0xFFFFC000  }
0xcc: {  	_ =	strace $0x9000004C  }
0xcd: {  	_ =	strace $0x8000004D  }
0xce: {  	[bflag:$0x0] =	sbarrier.arrive $0xFFFF  }
0xcf: {  	s25 =	stileid.u32;
	_ =	strace $0x9000004D  }
0xd0: {  	s0 =	sshll.u32 s25, $0x6;
	_ =	strace $0x8000004E  }
0xd1: {  	s26 =	sshrl.u32 s8, $0x3;
	s0 =	sor.u32 $0x1C09, s0;
	s28 =	rddreg [dreg:$0x12]  }
0xd2: {  	[hbm:s28], [sflag:s0] =	dma.local [spmem:s26], $0x2700  }
0xd3: {  	_ =	swait.ge [sflag:s6], $0x2700  }
0xd4: {  	[sflag:s6] =	ssyncset.done $0x0  }
0xd5: {  	s10 =	sshrl.u32 @!p0 s20, $0x3;
	s11 =	rddreg [dreg:$0x14];
	[sflag:s6] =	ssyncadd.s32 $0xFFFFD900  }
0xd6: {  	[hbm:s11], [sflag:s0] =	dma.local @!p0 [spmem:s10], $0x100  }
0xd7: {  	s0 =	simm.s32 @!p0 $0x9  }
0xd8: {  	_ =	swait.ge @!p0 [sflag:s0], $0x100  }
0xd9: {  	s13 =	sadd.s32 $0x1, s13;
	s29 =	rddreg [dreg:$0x15]  }
0xda: {  	p1 =	sne.s32 s13, s29  }
.Ltmp2:
0xdb: {  	_ = 	snop;
	(pc) =	sbr.rel @p1 .LBB2_1-.Ltmp2, $4  }
0xdc: {  	_ = 	snop  }
0xdd: {  	[sflag:s0] =	ssyncset.done @!p0 $0x0  }
0xde: {  	[sflag:s0] =	ssyncadd.s32 @!p0 $0xFFFFFF00  }
0xdf: {  	_ =	strace $0x9000004E  }
0xe0: {  	_ =	sfence.sel $0x180000  }
0xe1: {  	[bflag:$0x0] =	sbarrier.arrive $0xFFFF  }
0xe2: {  	_ =	strace $0x90000047  }
0xe3: {  	s0 =	stileid.u32;
	[bflag:$0x2] =	sbarrier.arrive $0xFFFF  }
0xe4: {  	p0 =	sne.s32 s0, $0x0;
	s0 =	rddreg [dreg:$0x3]  }
0xe5: {  	s0 =	sadd.s32 @!p0 $0x100000, s0  }
0xe6: {  	[sflag:s0] =	ssyncadd.tile.s32 @!p0 $0x1;
	_ =	shalt  }
.Lfunc_end2:
_tile_overlayer_lowered:
.L_overlay_start_2:
0xe7: {  	(tag) =	ssettag $0x2  }
0xe8: {  	s0 =	rddreg [dreg:$0x0];
	s2 =	stileid.u32  }
0xe9: {  	s1 =	rddreg [dreg:$0x1];
	p0 =	sne.s32 s2, $0x0  }
0xea: {  	s3 =	rddreg [dreg:$0x2];
	[bflag:$0x3] =	sbarrier.arrive $0xFFFF;
	s2 =	simm.s32 @!p0 $0x1C09  }
0xeb: {  	[timem:s3], [sflag:s2] =	dma.local @!p0 [hbm:s0], s1  }
0xec: {  	s0 =	simm.s32 @!p0 $0x9  }
0xed: {  	_ =	swait.ge @!p0 [sflag:s0], s1  }
0xee: {  	s1 =	ssub.s32 @!p0 $0x0, s1;
	[sflag:s0] =	ssyncset.done @!p0 $0x0  }
0xef: {  	[sflag:s0] =	ssyncadd.s32 @!p0 s1  }
0xf0: {  	[bflag:$0x3] =	sbarrier.arrive $0xFFFF  }
0xf1: {  	_ =	shalt  }

</sc_bundles>
